<compile_context>
chip_gen: v7x
topology: tpu7x:2x2x1
jax: 0.10.2.dev20260603
libtpu: 0.0.44.dev20260713+nightly
codegen_flags: <defaults>
</compile_context>

<pallas_src>
import functools

import jax
import jax.numpy as jnp
from jax import lax
from jax.experimental import pallas as pl
from jax.experimental.pallas import tpu as pltpu
from jax.experimental.pallas import tpu_sc as plsc



def _pq_body(x_ref, ws_ref, wt_ref, p_ref, q_ref):
    xv = x_ref[...]
    dn = (((1,), (1,)), ((), ()))
    p_ref[...] = lax.dot_general(xv, ws_ref[...], dn,
                                 preferred_element_type=jnp.float32)
    q_ref[...] = lax.dot_general(xv, wt_ref[...], dn,
                                 preferred_element_type=jnp.float32)


def _compute_pq(x, ws, wt):
    n, d = x.shape
    return pl.pallas_call(
        _pq_body,
        out_shape=(
            jax.ShapeDtypeStruct((n, d), jnp.float32),
            jax.ShapeDtypeStruct((n, d), jnp.float32),
        ),
    )(x, ws, wt)



def _make_gather_add(n_edges, d, chunk):
    info = plsc.get_sparse_core_info()
    nc, ns = info.num_cores, info.num_subcores
    nw = nc * ns
    per_w = n_edges // nw
    n_chunks = per_w // chunk
    n_pairs = (n_chunks + 2) // 2
    assert per_w % chunk == 0 and n_edges % nw == 0
    assert chunk % 8 == 0 and chunk <= 128

    mesh = plsc.VectorSubcoreMesh(core_axis_name="c", subcore_axis_name="s")

    @functools.partial(
        pl.kernel,
        mesh=mesh,
        out_type=jax.ShapeDtypeStruct((n_edges, d), jnp.float32),
        scratch_types=[
            pltpu.VMEM((chunk,), jnp.int32),
            pltpu.VMEM((chunk,), jnp.int32),
            pltpu.VMEM((chunk,), jnp.int32),
            pltpu.VMEM((chunk,), jnp.int32),
            pltpu.VMEM((chunk, d), jnp.float32),
            pltpu.VMEM((chunk, d), jnp.float32),
            pltpu.VMEM((chunk, d), jnp.float32),
            pltpu.VMEM((chunk, d), jnp.float32),
        ] + [pltpu.SemaphoreType.DMA] * 10,
    )
    def gather_add(p_hbm, q_hbm, src_hbm, tgt_hbm, out_hbm,
                   is0, is1, it0, it1, rp0, rp1, rq0, rq1,
                   sis0, sis1, sit0, sit1, sgp0, sgp1, sgq0, sgq1, sw0, sw1):
        idx_s = [is0, is1]
        idx_t = [it0, it1]
        rows_p = [rp0, rp1]
        rows_q = [rq0, rq1]
        sem_is = [sis0, sis1]
        sem_it = [sit0, sit1]
        sem_gp = [sgp0, sgp1]
        sem_gq = [sgq0, sgq1]
        sem_w = [sw0, sw1]

        wid = lax.axis_index("s") * nc + lax.axis_index("c")
        base = wid * per_w

        def fire_idx(c, b):
            eb = base + c * chunk
            pltpu.async_copy(src_hbm.at[pl.ds(eb, chunk)], idx_s[b], sem_is[b])
            pltpu.async_copy(tgt_hbm.at[pl.ds(eb, chunk)], idx_t[b], sem_it[b])

        def wait_idx(c, b):
            eb = base + c * chunk
            pltpu.make_async_copy(
                src_hbm.at[pl.ds(eb, chunk)], idx_s[b], sem_is[b]).wait()
            pltpu.make_async_copy(
                tgt_hbm.at[pl.ds(eb, chunk)], idx_t[b], sem_it[b]).wait()

        def fire_gather(b):
            pltpu.async_copy(p_hbm.at[idx_s[b]], rows_p[b], sem_gp[b])
            pltpu.async_copy(q_hbm.at[idx_t[b]], rows_q[b], sem_gq[b])

        def wait_gather(b):
            pltpu.make_async_copy(p_hbm.at[idx_s[b]], rows_p[b], sem_gp[b]).wait()
            pltpu.make_async_copy(q_hbm.at[idx_t[b]], rows_q[b], sem_gq[b]).wait()

        def fire_wb(c, b):
            eb = base + c * chunk
            pltpu.async_copy(rows_p[b], out_hbm.at[pl.ds(eb, chunk)], sem_w[b])

        def wait_wb(c, b):
            eb = base + c * chunk
            pltpu.make_async_copy(
                rows_p[b], out_hbm.at[pl.ds(eb, chunk)], sem_w[b]).wait()

        fire_idx(0, 0)
        fire_idx(1, 1)
        wait_idx(0, 0)
        fire_gather(0)

        def pair(hh, carry):
            for b in range(2):
                h = 2 * hh + b
                nb = 1 - b

                @pl.when(h < n_chunks)
                def _():
                    wait_gather(b)

                    @pl.when(h + 2 < n_chunks)
                    def _():
                        fire_idx(h + 2, b)

                    @pl.when(h >= 1)
                    def _():
                        wait_wb(h - 1, nb)

                    @pl.when(h + 1 < n_chunks)
                    def _():
                        wait_idx(h + 1, nb)
                        fire_gather(nb)

                    def add_row(i, c2):
                        for j in range(d // 16):
                            sl = pl.ds(j * 16, 16)
                            rows_p[b][i, sl] = rows_p[b][i, sl] + rows_q[b][i, sl]
                        return c2

                    lax.fori_loop(0, chunk, add_row, 0)
                    fire_wb(h, b)
            return carry

        lax.fori_loop(0, n_pairs, pair, 0)
        wait_wb(n_chunks - 1, (n_chunks - 1) % 2)

    return gather_add



def _msg_body(e_ref, g_ref, we_ref, o_ref):
    dn = (((1,), (1,)), ((), ()))
    o_ref[...] = g_ref[...] + lax.dot_general(
        e_ref[...], we_ref[...], dn, preferred_element_type=jnp.float32)


def _msg_body_aliased(e_ref, g_ref, we_ref, prev_ref, o_ref):
    del prev_ref
    _msg_body(e_ref, g_ref, we_ref, o_ref)


def _block_off_map(block_off):
    return lambda i: (i + block_off, 0)


def _compute_msg_half(edge_full, g_half, we, block, block_off, prev=None):
    e_total, d = edge_full.shape
    grid = (g_half.shape[0] // block,)
    in_specs = [
        pl.BlockSpec((block, d), _block_off_map(block_off)),
        pl.BlockSpec((block, d), lambda i: (i, 0)),
        pl.BlockSpec((d, d), lambda i: (0, 0)),
    ]
    args = [edge_full, g_half, we]
    body = _msg_body
    kwargs = {}
    if prev is not None:
        in_specs.append(pl.BlockSpec(memory_space=pl.ANY))
        args.append(prev)
        body = _msg_body_aliased
        kwargs["input_output_aliases"] = {3: 0}
    return pl.pallas_call(
        body,
        grid=grid,
        in_specs=in_specs,
        out_specs=pl.BlockSpec((block, d), _block_off_map(block_off)),
        out_shape=jax.ShapeDtypeStruct((e_total, d), jnp.float32),
        **kwargs,
    )(*args)



def kernel(x, edge_index, edge_attr, W):
    n, d = x.shape
    e = edge_attr.shape[0]
    ws = W[:, :d]
    wt = W[:, d:2 * d]
    we = W[:, 2 * d:]

    p, q = _compute_pq(x, ws, wt)
    src = edge_index[0]
    tgt = edge_index[1]

    block = 6400
    unit = 12800
    segs = [1 * unit, 4 * unit, 5 * unit, 5 * unit, 5 * unit, 5 * unit]
    assert sum(segs) == e
    gather_for = {s: _make_gather_add(s, d, chunk=80) for s in set(segs)}

    offs = [sum(segs[:k]) for k in range(len(segs))]
    gs = [gather_for[s](p, q, src[o:o + s], tgt[o:o + s])
          for o, s in zip(offs, segs)]
    out = _compute_msg_half(edge_attr, gs[0], we, block, 0)
    for k in range(1, len(segs)):
        out = _compute_msg_half(edge_attr, gs[k], we, block,
                                offs[k] // block, prev=out)
    return out

# --- scband reference (transcript-rebuilt; emitter-appended) ---
"""Pipeline reference for scband-tree-lstm-layer-util-36215164240832 (READ-ONLY COPY).

The authoritative reference and input builder live on the scoring server;
editing this copy changes nothing except your own understanding.
"""

import jax, jax.numpy as jnp
import numpy as np

N = 10000
E = 320000
D = 128

def setup_inputs(seed: int = 0) -> dict:
    key = jax.random.key(seed)
    k1, k2, k3, k4 = jax.random.split(key, 4)
    x = jax.random.normal(k1, (N, D), dtype=jnp.float32)
    edge_index = jax.random.randint(k2, (2, E), 0, N, dtype=jnp.int32)
    edge_attr = jax.random.normal(k3, (E, D), dtype=jnp.float32)
    # message_linear: nn.Linear(3*d_model, d_model, bias=False) -> weight [out=D, in=3D] (torch layout)
    W = (jax.random.normal(k4, (D, 3 * D), dtype=jnp.float32) * (1.0 / np.sqrt(3 * D))).astype(jnp.float32)
    return {"x": x, "edge_index": edge_index, "edge_attr": edge_attr, "W": W}

def reference(x, edge_index, edge_attr, W):
    # message_func: gather src/dst node features per edge, concat with edge role feature,
    # then project with bias-free linear. apply_node_func is identity on node features.
    src_feat = jnp.take(x, edge_index[0], axis=0)   # [E, D]
    tgt_feat = jnp.take(x, edge_index[1], axis=0)   # [E, D]
    cat = jnp.concatenate([src_feat, tgt_feat, edge_attr], axis=-1)  # [E, 3D]
    message = cat @ W.T                              # [E, D]
    return message

if __name__ == "__main__":
    import jax
    _d = setup_inputs()
    print(jax.jit(kernel)(*tuple(_d.values())))

</pallas_src>

<mosaic_0001>
#map = affine_map<(d0, d1) -> (0, 0)>
#map1 = affine_map<(d0, d1) -> (0)>
module attributes {stable_mosaic.version = 14 : i64} {
  func.func @gather_add(%arg0: i32, %arg1: i32, %arg2: memref<10000x128xf32, #tpu.memory_space<hbm>>, %arg3: memref<10000x128xf32, #tpu.memory_space<hbm>>, %arg4: memref<64000xi32, #tpu.memory_space<hbm>>, %arg5: memref<64000xi32, #tpu.memory_space<hbm>>, %arg6: memref<64000x128xf32, #tpu.memory_space<hbm>>, %arg7: memref<80xi32, #tpu.memory_space<vmem>>, %arg8: memref<80xi32, #tpu.memory_space<vmem>>, %arg9: memref<80xi32, #tpu.memory_space<vmem>>, %arg10: memref<80xi32, #tpu.memory_space<vmem>>, %arg11: memref<80x128xf32, #tpu.memory_space<vmem>>, %arg12: memref<80x128xf32, #tpu.memory_space<vmem>>, %arg13: memref<80x128xf32, #tpu.memory_space<vmem>>, %arg14: memref<80x128xf32, #tpu.memory_space<vmem>>, %arg15: memref<!tpu.dma_semaphore, #tpu.memory_space<semaphore_mem>>, %arg16: memref<!tpu.dma_semaphore, #tpu.memory_space<semaphore_mem>>, %arg17: memref<!tpu.dma_semaphore, #tpu.memory_space<semaphore_mem>>, %arg18: memref<!tpu.dma_semaphore, #tpu.memory_space<semaphore_mem>>, %arg19: memref<!tpu.dma_semaphore, #tpu.memory_space<semaphore_mem>>, %arg20: memref<!tpu.dma_semaphore, #tpu.memory_space<semaphore_mem>>, %arg21: memref<!tpu.dma_semaphore, #tpu.memory_space<semaphore_mem>>, %arg22: memref<!tpu.dma_semaphore, #tpu.memory_space<semaphore_mem>>, %arg23: memref<!tpu.dma_semaphore, #tpu.memory_space<semaphore_mem>>, %arg24: memref<!tpu.dma_semaphore, #tpu.memory_space<semaphore_mem>>) attributes {dimension_semantics = [#tpu.dimension_semantics<core_parallel>, #tpu.dimension_semantics<subcore_parallel>], iteration_bounds = array<i64: 2, 16>, scalar_prefetch = 0 : i64, scratch_operands = 18 : i64, tpu.core_type = #tpu.core_type<sc_vector_subcore>, window_params = [{transform_indices = #map}, {transform_indices = #map}, {transform_indices = #map1}, {transform_indices = #map1}, {transform_indices = #map}]} {
    %mul3A = arith.constant 2 : i32
    %mul3A_0 = arith.muli %arg1, %mul3A : i32
    %add3A = arith.addi %mul3A_0, %arg0 : i32
    %mul3A_1 = arith.constant 2000 : i32
    %mul3A_2 = arith.muli %add3A, %mul3A_1 : i32
    %add3A_3 = arith.constant 0 : i32
    %add3A_4 = arith.addi %mul3A_2, %add3A_3 : i32
    %dma_start3A = tpu.memref_slice %arg4[%add3A_4] : memref<64000xi32, #tpu.memory_space<hbm>> -> memref<80xi32, #tpu.memory_space<hbm>>
    %dma_start3A_5 = tpu.memref_slice %arg4[%add3A_4] : memref<64000xi32, #tpu.memory_space<hbm>> -> memref<80xi32, #tpu.memory_space<hbm>>
    tpu.enqueue_dma source(%dma_start3A_5 : memref<80xi32, #tpu.memory_space<hbm>>) target(%arg7 : memref<80xi32, #tpu.memory_space<vmem>>) target_semaphore(%arg15 : memref<!tpu.dma_semaphore, #tpu.memory_space<semaphore_mem>>)
    %dma_start3A_6 = tpu.memref_slice %arg5[%add3A_4] : memref<64000xi32, #tpu.memory_space<hbm>> -> memref<80xi32, #tpu.memory_space<hbm>>
    %dma_start3A_7 = tpu.memref_slice %arg5[%add3A_4] : memref<64000xi32, #tpu.memory_space<hbm>> -> memref<80xi32, #tpu.memory_space<hbm>>
    tpu.enqueue_dma source(%dma_start3A_7 : memref<80xi32, #tpu.memory_space<hbm>>) target(%arg9 : memref<80xi32, #tpu.memory_space<vmem>>) target_semaphore(%arg17 : memref<!tpu.dma_semaphore, #tpu.memory_space<semaphore_mem>>)
    %add3A_8 = arith.constant 80 : i32
    %add3A_9 = arith.addi %mul3A_2, %add3A_8 : i32
    %dma_start3A_10 = tpu.memref_slice %arg4[%add3A_9] : memref<64000xi32, #tpu.memory_space<hbm>> -> memref<80xi32, #tpu.memory_space<hbm>>
    %dma_start3A_11 = tpu.memref_slice %arg4[%add3A_9] : memref<64000xi32, #tpu.memory_space<hbm>> -> memref<80xi32, #tpu.memory_space<hbm>>
    tpu.enqueue_dma source(%dma_start3A_11 : memref<80xi32, #tpu.memory_space<hbm>>) target(%arg8 : memref<80xi32, #tpu.memory_space<vmem>>) target_semaphore(%arg16 : memref<!tpu.dma_semaphore, #tpu.memory_space<semaphore_mem>>)
    %dma_start3A_12 = tpu.memref_slice %arg5[%add3A_9] : memref<64000xi32, #tpu.memory_space<hbm>> -> memref<80xi32, #tpu.memory_space<hbm>>
    %dma_start3A_13 = tpu.memref_slice %arg5[%add3A_9] : memref<64000xi32, #tpu.memory_space<hbm>> -> memref<80xi32, #tpu.memory_space<hbm>>
    tpu.enqueue_dma source(%dma_start3A_13 : memref<80xi32, #tpu.memory_space<hbm>>) target(%arg10 : memref<80xi32, #tpu.memory_space<vmem>>) target_semaphore(%arg18 : memref<!tpu.dma_semaphore, #tpu.memory_space<semaphore_mem>>)
    %add3A_14 = arith.constant 0 : i32
    %add3A_15 = arith.addi %mul3A_2, %add3A_14 : i32
    %dma_wait3A = tpu.memref_slice %arg4[%add3A_15] : memref<64000xi32, #tpu.memory_space<hbm>> -> memref<80xi32, #tpu.memory_space<hbm>>
    %dma_wait3A_16 = tpu.memref_slice %arg4[%add3A_15] : memref<64000xi32, #tpu.memory_space<hbm>> -> memref<80xi32, #tpu.memory_space<hbm>>
    tpu.wait_dma2 semaphore(%arg15 : memref<!tpu.dma_semaphore, #tpu.memory_space<semaphore_mem>>) src(%dma_wait3A_16 : memref<80xi32, #tpu.memory_space<hbm>>) dst(%arg7 : memref<80xi32, #tpu.memory_space<vmem>>)
    %dma_wait3A_17 = tpu.memref_slice %arg5[%add3A_15] : memref<64000xi32, #tpu.memory_space<hbm>> -> memref<80xi32, #tpu.memory_space<hbm>>
    %dma_wait3A_18 = tpu.memref_slice %arg5[%add3A_15] : memref<64000xi32, #tpu.memory_space<hbm>> -> memref<80xi32, #tpu.memory_space<hbm>>
    tpu.wait_dma2 semaphore(%arg17 : memref<!tpu.dma_semaphore, #tpu.memory_space<semaphore_mem>>) src(%dma_wait3A_18 : memref<80xi32, #tpu.memory_space<hbm>>) dst(%arg9 : memref<80xi32, #tpu.memory_space<vmem>>)
    %dma_start3A_19 = arith.constant 0 : i32
    %dma_start3A_20 = arith.constant 0 : i32
    %dma_start3A_21 = tpu.memref_slice %arg2[%dma_start3A_19, %dma_start3A_20] : memref<10000x128xf32, #tpu.memory_space<hbm>> -> memref<10000x128xf32, #tpu.memory_space<hbm>>
    tpu.enqueue_indirect_dma source(%dma_start3A_21 : memref<10000x128xf32, #tpu.memory_space<hbm>>) target(%arg11 : memref<80x128xf32, #tpu.memory_space<vmem>>) offsets(%arg7 : memref<80xi32, #tpu.memory_space<vmem>>) semaphore(%arg19 : memref<!tpu.dma_semaphore, #tpu.memory_space<semaphore_mem>>)
    %dma_start3A_22 = arith.constant 0 : i32
    %dma_start3A_23 = arith.constant 0 : i32
    %dma_start3A_24 = tpu.memref_slice %arg3[%dma_start3A_22, %dma_start3A_23] : memref<10000x128xf32, #tpu.memory_space<hbm>> -> memref<10000x128xf32, #tpu.memory_space<hbm>>
    tpu.enqueue_indirect_dma source(%dma_start3A_24 : memref<10000x128xf32, #tpu.memory_space<hbm>>) target(%arg13 : memref<80x128xf32, #tpu.memory_space<vmem>>) offsets(%arg9 : memref<80xi32, #tpu.memory_space<vmem>>) semaphore(%arg21 : memref<!tpu.dma_semaphore, #tpu.memory_space<semaphore_mem>>)
    %scan3A = arith.constant 0 : i32
    %scan3A_25 = arith.constant 0 : i32
    %scan3A_26 = arith.constant 13 : i32
    %scan3A_27 = arith.addi %scan3A_25, %scan3A_26 : i32
    %scan3A_28 = arith.constant 1 : i32
    scf.for %scan3A_36 = %scan3A_25 to %scan3A_27 step %scan3A_28  : i32 {
      %mul3A_37 = arith.constant 2 : i32
      %mul3A_38 = arith.muli %mul3A_37, %scan3A_36 : i32
      %add3A_39 = arith.constant 0 : i32
      %add3A_40 = arith.addi %mul3A_38, %add3A_39 : i32
      %lt3A = arith.constant 25 : i32
      %lt3A_41 = arith.cmpi slt, %add3A_40, %lt3A : i32
      %convert_element_type3A = arith.extui %lt3A_41 : i1 to i32
      %cond3A = arith.constant 0 : i32
      %cond3A_42 = arith.cmpi ne, %convert_element_type3A, %cond3A : i32
      scf.if %cond3A_42 {
        %dma_wait3A_52 = arith.constant 0 : i32
        %dma_wait3A_53 = arith.constant 0 : i32
        %dma_wait3A_54 = tpu.memref_slice %arg2[%dma_wait3A_52, %dma_wait3A_53] : memref<10000x128xf32, #tpu.memory_space<hbm>> -> memref<10000x128xf32, #tpu.memory_space<hbm>>
        tpu.wait_indirect_dma semaphore(%arg19 : memref<!tpu.dma_semaphore, #tpu.memory_space<semaphore_mem>>) src(%dma_wait3A_54 : memref<10000x128xf32, #tpu.memory_space<hbm>>) dst(%arg11 : memref<80x128xf32, #tpu.memory_space<vmem>>)
        %dma_wait3A_55 = arith.constant 0 : i32
        %dma_wait3A_56 = arith.constant 0 : i32
        %dma_wait3A_57 = tpu.memref_slice %arg3[%dma_wait3A_55, %dma_wait3A_56] : memref<10000x128xf32, #tpu.memory_space<hbm>> -> memref<10000x128xf32, #tpu.memory_space<hbm>>
        tpu.wait_indirect_dma semaphore(%arg21 : memref<!tpu.dma_semaphore, #tpu.memory_space<semaphore_mem>>) src(%dma_wait3A_57 : memref<10000x128xf32, #tpu.memory_space<hbm>>) dst(%arg13 : memref<80x128xf32, #tpu.memory_space<vmem>>)
        %add3A_58 = arith.constant 2 : i32
        %add3A_59 = arith.addi %add3A_40, %add3A_58 : i32
        %lt3A_60 = arith.constant 25 : i32
        %lt3A_61 = arith.cmpi slt, %add3A_59, %lt3A_60 : i32
        %convert_element_type3A_62 = arith.extui %lt3A_61 : i1 to i32
        %cond3A_63 = arith.constant 0 : i32
        %cond3A_64 = arith.cmpi ne, %convert_element_type3A_62, %cond3A_63 : i32
        scf.if %cond3A_64 {
          %add3A_89 = arith.constant 2 : i32
          %add3A_90 = arith.addi %add3A_40, %add3A_89 : i32
          %mul3A_91 = arith.constant 80 : i32
          %mul3A_92 = arith.muli %add3A_90, %mul3A_91 : i32
          %add3A_93 = arith.addi %mul3A_2, %mul3A_92 : i32
          %dma_start3A_94 = tpu.memref_slice %arg4[%add3A_93] : memref<64000xi32, #tpu.memory_space<hbm>> -> memref<80xi32, #tpu.memory_space<hbm>>
          %dma_start3A_95 = tpu.memref_slice %arg4[%add3A_93] : memref<64000xi32, #tpu.memory_space<hbm>> -> memref<80xi32, #tpu.memory_space<hbm>>
          tpu.enqueue_dma source(%dma_start3A_95 : memref<80xi32, #tpu.memory_space<hbm>>) target(%arg7 : memref<80xi32, #tpu.memory_space<vmem>>) target_semaphore(%arg15 : memref<!tpu.dma_semaphore, #tpu.memory_space<semaphore_mem>>)
          %dma_start3A_96 = tpu.memref_slice %arg5[%add3A_93] : memref<64000xi32, #tpu.memory_space<hbm>> -> memref<80xi32, #tpu.memory_space<hbm>>
          %dma_start3A_97 = tpu.memref_slice %arg5[%add3A_93] : memref<64000xi32, #tpu.memory_space<hbm>> -> memref<80xi32, #tpu.memory_space<hbm>>
          tpu.enqueue_dma source(%dma_start3A_97 : memref<80xi32, #tpu.memory_space<hbm>>) target(%arg9 : memref<80xi32, #tpu.memory_space<vmem>>) target_semaphore(%arg17 : memref<!tpu.dma_semaphore, #tpu.memory_space<semaphore_mem>>)
        } else {
        }
        %ge3A = arith.constant 1 : i32
        %ge3A_65 = arith.cmpi sge, %add3A_40, %ge3A : i32
        %convert_element_type3A_66 = arith.extui %ge3A_65 : i1 to i32
        %cond3A_67 = arith.constant 0 : i32
        %cond3A_68 = arith.cmpi ne, %convert_element_type3A_66, %cond3A_67 : i32
        scf.if %cond3A_68 {
          %sub3A = arith.constant 1 : i32
          %sub3A_89 = arith.subi %add3A_40, %sub3A : i32
          %mul3A_90 = arith.constant 80 : i32
          %mul3A_91 = arith.muli %sub3A_89, %mul3A_90 : i32
          %add3A_92 = arith.addi %mul3A_2, %mul3A_91 : i32
          %dma_wait3A_93 = arith.constant 0 : i32
          %dma_wait3A_94 = tpu.memref_slice %arg6[%add3A_92, %dma_wait3A_93] : memref<64000x128xf32, #tpu.memory_space<hbm>> -> memref<80x128xf32, #tpu.memory_space<hbm>>
          %dma_wait3A_95 = arith.constant 0 : i32
          %dma_wait3A_96 = tpu.memref_slice %arg6[%add3A_92, %dma_wait3A_95] : memref<64000x128xf32, #tpu.memory_space<hbm>> -> memref<80x128xf32, #tpu.memory_space<hbm>>
          tpu.wait_dma2 semaphore(%arg24 : memref<!tpu.dma_semaphore, #tpu.memory_space<semaphore_mem>>) src(%arg12 : memref<80x128xf32, #tpu.memory_space<vmem>>) dst(%dma_wait3A_96 : memref<80x128xf32, #tpu.memory_space<hbm>>)
        } else {
        }
        %add3A_69 = arith.constant 1 : i32
        %add3A_70 = arith.addi %add3A_40, %add3A_69 : i32
        %lt3A_71 = arith.constant 25 : i32
        %lt3A_72 = arith.cmpi slt, %add3A_70, %lt3A_71 : i32
        %convert_element_type3A_73 = arith.extui %lt3A_72 : i1 to i32
        %cond3A_74 = arith.constant 0 : i32
        %cond3A_75 = arith.cmpi ne, %convert_element_type3A_73, %cond3A_74 : i32
        scf.if %cond3A_75 {
          %add3A_89 = arith.constant 1 : i32
          %add3A_90 = arith.addi %add3A_40, %add3A_89 : i32
          %mul3A_91 = arith.constant 80 : i32
          %mul3A_92 = arith.muli %add3A_90, %mul3A_91 : i32
          %add3A_93 = arith.addi %mul3A_2, %mul3A_92 : i32
          %dma_wait3A_94 = tpu.memref_slice %arg4[%add3A_93] : memref<64000xi32, #tpu.memory_space<hbm>> -> memref<80xi32, #tpu.memory_space<hbm>>
          %dma_wait3A_95 = tpu.memref_slice %arg4[%add3A_93] : memref<64000xi32, #tpu.memory_space<hbm>> -> memref<80xi32, #tpu.memory_space<hbm>>
          tpu.wait_dma2 semaphore(%arg16 : memref<!tpu.dma_semaphore, #tpu.memory_space<semaphore_mem>>) src(%dma_wait3A_95 : memref<80xi32, #tpu.memory_space<hbm>>) dst(%arg8 : memref<80xi32, #tpu.memory_space<vmem>>)
          %dma_wait3A_96 = tpu.memref_slice %arg5[%add3A_93] : memref<64000xi32, #tpu.memory_space<hbm>> -> memref<80xi32, #tpu.memory_space<hbm>>
          %dma_wait3A_97 = tpu.memref_slice %arg5[%add3A_93] : memref<64000xi32, #tpu.memory_space<hbm>> -> memref<80xi32, #tpu.memory_space<hbm>>
          tpu.wait_dma2 semaphore(%arg18 : memref<!tpu.dma_semaphore, #tpu.memory_space<semaphore_mem>>) src(%dma_wait3A_97 : memref<80xi32, #tpu.memory_space<hbm>>) dst(%arg10 : memref<80xi32, #tpu.memory_space<vmem>>)
          %dma_start3A_98 = arith.constant 0 : i32
          %dma_start3A_99 = arith.constant 0 : i32
          %dma_start3A_100 = tpu.memref_slice %arg2[%dma_start3A_98, %dma_start3A_99] : memref<10000x128xf32, #tpu.memory_space<hbm>> -> memref<10000x128xf32, #tpu.memory_space<hbm>>
          tpu.enqueue_indirect_dma source(%dma_start3A_100 : memref<10000x128xf32, #tpu.memory_space<hbm>>) target(%arg12 : memref<80x128xf32, #tpu.memory_space<vmem>>) offsets(%arg8 : memref<80xi32, #tpu.memory_space<vmem>>) semaphore(%arg20 : memref<!tpu.dma_semaphore, #tpu.memory_space<semaphore_mem>>)
          %dma_start3A_101 = arith.constant 0 : i32
          %dma_start3A_102 = arith.constant 0 : i32
          %dma_start3A_103 = tpu.memref_slice %arg3[%dma_start3A_101, %dma_start3A_102] : memref<10000x128xf32, #tpu.memory_space<hbm>> -> memref<10000x128xf32, #tpu.memory_space<hbm>>
          tpu.enqueue_indirect_dma source(%dma_start3A_103 : memref<10000x128xf32, #tpu.memory_space<hbm>>) target(%arg14 : memref<80x128xf32, #tpu.memory_space<vmem>>) offsets(%arg10 : memref<80xi32, #tpu.memory_space<vmem>>) semaphore(%arg22 : memref<!tpu.dma_semaphore, #tpu.memory_space<semaphore_mem>>)
        } else {
        }
        %scan3A_76 = arith.constant 0 : i32
        %scan3A_77 = arith.constant 0 : i32
        %scan3A_78 = arith.constant 80 : i32
        %scan3A_79 = arith.addi %scan3A_77, %scan3A_78 : i32
        %scan3A_80 = arith.constant 1 : i32
        scf.for %scan3A_89 = %scan3A_77 to %scan3A_79 step %scan3A_80  : i32 {
          %get3A = arith.index_cast %scan3A_89 : i32 to index
          %get3A_90 = arith.constant 0 : index
          %get3A_91 = tpu.vector_load %arg11[%get3A, %get3A_90] {strides = array<i32>} : memref<80x128xf32, #tpu.memory_space<vmem>>, vector<1x16xf32>,
          %get3A_92 = vector.shape_cast %get3A_91 : vector<1x16xf32> to vector<16xf32>
          %get3A_93 = arith.index_cast %scan3A_89 : i32 to index
          %get3A_94 = arith.constant 0 : index
          %get3A_95 = tpu.vector_load %arg13[%get3A_93, %get3A_94] {strides = array<i32>} : memref<80x128xf32, #tpu.memory_space<vmem>>, vector<1x16xf32>,
          %get3A_96 = vector.shape_cast %get3A_95 : vector<1x16xf32> to vector<16xf32>
          %add3A_97 = arith.addf %get3A_92, %get3A_96 : vector<16xf32>
          %swap3A = arith.index_cast %scan3A_89 : i32 to index
          %swap3A_98 = arith.constant 0 : index
          %swap3A_99 = tpu.vector_load %arg11[%swap3A, %swap3A_98] {strides = array<i32>} : memref<80x128xf32, #tpu.memory_space<vmem>>, vector<1x16xf32>,
          %swap3A_100 = vector.shape_cast %swap3A_99 : vector<1x16xf32> to vector<16xf32>
          %swap3A_101 = vector.shape_cast %add3A_97 : vector<16xf32> to vector<1x16xf32>
          tpu.vector_store %arg11[%swap3A, %swap3A_98], %swap3A_101 {strides = array<i32>} : memref<80x128xf32, #tpu.memory_space<vmem>>, vector<1x16xf32>,
          %get3A_102 = arith.index_cast %scan3A_89 : i32 to index
          %get3A_103 = arith.constant 16 : index
          %get3A_104 = tpu.vector_load %arg11[%get3A_102, %get3A_103] {strides = array<i32>} : memref<80x128xf32, #tpu.memory_space<vmem>>, vector<1x16xf32>,
          %get3A_105 = vector.shape_cast %get3A_104 : vector<1x16xf32> to vector<16xf32>
          %get3A_106 = arith.index_cast %scan3A_89 : i32 to index
          %get3A_107 = arith.constant 16 : index
          %get3A_108 = tpu.vector_load %arg13[%get3A_106, %get3A_107] {strides = array<i32>} : memref<80x128xf32, #tpu.memory_space<vmem>>, vector<1x16xf32>,
          %get3A_109 = vector.shape_cast %get3A_108 : vector<1x16xf32> to vector<16xf32>
          %add3A_110 = arith.addf %get3A_105, %get3A_109 : vector<16xf32>
          %swap3A_111 = arith.index_cast %scan3A_89 : i32 to index
          %swap3A_112 = arith.constant 16 : index
          %swap3A_113 = tpu.vector_load %arg11[%swap3A_111, %swap3A_112] {strides = array<i32>} : memref<80x128xf32, #tpu.memory_space<vmem>>, vector<1x16xf32>,
          %swap3A_114 = vector.shape_cast %swap3A_113 : vector<1x16xf32> to vector<16xf32>
          %swap3A_115 = vector.shape_cast %add3A_110 : vector<16xf32> to vector<1x16xf32>
          tpu.vector_store %arg11[%swap3A_111, %swap3A_112], %swap3A_115 {strides = array<i32>} : memref<80x128xf32, #tpu.memory_space<vmem>>, vector<1x16xf32>,
          %get3A_116 = arith.index_cast %scan3A_89 : i32 to index
          %get3A_117 = arith.constant 32 : index
          %get3A_118 = tpu.vector_load %arg11[%get3A_116, %get3A_117] {strides = array<i32>} : memref<80x128xf32, #tpu.memory_space<vmem>>, vector<1x16xf32>,
          %get3A_119 = vector.shape_cast %get3A_118 : vector<1x16xf32> to vector<16xf32>
          %get3A_120 = arith.index_cast %scan3A_89 : i32 to index
          %get3A_121 = arith.constant 32 : index
          %get3A_122 = tpu.vector_load %arg13[%get3A_120, %get3A_121] {strides = array<i32>} : memref<80x128xf32, #tpu.memory_space<vmem>>, vector<1x16xf32>,
          %get3A_123 = vector.shape_cast %get3A_122 : vector<1x16xf32> to vector<16xf32>
          %add3A_124 = arith.addf %get3A_119, %get3A_123 : vector<16xf32>
          %swap3A_125 = arith.index_cast %scan3A_89 : i32 to index
          %swap3A_126 = arith.constant 32 : index
          %swap3A_127 = tpu.vector_load %arg11[%swap3A_125, %swap3A_126] {strides = array<i32>} : memref<80x128xf32, #tpu.memory_space<vmem>>, vector<1x16xf32>,
          %swap3A_128 = vector.shape_cast %swap3A_127 : vector<1x16xf32> to vector<16xf32>
          %swap3A_129 = vector.shape_cast %add3A_124 : vector<16xf32> to vector<1x16xf32>
          tpu.vector_store %arg11[%swap3A_125, %swap3A_126], %swap3A_129 {strides = array<i32>} : memref<80x128xf32, #tpu.memory_space<vmem>>, vector<1x16xf32>,
          %get3A_130 = arith.index_cast %scan3A_89 : i32 to index
          %get3A_131 = arith.constant 48 : index
          %get3A_132 = tpu.vector_load %arg11[%get3A_130, %get3A_131] {strides = array<i32>} : memref<80x128xf32, #tpu.memory_space<vmem>>, vector<1x16xf32>,
          %get3A_133 = vector.shape_cast %get3A_132 : vector<1x16xf32> to vector<16xf32>
          %get3A_134 = arith.index_cast %scan3A_89 : i32 to index
          %get3A_135 = arith.constant 48 : index
          %get3A_136 = tpu.vector_load %arg13[%get3A_134, %get3A_135] {strides = array<i32>} : memref<80x128xf32, #tpu.memory_space<vmem>>, vector<1x16xf32>,
          %get3A_137 = vector.shape_cast %get3A_136 : vector<1x16xf32> to vector<16xf32>
          %add3A_138 = arith.addf %get3A_133, %get3A_137 : vector<16xf32>
          %swap3A_139 = arith.index_cast %scan3A_89 : i32 to index
          %swap3A_140 = arith.constant 48 : index
          %swap3A_141 = tpu.vector_load %arg11[%swap3A_139, %swap3A_140] {strides = array<i32>} : memref<80x128xf32, #tpu.memory_space<vmem>>, vector<1x16xf32>,
          %swap3A_142 = vector.shape_cast %swap3A_141 : vector<1x16xf32> to vector<16xf32>
          %swap3A_143 = vector.shape_cast %add3A_138 : vector<16xf32> to vector<1x16xf32>
          tpu.vector_store %arg11[%swap3A_139, %swap3A_140], %swap3A_143 {strides = array<i32>} : memref<80x128xf32, #tpu.memory_space<vmem>>, vector<1x16xf32>,
          %get3A_144 = arith.index_cast %scan3A_89 : i32 to index
          %get3A_145 = arith.constant 64 : index
          %get3A_146 = tpu.vector_load %arg11[%get3A_144, %get3A_145] {strides = array<i32>} : memref<80x128xf32, #tpu.memory_space<vmem>>, vector<1x16xf32>,
          %get3A_147 = vector.shape_cast %get3A_146 : vector<1x16xf32> to vector<16xf32>
          %get3A_148 = arith.index_cast %scan3A_89 : i32 to index
          %get3A_149 = arith.constant 64 : index
          %get3A_150 = tpu.vector_load %arg13[%get3A_148, %get3A_149] {strides = array<i32>} : memref<80x128xf32, #tpu.memory_space<vmem>>, vector<1x16xf32>,
          %get3A_151 = vector.shape_cast %get3A_150 : vector<1x16xf32> to vector<16xf32>
          %add3A_152 = arith.addf %get3A_147, %get3A_151 : vector<16xf32>
          %swap3A_153 = arith.index_cast %scan3A_89 : i32 to index
          %swap3A_154 = arith.constant 64 : index
          %swap3A_155 = tpu.vector_load %arg11[%swap3A_153, %swap3A_154] {strides = array<i32>} : memref<80x128xf32, #tpu.memory_space<vmem>>, vector<1x16xf32>,
          %swap3A_156 = vector.shape_cast %swap3A_155 : vector<1x16xf32> to vector<16xf32>
          %swap3A_157 = vector.shape_cast %add3A_152 : vector<16xf32> to vector<1x16xf32>
          tpu.vector_store %arg11[%swap3A_153, %swap3A_154], %swap3A_157 {strides = array<i32>} : memref<80x128xf32, #tpu.memory_space<vmem>>, vector<1x16xf32>,
          %get3A_158 = arith.index_cast %scan3A_89 : i32 to index
          %get3A_159 = arith.constant 80 : index
          %get3A_160 = tpu.vector_load %arg11[%get3A_158, %get3A_159] {strides = array<i32>} : memref<80x128xf32, #tpu.memory_space<vmem>>, vector<1x16xf32>,
          %get3A_161 = vector.shape_cast %get3A_160 : vector<1x16xf32> to vector<16xf32>
          %get3A_162 = arith.index_cast %scan3A_89 : i32 to index
          %get3A_163 = arith.constant 80 : index
          %get3A_164 = tpu.vector_load %arg13[%get3A_162, %get3A_163] {strides = array<i32>} : memref<80x128xf32, #tpu.memory_space<vmem>>, vector<1x16xf32>,
          %get3A_165 = vector.shape_cast %get3A_164 : vector<1x16xf32> to vector<16xf32>
          %add3A_166 = arith.addf %get3A_161, %get3A_165 : vector<16xf32>
          %swap3A_167 = arith.index_cast %scan3A_89 : i32 to index
          %swap3A_168 = arith.constant 80 : index
          %swap3A_169 = tpu.vector_load %arg11[%swap3A_167, %swap3A_168] {strides = array<i32>} : memref<80x128xf32, #tpu.memory_space<vmem>>, vector<1x16xf32>,
          %swap3A_170 = vector.shape_cast %swap3A_169 : vector<1x16xf32> to vector<16xf32>
          %swap3A_171 = vector.shape_cast %add3A_166 : vector<16xf32> to vector<1x16xf32>
          tpu.vector_store %arg11[%swap3A_167, %swap3A_168], %swap3A_171 {strides = array<i32>} : memref<80x128xf32, #tpu.memory_space<vmem>>, vector<1x16xf32>,
          %get3A_172 = arith.index_cast %scan3A_89 : i32 to index
          %get3A_173 = arith.constant 96 : index
          %get3A_174 = tpu.vector_load %arg11[%get3A_172, %get3A_173] {strides = array<i32>} : memref<80x128xf32, #tpu.memory_space<vmem>>, vector<1x16xf32>,
          %get3A_175 = vector.shape_cast %get3A_174 : vector<1x16xf32> to vector<16xf32>
          %get3A_176 = arith.index_cast %scan3A_89 : i32 to index
          %get3A_177 = arith.constant 96 : index
          %get3A_178 = tpu.vector_load %arg13[%get3A_176, %get3A_177] {strides = array<i32>} : memref<80x128xf32, #tpu.memory_space<vmem>>, vector<1x16xf32>,
          %get3A_179 = vector.shape_cast %get3A_178 : vector<1x16xf32> to vector<16xf32>
          %add3A_180 = arith.addf %get3A_175, %get3A_179 : vector<16xf32>
          %swap3A_181 = arith.index_cast %scan3A_89 : i32 to index
          %swap3A_182 = arith.constant 96 : index
          %swap3A_183 = tpu.vector_load %arg11[%swap3A_181, %swap3A_182] {strides = array<i32>} : memref<80x128xf32, #tpu.memory_space<vmem>>, vector<1x16xf32>,
          %swap3A_184 = vector.shape_cast %swap3A_183 : vector<1x16xf32> to vector<16xf32>
          %swap3A_185 = vector.shape_cast %add3A_180 : vector<16xf32> to vector<1x16xf32>
          tpu.vector_store %arg11[%swap3A_181, %swap3A_182], %swap3A_185 {strides = array<i32>} : memref<80x128xf32, #tpu.memory_space<vmem>>, vector<1x16xf32>,
          %get3A_186 = arith.index_cast %scan3A_89 : i32 to index
          %get3A_187 = arith.constant 112 : index
          %get3A_188 = tpu.vector_load %arg11[%get3A_186, %get3A_187] {strides = array<i32>} : memref<80x128xf32, #tpu.memory_space<vmem>>, vector<1x16xf32>,
          %get3A_189 = vector.shape_cast %get3A_188 : vector<1x16xf32> to vector<16xf32>
          %get3A_190 = arith.index_cast %scan3A_89 : i32 to index
          %get3A_191 = arith.constant 112 : index
          %get3A_192 = tpu.vector_load %arg13[%get3A_190, %get3A_191] {strides = array<i32>} : memref<80x128xf32, #tpu.memory_space<vmem>>, vector<1x16xf32>,
          %get3A_193 = vector.shape_cast %get3A_192 : vector<1x16xf32> to vector<16xf32>
          %add3A_194 = arith.addf %get3A_189, %get3A_193 : vector<16xf32>
          %swap3A_195 = arith.index_cast %scan3A_89 : i32 to index
          %swap3A_196 = arith.constant 112 : index
          %swap3A_197 = tpu.vector_load %arg11[%swap3A_195, %swap3A_196] {strides = array<i32>} : memref<80x128xf32, #tpu.memory_space<vmem>>, vector<1x16xf32>,
          %swap3A_198 = vector.shape_cast %swap3A_197 : vector<1x16xf32> to vector<16xf32>
          %swap3A_199 = vector.shape_cast %add3A_194 : vector<16xf32> to vector<1x16xf32>
          tpu.vector_store %arg11[%swap3A_195, %swap3A_196], %swap3A_199 {strides = array<i32>} : memref<80x128xf32, #tpu.memory_space<vmem>>, vector<1x16xf32>,
        }
        %scan3A_81 = arith.constant 80 : i32
        %mul3A_82 = arith.constant 80 : i32
        %mul3A_83 = arith.muli %add3A_40, %mul3A_82 : i32
        %add3A_84 = arith.addi %mul3A_2, %mul3A_83 : i32
        %dma_start3A_85 = arith.constant 0 : i32
        %dma_start3A_86 = tpu.memref_slice %arg6[%add3A_84, %dma_start3A_85] : memref<64000x128xf32, #tpu.memory_space<hbm>> -> memref<80x128xf32, #tpu.memory_space<hbm>>
        %dma_start3A_87 = arith.constant 0 : i32
        %dma_start3A_88 = tpu.memref_slice %arg6[%add3A_84, %dma_start3A_87] : memref<64000x128xf32, #tpu.memory_space<hbm>> -> memref<80x128xf32, #tpu.memory_space<hbm>>
        tpu.enqueue_dma source(%arg11 : memref<80x128xf32, #tpu.memory_space<vmem>>) target(%dma_start3A_88 : memref<80x128xf32, #tpu.memory_space<hbm>>) target_semaphore(%arg23 : memref<!tpu.dma_semaphore, #tpu.memory_space<semaphore_mem>>)
      } else {
      }
      %mul3A_43 = arith.constant 2 : i32
      %mul3A_44 = arith.muli %mul3A_43, %scan3A_36 : i32
      %add3A_45 = arith.constant 1 : i32
      %add3A_46 = arith.addi %mul3A_44, %add3A_45 : i32
      %lt3A_47 = arith.constant 25 : i32
      %lt3A_48 = arith.cmpi slt, %add3A_46, %lt3A_47 : i32
      %convert_element_type3A_49 = arith.extui %lt3A_48 : i1 to i32
      %cond3A_50 = arith.constant 0 : i32
      %cond3A_51 = arith.cmpi ne, %convert_element_type3A_49, %cond3A_50 : i32
      scf.if %cond3A_51 {
        %dma_wait3A_52 = arith.constant 0 : i32
        %dma_wait3A_53 = arith.constant 0 : i32
        %dma_wait3A_54 = tpu.memref_slice %arg2[%dma_wait3A_52, %dma_wait3A_53] : memref<10000x128xf32, #tpu.memory_space<hbm>> -> memref<10000x128xf32, #tpu.memory_space<hbm>>
        tpu.wait_indirect_dma semaphore(%arg20 : memref<!tpu.dma_semaphore, #tpu.memory_space<semaphore_mem>>) src(%dma_wait3A_54 : memref<10000x128xf32, #tpu.memory_space<hbm>>) dst(%arg12 : memref<80x128xf32, #tpu.memory_space<vmem>>)
        %dma_wait3A_55 = arith.constant 0 : i32
        %dma_wait3A_56 = arith.constant 0 : i32
        %dma_wait3A_57 = tpu.memref_slice %arg3[%dma_wait3A_55, %dma_wait3A_56] : memref<10000x128xf32, #tpu.memory_space<hbm>> -> memref<10000x128xf32, #tpu.memory_space<hbm>>
        tpu.wait_indirect_dma semaphore(%arg22 : memref<!tpu.dma_semaphore, #tpu.memory_space<semaphore_mem>>) src(%dma_wait3A_57 : memref<10000x128xf32, #tpu.memory_space<hbm>>) dst(%arg14 : memref<80x128xf32, #tpu.memory_space<vmem>>)
        %add3A_58 = arith.constant 2 : i32
        %add3A_59 = arith.addi %add3A_46, %add3A_58 : i32
        %lt3A_60 = arith.constant 25 : i32
        %lt3A_61 = arith.cmpi slt, %add3A_59, %lt3A_60 : i32
        %convert_element_type3A_62 = arith.extui %lt3A_61 : i1 to i32
        %cond3A_63 = arith.constant 0 : i32
        %cond3A_64 = arith.cmpi ne, %convert_element_type3A_62, %cond3A_63 : i32
        scf.if %cond3A_64 {
          %add3A_89 = arith.constant 2 : i32
          %add3A_90 = arith.addi %add3A_46, %add3A_89 : i32
          %mul3A_91 = arith.constant 80 : i32
          %mul3A_92 = arith.muli %add3A_90, %mul3A_91 : i32
          %add3A_93 = arith.addi %mul3A_2, %mul3A_92 : i32
          %dma_start3A_94 = tpu.memref_slice %arg4[%add3A_93] : memref<64000xi32, #tpu.memory_space<hbm>> -> memref<80xi32, #tpu.memory_space<hbm>>
          %dma_start3A_95 = tpu.memref_slice %arg4[%add3A_93] : memref<64000xi32, #tpu.memory_space<hbm>> -> memref<80xi32, #tpu.memory_space<hbm>>
          tpu.enqueue_dma source(%dma_start3A_95 : memref<80xi32, #tpu.memory_space<hbm>>) target(%arg8 : memref<80xi32, #tpu.memory_space<vmem>>) target_semaphore(%arg16 : memref<!tpu.dma_semaphore, #tpu.memory_space<semaphore_mem>>)
          %dma_start3A_96 = tpu.memref_slice %arg5[%add3A_93] : memref<64000xi32, #tpu.memory_space<hbm>> -> memref<80xi32, #tpu.memory_space<hbm>>
          %dma_start3A_97 = tpu.memref_slice %arg5[%add3A_93] : memref<64000xi32, #tpu.memory_space<hbm>> -> memref<80xi32, #tpu.memory_space<hbm>>
          tpu.enqueue_dma source(%dma_start3A_97 : memref<80xi32, #tpu.memory_space<hbm>>) target(%arg10 : memref<80xi32, #tpu.memory_space<vmem>>) target_semaphore(%arg18 : memref<!tpu.dma_semaphore, #tpu.memory_space<semaphore_mem>>)
        } else {
        }
        %ge3A = arith.constant 1 : i32
        %ge3A_65 = arith.cmpi sge, %add3A_46, %ge3A : i32
        %convert_element_type3A_66 = arith.extui %ge3A_65 : i1 to i32
        %cond3A_67 = arith.constant 0 : i32
        %cond3A_68 = arith.cmpi ne, %convert_element_type3A_66, %cond3A_67 : i32
        scf.if %cond3A_68 {
          %sub3A = arith.constant 1 : i32
          %sub3A_89 = arith.subi %add3A_46, %sub3A : i32
          %mul3A_90 = arith.constant 80 : i32
          %mul3A_91 = arith.muli %sub3A_89, %mul3A_90 : i32
          %add3A_92 = arith.addi %mul3A_2, %mul3A_91 : i32
          %dma_wait3A_93 = arith.constant 0 : i32
          %dma_wait3A_94 = tpu.memref_slice %arg6[%add3A_92, %dma_wait3A_93] : memref<64000x128xf32, #tpu.memory_space<hbm>> -> memref<80x128xf32, #tpu.memory_space<hbm>>
          %dma_wait3A_95 = arith.constant 0 : i32
          %dma_wait3A_96 = tpu.memref_slice %arg6[%add3A_92, %dma_wait3A_95] : memref<64000x128xf32, #tpu.memory_space<hbm>> -> memref<80x128xf32, #tpu.memory_space<hbm>>
          tpu.wait_dma2 semaphore(%arg23 : memref<!tpu.dma_semaphore, #tpu.memory_space<semaphore_mem>>) src(%arg11 : memref<80x128xf32, #tpu.memory_space<vmem>>) dst(%dma_wait3A_96 : memref<80x128xf32, #tpu.memory_space<hbm>>)
        } else {
        }
        %add3A_69 = arith.constant 1 : i32
        %add3A_70 = arith.addi %add3A_46, %add3A_69 : i32
        %lt3A_71 = arith.constant 25 : i32
        %lt3A_72 = arith.cmpi slt, %add3A_70, %lt3A_71 : i32
        %convert_element_type3A_73 = arith.extui %lt3A_72 : i1 to i32
        %cond3A_74 = arith.constant 0 : i32
        %cond3A_75 = arith.cmpi ne, %convert_element_type3A_73, %cond3A_74 : i32
        scf.if %cond3A_75 {
          %add3A_89 = arith.constant 1 : i32
          %add3A_90 = arith.addi %add3A_46, %add3A_89 : i32
          %mul3A_91 = arith.constant 80 : i32
          %mul3A_92 = arith.muli %add3A_90, %mul3A_91 : i32
          %add3A_93 = arith.addi %mul3A_2, %mul3A_92 : i32
          %dma_wait3A_94 = tpu.memref_slice %arg4[%add3A_93] : memref<64000xi32, #tpu.memory_space<hbm>> -> memref<80xi32, #tpu.memory_space<hbm>>
          %dma_wait3A_95 = tpu.memref_slice %arg4[%add3A_93] : memref<64000xi32, #tpu.memory_space<hbm>> -> memref<80xi32, #tpu.memory_space<hbm>>
          tpu.wait_dma2 semaphore(%arg15 : memref<!tpu.dma_semaphore, #tpu.memory_space<semaphore_mem>>) src(%dma_wait3A_95 : memref<80xi32, #tpu.memory_space<hbm>>) dst(%arg7 : memref<80xi32, #tpu.memory_space<vmem>>)
          %dma_wait3A_96 = tpu.memref_slice %arg5[%add3A_93] : memref<64000xi32, #tpu.memory_space<hbm>> -> memref<80xi32, #tpu.memory_space<hbm>>
          %dma_wait3A_97 = tpu.memref_slice %arg5[%add3A_93] : memref<64000xi32, #tpu.memory_space<hbm>> -> memref<80xi32, #tpu.memory_space<hbm>>
          tpu.wait_dma2 semaphore(%arg17 : memref<!tpu.dma_semaphore, #tpu.memory_space<semaphore_mem>>) src(%dma_wait3A_97 : memref<80xi32, #tpu.memory_space<hbm>>) dst(%arg9 : memref<80xi32, #tpu.memory_space<vmem>>)
          %dma_start3A_98 = arith.constant 0 : i32
          %dma_start3A_99 = arith.constant 0 : i32
          %dma_start3A_100 = tpu.memref_slice %arg2[%dma_start3A_98, %dma_start3A_99] : memref<10000x128xf32, #tpu.memory_space<hbm>> -> memref<10000x128xf32, #tpu.memory_space<hbm>>
          tpu.enqueue_indirect_dma source(%dma_start3A_100 : memref<10000x128xf32, #tpu.memory_space<hbm>>) target(%arg11 : memref<80x128xf32, #tpu.memory_space<vmem>>) offsets(%arg7 : memref<80xi32, #tpu.memory_space<vmem>>) semaphore(%arg19 : memref<!tpu.dma_semaphore, #tpu.memory_space<semaphore_mem>>)
          %dma_start3A_101 = arith.constant 0 : i32
          %dma_start3A_102 = arith.constant 0 : i32
          %dma_start3A_103 = tpu.memref_slice %arg3[%dma_start3A_101, %dma_start3A_102] : memref<10000x128xf32, #tpu.memory_space<hbm>> -> memref<10000x128xf32, #tpu.memory_space<hbm>>
          tpu.enqueue_indirect_dma source(%dma_start3A_103 : memref<10000x128xf32, #tpu.memory_space<hbm>>) target(%arg13 : memref<80x128xf32, #tpu.memory_space<vmem>>) offsets(%arg9 : memref<80xi32, #tpu.memory_space<vmem>>) semaphore(%arg21 : memref<!tpu.dma_semaphore, #tpu.memory_space<semaphore_mem>>)
        } else {
        }
        %scan3A_76 = arith.constant 0 : i32
        %scan3A_77 = arith.constant 0 : i32
        %scan3A_78 = arith.constant 80 : i32
        %scan3A_79 = arith.addi %scan3A_77, %scan3A_78 : i32
        %scan3A_80 = arith.constant 1 : i32
        scf.for %scan3A_89 = %scan3A_77 to %scan3A_79 step %scan3A_80  : i32 {
          %get3A = arith.index_cast %scan3A_89 : i32 to index
          %get3A_90 = arith.constant 0 : index
          %get3A_91 = tpu.vector_load %arg12[%get3A, %get3A_90] {strides = array<i32>} : memref<80x128xf32, #tpu.memory_space<vmem>>, vector<1x16xf32>,
          %get3A_92 = vector.shape_cast %get3A_91 : vector<1x16xf32> to vector<16xf32>
          %get3A_93 = arith.index_cast %scan3A_89 : i32 to index
          %get3A_94 = arith.constant 0 : index
          %get3A_95 = tpu.vector_load %arg14[%get3A_93, %get3A_94] {strides = array<i32>} : memref<80x128xf32, #tpu.memory_space<vmem>>, vector<1x16xf32>,
          %get3A_96 = vector.shape_cast %get3A_95 : vector<1x16xf32> to vector<16xf32>
          %add3A_97 = arith.addf %get3A_92, %get3A_96 : vector<16xf32>
          %swap3A = arith.index_cast %scan3A_89 : i32 to index
          %swap3A_98 = arith.constant 0 : index
          %swap3A_99 = tpu.vector_load %arg12[%swap3A, %swap3A_98] {strides = array<i32>} : memref<80x128xf32, #tpu.memory_space<vmem>>, vector<1x16xf32>,
          %swap3A_100 = vector.shape_cast %swap3A_99 : vector<1x16xf32> to vector<16xf32>
          %swap3A_101 = vector.shape_cast %add3A_97 : vector<16xf32> to vector<1x16xf32>
          tpu.vector_store %arg12[%swap3A, %swap3A_98], %swap3A_101 {strides = array<i32>} : memref<80x128xf32, #tpu.memory_space<vmem>>, vector<1x16xf32>,
          %get3A_102 = arith.index_cast %scan3A_89 : i32 to index
          %get3A_103 = arith.constant 16 : index
          %get3A_104 = tpu.vector_load %arg12[%get3A_102, %get3A_103] {strides = array<i32>} : memref<80x128xf32, #tpu.memory_space<vmem>>, vector<1x16xf32>,
          %get3A_105 = vector.shape_cast %get3A_104 : vector<1x16xf32> to vector<16xf32>
          %get3A_106 = arith.index_cast %scan3A_89 : i32 to index
          %get3A_107 = arith.constant 16 : index
          %get3A_108 = tpu.vector_load %arg14[%get3A_106, %get3A_107] {strides = array<i32>} : memref<80x128xf32, #tpu.memory_space<vmem>>, vector<1x16xf32>,
          %get3A_109 = vector.shape_cast %get3A_108 : vector<1x16xf32> to vector<16xf32>
          %add3A_110 = arith.addf %get3A_105, %get3A_109 : vector<16xf32>
          %swap3A_111 = arith.index_cast %scan3A_89 : i32 to index
          %swap3A_112 = arith.constant 16 : index
          %swap3A_113 = tpu.vector_load %arg12[%swap3A_111, %swap3A_112] {strides = array<i32>} : memref<80x128xf32, #tpu.memory_space<vmem>>, vector<1x16xf32>,
          %swap3A_114 = vector.shape_cast %swap3A_113 : vector<1x16xf32> to vector<16xf32>
          %swap3A_115 = vector.shape_cast %add3A_110 : vector<16xf32> to vector<1x16xf32>
          tpu.vector_store %arg12[%swap3A_111, %swap3A_112], %swap3A_115 {strides = array<i32>} : memref<80x128xf32, #tpu.memory_space<vmem>>, vector<1x16xf32>,
          %get3A_116 = arith.index_cast %scan3A_89 : i32 to index
          %get3A_117 = arith.constant 32 : index
          %get3A_118 = tpu.vector_load %arg12[%get3A_116, %get3A_117] {strides = array<i32>} : memref<80x128xf32, #tpu.memory_space<vmem>>, vector<1x16xf32>,
          %get3A_119 = vector.shape_cast %get3A_118 : vector<1x16xf32> to vector<16xf32>
          %get3A_120 = arith.index_cast %scan3A_89 : i32 to index
          %get3A_121 = arith.constant 32 : index
          %get3A_122 = tpu.vector_load %arg14[%get3A_120, %get3A_121] {strides = array<i32>} : memref<80x128xf32, #tpu.memory_space<vmem>>, vector<1x16xf32>,
          %get3A_123 = vector.shape_cast %get3A_122 : vector<1x16xf32> to vector<16xf32>
          %add3A_124 = arith.addf %get3A_119, %get3A_123 : vector<16xf32>
          %swap3A_125 = arith.index_cast %scan3A_89 : i32 to index
          %swap3A_126 = arith.constant 32 : index
          %swap3A_127 = tpu.vector_load %arg12[%swap3A_125, %swap3A_126] {strides = array<i32>} : memref<80x128xf32, #tpu.memory_space<vmem>>, vector<1x16xf32>,
          %swap3A_128 = vector.shape_cast %swap3A_127 : vector<1x16xf32> to vector<16xf32>
          %swap3A_129 = vector.shape_cast %add3A_124 : vector<16xf32> to vector<1x16xf32>
          tpu.vector_store %arg12[%swap3A_125, %swap3A_126], %swap3A_129 {strides = array<i32>} : memref<80x128xf32, #tpu.memory_space<vmem>>, vector<1x16xf32>,
          %get3A_130 = arith.index_cast %scan3A_89 : i32 to index
          %get3A_131 = arith.constant 48 : index
          %get3A_132 = tpu.vector_load %arg12[%get3A_130, %get3A_131] {strides = array<i32>} : memref<80x128xf32, #tpu.memory_space<vmem>>, vector<1x16xf32>,
          %get3A_133 = vector.shape_cast %get3A_132 : vector<1x16xf32> to vector<16xf32>
          %get3A_134 = arith.index_cast %scan3A_89 : i32 to index
          %get3A_135 = arith.constant 48 : index
          %get3A_136 = tpu.vector_load %arg14[%get3A_134, %get3A_135] {strides = array<i32>} : memref<80x128xf32, #tpu.memory_space<vmem>>, vector<1x16xf32>,
          %get3A_137 = vector.shape_cast %get3A_136 : vector<1x16xf32> to vector<16xf32>
          %add3A_138 = arith.addf %get3A_133, %get3A_137 : vector<16xf32>
          %swap3A_139 = arith.index_cast %scan3A_89 : i32 to index
          %swap3A_140 = arith.constant 48 : index
          %swap3A_141 = tpu.vector_load %arg12[%swap3A_139, %swap3A_140] {strides = array<i32>} : memref<80x128xf32, #tpu.memory_space<vmem>>, vector<1x16xf32>,
          %swap3A_142 = vector.shape_cast %swap3A_141 : vector<1x16xf32> to vector<16xf32>
          %swap3A_143 = vector.shape_cast %add3A_138 : vector<16xf32> to vector<1x16xf32>
          tpu.vector_store %arg12[%swap3A_139, %swap3A_140], %swap3A_143 {strides = array<i32>} : memref<80x128xf32, #tpu.memory_space<vmem>>, vector<1x16xf32>,
          %get3A_144 = arith.index_cast %scan3A_89 : i32 to index
          %get3A_145 = arith.constant 64 : index
          %get3A_146 = tpu.vector_load %arg12[%get3A_144, %get3A_145] {strides = array<i32>} : memref<80x128xf32, #tpu.memory_space<vmem>>, vector<1x16xf32>,
          %get3A_147 = vector.shape_cast %get3A_146 : vector<1x16xf32> to vector<16xf32>
          %get3A_148 = arith.index_cast %scan3A_89 : i32 to index
          %get3A_149 = arith.constant 64 : index
          %get3A_150 = tpu.vector_load %arg14[%get3A_148, %get3A_149] {strides = array<i32>} : memref<80x128xf32, #tpu.memory_space<vmem>>, vector<1x16xf32>,
          %get3A_151 = vector.shape_cast %get3A_150 : vector<1x16xf32> to vector<16xf32>
          %add3A_152 = arith.addf %get3A_147, %get3A_151 : vector<16xf32>
          %swap3A_153 = arith.index_cast %scan3A_89 : i32 to index
          %swap3A_154 = arith.constant 64 : index
          %swap3A_155 = tpu.vector_load %arg12[%swap3A_153, %swap3A_154] {strides = array<i32>} : memref<80x128xf32, #tpu.memory_space<vmem>>, vector<1x16xf32>,
          %swap3A_156 = vector.shape_cast %swap3A_155 : vector<1x16xf32> to vector<16xf32>
          %swap3A_157 = vector.shape_cast %add3A_152 : vector<16xf32> to vector<1x16xf32>
          tpu.vector_store %arg12[%swap3A_153, %swap3A_154], %swap3A_157 {strides = array<i32>} : memref<80x128xf32, #tpu.memory_space<vmem>>, vector<1x16xf32>,
          %get3A_158 = arith.index_cast %scan3A_89 : i32 to index
          %get3A_159 = arith.constant 80 : index
          %get3A_160 = tpu.vector_load %arg12[%get3A_158, %get3A_159] {strides = array<i32>} : memref<80x128xf32, #tpu.memory_space<vmem>>, vector<1x16xf32>,
          %get3A_161 = vector.shape_cast %get3A_160 : vector<1x16xf32> to vector<16xf32>
          %get3A_162 = arith.index_cast %scan3A_89 : i32 to index
          %get3A_163 = arith.constant 80 : index
          %get3A_164 = tpu.vector_load %arg14[%get3A_162, %get3A_163] {strides = array<i32>} : memref<80x128xf32, #tpu.memory_space<vmem>>, vector<1x16xf32>,
          %get3A_165 = vector.shape_cast %get3A_164 : vector<1x16xf32> to vector<16xf32>
          %add3A_166 = arith.addf %get3A_161, %get3A_165 : vector<16xf32>
          %swap3A_167 = arith.index_cast %scan3A_89 : i32 to index
          %swap3A_168 = arith.constant 80 : index
          %swap3A_169 = tpu.vector_load %arg12[%swap3A_167, %swap3A_168] {strides = array<i32>} : memref<80x128xf32, #tpu.memory_space<vmem>>, vector<1x16xf32>,
          %swap3A_170 = vector.shape_cast %swap3A_169 : vector<1x16xf32> to vector<16xf32>
          %swap3A_171 = vector.shape_cast %add3A_166 : vector<16xf32> to vector<1x16xf32>
          tpu.vector_store %arg12[%swap3A_167, %swap3A_168], %swap3A_171 {strides = array<i32>} : memref<80x128xf32, #tpu.memory_space<vmem>>, vector<1x16xf32>,
          %get3A_172 = arith.index_cast %scan3A_89 : i32 to index
          %get3A_173 = arith.constant 96 : index
          %get3A_174 = tpu.vector_load %arg12[%get3A_172, %get3A_173] {strides = array<i32>} : memref<80x128xf32, #tpu.memory_space<vmem>>, vector<1x16xf32>,
          %get3A_175 = vector.shape_cast %get3A_174 : vector<1x16xf32> to vector<16xf32>
          %get3A_176 = arith.index_cast %scan3A_89 : i32 to index
          %get3A_177 = arith.constant 96 : index
          %get3A_178 = tpu.vector_load %arg14[%get3A_176, %get3A_177] {strides = array<i32>} : memref<80x128xf32, #tpu.memory_space<vmem>>, vector<1x16xf32>,
          %get3A_179 = vector.shape_cast %get3A_178 : vector<1x16xf32> to vector<16xf32>
          %add3A_180 = arith.addf %get3A_175, %get3A_179 : vector<16xf32>
          %swap3A_181 = arith.index_cast %scan3A_89 : i32 to index
          %swap3A_182 = arith.constant 96 : index
          %swap3A_183 = tpu.vector_load %arg12[%swap3A_181, %swap3A_182] {strides = array<i32>} : memref<80x128xf32, #tpu.memory_space<vmem>>, vector<1x16xf32>,
          %swap3A_184 = vector.shape_cast %swap3A_183 : vector<1x16xf32> to vector<16xf32>
          %swap3A_185 = vector.shape_cast %add3A_180 : vector<16xf32> to vector<1x16xf32>
          tpu.vector_store %arg12[%swap3A_181, %swap3A_182], %swap3A_185 {strides = array<i32>} : memref<80x128xf32, #tpu.memory_space<vmem>>, vector<1x16xf32>,
          %get3A_186 = arith.index_cast %scan3A_89 : i32 to index
          %get3A_187 = arith.constant 112 : index
          %get3A_188 = tpu.vector_load %arg12[%get3A_186, %get3A_187] {strides = array<i32>} : memref<80x128xf32, #tpu.memory_space<vmem>>, vector<1x16xf32>,
          %get3A_189 = vector.shape_cast %get3A_188 : vector<1x16xf32> to vector<16xf32>
          %get3A_190 = arith.index_cast %scan3A_89 : i32 to index
          %get3A_191 = arith.constant 112 : index
          %get3A_192 = tpu.vector_load %arg14[%get3A_190, %get3A_191] {strides = array<i32>} : memref<80x128xf32, #tpu.memory_space<vmem>>, vector<1x16xf32>,
          %get3A_193 = vector.shape_cast %get3A_192 : vector<1x16xf32> to vector<16xf32>
          %add3A_194 = arith.addf %get3A_189, %get3A_193 : vector<16xf32>
          %swap3A_195 = arith.index_cast %scan3A_89 : i32 to index
          %swap3A_196 = arith.constant 112 : index
          %swap3A_197 = tpu.vector_load %arg12[%swap3A_195, %swap3A_196] {strides = array<i32>} : memref<80x128xf32, #tpu.memory_space<vmem>>, vector<1x16xf32>,
          %swap3A_198 = vector.shape_cast %swap3A_197 : vector<1x16xf32> to vector<16xf32>
          %swap3A_199 = vector.shape_cast %add3A_194 : vector<16xf32> to vector<1x16xf32>
          tpu.vector_store %arg12[%swap3A_195, %swap3A_196], %swap3A_199 {strides = array<i32>} : memref<80x128xf32, #tpu.memory_space<vmem>>, vector<1x16xf32>,
        }
        %scan3A_81 = arith.constant 80 : i32
        %mul3A_82 = arith.constant 80 : i32
        %mul3A_83 = arith.muli %add3A_46, %mul3A_82 : i32
        %add3A_84 = arith.addi %mul3A_2, %mul3A_83 : i32
        %dma_start3A_85 = arith.constant 0 : i32
        %dma_start3A_86 = tpu.memref_slice %arg6[%add3A_84, %dma_start3A_85] : memref<64000x128xf32, #tpu.memory_space<hbm>> -> memref<80x128xf32, #tpu.memory_space<hbm>>
        %dma_start3A_87 = arith.constant 0 : i32
        %dma_start3A_88 = tpu.memref_slice %arg6[%add3A_84, %dma_start3A_87] : memref<64000x128xf32, #tpu.memory_space<hbm>> -> memref<80x128xf32, #tpu.memory_space<hbm>>
        tpu.enqueue_dma source(%arg12 : memref<80x128xf32, #tpu.memory_space<vmem>>) target(%dma_start3A_88 : memref<80x128xf32, #tpu.memory_space<hbm>>) target_semaphore(%arg24 : memref<!tpu.dma_semaphore, #tpu.memory_space<semaphore_mem>>)
      } else {
      }
    }
    %scan3A_29 = arith.constant 13 : i32
    %add3A_30 = arith.constant 1920 : i32
    %add3A_31 = arith.addi %mul3A_2, %add3A_30 : i32
    %dma_wait3A_32 = arith.constant 0 : i32
    %dma_wait3A_33 = tpu.memref_slice %arg6[%add3A_31, %dma_wait3A_32] : memref<64000x128xf32, #tpu.memory_space<hbm>> -> memref<80x128xf32, #tpu.memory_space<hbm>>
    %dma_wait3A_34 = arith.constant 0 : i32
    %dma_wait3A_35 = tpu.memref_slice %arg6[%add3A_31, %dma_wait3A_34] : memref<64000x128xf32, #tpu.memory_space<hbm>> -> memref<80x128xf32, #tpu.memory_space<hbm>>
    tpu.wait_dma2 semaphore(%arg23 : memref<!tpu.dma_semaphore, #tpu.memory_space<semaphore_mem>>) src(%arg11 : memref<80x128xf32, #tpu.memory_space<vmem>>) dst(%dma_wait3A_35 : memref<80x128xf32, #tpu.memory_space<hbm>>)
    return
  }
}

#map = affine_map<(d0, d1) -> (0, 0)>
#map1 = affine_map<(d0, d1) -> (0)>
module attributes {stable_mosaic.version = 14 : i64} {
  func.func @gather_add(%arg0: i32, %arg1: i32, %arg2: memref<10000x128xf32, #tpu.memory_space<hbm>>, %arg3: memref<10000x128xf32, #tpu.memory_space<hbm>>, %arg4: memref<51200xi32, #tpu.memory_space<hbm>>, %arg5: memref<51200xi32, #tpu.memory_space<hbm>>, %arg6: memref<51200x128xf32, #tpu.memory_space<hbm>>, %arg7: memref<80xi32, #tpu.memory_space<vmem>>, %arg8: memref<80xi32, #tpu.memory_space<vmem>>, %arg9: memref<80xi32, #tpu.memory_space<vmem>>, %arg10: memref<80xi32, #tpu.memory_space<vmem>>, %arg11: memref<80x128xf32, #tpu.memory_space<vmem>>, %arg12: memref<80x128xf32, #tpu.memory_space<vmem>>, %arg13: memref<80x128xf32, #tpu.memory_space<vmem>>, %arg14: memref<80x128xf32, #tpu.memory_space<vmem>>, %arg15: memref<!tpu.dma_semaphore, #tpu.memory_space<semaphore_mem>>, %arg16: memref<!tpu.dma_semaphore, #tpu.memory_space<semaphore_mem>>, %arg17: memref<!tpu.dma_semaphore, #tpu.memory_space<semaphore_mem>>, %arg18: memref<!tpu.dma_semaphore, #tpu.memory_space<semaphore_mem>>, %arg19: memref<!tpu.dma_semaphore, #tpu.memory_space<semaphore_mem>>, %arg20: memref<!tpu.dma_semaphore, #tpu.memory_space<semaphore_mem>>, %arg21: memref<!tpu.dma_semaphore, #tpu.memory_space<semaphore_mem>>, %arg22: memref<!tpu.dma_semaphore, #tpu.memory_space<semaphore_mem>>, %arg23: memref<!tpu.dma_semaphore, #tpu.memory_space<semaphore_mem>>, %arg24: memref<!tpu.dma_semaphore, #tpu.memory_space<semaphore_mem>>) attributes {dimension_semantics = [#tpu.dimension_semantics<core_parallel>, #tpu.dimension_semantics<subcore_parallel>], iteration_bounds = array<i64: 2, 16>, scalar_prefetch = 0 : i64, scratch_operands = 18 : i64, tpu.core_type = #tpu.core_type<sc_vector_subcore>, window_params = [{transform_indices = #map}, {transform_indices = #map}, {transform_indices = #map1}, {transform_indices = #map1}, {transform_indices = #map}]} {
    %mul3A = arith.constant 2 : i32
    %mul3A_0 = arith.muli %arg1, %mul3A : i32
    %add3A = arith.addi %mul3A_0, %arg0 : i32
    %mul3A_1 = arith.constant 1600 : i32
    %mul3A_2 = arith.muli %add3A, %mul3A_1 : i32
    %add3A_3 = arith.constant 0 : i32
    %add3A_4 = arith.addi %mul3A_2, %add3A_3 : i32
    %dma_start3A = tpu.memref_slice %arg4[%add3A_4] : memref<51200xi32, #tpu.memory_space<hbm>> -> memref<80xi32, #tpu.memory_space<hbm>>
    %dma_start3A_5 = tpu.memref_slice %arg4[%add3A_4] : memref<51200xi32, #tpu.memory_space<hbm>> -> memref<80xi32, #tpu.memory_space<hbm>>
    tpu.enqueue_dma source(%dma_start3A_5 : memref<80xi32, #tpu.memory_space<hbm>>) target(%arg7 : memref<80xi32, #tpu.memory_space<vmem>>) target_semaphore(%arg15 : memref<!tpu.dma_semaphore, #tpu.memory_space<semaphore_mem>>)
    %dma_start3A_6 = tpu.memref_slice %arg5[%add3A_4] : memref<51200xi32, #tpu.memory_space<hbm>> -> memref<80xi32, #tpu.memory_space<hbm>>
    %dma_start3A_7 = tpu.memref_slice %arg5[%add3A_4] : memref<51200xi32, #tpu.memory_space<hbm>> -> memref<80xi32, #tpu.memory_space<hbm>>
    tpu.enqueue_dma source(%dma_start3A_7 : memref<80xi32, #tpu.memory_space<hbm>>) target(%arg9 : memref<80xi32, #tpu.memory_space<vmem>>) target_semaphore(%arg17 : memref<!tpu.dma_semaphore, #tpu.memory_space<semaphore_mem>>)
    %add3A_8 = arith.constant 80 : i32
    %add3A_9 = arith.addi %mul3A_2, %add3A_8 : i32
    %dma_start3A_10 = tpu.memref_slice %arg4[%add3A_9] : memref<51200xi32, #tpu.memory_space<hbm>> -> memref<80xi32, #tpu.memory_space<hbm>>
    %dma_start3A_11 = tpu.memref_slice %arg4[%add3A_9] : memref<51200xi32, #tpu.memory_space<hbm>> -> memref<80xi32, #tpu.memory_space<hbm>>
    tpu.enqueue_dma source(%dma_start3A_11 : memref<80xi32, #tpu.memory_space<hbm>>) target(%arg8 : memref<80xi32, #tpu.memory_space<vmem>>) target_semaphore(%arg16 : memref<!tpu.dma_semaphore, #tpu.memory_space<semaphore_mem>>)
    %dma_start3A_12 = tpu.memref_slice %arg5[%add3A_9] : memref<51200xi32, #tpu.memory_space<hbm>> -> memref<80xi32, #tpu.memory_space<hbm>>
    %dma_start3A_13 = tpu.memref_slice %arg5[%add3A_9] : memref<51200xi32, #tpu.memory_space<hbm>> -> memref<80xi32, #tpu.memory_space<hbm>>
    tpu.enqueue_dma source(%dma_start3A_13 : memref<80xi32, #tpu.memory_space<hbm>>) target(%arg10 : memref<80xi32, #tpu.memory_space<vmem>>) target_semaphore(%arg18 : memref<!tpu.dma_semaphore, #tpu.memory_space<semaphore_mem>>)
    %add3A_14 = arith.constant 0 : i32
    %add3A_15 = arith.addi %mul3A_2, %add3A_14 : i32
    %dma_wait3A = tpu.memref_slice %arg4[%add3A_15] : memref<51200xi32, #tpu.memory_space<hbm>> -> memref<80xi32, #tpu.memory_space<hbm>>
    %dma_wait3A_16 = tpu.memref_slice %arg4[%add3A_15] : memref<51200xi32, #tpu.memory_space<hbm>> -> memref<80xi32, #tpu.memory_space<hbm>>
    tpu.wait_dma2 semaphore(%arg15 : memref<!tpu.dma_semaphore, #tpu.memory_space<semaphore_mem>>) src(%dma_wait3A_16 : memref<80xi32, #tpu.memory_space<hbm>>) dst(%arg7 : memref<80xi32, #tpu.memory_space<vmem>>)
    %dma_wait3A_17 = tpu.memref_slice %arg5[%add3A_15] : memref<51200xi32, #tpu.memory_space<hbm>> -> memref<80xi32, #tpu.memory_space<hbm>>
    %dma_wait3A_18 = tpu.memref_slice %arg5[%add3A_15] : memref<51200xi32, #tpu.memory_space<hbm>> -> memref<80xi32, #tpu.memory_space<hbm>>
    tpu.wait_dma2 semaphore(%arg17 : memref<!tpu.dma_semaphore, #tpu.memory_space<semaphore_mem>>) src(%dma_wait3A_18 : memref<80xi32, #tpu.memory_space<hbm>>) dst(%arg9 : memref<80xi32, #tpu.memory_space<vmem>>)
    %dma_start3A_19 = arith.constant 0 : i32
    %dma_start3A_20 = arith.constant 0 : i32
    %dma_start3A_21 = tpu.memref_slice %arg2[%dma_start3A_19, %dma_start3A_20] : memref<10000x128xf32, #tpu.memory_space<hbm>> -> memref<10000x128xf32, #tpu.memory_space<hbm>>
    tpu.enqueue_indirect_dma source(%dma_start3A_21 : memref<10000x128xf32, #tpu.memory_space<hbm>>) target(%arg11 : memref<80x128xf32, #tpu.memory_space<vmem>>) offsets(%arg7 : memref<80xi32, #tpu.memory_space<vmem>>) semaphore(%arg19 : memref<!tpu.dma_semaphore, #tpu.memory_space<semaphore_mem>>)
    %dma_start3A_22 = arith.constant 0 : i32
    %dma_start3A_23 = arith.constant 0 : i32
    %dma_start3A_24 = tpu.memref_slice %arg3[%dma_start3A_22, %dma_start3A_23] : memref<10000x128xf32, #tpu.memory_space<hbm>> -> memref<10000x128xf32, #tpu.memory_space<hbm>>
    tpu.enqueue_indirect_dma source(%dma_start3A_24 : memref<10000x128xf32, #tpu.memory_space<hbm>>) target(%arg13 : memref<80x128xf32, #tpu.memory_space<vmem>>) offsets(%arg9 : memref<80xi32, #tpu.memory_space<vmem>>) semaphore(%arg21 : memref<!tpu.dma_semaphore, #tpu.memory_space<semaphore_mem>>)
    %scan3A = arith.constant 0 : i32
    %scan3A_25 = arith.constant 0 : i32
    %scan3A_26 = arith.constant 11 : i32
    %scan3A_27 = arith.addi %scan3A_25, %scan3A_26 : i32
    %scan3A_28 = arith.constant 1 : i32
    scf.for %scan3A_36 = %scan3A_25 to %scan3A_27 step %scan3A_28  : i32 {
      %mul3A_37 = arith.constant 2 : i32
      %mul3A_38 = arith.muli %mul3A_37, %scan3A_36 : i32
      %add3A_39 = arith.constant 0 : i32
      %add3A_40 = arith.addi %mul3A_38, %add3A_39 : i32
      %lt3A = arith.constant 20 : i32
      %lt3A_41 = arith.cmpi slt, %add3A_40, %lt3A : i32
      %convert_element_type3A = arith.extui %lt3A_41 : i1 to i32
      %cond3A = arith.constant 0 : i32
      %cond3A_42 = arith.cmpi ne, %convert_element_type3A, %cond3A : i32
      scf.if %cond3A_42 {
        %dma_wait3A_52 = arith.constant 0 : i32
        %dma_wait3A_53 = arith.constant 0 : i32
        %dma_wait3A_54 = tpu.memref_slice %arg2[%dma_wait3A_52, %dma_wait3A_53] : memref<10000x128xf32, #tpu.memory_space<hbm>> -> memref<10000x128xf32, #tpu.memory_space<hbm>>
        tpu.wait_indirect_dma semaphore(%arg19 : memref<!tpu.dma_semaphore, #tpu.memory_space<semaphore_mem>>) src(%dma_wait3A_54 : memref<10000x128xf32, #tpu.memory_space<hbm>>) dst(%arg11 : memref<80x128xf32, #tpu.memory_space<vmem>>)
        %dma_wait3A_55 = arith.constant 0 : i32
        %dma_wait3A_56 = arith.constant 0 : i32
        %dma_wait3A_57 = tpu.memref_slice %arg3[%dma_wait3A_55, %dma_wait3A_56] : memref<10000x128xf32, #tpu.memory_space<hbm>> -> memref<10000x128xf32, #tpu.memory_space<hbm>>
        tpu.wait_indirect_dma semaphore(%arg21 : memref<!tpu.dma_semaphore, #tpu.memory_space<semaphore_mem>>) src(%dma_wait3A_57 : memref<10000x128xf32, #tpu.memory_space<hbm>>) dst(%arg13 : memref<80x128xf32, #tpu.memory_space<vmem>>)
        %add3A_58 = arith.constant 2 : i32
        %add3A_59 = arith.addi %add3A_40, %add3A_58 : i32
        %lt3A_60 = arith.constant 20 : i32
        %lt3A_61 = arith.cmpi slt, %add3A_59, %lt3A_60 : i32
        %convert_element_type3A_62 = arith.extui %lt3A_61 : i1 to i32
        %cond3A_63 = arith.constant 0 : i32
        %cond3A_64 = arith.cmpi ne, %convert_element_type3A_62, %cond3A_63 : i32
        scf.if %cond3A_64 {
          %add3A_89 = arith.constant 2 : i32
          %add3A_90 = arith.addi %add3A_40, %add3A_89 : i32
          %mul3A_91 = arith.constant 80 : i32
          %mul3A_92 = arith.muli %add3A_90, %mul3A_91 : i32
          %add3A_93 = arith.addi %mul3A_2, %mul3A_92 : i32
          %dma_start3A_94 = tpu.memref_slice %arg4[%add3A_93] : memref<51200xi32, #tpu.memory_space<hbm>> -> memref<80xi32, #tpu.memory_space<hbm>>
          %dma_start3A_95 = tpu.memref_slice %arg4[%add3A_93] : memref<51200xi32, #tpu.memory_space<hbm>> -> memref<80xi32, #tpu.memory_space<hbm>>
          tpu.enqueue_dma source(%dma_start3A_95 : memref<80xi32, #tpu.memory_space<hbm>>) target(%arg7 : memref<80xi32, #tpu.memory_space<vmem>>) target_semaphore(%arg15 : memref<!tpu.dma_semaphore, #tpu.memory_space<semaphore_mem>>)
          %dma_start3A_96 = tpu.memref_slice %arg5[%add3A_93] : memref<51200xi32, #tpu.memory_space<hbm>> -> memref<80xi32, #tpu.memory_space<hbm>>
          %dma_start3A_97 = tpu.memref_slice %arg5[%add3A_93] : memref<51200xi32, #tpu.memory_space<hbm>> -> memref<80xi32, #tpu.memory_space<hbm>>
          tpu.enqueue_dma source(%dma_start3A_97 : memref<80xi32, #tpu.memory_space<hbm>>) target(%arg9 : memref<80xi32, #tpu.memory_space<vmem>>) target_semaphore(%arg17 : memref<!tpu.dma_semaphore, #tpu.memory_space<semaphore_mem>>)
        } else {
        }
        %ge3A = arith.constant 1 : i32
        %ge3A_65 = arith.cmpi sge, %add3A_40, %ge3A : i32
        %convert_element_type3A_66 = arith.extui %ge3A_65 : i1 to i32
        %cond3A_67 = arith.constant 0 : i32
        %cond3A_68 = arith.cmpi ne, %convert_element_type3A_66, %cond3A_67 : i32
        scf.if %cond3A_68 {
          %sub3A = arith.constant 1 : i32
          %sub3A_89 = arith.subi %add3A_40, %sub3A : i32
          %mul3A_90 = arith.constant 80 : i32
          %mul3A_91 = arith.muli %sub3A_89, %mul3A_90 : i32
          %add3A_92 = arith.addi %mul3A_2, %mul3A_91 : i32
          %dma_wait3A_93 = arith.constant 0 : i32
          %dma_wait3A_94 = tpu.memref_slice %arg6[%add3A_92, %dma_wait3A_93] : memref<51200x128xf32, #tpu.memory_space<hbm>> -> memref<80x128xf32, #tpu.memory_space<hbm>>
          %dma_wait3A_95 = arith.constant 0 : i32
          %dma_wait3A_96 = tpu.memref_slice %arg6[%add3A_92, %dma_wait3A_95] : memref<51200x128xf32, #tpu.memory_space<hbm>> -> memref<80x128xf32, #tpu.memory_space<hbm>>
          tpu.wait_dma2 semaphore(%arg24 : memref<!tpu.dma_semaphore, #tpu.memory_space<semaphore_mem>>) src(%arg12 : memref<80x128xf32, #tpu.memory_space<vmem>>) dst(%dma_wait3A_96 : memref<80x128xf32, #tpu.memory_space<hbm>>)
        } else {
        }
        %add3A_69 = arith.constant 1 : i32
        %add3A_70 = arith.addi %add3A_40, %add3A_69 : i32
        %lt3A_71 = arith.constant 20 : i32
        %lt3A_72 = arith.cmpi slt, %add3A_70, %lt3A_71 : i32
        %convert_element_type3A_73 = arith.extui %lt3A_72 : i1 to i32
        %cond3A_74 = arith.constant 0 : i32
        %cond3A_75 = arith.cmpi ne, %convert_element_type3A_73, %cond3A_74 : i32
        scf.if %cond3A_75 {
          %add3A_89 = arith.constant 1 : i32
          %add3A_90 = arith.addi %add3A_40, %add3A_89 : i32
          %mul3A_91 = arith.constant 80 : i32
          %mul3A_92 = arith.muli %add3A_90, %mul3A_91 : i32
          %add3A_93 = arith.addi %mul3A_2, %mul3A_92 : i32
          %dma_wait3A_94 = tpu.memref_slice %arg4[%add3A_93] : memref<51200xi32, #tpu.memory_space<hbm>> -> memref<80xi32, #tpu.memory_space<hbm>>
          %dma_wait3A_95 = tpu.memref_slice %arg4[%add3A_93] : memref<51200xi32, #tpu.memory_space<hbm>> -> memref<80xi32, #tpu.memory_space<hbm>>
          tpu.wait_dma2 semaphore(%arg16 : memref<!tpu.dma_semaphore, #tpu.memory_space<semaphore_mem>>) src(%dma_wait3A_95 : memref<80xi32, #tpu.memory_space<hbm>>) dst(%arg8 : memref<80xi32, #tpu.memory_space<vmem>>)
          %dma_wait3A_96 = tpu.memref_slice %arg5[%add3A_93] : memref<51200xi32, #tpu.memory_space<hbm>> -> memref<80xi32, #tpu.memory_space<hbm>>
          %dma_wait3A_97 = tpu.memref_slice %arg5[%add3A_93] : memref<51200xi32, #tpu.memory_space<hbm>> -> memref<80xi32, #tpu.memory_space<hbm>>
          tpu.wait_dma2 semaphore(%arg18 : memref<!tpu.dma_semaphore, #tpu.memory_space<semaphore_mem>>) src(%dma_wait3A_97 : memref<80xi32, #tpu.memory_space<hbm>>) dst(%arg10 : memref<80xi32, #tpu.memory_space<vmem>>)
          %dma_start3A_98 = arith.constant 0 : i32
          %dma_start3A_99 = arith.constant 0 : i32
          %dma_start3A_100 = tpu.memref_slice %arg2[%dma_start3A_98, %dma_start3A_99] : memref<10000x128xf32, #tpu.memory_space<hbm>> -> memref<10000x128xf32, #tpu.memory_space<hbm>>
          tpu.enqueue_indirect_dma source(%dma_start3A_100 : memref<10000x128xf32, #tpu.memory_space<hbm>>) target(%arg12 : memref<80x128xf32, #tpu.memory_space<vmem>>) offsets(%arg8 : memref<80xi32, #tpu.memory_space<vmem>>) semaphore(%arg20 : memref<!tpu.dma_semaphore, #tpu.memory_space<semaphore_mem>>)
          %dma_start3A_101 = arith.constant 0 : i32
          %dma_start3A_102 = arith.constant 0 : i32
          %dma_start3A_103 = tpu.memref_slice %arg3[%dma_start3A_101, %dma_start3A_102] : memref<10000x128xf32, #tpu.memory_space<hbm>> -> memref<10000x128xf32, #tpu.memory_space<hbm>>
          tpu.enqueue_indirect_dma source(%dma_start3A_103 : memref<10000x128xf32, #tpu.memory_space<hbm>>) target(%arg14 : memref<80x128xf32, #tpu.memory_space<vmem>>) offsets(%arg10 : memref<80xi32, #tpu.memory_space<vmem>>) semaphore(%arg22 : memref<!tpu.dma_semaphore, #tpu.memory_space<semaphore_mem>>)
        } else {
        }
        %scan3A_76 = arith.constant 0 : i32
        %scan3A_77 = arith.constant 0 : i32
        %scan3A_78 = arith.constant 80 : i32
        %scan3A_79 = arith.addi %scan3A_77, %scan3A_78 : i32
        %scan3A_80 = arith.constant 1 : i32
        scf.for %scan3A_89 = %scan3A_77 to %scan3A_79 step %scan3A_80  : i32 {
          %get3A = arith.index_cast %scan3A_89 : i32 to index
          %get3A_90 = arith.constant 0 : index
          %get3A_91 = tpu.vector_load %arg11[%get3A, %get3A_90] {strides = array<i32>} : memref<80x128xf32, #tpu.memory_space<vmem>>, vector<1x16xf32>,
          %get3A_92 = vector.shape_cast %get3A_91 : vector<1x16xf32> to vector<16xf32>
          %get3A_93 = arith.index_cast %scan3A_89 : i32 to index
          %get3A_94 = arith.constant 0 : index
          %get3A_95 = tpu.vector_load %arg13[%get3A_93, %get3A_94] {strides = array<i32>} : memref<80x128xf32, #tpu.memory_space<vmem>>, vector<1x16xf32>,
          %get3A_96 = vector.shape_cast %get3A_95 : vector<1x16xf32> to vector<16xf32>
          %add3A_97 = arith.addf %get3A_92, %get3A_96 : vector<16xf32>
          %swap3A = arith.index_cast %scan3A_89 : i32 to index
          %swap3A_98 = arith.constant 0 : index
          %swap3A_99 = tpu.vector_load %arg11[%swap3A, %swap3A_98] {strides = array<i32>} : memref<80x128xf32, #tpu.memory_space<vmem>>, vector<1x16xf32>,
          %swap3A_100 = vector.shape_cast %swap3A_99 : vector<1x16xf32> to vector<16xf32>
          %swap3A_101 = vector.shape_cast %add3A_97 : vector<16xf32> to vector<1x16xf32>
          tpu.vector_store %arg11[%swap3A, %swap3A_98], %swap3A_101 {strides = array<i32>} : memref<80x128xf32, #tpu.memory_space<vmem>>, vector<1x16xf32>,
          %get3A_102 = arith.index_cast %scan3A_89 : i32 to index
          %get3A_103 = arith.constant 16 : index
          %get3A_104 = tpu.vector_load %arg11[%get3A_102, %get3A_103] {strides = array<i32>} : memref<80x128xf32, #tpu.memory_space<vmem>>, vector<1x16xf32>,
          %get3A_105 = vector.shape_cast %get3A_104 : vector<1x16xf32> to vector<16xf32>
          %get3A_106 = arith.index_cast %scan3A_89 : i32 to index
          %get3A_107 = arith.constant 16 : index
          %get3A_108 = tpu.vector_load %arg13[%get3A_106, %get3A_107] {strides = array<i32>} : memref<80x128xf32, #tpu.memory_space<vmem>>, vector<1x16xf32>,
          %get3A_109 = vector.shape_cast %get3A_108 : vector<1x16xf32> to vector<16xf32>
          %add3A_110 = arith.addf %get3A_105, %get3A_109 : vector<16xf32>
          %swap3A_111 = arith.index_cast %scan3A_89 : i32 to index
          %swap3A_112 = arith.constant 16 : index
          %swap3A_113 = tpu.vector_load %arg11[%swap3A_111, %swap3A_112] {strides = array<i32>} : memref<80x128xf32, #tpu.memory_space<vmem>>, vector<1x16xf32>,
          %swap3A_114 = vector.shape_cast %swap3A_113 : vector<1x16xf32> to vector<16xf32>
          %swap3A_115 = vector.shape_cast %add3A_110 : vector<16xf32> to vector<1x16xf32>
          tpu.vector_store %arg11[%swap3A_111, %swap3A_112], %swap3A_115 {strides = array<i32>} : memref<80x128xf32, #tpu.memory_space<vmem>>, vector<1x16xf32>,
          %get3A_116 = arith.index_cast %scan3A_89 : i32 to index
          %get3A_117 = arith.constant 32 : index
          %get3A_118 = tpu.vector_load %arg11[%get3A_116, %get3A_117] {strides = array<i32>} : memref<80x128xf32, #tpu.memory_space<vmem>>, vector<1x16xf32>,
          %get3A_119 = vector.shape_cast %get3A_118 : vector<1x16xf32> to vector<16xf32>
          %get3A_120 = arith.index_cast %scan3A_89 : i32 to index
          %get3A_121 = arith.constant 32 : index
          %get3A_122 = tpu.vector_load %arg13[%get3A_120, %get3A_121] {strides = array<i32>} : memref<80x128xf32, #tpu.memory_space<vmem>>, vector<1x16xf32>,
          %get3A_123 = vector.shape_cast %get3A_122 : vector<1x16xf32> to vector<16xf32>
          %add3A_124 = arith.addf %get3A_119, %get3A_123 : vector<16xf32>
          %swap3A_125 = arith.index_cast %scan3A_89 : i32 to index
          %swap3A_126 = arith.constant 32 : index
          %swap3A_127 = tpu.vector_load %arg11[%swap3A_125, %swap3A_126] {strides = array<i32>} : memref<80x128xf32, #tpu.memory_space<vmem>>, vector<1x16xf32>,
          %swap3A_128 = vector.shape_cast %swap3A_127 : vector<1x16xf32> to vector<16xf32>
          %swap3A_129 = vector.shape_cast %add3A_124 : vector<16xf32> to vector<1x16xf32>
          tpu.vector_store %arg11[%swap3A_125, %swap3A_126], %swap3A_129 {strides = array<i32>} : memref<80x128xf32, #tpu.memory_space<vmem>>, vector<1x16xf32>,
          %get3A_130 = arith.index_cast %scan3A_89 : i32 to index
          %get3A_131 = arith.constant 48 : index
          %get3A_132 = tpu.vector_load %arg11[%get3A_130, %get3A_131] {strides = array<i32>} : memref<80x128xf32, #tpu.memory_space<vmem>>, vector<1x16xf32>,
          %get3A_133 = vector.shape_cast %get3A_132 : vector<1x16xf32> to vector<16xf32>
          %get3A_134 = arith.index_cast %scan3A_89 : i32 to index
          %get3A_135 = arith.constant 48 : index
          %get3A_136 = tpu.vector_load %arg13[%get3A_134, %get3A_135] {strides = array<i32>} : memref<80x128xf32, #tpu.memory_space<vmem>>, vector<1x16xf32>,
          %get3A_137 = vector.shape_cast %get3A_136 : vector<1x16xf32> to vector<16xf32>
          %add3A_138 = arith.addf %get3A_133, %get3A_137 : vector<16xf32>
          %swap3A_139 = arith.index_cast %scan3A_89 : i32 to index
          %swap3A_140 = arith.constant 48 : index
          %swap3A_141 = tpu.vector_load %arg11[%swap3A_139, %swap3A_140] {strides = array<i32>} : memref<80x128xf32, #tpu.memory_space<vmem>>, vector<1x16xf32>,
          %swap3A_142 = vector.shape_cast %swap3A_141 : vector<1x16xf32> to vector<16xf32>
          %swap3A_143 = vector.shape_cast %add3A_138 : vector<16xf32> to vector<1x16xf32>
          tpu.vector_store %arg11[%swap3A_139, %swap3A_140], %swap3A_143 {strides = array<i32>} : memref<80x128xf32, #tpu.memory_space<vmem>>, vector<1x16xf32>,
          %get3A_144 = arith.index_cast %scan3A_89 : i32 to index
          %get3A_145 = arith.constant 64 : index
          %get3A_146 = tpu.vector_load %arg11[%get3A_144, %get3A_145] {strides = array<i32>} : memref<80x128xf32, #tpu.memory_space<vmem>>, vector<1x16xf32>,
          %get3A_147 = vector.shape_cast %get3A_146 : vector<1x16xf32> to vector<16xf32>
          %get3A_148 = arith.index_cast %scan3A_89 : i32 to index
          %get3A_149 = arith.constant 64 : index
          %get3A_150 = tpu.vector_load %arg13[%get3A_148, %get3A_149] {strides = array<i32>} : memref<80x128xf32, #tpu.memory_space<vmem>>, vector<1x16xf32>,
          %get3A_151 = vector.shape_cast %get3A_150 : vector<1x16xf32> to vector<16xf32>
          %add3A_152 = arith.addf %get3A_147, %get3A_151 : vector<16xf32>
          %swap3A_153 = arith.index_cast %scan3A_89 : i32 to index
          %swap3A_154 = arith.constant 64 : index
          %swap3A_155 = tpu.vector_load %arg11[%swap3A_153, %swap3A_154] {strides = array<i32>} : memref<80x128xf32, #tpu.memory_space<vmem>>, vector<1x16xf32>,
          %swap3A_156 = vector.shape_cast %swap3A_155 : vector<1x16xf32> to vector<16xf32>
          %swap3A_157 = vector.shape_cast %add3A_152 : vector<16xf32> to vector<1x16xf32>
          tpu.vector_store %arg11[%swap3A_153, %swap3A_154], %swap3A_157 {strides = array<i32>} : memref<80x128xf32, #tpu.memory_space<vmem>>, vector<1x16xf32>,
          %get3A_158 = arith.index_cast %scan3A_89 : i32 to index
          %get3A_159 = arith.constant 80 : index
          %get3A_160 = tpu.vector_load %arg11[%get3A_158, %get3A_159] {strides = array<i32>} : memref<80x128xf32, #tpu.memory_space<vmem>>, vector<1x16xf32>,
          %get3A_161 = vector.shape_cast %get3A_160 : vector<1x16xf32> to vector<16xf32>
          %get3A_162 = arith.index_cast %scan3A_89 : i32 to index
          %get3A_163 = arith.constant 80 : index
          %get3A_164 = tpu.vector_load %arg13[%get3A_162, %get3A_163] {strides = array<i32>} : memref<80x128xf32, #tpu.memory_space<vmem>>, vector<1x16xf32>,
          %get3A_165 = vector.shape_cast %get3A_164 : vector<1x16xf32> to vector<16xf32>
          %add3A_166 = arith.addf %get3A_161, %get3A_165 : vector<16xf32>
          %swap3A_167 = arith.index_cast %scan3A_89 : i32 to index
          %swap3A_168 = arith.constant 80 : index
          %swap3A_169 = tpu.vector_load %arg11[%swap3A_167, %swap3A_168] {strides = array<i32>} : memref<80x128xf32, #tpu.memory_space<vmem>>, vector<1x16xf32>,
          %swap3A_170 = vector.shape_cast %swap3A_169 : vector<1x16xf32> to vector<16xf32>
          %swap3A_171 = vector.shape_cast %add3A_166 : vector<16xf32> to vector<1x16xf32>
          tpu.vector_store %arg11[%swap3A_167, %swap3A_168], %swap3A_171 {strides = array<i32>} : memref<80x128xf32, #tpu.memory_space<vmem>>, vector<1x16xf32>,
          %get3A_172 = arith.index_cast %scan3A_89 : i32 to index
          %get3A_173 = arith.constant 96 : index
          %get3A_174 = tpu.vector_load %arg11[%get3A_172, %get3A_173] {strides = array<i32>} : memref<80x128xf32, #tpu.memory_space<vmem>>, vector<1x16xf32>,
          %get3A_175 = vector.shape_cast %get3A_174 : vector<1x16xf32> to vector<16xf32>
          %get3A_176 = arith.index_cast %scan3A_89 : i32 to index
          %get3A_177 = arith.constant 96 : index
          %get3A_178 = tpu.vector_load %arg13[%get3A_176, %get3A_177] {strides = array<i32>} : memref<80x128xf32, #tpu.memory_space<vmem>>, vector<1x16xf32>,
          %get3A_179 = vector.shape_cast %get3A_178 : vector<1x16xf32> to vector<16xf32>
          %add3A_180 = arith.addf %get3A_175, %get3A_179 : vector<16xf32>
          %swap3A_181 = arith.index_cast %scan3A_89 : i32 to index
          %swap3A_182 = arith.constant 96 : index
          %swap3A_183 = tpu.vector_load %arg11[%swap3A_181, %swap3A_182] {strides = array<i32>} : memref<80x128xf32, #tpu.memory_space<vmem>>, vector<1x16xf32>,
          %swap3A_184 = vector.shape_cast %swap3A_183 : vector<1x16xf32> to vector<16xf32>
          %swap3A_185 = vector.shape_cast %add3A_180 : vector<16xf32> to vector<1x16xf32>
          tpu.vector_store %arg11[%swap3A_181, %swap3A_182], %swap3A_185 {strides = array<i32>} : memref<80x128xf32, #tpu.memory_space<vmem>>, vector<1x16xf32>,
          %get3A_186 = arith.index_cast %scan3A_89 : i32 to index
          %get3A_187 = arith.constant 112 : index
          %get3A_188 = tpu.vector_load %arg11[%get3A_186, %get3A_187] {strides = array<i32>} : memref<80x128xf32, #tpu.memory_space<vmem>>, vector<1x16xf32>,
          %get3A_189 = vector.shape_cast %get3A_188 : vector<1x16xf32> to vector<16xf32>
          %get3A_190 = arith.index_cast %scan3A_89 : i32 to index
          %get3A_191 = arith.constant 112 : index
          %get3A_192 = tpu.vector_load %arg13[%get3A_190, %get3A_191] {strides = array<i32>} : memref<80x128xf32, #tpu.memory_space<vmem>>, vector<1x16xf32>,
          %get3A_193 = vector.shape_cast %get3A_192 : vector<1x16xf32> to vector<16xf32>
          %add3A_194 = arith.addf %get3A_189, %get3A_193 : vector<16xf32>
          %swap3A_195 = arith.index_cast %scan3A_89 : i32 to index
          %swap3A_196 = arith.constant 112 : index
          %swap3A_197 = tpu.vector_load %arg11[%swap3A_195, %swap3A_196] {strides = array<i32>} : memref<80x128xf32, #tpu.memory_space<vmem>>, vector<1x16xf32>,
          %swap3A_198 = vector.shape_cast %swap3A_197 : vector<1x16xf32> to vector<16xf32>
          %swap3A_199 = vector.shape_cast %add3A_194 : vector<16xf32> to vector<1x16xf32>
          tpu.vector_store %arg11[%swap3A_195, %swap3A_196], %swap3A_199 {strides = array<i32>} : memref<80x128xf32, #tpu.memory_space<vmem>>, vector<1x16xf32>,
        }
        %scan3A_81 = arith.constant 80 : i32
        %mul3A_82 = arith.constant 80 : i32
        %mul3A_83 = arith.muli %add3A_40, %mul3A_82 : i32
        %add3A_84 = arith.addi %mul3A_2, %mul3A_83 : i32
        %dma_start3A_85 = arith.constant 0 : i32
        %dma_start3A_86 = tpu.memref_slice %arg6[%add3A_84, %dma_start3A_85] : memref<51200x128xf32, #tpu.memory_space<hbm>> -> memref<80x128xf32, #tpu.memory_space<hbm>>
        %dma_start3A_87 = arith.constant 0 : i32
        %dma_start3A_88 = tpu.memref_slice %arg6[%add3A_84, %dma_start3A_87] : memref<51200x128xf32, #tpu.memory_space<hbm>> -> memref<80x128xf32, #tpu.memory_space<hbm>>
        tpu.enqueue_dma source(%arg11 : memref<80x128xf32, #tpu.memory_space<vmem>>) target(%dma_start3A_88 : memref<80x128xf32, #tpu.memory_space<hbm>>) target_semaphore(%arg23 : memref<!tpu.dma_semaphore, #tpu.memory_space<semaphore_mem>>)
      } else {
      }
      %mul3A_43 = arith.constant 2 : i32
      %mul3A_44 = arith.muli %mul3A_43, %scan3A_36 : i32
      %add3A_45 = arith.constant 1 : i32
      %add3A_46 = arith.addi %mul3A_44, %add3A_45 : i32
      %lt3A_47 = arith.constant 20 : i32
      %lt3A_48 = arith.cmpi slt, %add3A_46, %lt3A_47 : i32
      %convert_element_type3A_49 = arith.extui %lt3A_48 : i1 to i32
      %cond3A_50 = arith.constant 0 : i32
      %cond3A_51 = arith.cmpi ne, %convert_element_type3A_49, %cond3A_50 : i32
      scf.if %cond3A_51 {
        %dma_wait3A_52 = arith.constant 0 : i32
        %dma_wait3A_53 = arith.constant 0 : i32
        %dma_wait3A_54 = tpu.memref_slice %arg2[%dma_wait3A_52, %dma_wait3A_53] : memref<10000x128xf32, #tpu.memory_space<hbm>> -> memref<10000x128xf32, #tpu.memory_space<hbm>>
        tpu.wait_indirect_dma semaphore(%arg20 : memref<!tpu.dma_semaphore, #tpu.memory_space<semaphore_mem>>) src(%dma_wait3A_54 : memref<10000x128xf32, #tpu.memory_space<hbm>>) dst(%arg12 : memref<80x128xf32, #tpu.memory_space<vmem>>)
        %dma_wait3A_55 = arith.constant 0 : i32
        %dma_wait3A_56 = arith.constant 0 : i32
        %dma_wait3A_57 = tpu.memref_slice %arg3[%dma_wait3A_55, %dma_wait3A_56] : memref<10000x128xf32, #tpu.memory_space<hbm>> -> memref<10000x128xf32, #tpu.memory_space<hbm>>
        tpu.wait_indirect_dma semaphore(%arg22 : memref<!tpu.dma_semaphore, #tpu.memory_space<semaphore_mem>>) src(%dma_wait3A_57 : memref<10000x128xf32, #tpu.memory_space<hbm>>) dst(%arg14 : memref<80x128xf32, #tpu.memory_space<vmem>>)
        %add3A_58 = arith.constant 2 : i32
        %add3A_59 = arith.addi %add3A_46, %add3A_58 : i32
        %lt3A_60 = arith.constant 20 : i32
        %lt3A_61 = arith.cmpi slt, %add3A_59, %lt3A_60 : i32
        %convert_element_type3A_62 = arith.extui %lt3A_61 : i1 to i32
        %cond3A_63 = arith.constant 0 : i32
        %cond3A_64 = arith.cmpi ne, %convert_element_type3A_62, %cond3A_63 : i32
        scf.if %cond3A_64 {
          %add3A_89 = arith.constant 2 : i32
          %add3A_90 = arith.addi %add3A_46, %add3A_89 : i32
          %mul3A_91 = arith.constant 80 : i32
          %mul3A_92 = arith.muli %add3A_90, %mul3A_91 : i32
          %add3A_93 = arith.addi %mul3A_2, %mul3A_92 : i32
          %dma_start3A_94 = tpu.memref_slice %arg4[%add3A_93] : memref<51200xi32, #tpu.memory_space<hbm>> -> memref<80xi32, #tpu.memory_space<hbm>>
          %dma_start3A_95 = tpu.memref_slice %arg4[%add3A_93] : memref<51200xi32, #tpu.memory_space<hbm>> -> memref<80xi32, #tpu.memory_space<hbm>>
          tpu.enqueue_dma source(%dma_start3A_95 : memref<80xi32, #tpu.memory_space<hbm>>) target(%arg8 : memref<80xi32, #tpu.memory_space<vmem>>) target_semaphore(%arg16 : memref<!tpu.dma_semaphore, #tpu.memory_space<semaphore_mem>>)
          %dma_start3A_96 = tpu.memref_slice %arg5[%add3A_93] : memref<51200xi32, #tpu.memory_space<hbm>> -> memref<80xi32, #tpu.memory_space<hbm>>
          %dma_start3A_97 = tpu.memref_slice %arg5[%add3A_93] : memref<51200xi32, #tpu.memory_space<hbm>> -> memref<80xi32, #tpu.memory_space<hbm>>
          tpu.enqueue_dma source(%dma_start3A_97 : memref<80xi32, #tpu.memory_space<hbm>>) target(%arg10 : memref<80xi32, #tpu.memory_space<vmem>>) target_semaphore(%arg18 : memref<!tpu.dma_semaphore, #tpu.memory_space<semaphore_mem>>)
        } else {
        }
        %ge3A = arith.constant 1 : i32
        %ge3A_65 = arith.cmpi sge, %add3A_46, %ge3A : i32
        %convert_element_type3A_66 = arith.extui %ge3A_65 : i1 to i32
        %cond3A_67 = arith.constant 0 : i32
        %cond3A_68 = arith.cmpi ne, %convert_element_type3A_66, %cond3A_67 : i32
        scf.if %cond3A_68 {
          %sub3A = arith.constant 1 : i32
          %sub3A_89 = arith.subi %add3A_46, %sub3A : i32
          %mul3A_90 = arith.constant 80 : i32
          %mul3A_91 = arith.muli %sub3A_89, %mul3A_90 : i32
          %add3A_92 = arith.addi %mul3A_2, %mul3A_91 : i32
          %dma_wait3A_93 = arith.constant 0 : i32
          %dma_wait3A_94 = tpu.memref_slice %arg6[%add3A_92, %dma_wait3A_93] : memref<51200x128xf32, #tpu.memory_space<hbm>> -> memref<80x128xf32, #tpu.memory_space<hbm>>
          %dma_wait3A_95 = arith.constant 0 : i32
          %dma_wait3A_96 = tpu.memref_slice %arg6[%add3A_92, %dma_wait3A_95] : memref<51200x128xf32, #tpu.memory_space<hbm>> -> memref<80x128xf32, #tpu.memory_space<hbm>>
          tpu.wait_dma2 semaphore(%arg23 : memref<!tpu.dma_semaphore, #tpu.memory_space<semaphore_mem>>) src(%arg11 : memref<80x128xf32, #tpu.memory_space<vmem>>) dst(%dma_wait3A_96 : memref<80x128xf32, #tpu.memory_space<hbm>>)
        } else {
        }
        %add3A_69 = arith.constant 1 : i32
        %add3A_70 = arith.addi %add3A_46, %add3A_69 : i32
        %lt3A_71 = arith.constant 20 : i32
        %lt3A_72 = arith.cmpi slt, %add3A_70, %lt3A_71 : i32
        %convert_element_type3A_73 = arith.extui %lt3A_72 : i1 to i32
        %cond3A_74 = arith.constant 0 : i32
        %cond3A_75 = arith.cmpi ne, %convert_element_type3A_73, %cond3A_74 : i32
        scf.if %cond3A_75 {
          %add3A_89 = arith.constant 1 : i32
          %add3A_90 = arith.addi %add3A_46, %add3A_89 : i32
          %mul3A_91 = arith.constant 80 : i32
          %mul3A_92 = arith.muli %add3A_90, %mul3A_91 : i32
          %add3A_93 = arith.addi %mul3A_2, %mul3A_92 : i32
          %dma_wait3A_94 = tpu.memref_slice %arg4[%add3A_93] : memref<51200xi32, #tpu.memory_space<hbm>> -> memref<80xi32, #tpu.memory_space<hbm>>
          %dma_wait3A_95 = tpu.memref_slice %arg4[%add3A_93] : memref<51200xi32, #tpu.memory_space<hbm>> -> memref<80xi32, #tpu.memory_space<hbm>>
          tpu.wait_dma2 semaphore(%arg15 : memref<!tpu.dma_semaphore, #tpu.memory_space<semaphore_mem>>) src(%dma_wait3A_95 : memref<80xi32, #tpu.memory_space<hbm>>) dst(%arg7 : memref<80xi32, #tpu.memory_space<vmem>>)
          %dma_wait3A_96 = tpu.memref_slice %arg5[%add3A_93] : memref<51200xi32, #tpu.memory_space<hbm>> -> memref<80xi32, #tpu.memory_space<hbm>>
          %dma_wait3A_97 = tpu.memref_slice %arg5[%add3A_93] : memref<51200xi32, #tpu.memory_space<hbm>> -> memref<80xi32, #tpu.memory_space<hbm>>
          tpu.wait_dma2 semaphore(%arg17 : memref<!tpu.dma_semaphore, #tpu.memory_space<semaphore_mem>>) src(%dma_wait3A_97 : memref<80xi32, #tpu.memory_space<hbm>>) dst(%arg9 : memref<80xi32, #tpu.memory_space<vmem>>)
          %dma_start3A_98 = arith.constant 0 : i32
          %dma_start3A_99 = arith.constant 0 : i32
          %dma_start3A_100 = tpu.memref_slice %arg2[%dma_start3A_98, %dma_start3A_99] : memref<10000x128xf32, #tpu.memory_space<hbm>> -> memref<10000x128xf32, #tpu.memory_space<hbm>>
          tpu.enqueue_indirect_dma source(%dma_start3A_100 : memref<10000x128xf32, #tpu.memory_space<hbm>>) target(%arg11 : memref<80x128xf32, #tpu.memory_space<vmem>>) offsets(%arg7 : memref<80xi32, #tpu.memory_space<vmem>>) semaphore(%arg19 : memref<!tpu.dma_semaphore, #tpu.memory_space<semaphore_mem>>)
          %dma_start3A_101 = arith.constant 0 : i32
          %dma_start3A_102 = arith.constant 0 : i32
          %dma_start3A_103 = tpu.memref_slice %arg3[%dma_start3A_101, %dma_start3A_102] : memref<10000x128xf32, #tpu.memory_space<hbm>> -> memref<10000x128xf32, #tpu.memory_space<hbm>>
          tpu.enqueue_indirect_dma source(%dma_start3A_103 : memref<10000x128xf32, #tpu.memory_space<hbm>>) target(%arg13 : memref<80x128xf32, #tpu.memory_space<vmem>>) offsets(%arg9 : memref<80xi32, #tpu.memory_space<vmem>>) semaphore(%arg21 : memref<!tpu.dma_semaphore, #tpu.memory_space<semaphore_mem>>)
        } else {
        }
        %scan3A_76 = arith.constant 0 : i32
        %scan3A_77 = arith.constant 0 : i32
        %scan3A_78 = arith.constant 80 : i32
        %scan3A_79 = arith.addi %scan3A_77, %scan3A_78 : i32
        %scan3A_80 = arith.constant 1 : i32
        scf.for %scan3A_89 = %scan3A_77 to %scan3A_79 step %scan3A_80  : i32 {
          %get3A = arith.index_cast %scan3A_89 : i32 to index
          %get3A_90 = arith.constant 0 : index
          %get3A_91 = tpu.vector_load %arg12[%get3A, %get3A_90] {strides = array<i32>} : memref<80x128xf32, #tpu.memory_space<vmem>>, vector<1x16xf32>,
          %get3A_92 = vector.shape_cast %get3A_91 : vector<1x16xf32> to vector<16xf32>
          %get3A_93 = arith.index_cast %scan3A_89 : i32 to index
          %get3A_94 = arith.constant 0 : index
          %get3A_95 = tpu.vector_load %arg14[%get3A_93, %get3A_94] {strides = array<i32>} : memref<80x128xf32, #tpu.memory_space<vmem>>, vector<1x16xf32>,
          %get3A_96 = vector.shape_cast %get3A_95 : vector<1x16xf32> to vector<16xf32>
          %add3A_97 = arith.addf %get3A_92, %get3A_96 : vector<16xf32>
          %swap3A = arith.index_cast %scan3A_89 : i32 to index
          %swap3A_98 = arith.constant 0 : index
          %swap3A_99 = tpu.vector_load %arg12[%swap3A, %swap3A_98] {strides = array<i32>} : memref<80x128xf32, #tpu.memory_space<vmem>>, vector<1x16xf32>,
          %swap3A_100 = vector.shape_cast %swap3A_99 : vector<1x16xf32> to vector<16xf32>
          %swap3A_101 = vector.shape_cast %add3A_97 : vector<16xf32> to vector<1x16xf32>
          tpu.vector_store %arg12[%swap3A, %swap3A_98], %swap3A_101 {strides = array<i32>} : memref<80x128xf32, #tpu.memory_space<vmem>>, vector<1x16xf32>,
          %get3A_102 = arith.index_cast %scan3A_89 : i32 to index
          %get3A_103 = arith.constant 16 : index
          %get3A_104 = tpu.vector_load %arg12[%get3A_102, %get3A_103] {strides = array<i32>} : memref<80x128xf32, #tpu.memory_space<vmem>>, vector<1x16xf32>,
          %get3A_105 = vector.shape_cast %get3A_104 : vector<1x16xf32> to vector<16xf32>
          %get3A_106 = arith.index_cast %scan3A_89 : i32 to index
          %get3A_107 = arith.constant 16 : index
          %get3A_108 = tpu.vector_load %arg14[%get3A_106, %get3A_107] {strides = array<i32>} : memref<80x128xf32, #tpu.memory_space<vmem>>, vector<1x16xf32>,
          %get3A_109 = vector.shape_cast %get3A_108 : vector<1x16xf32> to vector<16xf32>
          %add3A_110 = arith.addf %get3A_105, %get3A_109 : vector<16xf32>
          %swap3A_111 = arith.index_cast %scan3A_89 : i32 to index
          %swap3A_112 = arith.constant 16 : index
          %swap3A_113 = tpu.vector_load %arg12[%swap3A_111, %swap3A_112] {strides = array<i32>} : memref<80x128xf32, #tpu.memory_space<vmem>>, vector<1x16xf32>,
          %swap3A_114 = vector.shape_cast %swap3A_113 : vector<1x16xf32> to vector<16xf32>
          %swap3A_115 = vector.shape_cast %add3A_110 : vector<16xf32> to vector<1x16xf32>
          tpu.vector_store %arg12[%swap3A_111, %swap3A_112], %swap3A_115 {strides = array<i32>} : memref<80x128xf32, #tpu.memory_space<vmem>>, vector<1x16xf32>,
          %get3A_116 = arith.index_cast %scan3A_89 : i32 to index
          %get3A_117 = arith.constant 32 : index
          %get3A_118 = tpu.vector_load %arg12[%get3A_116, %get3A_117] {strides = array<i32>} : memref<80x128xf32, #tpu.memory_space<vmem>>, vector<1x16xf32>,
          %get3A_119 = vector.shape_cast %get3A_118 : vector<1x16xf32> to vector<16xf32>
          %get3A_120 = arith.index_cast %scan3A_89 : i32 to index
          %get3A_121 = arith.constant 32 : index
          %get3A_122 = tpu.vector_load %arg14[%get3A_120, %get3A_121] {strides = array<i32>} : memref<80x128xf32, #tpu.memory_space<vmem>>, vector<1x16xf32>,
          %get3A_123 = vector.shape_cast %get3A_122 : vector<1x16xf32> to vector<16xf32>
          %add3A_124 = arith.addf %get3A_119, %get3A_123 : vector<16xf32>
          %swap3A_125 = arith.index_cast %scan3A_89 : i32 to index
          %swap3A_126 = arith.constant 32 : index
          %swap3A_127 = tpu.vector_load %arg12[%swap3A_125, %swap3A_126] {strides = array<i32>} : memref<80x128xf32, #tpu.memory_space<vmem>>, vector<1x16xf32>,
          %swap3A_128 = vector.shape_cast %swap3A_127 : vector<1x16xf32> to vector<16xf32>
          %swap3A_129 = vector.shape_cast %add3A_124 : vector<16xf32> to vector<1x16xf32>
          tpu.vector_store %arg12[%swap3A_125, %swap3A_126], %swap3A_129 {strides = array<i32>} : memref<80x128xf32, #tpu.memory_space<vmem>>, vector<1x16xf32>,
          %get3A_130 = arith.index_cast %scan3A_89 : i32 to index
          %get3A_131 = arith.constant 48 : index
          %get3A_132 = tpu.vector_load %arg12[%get3A_130, %get3A_131] {strides = array<i32>} : memref<80x128xf32, #tpu.memory_space<vmem>>, vector<1x16xf32>,
          %get3A_133 = vector.shape_cast %get3A_132 : vector<1x16xf32> to vector<16xf32>
          %get3A_134 = arith.index_cast %scan3A_89 : i32 to index
          %get3A_135 = arith.constant 48 : index
          %get3A_136 = tpu.vector_load %arg14[%get3A_134, %get3A_135] {strides = array<i32>} : memref<80x128xf32, #tpu.memory_space<vmem>>, vector<1x16xf32>,
          %get3A_137 = vector.shape_cast %get3A_136 : vector<1x16xf32> to vector<16xf32>
          %add3A_138 = arith.addf %get3A_133, %get3A_137 : vector<16xf32>
          %swap3A_139 = arith.index_cast %scan3A_89 : i32 to index
          %swap3A_140 = arith.constant 48 : index
          %swap3A_141 = tpu.vector_load %arg12[%swap3A_139, %swap3A_140] {strides = array<i32>} : memref<80x128xf32, #tpu.memory_space<vmem>>, vector<1x16xf32>,
          %swap3A_142 = vector.shape_cast %swap3A_141 : vector<1x16xf32> to vector<16xf32>
          %swap3A_143 = vector.shape_cast %add3A_138 : vector<16xf32> to vector<1x16xf32>
          tpu.vector_store %arg12[%swap3A_139, %swap3A_140], %swap3A_143 {strides = array<i32>} : memref<80x128xf32, #tpu.memory_space<vmem>>, vector<1x16xf32>,
          %get3A_144 = arith.index_cast %scan3A_89 : i32 to index
          %get3A_145 = arith.constant 64 : index
          %get3A_146 = tpu.vector_load %arg12[%get3A_144, %get3A_145] {strides = array<i32>} : memref<80x128xf32, #tpu.memory_space<vmem>>, vector<1x16xf32>,
          %get3A_147 = vector.shape_cast %get3A_146 : vector<1x16xf32> to vector<16xf32>
          %get3A_148 = arith.index_cast %scan3A_89 : i32 to index
          %get3A_149 = arith.constant 64 : index
          %get3A_150 = tpu.vector_load %arg14[%get3A_148, %get3A_149] {strides = array<i32>} : memref<80x128xf32, #tpu.memory_space<vmem>>, vector<1x16xf32>,
          %get3A_151 = vector.shape_cast %get3A_150 : vector<1x16xf32> to vector<16xf32>
          %add3A_152 = arith.addf %get3A_147, %get3A_151 : vector<16xf32>
          %swap3A_153 = arith.index_cast %scan3A_89 : i32 to index
          %swap3A_154 = arith.constant 64 : index
          %swap3A_155 = tpu.vector_load %arg12[%swap3A_153, %swap3A_154] {strides = array<i32>} : memref<80x128xf32, #tpu.memory_space<vmem>>, vector<1x16xf32>,
          %swap3A_156 = vector.shape_cast %swap3A_155 : vector<1x16xf32> to vector<16xf32>
          %swap3A_157 = vector.shape_cast %add3A_152 : vector<16xf32> to vector<1x16xf32>
          tpu.vector_store %arg12[%swap3A_153, %swap3A_154], %swap3A_157 {strides = array<i32>} : memref<80x128xf32, #tpu.memory_space<vmem>>, vector<1x16xf32>,
          %get3A_158 = arith.index_cast %scan3A_89 : i32 to index
          %get3A_159 = arith.constant 80 : index
          %get3A_160 = tpu.vector_load %arg12[%get3A_158, %get3A_159] {strides = array<i32>} : memref<80x128xf32, #tpu.memory_space<vmem>>, vector<1x16xf32>,
          %get3A_161 = vector.shape_cast %get3A_160 : vector<1x16xf32> to vector<16xf32>
          %get3A_162 = arith.index_cast %scan3A_89 : i32 to index
          %get3A_163 = arith.constant 80 : index
          %get3A_164 = tpu.vector_load %arg14[%get3A_162, %get3A_163] {strides = array<i32>} : memref<80x128xf32, #tpu.memory_space<vmem>>, vector<1x16xf32>,
          %get3A_165 = vector.shape_cast %get3A_164 : vector<1x16xf32> to vector<16xf32>
          %add3A_166 = arith.addf %get3A_161, %get3A_165 : vector<16xf32>
          %swap3A_167 = arith.index_cast %scan3A_89 : i32 to index
          %swap3A_168 = arith.constant 80 : index
          %swap3A_169 = tpu.vector_load %arg12[%swap3A_167, %swap3A_168] {strides = array<i32>} : memref<80x128xf32, #tpu.memory_space<vmem>>, vector<1x16xf32>,
          %swap3A_170 = vector.shape_cast %swap3A_169 : vector<1x16xf32> to vector<16xf32>
          %swap3A_171 = vector.shape_cast %add3A_166 : vector<16xf32> to vector<1x16xf32>
          tpu.vector_store %arg12[%swap3A_167, %swap3A_168], %swap3A_171 {strides = array<i32>} : memref<80x128xf32, #tpu.memory_space<vmem>>, vector<1x16xf32>,
          %get3A_172 = arith.index_cast %scan3A_89 : i32 to index
          %get3A_173 = arith.constant 96 : index
          %get3A_174 = tpu.vector_load %arg12[%get3A_172, %get3A_173] {strides = array<i32>} : memref<80x128xf32, #tpu.memory_space<vmem>>, vector<1x16xf32>,
          %get3A_175 = vector.shape_cast %get3A_174 : vector<1x16xf32> to vector<16xf32>
          %get3A_176 = arith.index_cast %scan3A_89 : i32 to index
          %get3A_177 = arith.constant 96 : index
          %get3A_178 = tpu.vector_load %arg14[%get3A_176, %get3A_177] {strides = array<i32>} : memref<80x128xf32, #tpu.memory_space<vmem>>, vector<1x16xf32>,
          %get3A_179 = vector.shape_cast %get3A_178 : vector<1x16xf32> to vector<16xf32>
          %add3A_180 = arith.addf %get3A_175, %get3A_179 : vector<16xf32>
          %swap3A_181 = arith.index_cast %scan3A_89 : i32 to index
          %swap3A_182 = arith.constant 96 : index
          %swap3A_183 = tpu.vector_load %arg12[%swap3A_181, %swap3A_182] {strides = array<i32>} : memref<80x128xf32, #tpu.memory_space<vmem>>, vector<1x16xf32>,
          %swap3A_184 = vector.shape_cast %swap3A_183 : vector<1x16xf32> to vector<16xf32>
          %swap3A_185 = vector.shape_cast %add3A_180 : vector<16xf32> to vector<1x16xf32>
          tpu.vector_store %arg12[%swap3A_181, %swap3A_182], %swap3A_185 {strides = array<i32>} : memref<80x128xf32, #tpu.memory_space<vmem>>, vector<1x16xf32>,
          %get3A_186 = arith.index_cast %scan3A_89 : i32 to index
          %get3A_187 = arith.constant 112 : index
          %get3A_188 = tpu.vector_load %arg12[%get3A_186, %get3A_187] {strides = array<i32>} : memref<80x128xf32, #tpu.memory_space<vmem>>, vector<1x16xf32>,
          %get3A_189 = vector.shape_cast %get3A_188 : vector<1x16xf32> to vector<16xf32>
          %get3A_190 = arith.index_cast %scan3A_89 : i32 to index
          %get3A_191 = arith.constant 112 : index
          %get3A_192 = tpu.vector_load %arg14[%get3A_190, %get3A_191] {strides = array<i32>} : memref<80x128xf32, #tpu.memory_space<vmem>>, vector<1x16xf32>,
          %get3A_193 = vector.shape_cast %get3A_192 : vector<1x16xf32> to vector<16xf32>
          %add3A_194 = arith.addf %get3A_189, %get3A_193 : vector<16xf32>
          %swap3A_195 = arith.index_cast %scan3A_89 : i32 to index
          %swap3A_196 = arith.constant 112 : index
          %swap3A_197 = tpu.vector_load %arg12[%swap3A_195, %swap3A_196] {strides = array<i32>} : memref<80x128xf32, #tpu.memory_space<vmem>>, vector<1x16xf32>,
          %swap3A_198 = vector.shape_cast %swap3A_197 : vector<1x16xf32> to vector<16xf32>
          %swap3A_199 = vector.shape_cast %add3A_194 : vector<16xf32> to vector<1x16xf32>
          tpu.vector_store %arg12[%swap3A_195, %swap3A_196], %swap3A_199 {strides = array<i32>} : memref<80x128xf32, #tpu.memory_space<vmem>>, vector<1x16xf32>,
        }
        %scan3A_81 = arith.constant 80 : i32
        %mul3A_82 = arith.constant 80 : i32
        %mul3A_83 = arith.muli %add3A_46, %mul3A_82 : i32
        %add3A_84 = arith.addi %mul3A_2, %mul3A_83 : i32
        %dma_start3A_85 = arith.constant 0 : i32
        %dma_start3A_86 = tpu.memref_slice %arg6[%add3A_84, %dma_start3A_85] : memref<51200x128xf32, #tpu.memory_space<hbm>> -> memref<80x128xf32, #tpu.memory_space<hbm>>
        %dma_start3A_87 = arith.constant 0 : i32
        %dma_start3A_88 = tpu.memref_slice %arg6[%add3A_84, %dma_start3A_87] : memref<51200x128xf32, #tpu.memory_space<hbm>> -> memref<80x128xf32, #tpu.memory_space<hbm>>
        tpu.enqueue_dma source(%arg12 : memref<80x128xf32, #tpu.memory_space<vmem>>) target(%dma_start3A_88 : memref<80x128xf32, #tpu.memory_space<hbm>>) target_semaphore(%arg24 : memref<!tpu.dma_semaphore, #tpu.memory_space<semaphore_mem>>)
      } else {
      }
    }
    %scan3A_29 = arith.constant 11 : i32
    %add3A_30 = arith.constant 1520 : i32
    %add3A_31 = arith.addi %mul3A_2, %add3A_30 : i32
    %dma_wait3A_32 = arith.constant 0 : i32
    %dma_wait3A_33 = tpu.memref_slice %arg6[%add3A_31, %dma_wait3A_32] : memref<51200x128xf32, #tpu.memory_space<hbm>> -> memref<80x128xf32, #tpu.memory_space<hbm>>
    %dma_wait3A_34 = arith.constant 0 : i32
    %dma_wait3A_35 = tpu.memref_slice %arg6[%add3A_31, %dma_wait3A_34] : memref<51200x128xf32, #tpu.memory_space<hbm>> -> memref<80x128xf32, #tpu.memory_space<hbm>>
    tpu.wait_dma2 semaphore(%arg24 : memref<!tpu.dma_semaphore, #tpu.memory_space<semaphore_mem>>) src(%arg12 : memref<80x128xf32, #tpu.memory_space<vmem>>) dst(%dma_wait3A_35 : memref<80x128xf32, #tpu.memory_space<hbm>>)
    return
  }
}

#map = affine_map<(d0, d1) -> (0, 0)>
#map1 = affine_map<(d0, d1) -> (0)>
module attributes {stable_mosaic.version = 14 : i64} {
  func.func @gather_add(%arg0: i32, %arg1: i32, %arg2: memref<10000x128xf32, #tpu.memory_space<hbm>>, %arg3: memref<10000x128xf32, #tpu.memory_space<hbm>>, %arg4: memref<64000xi32, #tpu.memory_space<hbm>>, %arg5: memref<64000xi32, #tpu.memory_space<hbm>>, %arg6: memref<64000x128xf32, #tpu.memory_space<hbm>>, %arg7: memref<80xi32, #tpu.memory_space<vmem>>, %arg8: memref<80xi32, #tpu.memory_space<vmem>>, %arg9: memref<80xi32, #tpu.memory_space<vmem>>, %arg10: memref<80xi32, #tpu.memory_space<vmem>>, %arg11: memref<80x128xf32, #tpu.memory_space<vmem>>, %arg12: memref<80x128xf32, #tpu.memory_space<vmem>>, %arg13: memref<80x128xf32, #tpu.memory_space<vmem>>, %arg14: memref<80x128xf32, #tpu.memory_space<vmem>>, %arg15: memref<!tpu.dma_semaphore, #tpu.memory_space<semaphore_mem>>, %arg16: memref<!tpu.dma_semaphore, #tpu.memory_space<semaphore_mem>>, %arg17: memref<!tpu.dma_semaphore, #tpu.memory_space<semaphore_mem>>, %arg18: memref<!tpu.dma_semaphore, #tpu.memory_space<semaphore_mem>>, %arg19: memref<!tpu.dma_semaphore, #tpu.memory_space<semaphore_mem>>, %arg20: memref<!tpu.dma_semaphore, #tpu.memory_space<semaphore_mem>>, %arg21: memref<!tpu.dma_semaphore, #tpu.memory_space<semaphore_mem>>, %arg22: memref<!tpu.dma_semaphore, #tpu.memory_space<semaphore_mem>>, %arg23: memref<!tpu.dma_semaphore, #tpu.memory_space<semaphore_mem>>, %arg24: memref<!tpu.dma_semaphore, #tpu.memory_space<semaphore_mem>>) attributes {dimension_semantics = [#tpu.dimension_semantics<core_parallel>, #tpu.dimension_semantics<subcore_parallel>], iteration_bounds = array<i64: 2, 16>, scalar_prefetch = 0 : i64, scratch_operands = 18 : i64, tpu.core_type = #tpu.core_type<sc_vector_subcore>, window_params = [{transform_indices = #map}, {transform_indices = #map}, {transform_indices = #map1}, {transform_indices = #map1}, {transform_indices = #map}]} {
    %mul3A = arith.constant 2 : i32
    %mul3A_0 = arith.muli %arg1, %mul3A : i32
    %add3A = arith.addi %mul3A_0, %arg0 : i32
    %mul3A_1 = arith.constant 2000 : i32
    %mul3A_2 = arith.muli %add3A, %mul3A_1 : i32
    %add3A_3 = arith.constant 0 : i32
    %add3A_4 = arith.addi %mul3A_2, %add3A_3 : i32
    %dma_start3A = tpu.memref_slice %arg4[%add3A_4] : memref<64000xi32, #tpu.memory_space<hbm>> -> memref<80xi32, #tpu.memory_space<hbm>>
    %dma_start3A_5 = tpu.memref_slice %arg4[%add3A_4] : memref<64000xi32, #tpu.memory_space<hbm>> -> memref<80xi32, #tpu.memory_space<hbm>>
    tpu.enqueue_dma source(%dma_start3A_5 : memref<80xi32, #tpu.memory_space<hbm>>) target(%arg7 : memref<80xi32, #tpu.memory_space<vmem>>) target_semaphore(%arg15 : memref<!tpu.dma_semaphore, #tpu.memory_space<semaphore_mem>>)
    %dma_start3A_6 = tpu.memref_slice %arg5[%add3A_4] : memref<64000xi32, #tpu.memory_space<hbm>> -> memref<80xi32, #tpu.memory_space<hbm>>
    %dma_start3A_7 = tpu.memref_slice %arg5[%add3A_4] : memref<64000xi32, #tpu.memory_space<hbm>> -> memref<80xi32, #tpu.memory_space<hbm>>
    tpu.enqueue_dma source(%dma_start3A_7 : memref<80xi32, #tpu.memory_space<hbm>>) target(%arg9 : memref<80xi32, #tpu.memory_space<vmem>>) target_semaphore(%arg17 : memref<!tpu.dma_semaphore, #tpu.memory_space<semaphore_mem>>)
    %add3A_8 = arith.constant 80 : i32
    %add3A_9 = arith.addi %mul3A_2, %add3A_8 : i32
    %dma_start3A_10 = tpu.memref_slice %arg4[%add3A_9] : memref<64000xi32, #tpu.memory_space<hbm>> -> memref<80xi32, #tpu.memory_space<hbm>>
    %dma_start3A_11 = tpu.memref_slice %arg4[%add3A_9] : memref<64000xi32, #tpu.memory_space<hbm>> -> memref<80xi32, #tpu.memory_space<hbm>>
    tpu.enqueue_dma source(%dma_start3A_11 : memref<80xi32, #tpu.memory_space<hbm>>) target(%arg8 : memref<80xi32, #tpu.memory_space<vmem>>) target_semaphore(%arg16 : memref<!tpu.dma_semaphore, #tpu.memory_space<semaphore_mem>>)
    %dma_start3A_12 = tpu.memref_slice %arg5[%add3A_9] : memref<64000xi32, #tpu.memory_space<hbm>> -> memref<80xi32, #tpu.memory_space<hbm>>
    %dma_start3A_13 = tpu.memref_slice %arg5[%add3A_9] : memref<64000xi32, #tpu.memory_space<hbm>> -> memref<80xi32, #tpu.memory_space<hbm>>
    tpu.enqueue_dma source(%dma_start3A_13 : memref<80xi32, #tpu.memory_space<hbm>>) target(%arg10 : memref<80xi32, #tpu.memory_space<vmem>>) target_semaphore(%arg18 : memref<!tpu.dma_semaphore, #tpu.memory_space<semaphore_mem>>)
    %add3A_14 = arith.constant 0 : i32
    %add3A_15 = arith.addi %mul3A_2, %add3A_14 : i32
    %dma_wait3A = tpu.memref_slice %arg4[%add3A_15] : memref<64000xi32, #tpu.memory_space<hbm>> -> memref<80xi32, #tpu.memory_space<hbm>>
    %dma_wait3A_16 = tpu.memref_slice %arg4[%add3A_15] : memref<64000xi32, #tpu.memory_space<hbm>> -> memref<80xi32, #tpu.memory_space<hbm>>
    tpu.wait_dma2 semaphore(%arg15 : memref<!tpu.dma_semaphore, #tpu.memory_space<semaphore_mem>>) src(%dma_wait3A_16 : memref<80xi32, #tpu.memory_space<hbm>>) dst(%arg7 : memref<80xi32, #tpu.memory_space<vmem>>)
    %dma_wait3A_17 = tpu.memref_slice %arg5[%add3A_15] : memref<64000xi32, #tpu.memory_space<hbm>> -> memref<80xi32, #tpu.memory_space<hbm>>
    %dma_wait3A_18 = tpu.memref_slice %arg5[%add3A_15] : memref<64000xi32, #tpu.memory_space<hbm>> -> memref<80xi32, #tpu.memory_space<hbm>>
    tpu.wait_dma2 semaphore(%arg17 : memref<!tpu.dma_semaphore, #tpu.memory_space<semaphore_mem>>) src(%dma_wait3A_18 : memref<80xi32, #tpu.memory_space<hbm>>) dst(%arg9 : memref<80xi32, #tpu.memory_space<vmem>>)
    %dma_start3A_19 = arith.constant 0 : i32
    %dma_start3A_20 = arith.constant 0 : i32
    %dma_start3A_21 = tpu.memref_slice %arg2[%dma_start3A_19, %dma_start3A_20] : memref<10000x128xf32, #tpu.memory_space<hbm>> -> memref<10000x128xf32, #tpu.memory_space<hbm>>
    tpu.enqueue_indirect_dma source(%dma_start3A_21 : memref<10000x128xf32, #tpu.memory_space<hbm>>) target(%arg11 : memref<80x128xf32, #tpu.memory_space<vmem>>) offsets(%arg7 : memref<80xi32, #tpu.memory_space<vmem>>) semaphore(%arg19 : memref<!tpu.dma_semaphore, #tpu.memory_space<semaphore_mem>>)
    %dma_start3A_22 = arith.constant 0 : i32
    %dma_start3A_23 = arith.constant 0 : i32
    %dma_start3A_24 = tpu.memref_slice %arg3[%dma_start3A_22, %dma_start3A_23] : memref<10000x128xf32, #tpu.memory_space<hbm>> -> memref<10000x128xf32, #tpu.memory_space<hbm>>
    tpu.enqueue_indirect_dma source(%dma_start3A_24 : memref<10000x128xf32, #tpu.memory_space<hbm>>) target(%arg13 : memref<80x128xf32, #tpu.memory_space<vmem>>) offsets(%arg9 : memref<80xi32, #tpu.memory_space<vmem>>) semaphore(%arg21 : memref<!tpu.dma_semaphore, #tpu.memory_space<semaphore_mem>>)
    %scan3A = arith.constant 0 : i32
    %scan3A_25 = arith.constant 0 : i32
    %scan3A_26 = arith.constant 13 : i32
    %scan3A_27 = arith.addi %scan3A_25, %scan3A_26 : i32
    %scan3A_28 = arith.constant 1 : i32
    scf.for %scan3A_36 = %scan3A_25 to %scan3A_27 step %scan3A_28  : i32 {
      %mul3A_37 = arith.constant 2 : i32
      %mul3A_38 = arith.muli %mul3A_37, %scan3A_36 : i32
      %add3A_39 = arith.constant 0 : i32
      %add3A_40 = arith.addi %mul3A_38, %add3A_39 : i32
      %lt3A = arith.constant 25 : i32
      %lt3A_41 = arith.cmpi slt, %add3A_40, %lt3A : i32
      %convert_element_type3A = arith.extui %lt3A_41 : i1 to i32
      %cond3A = arith.constant 0 : i32
      %cond3A_42 = arith.cmpi ne, %convert_element_type3A, %cond3A : i32
      scf.if %cond3A_42 {
        %dma_wait3A_52 = arith.constant 0 : i32
        %dma_wait3A_53 = arith.constant 0 : i32
        %dma_wait3A_54 = tpu.memref_slice %arg2[%dma_wait3A_52, %dma_wait3A_53] : memref<10000x128xf32, #tpu.memory_space<hbm>> -> memref<10000x128xf32, #tpu.memory_space<hbm>>
        tpu.wait_indirect_dma semaphore(%arg19 : memref<!tpu.dma_semaphore, #tpu.memory_space<semaphore_mem>>) src(%dma_wait3A_54 : memref<10000x128xf32, #tpu.memory_space<hbm>>) dst(%arg11 : memref<80x128xf32, #tpu.memory_space<vmem>>)
        %dma_wait3A_55 = arith.constant 0 : i32
        %dma_wait3A_56 = arith.constant 0 : i32
        %dma_wait3A_57 = tpu.memref_slice %arg3[%dma_wait3A_55, %dma_wait3A_56] : memref<10000x128xf32, #tpu.memory_space<hbm>> -> memref<10000x128xf32, #tpu.memory_space<hbm>>
        tpu.wait_indirect_dma semaphore(%arg21 : memref<!tpu.dma_semaphore, #tpu.memory_space<semaphore_mem>>) src(%dma_wait3A_57 : memref<10000x128xf32, #tpu.memory_space<hbm>>) dst(%arg13 : memref<80x128xf32, #tpu.memory_space<vmem>>)
        %add3A_58 = arith.constant 2 : i32
        %add3A_59 = arith.addi %add3A_40, %add3A_58 : i32
        %lt3A_60 = arith.constant 25 : i32
        %lt3A_61 = arith.cmpi slt, %add3A_59, %lt3A_60 : i32
        %convert_element_type3A_62 = arith.extui %lt3A_61 : i1 to i32
        %cond3A_63 = arith.constant 0 : i32
        %cond3A_64 = arith.cmpi ne, %convert_element_type3A_62, %cond3A_63 : i32
        scf.if %cond3A_64 {
          %add3A_89 = arith.constant 2 : i32
          %add3A_90 = arith.addi %add3A_40, %add3A_89 : i32
          %mul3A_91 = arith.constant 80 : i32
          %mul3A_92 = arith.muli %add3A_90, %mul3A_91 : i32
          %add3A_93 = arith.addi %mul3A_2, %mul3A_92 : i32
          %dma_start3A_94 = tpu.memref_slice %arg4[%add3A_93] : memref<64000xi32, #tpu.memory_space<hbm>> -> memref<80xi32, #tpu.memory_space<hbm>>
          %dma_start3A_95 = tpu.memref_slice %arg4[%add3A_93] : memref<64000xi32, #tpu.memory_space<hbm>> -> memref<80xi32, #tpu.memory_space<hbm>>
          tpu.enqueue_dma source(%dma_start3A_95 : memref<80xi32, #tpu.memory_space<hbm>>) target(%arg7 : memref<80xi32, #tpu.memory_space<vmem>>) target_semaphore(%arg15 : memref<!tpu.dma_semaphore, #tpu.memory_space<semaphore_mem>>)
          %dma_start3A_96 = tpu.memref_slice %arg5[%add3A_93] : memref<64000xi32, #tpu.memory_space<hbm>> -> memref<80xi32, #tpu.memory_space<hbm>>
          %dma_start3A_97 = tpu.memref_slice %arg5[%add3A_93] : memref<64000xi32, #tpu.memory_space<hbm>> -> memref<80xi32, #tpu.memory_space<hbm>>
          tpu.enqueue_dma source(%dma_start3A_97 : memref<80xi32, #tpu.memory_space<hbm>>) target(%arg9 : memref<80xi32, #tpu.memory_space<vmem>>) target_semaphore(%arg17 : memref<!tpu.dma_semaphore, #tpu.memory_space<semaphore_mem>>)
        } else {
        }
        %ge3A = arith.constant 1 : i32
        %ge3A_65 = arith.cmpi sge, %add3A_40, %ge3A : i32
        %convert_element_type3A_66 = arith.extui %ge3A_65 : i1 to i32
        %cond3A_67 = arith.constant 0 : i32
        %cond3A_68 = arith.cmpi ne, %convert_element_type3A_66, %cond3A_67 : i32
        scf.if %cond3A_68 {
          %sub3A = arith.constant 1 : i32
          %sub3A_89 = arith.subi %add3A_40, %sub3A : i32
          %mul3A_90 = arith.constant 80 : i32
          %mul3A_91 = arith.muli %sub3A_89, %mul3A_90 : i32
          %add3A_92 = arith.addi %mul3A_2, %mul3A_91 : i32
          %dma_wait3A_93 = arith.constant 0 : i32
          %dma_wait3A_94 = tpu.memref_slice %arg6[%add3A_92, %dma_wait3A_93] : memref<64000x128xf32, #tpu.memory_space<hbm>> -> memref<80x128xf32, #tpu.memory_space<hbm>>
          %dma_wait3A_95 = arith.constant 0 : i32
          %dma_wait3A_96 = tpu.memref_slice %arg6[%add3A_92, %dma_wait3A_95] : memref<64000x128xf32, #tpu.memory_space<hbm>> -> memref<80x128xf32, #tpu.memory_space<hbm>>
          tpu.wait_dma2 semaphore(%arg24 : memref<!tpu.dma_semaphore, #tpu.memory_space<semaphore_mem>>) src(%arg12 : memref<80x128xf32, #tpu.memory_space<vmem>>) dst(%dma_wait3A_96 : memref<80x128xf32, #tpu.memory_space<hbm>>)
        } else {
        }
        %add3A_69 = arith.constant 1 : i32
        %add3A_70 = arith.addi %add3A_40, %add3A_69 : i32
        %lt3A_71 = arith.constant 25 : i32
        %lt3A_72 = arith.cmpi slt, %add3A_70, %lt3A_71 : i32
        %convert_element_type3A_73 = arith.extui %lt3A_72 : i1 to i32
        %cond3A_74 = arith.constant 0 : i32
        %cond3A_75 = arith.cmpi ne, %convert_element_type3A_73, %cond3A_74 : i32
        scf.if %cond3A_75 {
          %add3A_89 = arith.constant 1 : i32
          %add3A_90 = arith.addi %add3A_40, %add3A_89 : i32
          %mul3A_91 = arith.constant 80 : i32
          %mul3A_92 = arith.muli %add3A_90, %mul3A_91 : i32
          %add3A_93 = arith.addi %mul3A_2, %mul3A_92 : i32
          %dma_wait3A_94 = tpu.memref_slice %arg4[%add3A_93] : memref<64000xi32, #tpu.memory_space<hbm>> -> memref<80xi32, #tpu.memory_space<hbm>>
          %dma_wait3A_95 = tpu.memref_slice %arg4[%add3A_93] : memref<64000xi32, #tpu.memory_space<hbm>> -> memref<80xi32, #tpu.memory_space<hbm>>
          tpu.wait_dma2 semaphore(%arg16 : memref<!tpu.dma_semaphore, #tpu.memory_space<semaphore_mem>>) src(%dma_wait3A_95 : memref<80xi32, #tpu.memory_space<hbm>>) dst(%arg8 : memref<80xi32, #tpu.memory_space<vmem>>)
          %dma_wait3A_96 = tpu.memref_slice %arg5[%add3A_93] : memref<64000xi32, #tpu.memory_space<hbm>> -> memref<80xi32, #tpu.memory_space<hbm>>
          %dma_wait3A_97 = tpu.memref_slice %arg5[%add3A_93] : memref<64000xi32, #tpu.memory_space<hbm>> -> memref<80xi32, #tpu.memory_space<hbm>>
          tpu.wait_dma2 semaphore(%arg18 : memref<!tpu.dma_semaphore, #tpu.memory_space<semaphore_mem>>) src(%dma_wait3A_97 : memref<80xi32, #tpu.memory_space<hbm>>) dst(%arg10 : memref<80xi32, #tpu.memory_space<vmem>>)
          %dma_start3A_98 = arith.constant 0 : i32
          %dma_start3A_99 = arith.constant 0 : i32
          %dma_start3A_100 = tpu.memref_slice %arg2[%dma_start3A_98, %dma_start3A_99] : memref<10000x128xf32, #tpu.memory_space<hbm>> -> memref<10000x128xf32, #tpu.memory_space<hbm>>
          tpu.enqueue_indirect_dma source(%dma_start3A_100 : memref<10000x128xf32, #tpu.memory_space<hbm>>) target(%arg12 : memref<80x128xf32, #tpu.memory_space<vmem>>) offsets(%arg8 : memref<80xi32, #tpu.memory_space<vmem>>) semaphore(%arg20 : memref<!tpu.dma_semaphore, #tpu.memory_space<semaphore_mem>>)
          %dma_start3A_101 = arith.constant 0 : i32
          %dma_start3A_102 = arith.constant 0 : i32
          %dma_start3A_103 = tpu.memref_slice %arg3[%dma_start3A_101, %dma_start3A_102] : memref<10000x128xf32, #tpu.memory_space<hbm>> -> memref<10000x128xf32, #tpu.memory_space<hbm>>
          tpu.enqueue_indirect_dma source(%dma_start3A_103 : memref<10000x128xf32, #tpu.memory_space<hbm>>) target(%arg14 : memref<80x128xf32, #tpu.memory_space<vmem>>) offsets(%arg10 : memref<80xi32, #tpu.memory_space<vmem>>) semaphore(%arg22 : memref<!tpu.dma_semaphore, #tpu.memory_space<semaphore_mem>>)
        } else {
        }
        %scan3A_76 = arith.constant 0 : i32
        %scan3A_77 = arith.constant 0 : i32
        %scan3A_78 = arith.constant 80 : i32
        %scan3A_79 = arith.addi %scan3A_77, %scan3A_78 : i32
        %scan3A_80 = arith.constant 1 : i32
        scf.for %scan3A_89 = %scan3A_77 to %scan3A_79 step %scan3A_80  : i32 {
          %get3A = arith.index_cast %scan3A_89 : i32 to index
          %get3A_90 = arith.constant 0 : index
          %get3A_91 = tpu.vector_load %arg11[%get3A, %get3A_90] {strides = array<i32>} : memref<80x128xf32, #tpu.memory_space<vmem>>, vector<1x16xf32>,
          %get3A_92 = vector.shape_cast %get3A_91 : vector<1x16xf32> to vector<16xf32>
          %get3A_93 = arith.index_cast %scan3A_89 : i32 to index
          %get3A_94 = arith.constant 0 : index
          %get3A_95 = tpu.vector_load %arg13[%get3A_93, %get3A_94] {strides = array<i32>} : memref<80x128xf32, #tpu.memory_space<vmem>>, vector<1x16xf32>,
          %get3A_96 = vector.shape_cast %get3A_95 : vector<1x16xf32> to vector<16xf32>
          %add3A_97 = arith.addf %get3A_92, %get3A_96 : vector<16xf32>
          %swap3A = arith.index_cast %scan3A_89 : i32 to index
          %swap3A_98 = arith.constant 0 : index
          %swap3A_99 = tpu.vector_load %arg11[%swap3A, %swap3A_98] {strides = array<i32>} : memref<80x128xf32, #tpu.memory_space<vmem>>, vector<1x16xf32>,
          %swap3A_100 = vector.shape_cast %swap3A_99 : vector<1x16xf32> to vector<16xf32>
          %swap3A_101 = vector.shape_cast %add3A_97 : vector<16xf32> to vector<1x16xf32>
          tpu.vector_store %arg11[%swap3A, %swap3A_98], %swap3A_101 {strides = array<i32>} : memref<80x128xf32, #tpu.memory_space<vmem>>, vector<1x16xf32>,
          %get3A_102 = arith.index_cast %scan3A_89 : i32 to index
          %get3A_103 = arith.constant 16 : index
          %get3A_104 = tpu.vector_load %arg11[%get3A_102, %get3A_103] {strides = array<i32>} : memref<80x128xf32, #tpu.memory_space<vmem>>, vector<1x16xf32>,
          %get3A_105 = vector.shape_cast %get3A_104 : vector<1x16xf32> to vector<16xf32>
          %get3A_106 = arith.index_cast %scan3A_89 : i32 to index
          %get3A_107 = arith.constant 16 : index
          %get3A_108 = tpu.vector_load %arg13[%get3A_106, %get3A_107] {strides = array<i32>} : memref<80x128xf32, #tpu.memory_space<vmem>>, vector<1x16xf32>,
          %get3A_109 = vector.shape_cast %get3A_108 : vector<1x16xf32> to vector<16xf32>
          %add3A_110 = arith.addf %get3A_105, %get3A_109 : vector<16xf32>
          %swap3A_111 = arith.index_cast %scan3A_89 : i32 to index
          %swap3A_112 = arith.constant 16 : index
          %swap3A_113 = tpu.vector_load %arg11[%swap3A_111, %swap3A_112] {strides = array<i32>} : memref<80x128xf32, #tpu.memory_space<vmem>>, vector<1x16xf32>,
          %swap3A_114 = vector.shape_cast %swap3A_113 : vector<1x16xf32> to vector<16xf32>
          %swap3A_115 = vector.shape_cast %add3A_110 : vector<16xf32> to vector<1x16xf32>
          tpu.vector_store %arg11[%swap3A_111, %swap3A_112], %swap3A_115 {strides = array<i32>} : memref<80x128xf32, #tpu.memory_space<vmem>>, vector<1x16xf32>,
          %get3A_116 = arith.index_cast %scan3A_89 : i32 to index
          %get3A_117 = arith.constant 32 : index
          %get3A_118 = tpu.vector_load %arg11[%get3A_116, %get3A_117] {strides = array<i32>} : memref<80x128xf32, #tpu.memory_space<vmem>>, vector<1x16xf32>,
          %get3A_119 = vector.shape_cast %get3A_118 : vector<1x16xf32> to vector<16xf32>
          %get3A_120 = arith.index_cast %scan3A_89 : i32 to index
          %get3A_121 = arith.constant 32 : index
          %get3A_122 = tpu.vector_load %arg13[%get3A_120, %get3A_121] {strides = array<i32>} : memref<80x128xf32, #tpu.memory_space<vmem>>, vector<1x16xf32>,
          %get3A_123 = vector.shape_cast %get3A_122 : vector<1x16xf32> to vector<16xf32>
          %add3A_124 = arith.addf %get3A_119, %get3A_123 : vector<16xf32>
          %swap3A_125 = arith.index_cast %scan3A_89 : i32 to index
          %swap3A_126 = arith.constant 32 : index
          %swap3A_127 = tpu.vector_load %arg11[%swap3A_125, %swap3A_126] {strides = array<i32>} : memref<80x128xf32, #tpu.memory_space<vmem>>, vector<1x16xf32>,
          %swap3A_128 = vector.shape_cast %swap3A_127 : vector<1x16xf32> to vector<16xf32>
          %swap3A_129 = vector.shape_cast %add3A_124 : vector<16xf32> to vector<1x16xf32>
          tpu.vector_store %arg11[%swap3A_125, %swap3A_126], %swap3A_129 {strides = array<i32>} : memref<80x128xf32, #tpu.memory_space<vmem>>, vector<1x16xf32>,
          %get3A_130 = arith.index_cast %scan3A_89 : i32 to index
          %get3A_131 = arith.constant 48 : index
          %get3A_132 = tpu.vector_load %arg11[%get3A_130, %get3A_131] {strides = array<i32>} : memref<80x128xf32, #tpu.memory_space<vmem>>, vector<1x16xf32>,
          %get3A_133 = vector.shape_cast %get3A_132 : vector<1x16xf32> to vector<16xf32>
          %get3A_134 = arith.index_cast %scan3A_89 : i32 to index
          %get3A_135 = arith.constant 48 : index
          %get3A_136 = tpu.vector_load %arg13[%get3A_134, %get3A_135] {strides = array<i32>} : memref<80x128xf32, #tpu.memory_space<vmem>>, vector<1x16xf32>,
          %get3A_137 = vector.shape_cast %get3A_136 : vector<1x16xf32> to vector<16xf32>
          %add3A_138 = arith.addf %get3A_133, %get3A_137 : vector<16xf32>
          %swap3A_139 = arith.index_cast %scan3A_89 : i32 to index
          %swap3A_140 = arith.constant 48 : index
          %swap3A_141 = tpu.vector_load %arg11[%swap3A_139, %swap3A_140] {strides = array<i32>} : memref<80x128xf32, #tpu.memory_space<vmem>>, vector<1x16xf32>,
          %swap3A_142 = vector.shape_cast %swap3A_141 : vector<1x16xf32> to vector<16xf32>
          %swap3A_143 = vector.shape_cast %add3A_138 : vector<16xf32> to vector<1x16xf32>
          tpu.vector_store %arg11[%swap3A_139, %swap3A_140], %swap3A_143 {strides = array<i32>} : memref<80x128xf32, #tpu.memory_space<vmem>>, vector<1x16xf32>,
          %get3A_144 = arith.index_cast %scan3A_89 : i32 to index
          %get3A_145 = arith.constant 64 : index
          %get3A_146 = tpu.vector_load %arg11[%get3A_144, %get3A_145] {strides = array<i32>} : memref<80x128xf32, #tpu.memory_space<vmem>>, vector<1x16xf32>,
          %get3A_147 = vector.shape_cast %get3A_146 : vector<1x16xf32> to vector<16xf32>
          %get3A_148 = arith.index_cast %scan3A_89 : i32 to index
          %get3A_149 = arith.constant 64 : index
          %get3A_150 = tpu.vector_load %arg13[%get3A_148, %get3A_149] {strides = array<i32>} : memref<80x128xf32, #tpu.memory_space<vmem>>, vector<1x16xf32>,
          %get3A_151 = vector.shape_cast %get3A_150 : vector<1x16xf32> to vector<16xf32>
          %add3A_152 = arith.addf %get3A_147, %get3A_151 : vector<16xf32>
          %swap3A_153 = arith.index_cast %scan3A_89 : i32 to index
          %swap3A_154 = arith.constant 64 : index
          %swap3A_155 = tpu.vector_load %arg11[%swap3A_153, %swap3A_154] {strides = array<i32>} : memref<80x128xf32, #tpu.memory_space<vmem>>, vector<1x16xf32>,
          %swap3A_156 = vector.shape_cast %swap3A_155 : vector<1x16xf32> to vector<16xf32>
          %swap3A_157 = vector.shape_cast %add3A_152 : vector<16xf32> to vector<1x16xf32>
          tpu.vector_store %arg11[%swap3A_153, %swap3A_154], %swap3A_157 {strides = array<i32>} : memref<80x128xf32, #tpu.memory_space<vmem>>, vector<1x16xf32>,
          %get3A_158 = arith.index_cast %scan3A_89 : i32 to index
          %get3A_159 = arith.constant 80 : index
          %get3A_160 = tpu.vector_load %arg11[%get3A_158, %get3A_159] {strides = array<i32>} : memref<80x128xf32, #tpu.memory_space<vmem>>, vector<1x16xf32>,
          %get3A_161 = vector.shape_cast %get3A_160 : vector<1x16xf32> to vector<16xf32>
          %get3A_162 = arith.index_cast %scan3A_89 : i32 to index
          %get3A_163 = arith.constant 80 : index
          %get3A_164 = tpu.vector_load %arg13[%get3A_162, %get3A_163] {strides = array<i32>} : memref<80x128xf32, #tpu.memory_space<vmem>>, vector<1x16xf32>,
          %get3A_165 = vector.shape_cast %get3A_164 : vector<1x16xf32> to vector<16xf32>
          %add3A_166 = arith.addf %get3A_161, %get3A_165 : vector<16xf32>
          %swap3A_167 = arith.index_cast %scan3A_89 : i32 to index
          %swap3A_168 = arith.constant 80 : index
          %swap3A_169 = tpu.vector_load %arg11[%swap3A_167, %swap3A_168] {strides = array<i32>} : memref<80x128xf32, #tpu.memory_space<vmem>>, vector<1x16xf32>,
          %swap3A_170 = vector.shape_cast %swap3A_169 : vector<1x16xf32> to vector<16xf32>
          %swap3A_171 = vector.shape_cast %add3A_166 : vector<16xf32> to vector<1x16xf32>
          tpu.vector_store %arg11[%swap3A_167, %swap3A_168], %swap3A_171 {strides = array<i32>} : memref<80x128xf32, #tpu.memory_space<vmem>>, vector<1x16xf32>,
          %get3A_172 = arith.index_cast %scan3A_89 : i32 to index
          %get3A_173 = arith.constant 96 : index
          %get3A_174 = tpu.vector_load %arg11[%get3A_172, %get3A_173] {strides = array<i32>} : memref<80x128xf32, #tpu.memory_space<vmem>>, vector<1x16xf32>,
          %get3A_175 = vector.shape_cast %get3A_174 : vector<1x16xf32> to vector<16xf32>
          %get3A_176 = arith.index_cast %scan3A_89 : i32 to index
          %get3A_177 = arith.constant 96 : index
          %get3A_178 = tpu.vector_load %arg13[%get3A_176, %get3A_177] {strides = array<i32>} : memref<80x128xf32, #tpu.memory_space<vmem>>, vector<1x16xf32>,
          %get3A_179 = vector.shape_cast %get3A_178 : vector<1x16xf32> to vector<16xf32>
          %add3A_180 = arith.addf %get3A_175, %get3A_179 : vector<16xf32>
          %swap3A_181 = arith.index_cast %scan3A_89 : i32 to index
          %swap3A_182 = arith.constant 96 : index
          %swap3A_183 = tpu.vector_load %arg11[%swap3A_181, %swap3A_182] {strides = array<i32>} : memref<80x128xf32, #tpu.memory_space<vmem>>, vector<1x16xf32>,
          %swap3A_184 = vector.shape_cast %swap3A_183 : vector<1x16xf32> to vector<16xf32>
          %swap3A_185 = vector.shape_cast %add3A_180 : vector<16xf32> to vector<1x16xf32>
          tpu.vector_store %arg11[%swap3A_181, %swap3A_182], %swap3A_185 {strides = array<i32>} : memref<80x128xf32, #tpu.memory_space<vmem>>, vector<1x16xf32>,
          %get3A_186 = arith.index_cast %scan3A_89 : i32 to index
          %get3A_187 = arith.constant 112 : index
          %get3A_188 = tpu.vector_load %arg11[%get3A_186, %get3A_187] {strides = array<i32>} : memref<80x128xf32, #tpu.memory_space<vmem>>, vector<1x16xf32>,
          %get3A_189 = vector.shape_cast %get3A_188 : vector<1x16xf32> to vector<16xf32>
          %get3A_190 = arith.index_cast %scan3A_89 : i32 to index
          %get3A_191 = arith.constant 112 : index
          %get3A_192 = tpu.vector_load %arg13[%get3A_190, %get3A_191] {strides = array<i32>} : memref<80x128xf32, #tpu.memory_space<vmem>>, vector<1x16xf32>,
          %get3A_193 = vector.shape_cast %get3A_192 : vector<1x16xf32> to vector<16xf32>
          %add3A_194 = arith.addf %get3A_189, %get3A_193 : vector<16xf32>
          %swap3A_195 = arith.index_cast %scan3A_89 : i32 to index
          %swap3A_196 = arith.constant 112 : index
          %swap3A_197 = tpu.vector_load %arg11[%swap3A_195, %swap3A_196] {strides = array<i32>} : memref<80x128xf32, #tpu.memory_space<vmem>>, vector<1x16xf32>,
          %swap3A_198 = vector.shape_cast %swap3A_197 : vector<1x16xf32> to vector<16xf32>
          %swap3A_199 = vector.shape_cast %add3A_194 : vector<16xf32> to vector<1x16xf32>
          tpu.vector_store %arg11[%swap3A_195, %swap3A_196], %swap3A_199 {strides = array<i32>} : memref<80x128xf32, #tpu.memory_space<vmem>>, vector<1x16xf32>,
        }
        %scan3A_81 = arith.constant 80 : i32
        %mul3A_82 = arith.constant 80 : i32
        %mul3A_83 = arith.muli %add3A_40, %mul3A_82 : i32
        %add3A_84 = arith.addi %mul3A_2, %mul3A_83 : i32
        %dma_start3A_85 = arith.constant 0 : i32
        %dma_start3A_86 = tpu.memref_slice %arg6[%add3A_84, %dma_start3A_85] : memref<64000x128xf32, #tpu.memory_space<hbm>> -> memref<80x128xf32, #tpu.memory_space<hbm>>
        %dma_start3A_87 = arith.constant 0 : i32
        %dma_start3A_88 = tpu.memref_slice %arg6[%add3A_84, %dma_start3A_87] : memref<64000x128xf32, #tpu.memory_space<hbm>> -> memref<80x128xf32, #tpu.memory_space<hbm>>
        tpu.enqueue_dma source(%arg11 : memref<80x128xf32, #tpu.memory_space<vmem>>) target(%dma_start3A_88 : memref<80x128xf32, #tpu.memory_space<hbm>>) target_semaphore(%arg23 : memref<!tpu.dma_semaphore, #tpu.memory_space<semaphore_mem>>)
      } else {
      }
      %mul3A_43 = arith.constant 2 : i32
      %mul3A_44 = arith.muli %mul3A_43, %scan3A_36 : i32
      %add3A_45 = arith.constant 1 : i32
      %add3A_46 = arith.addi %mul3A_44, %add3A_45 : i32
      %lt3A_47 = arith.constant 25 : i32
      %lt3A_48 = arith.cmpi slt, %add3A_46, %lt3A_47 : i32
      %convert_element_type3A_49 = arith.extui %lt3A_48 : i1 to i32
      %cond3A_50 = arith.constant 0 : i32
      %cond3A_51 = arith.cmpi ne, %convert_element_type3A_49, %cond3A_50 : i32
      scf.if %cond3A_51 {
        %dma_wait3A_52 = arith.constant 0 : i32
        %dma_wait3A_53 = arith.constant 0 : i32
        %dma_wait3A_54 = tpu.memref_slice %arg2[%dma_wait3A_52, %dma_wait3A_53] : memref<10000x128xf32, #tpu.memory_space<hbm>> -> memref<10000x128xf32, #tpu.memory_space<hbm>>
        tpu.wait_indirect_dma semaphore(%arg20 : memref<!tpu.dma_semaphore, #tpu.memory_space<semaphore_mem>>) src(%dma_wait3A_54 : memref<10000x128xf32, #tpu.memory_space<hbm>>) dst(%arg12 : memref<80x128xf32, #tpu.memory_space<vmem>>)
        %dma_wait3A_55 = arith.constant 0 : i32
        %dma_wait3A_56 = arith.constant 0 : i32
        %dma_wait3A_57 = tpu.memref_slice %arg3[%dma_wait3A_55, %dma_wait3A_56] : memref<10000x128xf32, #tpu.memory_space<hbm>> -> memref<10000x128xf32, #tpu.memory_space<hbm>>
        tpu.wait_indirect_dma semaphore(%arg22 : memref<!tpu.dma_semaphore, #tpu.memory_space<semaphore_mem>>) src(%dma_wait3A_57 : memref<10000x128xf32, #tpu.memory_space<hbm>>) dst(%arg14 : memref<80x128xf32, #tpu.memory_space<vmem>>)
        %add3A_58 = arith.constant 2 : i32
        %add3A_59 = arith.addi %add3A_46, %add3A_58 : i32
        %lt3A_60 = arith.constant 25 : i32
        %lt3A_61 = arith.cmpi slt, %add3A_59, %lt3A_60 : i32
        %convert_element_type3A_62 = arith.extui %lt3A_61 : i1 to i32
        %cond3A_63 = arith.constant 0 : i32
        %cond3A_64 = arith.cmpi ne, %convert_element_type3A_62, %cond3A_63 : i32
        scf.if %cond3A_64 {
          %add3A_89 = arith.constant 2 : i32
          %add3A_90 = arith.addi %add3A_46, %add3A_89 : i32
          %mul3A_91 = arith.constant 80 : i32
          %mul3A_92 = arith.muli %add3A_90, %mul3A_91 : i32
          %add3A_93 = arith.addi %mul3A_2, %mul3A_92 : i32
          %dma_start3A_94 = tpu.memref_slice %arg4[%add3A_93] : memref<64000xi32, #tpu.memory_space<hbm>> -> memref<80xi32, #tpu.memory_space<hbm>>
          %dma_start3A_95 = tpu.memref_slice %arg4[%add3A_93] : memref<64000xi32, #tpu.memory_space<hbm>> -> memref<80xi32, #tpu.memory_space<hbm>>
          tpu.enqueue_dma source(%dma_start3A_95 : memref<80xi32, #tpu.memory_space<hbm>>) target(%arg8 : memref<80xi32, #tpu.memory_space<vmem>>) target_semaphore(%arg16 : memref<!tpu.dma_semaphore, #tpu.memory_space<semaphore_mem>>)
          %dma_start3A_96 = tpu.memref_slice %arg5[%add3A_93] : memref<64000xi32, #tpu.memory_space<hbm>> -> memref<80xi32, #tpu.memory_space<hbm>>
          %dma_start3A_97 = tpu.memref_slice %arg5[%add3A_93] : memref<64000xi32, #tpu.memory_space<hbm>> -> memref<80xi32, #tpu.memory_space<hbm>>
          tpu.enqueue_dma source(%dma_start3A_97 : memref<80xi32, #tpu.memory_space<hbm>>) target(%arg10 : memref<80xi32, #tpu.memory_space<vmem>>) target_semaphore(%arg18 : memref<!tpu.dma_semaphore, #tpu.memory_space<semaphore_mem>>)
        } else {
        }
        %ge3A = arith.constant 1 : i32
        %ge3A_65 = arith.cmpi sge, %add3A_46, %ge3A : i32
        %convert_element_type3A_66 = arith.extui %ge3A_65 : i1 to i32
        %cond3A_67 = arith.constant 0 : i32
        %cond3A_68 = arith.cmpi ne, %convert_element_type3A_66, %cond3A_67 : i32
        scf.if %cond3A_68 {
          %sub3A = arith.constant 1 : i32
          %sub3A_89 = arith.subi %add3A_46, %sub3A : i32
          %mul3A_90 = arith.constant 80 : i32
          %mul3A_91 = arith.muli %sub3A_89, %mul3A_90 : i32
          %add3A_92 = arith.addi %mul3A_2, %mul3A_91 : i32
          %dma_wait3A_93 = arith.constant 0 : i32
          %dma_wait3A_94 = tpu.memref_slice %arg6[%add3A_92, %dma_wait3A_93] : memref<64000x128xf32, #tpu.memory_space<hbm>> -> memref<80x128xf32, #tpu.memory_space<hbm>>
          %dma_wait3A_95 = arith.constant 0 : i32
          %dma_wait3A_96 = tpu.memref_slice %arg6[%add3A_92, %dma_wait3A_95] : memref<64000x128xf32, #tpu.memory_space<hbm>> -> memref<80x128xf32, #tpu.memory_space<hbm>>
          tpu.wait_dma2 semaphore(%arg23 : memref<!tpu.dma_semaphore, #tpu.memory_space<semaphore_mem>>) src(%arg11 : memref<80x128xf32, #tpu.memory_space<vmem>>) dst(%dma_wait3A_96 : memref<80x128xf32, #tpu.memory_space<hbm>>)
        } else {
        }
        %add3A_69 = arith.constant 1 : i32
        %add3A_70 = arith.addi %add3A_46, %add3A_69 : i32
        %lt3A_71 = arith.constant 25 : i32
        %lt3A_72 = arith.cmpi slt, %add3A_70, %lt3A_71 : i32
        %convert_element_type3A_73 = arith.extui %lt3A_72 : i1 to i32
        %cond3A_74 = arith.constant 0 : i32
        %cond3A_75 = arith.cmpi ne, %convert_element_type3A_73, %cond3A_74 : i32
        scf.if %cond3A_75 {
          %add3A_89 = arith.constant 1 : i32
          %add3A_90 = arith.addi %add3A_46, %add3A_89 : i32
          %mul3A_91 = arith.constant 80 : i32
          %mul3A_92 = arith.muli %add3A_90, %mul3A_91 : i32
          %add3A_93 = arith.addi %mul3A_2, %mul3A_92 : i32
          %dma_wait3A_94 = tpu.memref_slice %arg4[%add3A_93] : memref<64000xi32, #tpu.memory_space<hbm>> -> memref<80xi32, #tpu.memory_space<hbm>>
          %dma_wait3A_95 = tpu.memref_slice %arg4[%add3A_93] : memref<64000xi32, #tpu.memory_space<hbm>> -> memref<80xi32, #tpu.memory_space<hbm>>
          tpu.wait_dma2 semaphore(%arg15 : memref<!tpu.dma_semaphore, #tpu.memory_space<semaphore_mem>>) src(%dma_wait3A_95 : memref<80xi32, #tpu.memory_space<hbm>>) dst(%arg7 : memref<80xi32, #tpu.memory_space<vmem>>)
          %dma_wait3A_96 = tpu.memref_slice %arg5[%add3A_93] : memref<64000xi32, #tpu.memory_space<hbm>> -> memref<80xi32, #tpu.memory_space<hbm>>
          %dma_wait3A_97 = tpu.memref_slice %arg5[%add3A_93] : memref<64000xi32, #tpu.memory_space<hbm>> -> memref<80xi32, #tpu.memory_space<hbm>>
          tpu.wait_dma2 semaphore(%arg17 : memref<!tpu.dma_semaphore, #tpu.memory_space<semaphore_mem>>) src(%dma_wait3A_97 : memref<80xi32, #tpu.memory_space<hbm>>) dst(%arg9 : memref<80xi32, #tpu.memory_space<vmem>>)
          %dma_start3A_98 = arith.constant 0 : i32
          %dma_start3A_99 = arith.constant 0 : i32
          %dma_start3A_100 = tpu.memref_slice %arg2[%dma_start3A_98, %dma_start3A_99] : memref<10000x128xf32, #tpu.memory_space<hbm>> -> memref<10000x128xf32, #tpu.memory_space<hbm>>
          tpu.enqueue_indirect_dma source(%dma_start3A_100 : memref<10000x128xf32, #tpu.memory_space<hbm>>) target(%arg11 : memref<80x128xf32, #tpu.memory_space<vmem>>) offsets(%arg7 : memref<80xi32, #tpu.memory_space<vmem>>) semaphore(%arg19 : memref<!tpu.dma_semaphore, #tpu.memory_space<semaphore_mem>>)
          %dma_start3A_101 = arith.constant 0 : i32
          %dma_start3A_102 = arith.constant 0 : i32
          %dma_start3A_103 = tpu.memref_slice %arg3[%dma_start3A_101, %dma_start3A_102] : memref<10000x128xf32, #tpu.memory_space<hbm>> -> memref<10000x128xf32, #tpu.memory_space<hbm>>
          tpu.enqueue_indirect_dma source(%dma_start3A_103 : memref<10000x128xf32, #tpu.memory_space<hbm>>) target(%arg13 : memref<80x128xf32, #tpu.memory_space<vmem>>) offsets(%arg9 : memref<80xi32, #tpu.memory_space<vmem>>) semaphore(%arg21 : memref<!tpu.dma_semaphore, #tpu.memory_space<semaphore_mem>>)
        } else {
        }
        %scan3A_76 = arith.constant 0 : i32
        %scan3A_77 = arith.constant 0 : i32
        %scan3A_78 = arith.constant 80 : i32
        %scan3A_79 = arith.addi %scan3A_77, %scan3A_78 : i32
        %scan3A_80 = arith.constant 1 : i32
        scf.for %scan3A_89 = %scan3A_77 to %scan3A_79 step %scan3A_80  : i32 {
          %get3A = arith.index_cast %scan3A_89 : i32 to index
          %get3A_90 = arith.constant 0 : index
          %get3A_91 = tpu.vector_load %arg12[%get3A, %get3A_90] {strides = array<i32>} : memref<80x128xf32, #tpu.memory_space<vmem>>, vector<1x16xf32>,
          %get3A_92 = vector.shape_cast %get3A_91 : vector<1x16xf32> to vector<16xf32>
          %get3A_93 = arith.index_cast %scan3A_89 : i32 to index
          %get3A_94 = arith.constant 0 : index
          %get3A_95 = tpu.vector_load %arg14[%get3A_93, %get3A_94] {strides = array<i32>} : memref<80x128xf32, #tpu.memory_space<vmem>>, vector<1x16xf32>,
          %get3A_96 = vector.shape_cast %get3A_95 : vector<1x16xf32> to vector<16xf32>
          %add3A_97 = arith.addf %get3A_92, %get3A_96 : vector<16xf32>
          %swap3A = arith.index_cast %scan3A_89 : i32 to index
          %swap3A_98 = arith.constant 0 : index
          %swap3A_99 = tpu.vector_load %arg12[%swap3A, %swap3A_98] {strides = array<i32>} : memref<80x128xf32, #tpu.memory_space<vmem>>, vector<1x16xf32>,
          %swap3A_100 = vector.shape_cast %swap3A_99 : vector<1x16xf32> to vector<16xf32>
          %swap3A_101 = vector.shape_cast %add3A_97 : vector<16xf32> to vector<1x16xf32>
          tpu.vector_store %arg12[%swap3A, %swap3A_98], %swap3A_101 {strides = array<i32>} : memref<80x128xf32, #tpu.memory_space<vmem>>, vector<1x16xf32>,
          %get3A_102 = arith.index_cast %scan3A_89 : i32 to index
          %get3A_103 = arith.constant 16 : index
          %get3A_104 = tpu.vector_load %arg12[%get3A_102, %get3A_103] {strides = array<i32>} : memref<80x128xf32, #tpu.memory_space<vmem>>, vector<1x16xf32>,
          %get3A_105 = vector.shape_cast %get3A_104 : vector<1x16xf32> to vector<16xf32>
          %get3A_106 = arith.index_cast %scan3A_89 : i32 to index
          %get3A_107 = arith.constant 16 : index
          %get3A_108 = tpu.vector_load %arg14[%get3A_106, %get3A_107] {strides = array<i32>} : memref<80x128xf32, #tpu.memory_space<vmem>>, vector<1x16xf32>,
          %get3A_109 = vector.shape_cast %get3A_108 : vector<1x16xf32> to vector<16xf32>
          %add3A_110 = arith.addf %get3A_105, %get3A_109 : vector<16xf32>
          %swap3A_111 = arith.index_cast %scan3A_89 : i32 to index
          %swap3A_112 = arith.constant 16 : index
          %swap3A_113 = tpu.vector_load %arg12[%swap3A_111, %swap3A_112] {strides = array<i32>} : memref<80x128xf32, #tpu.memory_space<vmem>>, vector<1x16xf32>,
          %swap3A_114 = vector.shape_cast %swap3A_113 : vector<1x16xf32> to vector<16xf32>
          %swap3A_115 = vector.shape_cast %add3A_110 : vector<16xf32> to vector<1x16xf32>
          tpu.vector_store %arg12[%swap3A_111, %swap3A_112], %swap3A_115 {strides = array<i32>} : memref<80x128xf32, #tpu.memory_space<vmem>>, vector<1x16xf32>,
          %get3A_116 = arith.index_cast %scan3A_89 : i32 to index
          %get3A_117 = arith.constant 32 : index
          %get3A_118 = tpu.vector_load %arg12[%get3A_116, %get3A_117] {strides = array<i32>} : memref<80x128xf32, #tpu.memory_space<vmem>>, vector<1x16xf32>,
          %get3A_119 = vector.shape_cast %get3A_118 : vector<1x16xf32> to vector<16xf32>
          %get3A_120 = arith.index_cast %scan3A_89 : i32 to index
          %get3A_121 = arith.constant 32 : index
          %get3A_122 = tpu.vector_load %arg14[%get3A_120, %get3A_121] {strides = array<i32>} : memref<80x128xf32, #tpu.memory_space<vmem>>, vector<1x16xf32>,
          %get3A_123 = vector.shape_cast %get3A_122 : vector<1x16xf32> to vector<16xf32>
          %add3A_124 = arith.addf %get3A_119, %get3A_123 : vector<16xf32>
          %swap3A_125 = arith.index_cast %scan3A_89 : i32 to index
          %swap3A_126 = arith.constant 32 : index
          %swap3A_127 = tpu.vector_load %arg12[%swap3A_125, %swap3A_126] {strides = array<i32>} : memref<80x128xf32, #tpu.memory_space<vmem>>, vector<1x16xf32>,
          %swap3A_128 = vector.shape_cast %swap3A_127 : vector<1x16xf32> to vector<16xf32>
          %swap3A_129 = vector.shape_cast %add3A_124 : vector<16xf32> to vector<1x16xf32>
          tpu.vector_store %arg12[%swap3A_125, %swap3A_126], %swap3A_129 {strides = array<i32>} : memref<80x128xf32, #tpu.memory_space<vmem>>, vector<1x16xf32>,
          %get3A_130 = arith.index_cast %scan3A_89 : i32 to index
          %get3A_131 = arith.constant 48 : index
          %get3A_132 = tpu.vector_load %arg12[%get3A_130, %get3A_131] {strides = array<i32>} : memref<80x128xf32, #tpu.memory_space<vmem>>, vector<1x16xf32>,
          %get3A_133 = vector.shape_cast %get3A_132 : vector<1x16xf32> to vector<16xf32>
          %get3A_134 = arith.index_cast %scan3A_89 : i32 to index
          %get3A_135 = arith.constant 48 : index
          %get3A_136 = tpu.vector_load %arg14[%get3A_134, %get3A_135] {strides = array<i32>} : memref<80x128xf32, #tpu.memory_space<vmem>>, vector<1x16xf32>,
          %get3A_137 = vector.shape_cast %get3A_136 : vector<1x16xf32> to vector<16xf32>
          %add3A_138 = arith.addf %get3A_133, %get3A_137 : vector<16xf32>
          %swap3A_139 = arith.index_cast %scan3A_89 : i32 to index
          %swap3A_140 = arith.constant 48 : index
          %swap3A_141 = tpu.vector_load %arg12[%swap3A_139, %swap3A_140] {strides = array<i32>} : memref<80x128xf32, #tpu.memory_space<vmem>>, vector<1x16xf32>,
          %swap3A_142 = vector.shape_cast %swap3A_141 : vector<1x16xf32> to vector<16xf32>
          %swap3A_143 = vector.shape_cast %add3A_138 : vector<16xf32> to vector<1x16xf32>
          tpu.vector_store %arg12[%swap3A_139, %swap3A_140], %swap3A_143 {strides = array<i32>} : memref<80x128xf32, #tpu.memory_space<vmem>>, vector<1x16xf32>,
          %get3A_144 = arith.index_cast %scan3A_89 : i32 to index
          %get3A_145 = arith.constant 64 : index
          %get3A_146 = tpu.vector_load %arg12[%get3A_144, %get3A_145] {strides = array<i32>} : memref<80x128xf32, #tpu.memory_space<vmem>>, vector<1x16xf32>,
          %get3A_147 = vector.shape_cast %get3A_146 : vector<1x16xf32> to vector<16xf32>
          %get3A_148 = arith.index_cast %scan3A_89 : i32 to index
          %get3A_149 = arith.constant 64 : index
          %get3A_150 = tpu.vector_load %arg14[%get3A_148, %get3A_149] {strides = array<i32>} : memref<80x128xf32, #tpu.memory_space<vmem>>, vector<1x16xf32>,
          %get3A_151 = vector.shape_cast %get3A_150 : vector<1x16xf32> to vector<16xf32>
          %add3A_152 = arith.addf %get3A_147, %get3A_151 : vector<16xf32>
          %swap3A_153 = arith.index_cast %scan3A_89 : i32 to index
          %swap3A_154 = arith.constant 64 : index
          %swap3A_155 = tpu.vector_load %arg12[%swap3A_153, %swap3A_154] {strides = array<i32>} : memref<80x128xf32, #tpu.memory_space<vmem>>, vector<1x16xf32>,
          %swap3A_156 = vector.shape_cast %swap3A_155 : vector<1x16xf32> to vector<16xf32>
          %swap3A_157 = vector.shape_cast %add3A_152 : vector<16xf32> to vector<1x16xf32>
          tpu.vector_store %arg12[%swap3A_153, %swap3A_154], %swap3A_157 {strides = array<i32>} : memref<80x128xf32, #tpu.memory_space<vmem>>, vector<1x16xf32>,
          %get3A_158 = arith.index_cast %scan3A_89 : i32 to index
          %get3A_159 = arith.constant 80 : index
          %get3A_160 = tpu.vector_load %arg12[%get3A_158, %get3A_159] {strides = array<i32>} : memref<80x128xf32, #tpu.memory_space<vmem>>, vector<1x16xf32>,
          %get3A_161 = vector.shape_cast %get3A_160 : vector<1x16xf32> to vector<16xf32>
          %get3A_162 = arith.index_cast %scan3A_89 : i32 to index
          %get3A_163 = arith.constant 80 : index
          %get3A_164 = tpu.vector_load %arg14[%get3A_162, %get3A_163] {strides = array<i32>} : memref<80x128xf32, #tpu.memory_space<vmem>>, vector<1x16xf32>,
          %get3A_165 = vector.shape_cast %get3A_164 : vector<1x16xf32> to vector<16xf32>
          %add3A_166 = arith.addf %get3A_161, %get3A_165 : vector<16xf32>
          %swap3A_167 = arith.index_cast %scan3A_89 : i32 to index
          %swap3A_168 = arith.constant 80 : index
          %swap3A_169 = tpu.vector_load %arg12[%swap3A_167, %swap3A_168] {strides = array<i32>} : memref<80x128xf32, #tpu.memory_space<vmem>>, vector<1x16xf32>,
          %swap3A_170 = vector.shape_cast %swap3A_169 : vector<1x16xf32> to vector<16xf32>
          %swap3A_171 = vector.shape_cast %add3A_166 : vector<16xf32> to vector<1x16xf32>
          tpu.vector_store %arg12[%swap3A_167, %swap3A_168], %swap3A_171 {strides = array<i32>} : memref<80x128xf32, #tpu.memory_space<vmem>>, vector<1x16xf32>,
          %get3A_172 = arith.index_cast %scan3A_89 : i32 to index
          %get3A_173 = arith.constant 96 : index
          %get3A_174 = tpu.vector_load %arg12[%get3A_172, %get3A_173] {strides = array<i32>} : memref<80x128xf32, #tpu.memory_space<vmem>>, vector<1x16xf32>,
          %get3A_175 = vector.shape_cast %get3A_174 : vector<1x16xf32> to vector<16xf32>
          %get3A_176 = arith.index_cast %scan3A_89 : i32 to index
          %get3A_177 = arith.constant 96 : index
          %get3A_178 = tpu.vector_load %arg14[%get3A_176, %get3A_177] {strides = array<i32>} : memref<80x128xf32, #tpu.memory_space<vmem>>, vector<1x16xf32>,
          %get3A_179 = vector.shape_cast %get3A_178 : vector<1x16xf32> to vector<16xf32>
          %add3A_180 = arith.addf %get3A_175, %get3A_179 : vector<16xf32>
          %swap3A_181 = arith.index_cast %scan3A_89 : i32 to index
          %swap3A_182 = arith.constant 96 : index
          %swap3A_183 = tpu.vector_load %arg12[%swap3A_181, %swap3A_182] {strides = array<i32>} : memref<80x128xf32, #tpu.memory_space<vmem>>, vector<1x16xf32>,
          %swap3A_184 = vector.shape_cast %swap3A_183 : vector<1x16xf32> to vector<16xf32>
          %swap3A_185 = vector.shape_cast %add3A_180 : vector<16xf32> to vector<1x16xf32>
          tpu.vector_store %arg12[%swap3A_181, %swap3A_182], %swap3A_185 {strides = array<i32>} : memref<80x128xf32, #tpu.memory_space<vmem>>, vector<1x16xf32>,
          %get3A_186 = arith.index_cast %scan3A_89 : i32 to index
          %get3A_187 = arith.constant 112 : index
          %get3A_188 = tpu.vector_load %arg12[%get3A_186, %get3A_187] {strides = array<i32>} : memref<80x128xf32, #tpu.memory_space<vmem>>, vector<1x16xf32>,
          %get3A_189 = vector.shape_cast %get3A_188 : vector<1x16xf32> to vector<16xf32>
          %get3A_190 = arith.index_cast %scan3A_89 : i32 to index
          %get3A_191 = arith.constant 112 : index
          %get3A_192 = tpu.vector_load %arg14[%get3A_190, %get3A_191] {strides = array<i32>} : memref<80x128xf32, #tpu.memory_space<vmem>>, vector<1x16xf32>,
          %get3A_193 = vector.shape_cast %get3A_192 : vector<1x16xf32> to vector<16xf32>
          %add3A_194 = arith.addf %get3A_189, %get3A_193 : vector<16xf32>
          %swap3A_195 = arith.index_cast %scan3A_89 : i32 to index
          %swap3A_196 = arith.constant 112 : index
          %swap3A_197 = tpu.vector_load %arg12[%swap3A_195, %swap3A_196] {strides = array<i32>} : memref<80x128xf32, #tpu.memory_space<vmem>>, vector<1x16xf32>,
          %swap3A_198 = vector.shape_cast %swap3A_197 : vector<1x16xf32> to vector<16xf32>
          %swap3A_199 = vector.shape_cast %add3A_194 : vector<16xf32> to vector<1x16xf32>
          tpu.vector_store %arg12[%swap3A_195, %swap3A_196], %swap3A_199 {strides = array<i32>} : memref<80x128xf32, #tpu.memory_space<vmem>>, vector<1x16xf32>,
        }
        %scan3A_81 = arith.constant 80 : i32
        %mul3A_82 = arith.constant 80 : i32
        %mul3A_83 = arith.muli %add3A_46, %mul3A_82 : i32
        %add3A_84 = arith.addi %mul3A_2, %mul3A_83 : i32
        %dma_start3A_85 = arith.constant 0 : i32
        %dma_start3A_86 = tpu.memref_slice %arg6[%add3A_84, %dma_start3A_85] : memref<64000x128xf32, #tpu.memory_space<hbm>> -> memref<80x128xf32, #tpu.memory_space<hbm>>
        %dma_start3A_87 = arith.constant 0 : i32
        %dma_start3A_88 = tpu.memref_slice %arg6[%add3A_84, %dma_start3A_87] : memref<64000x128xf32, #tpu.memory_space<hbm>> -> memref<80x128xf32, #tpu.memory_space<hbm>>
        tpu.enqueue_dma source(%arg12 : memref<80x128xf32, #tpu.memory_space<vmem>>) target(%dma_start3A_88 : memref<80x128xf32, #tpu.memory_space<hbm>>) target_semaphore(%arg24 : memref<!tpu.dma_semaphore, #tpu.memory_space<semaphore_mem>>)
      } else {
      }
    }
    %scan3A_29 = arith.constant 13 : i32
    %add3A_30 = arith.constant 1920 : i32
    %add3A_31 = arith.addi %mul3A_2, %add3A_30 : i32
    %dma_wait3A_32 = arith.constant 0 : i32
    %dma_wait3A_33 = tpu.memref_slice %arg6[%add3A_31, %dma_wait3A_32] : memref<64000x128xf32, #tpu.memory_space<hbm>> -> memref<80x128xf32, #tpu.memory_space<hbm>>
    %dma_wait3A_34 = arith.constant 0 : i32
    %dma_wait3A_35 = tpu.memref_slice %arg6[%add3A_31, %dma_wait3A_34] : memref<64000x128xf32, #tpu.memory_space<hbm>> -> memref<80x128xf32, #tpu.memory_space<hbm>>
    tpu.wait_dma2 semaphore(%arg23 : memref<!tpu.dma_semaphore, #tpu.memory_space<semaphore_mem>>) src(%arg11 : memref<80x128xf32, #tpu.memory_space<vmem>>) dst(%dma_wait3A_35 : memref<80x128xf32, #tpu.memory_space<hbm>>)
    return
  }
}

#map = affine_map<(d0, d1) -> (0, 0)>
#map1 = affine_map<(d0, d1) -> (0)>
module attributes {stable_mosaic.version = 14 : i64} {
  func.func @gather_add(%arg0: i32, %arg1: i32, %arg2: memref<10000x128xf32, #tpu.memory_space<hbm>>, %arg3: memref<10000x128xf32, #tpu.memory_space<hbm>>, %arg4: memref<12800xi32, #tpu.memory_space<hbm>>, %arg5: memref<12800xi32, #tpu.memory_space<hbm>>, %arg6: memref<12800x128xf32, #tpu.memory_space<hbm>>, %arg7: memref<80xi32, #tpu.memory_space<vmem>>, %arg8: memref<80xi32, #tpu.memory_space<vmem>>, %arg9: memref<80xi32, #tpu.memory_space<vmem>>, %arg10: memref<80xi32, #tpu.memory_space<vmem>>, %arg11: memref<80x128xf32, #tpu.memory_space<vmem>>, %arg12: memref<80x128xf32, #tpu.memory_space<vmem>>, %arg13: memref<80x128xf32, #tpu.memory_space<vmem>>, %arg14: memref<80x128xf32, #tpu.memory_space<vmem>>, %arg15: memref<!tpu.dma_semaphore, #tpu.memory_space<semaphore_mem>>, %arg16: memref<!tpu.dma_semaphore, #tpu.memory_space<semaphore_mem>>, %arg17: memref<!tpu.dma_semaphore, #tpu.memory_space<semaphore_mem>>, %arg18: memref<!tpu.dma_semaphore, #tpu.memory_space<semaphore_mem>>, %arg19: memref<!tpu.dma_semaphore, #tpu.memory_space<semaphore_mem>>, %arg20: memref<!tpu.dma_semaphore, #tpu.memory_space<semaphore_mem>>, %arg21: memref<!tpu.dma_semaphore, #tpu.memory_space<semaphore_mem>>, %arg22: memref<!tpu.dma_semaphore, #tpu.memory_space<semaphore_mem>>, %arg23: memref<!tpu.dma_semaphore, #tpu.memory_space<semaphore_mem>>, %arg24: memref<!tpu.dma_semaphore, #tpu.memory_space<semaphore_mem>>) attributes {dimension_semantics = [#tpu.dimension_semantics<core_parallel>, #tpu.dimension_semantics<subcore_parallel>], iteration_bounds = array<i64: 2, 16>, scalar_prefetch = 0 : i64, scratch_operands = 18 : i64, tpu.core_type = #tpu.core_type<sc_vector_subcore>, window_params = [{transform_indices = #map}, {transform_indices = #map}, {transform_indices = #map1}, {transform_indices = #map1}, {transform_indices = #map}]} {
    %mul3A = arith.constant 2 : i32
    %mul3A_0 = arith.muli %arg1, %mul3A : i32
    %add3A = arith.addi %mul3A_0, %arg0 : i32
    %mul3A_1 = arith.constant 400 : i32
    %mul3A_2 = arith.muli %add3A, %mul3A_1 : i32
    %add3A_3 = arith.constant 0 : i32
    %add3A_4 = arith.addi %mul3A_2, %add3A_3 : i32
    %dma_start3A = tpu.memref_slice %arg4[%add3A_4] : memref<12800xi32, #tpu.memory_space<hbm>> -> memref<80xi32, #tpu.memory_space<hbm>>
    %dma_start3A_5 = tpu.memref_slice %arg4[%add3A_4] : memref<12800xi32, #tpu.memory_space<hbm>> -> memref<80xi32, #tpu.memory_space<hbm>>
    tpu.enqueue_dma source(%dma_start3A_5 : memref<80xi32, #tpu.memory_space<hbm>>) target(%arg7 : memref<80xi32, #tpu.memory_space<vmem>>) target_semaphore(%arg15 : memref<!tpu.dma_semaphore, #tpu.memory_space<semaphore_mem>>)
    %dma_start3A_6 = tpu.memref_slice %arg5[%add3A_4] : memref<12800xi32, #tpu.memory_space<hbm>> -> memref<80xi32, #tpu.memory_space<hbm>>
    %dma_start3A_7 = tpu.memref_slice %arg5[%add3A_4] : memref<12800xi32, #tpu.memory_space<hbm>> -> memref<80xi32, #tpu.memory_space<hbm>>
    tpu.enqueue_dma source(%dma_start3A_7 : memref<80xi32, #tpu.memory_space<hbm>>) target(%arg9 : memref<80xi32, #tpu.memory_space<vmem>>) target_semaphore(%arg17 : memref<!tpu.dma_semaphore, #tpu.memory_space<semaphore_mem>>)
    %add3A_8 = arith.constant 80 : i32
    %add3A_9 = arith.addi %mul3A_2, %add3A_8 : i32
    %dma_start3A_10 = tpu.memref_slice %arg4[%add3A_9] : memref<12800xi32, #tpu.memory_space<hbm>> -> memref<80xi32, #tpu.memory_space<hbm>>
    %dma_start3A_11 = tpu.memref_slice %arg4[%add3A_9] : memref<12800xi32, #tpu.memory_space<hbm>> -> memref<80xi32, #tpu.memory_space<hbm>>
    tpu.enqueue_dma source(%dma_start3A_11 : memref<80xi32, #tpu.memory_space<hbm>>) target(%arg8 : memref<80xi32, #tpu.memory_space<vmem>>) target_semaphore(%arg16 : memref<!tpu.dma_semaphore, #tpu.memory_space<semaphore_mem>>)
    %dma_start3A_12 = tpu.memref_slice %arg5[%add3A_9] : memref<12800xi32, #tpu.memory_space<hbm>> -> memref<80xi32, #tpu.memory_space<hbm>>
    %dma_start3A_13 = tpu.memref_slice %arg5[%add3A_9] : memref<12800xi32, #tpu.memory_space<hbm>> -> memref<80xi32, #tpu.memory_space<hbm>>
    tpu.enqueue_dma source(%dma_start3A_13 : memref<80xi32, #tpu.memory_space<hbm>>) target(%arg10 : memref<80xi32, #tpu.memory_space<vmem>>) target_semaphore(%arg18 : memref<!tpu.dma_semaphore, #tpu.memory_space<semaphore_mem>>)
    %add3A_14 = arith.constant 0 : i32
    %add3A_15 = arith.addi %mul3A_2, %add3A_14 : i32
    %dma_wait3A = tpu.memref_slice %arg4[%add3A_15] : memref<12800xi32, #tpu.memory_space<hbm>> -> memref<80xi32, #tpu.memory_space<hbm>>
    %dma_wait3A_16 = tpu.memref_slice %arg4[%add3A_15] : memref<12800xi32, #tpu.memory_space<hbm>> -> memref<80xi32, #tpu.memory_space<hbm>>
    tpu.wait_dma2 semaphore(%arg15 : memref<!tpu.dma_semaphore, #tpu.memory_space<semaphore_mem>>) src(%dma_wait3A_16 : memref<80xi32, #tpu.memory_space<hbm>>) dst(%arg7 : memref<80xi32, #tpu.memory_space<vmem>>)
    %dma_wait3A_17 = tpu.memref_slice %arg5[%add3A_15] : memref<12800xi32, #tpu.memory_space<hbm>> -> memref<80xi32, #tpu.memory_space<hbm>>
    %dma_wait3A_18 = tpu.memref_slice %arg5[%add3A_15] : memref<12800xi32, #tpu.memory_space<hbm>> -> memref<80xi32, #tpu.memory_space<hbm>>
    tpu.wait_dma2 semaphore(%arg17 : memref<!tpu.dma_semaphore, #tpu.memory_space<semaphore_mem>>) src(%dma_wait3A_18 : memref<80xi32, #tpu.memory_space<hbm>>) dst(%arg9 : memref<80xi32, #tpu.memory_space<vmem>>)
    %dma_start3A_19 = arith.constant 0 : i32
    %dma_start3A_20 = arith.constant 0 : i32
    %dma_start3A_21 = tpu.memref_slice %arg2[%dma_start3A_19, %dma_start3A_20] : memref<10000x128xf32, #tpu.memory_space<hbm>> -> memref<10000x128xf32, #tpu.memory_space<hbm>>
    tpu.enqueue_indirect_dma source(%dma_start3A_21 : memref<10000x128xf32, #tpu.memory_space<hbm>>) target(%arg11 : memref<80x128xf32, #tpu.memory_space<vmem>>) offsets(%arg7 : memref<80xi32, #tpu.memory_space<vmem>>) semaphore(%arg19 : memref<!tpu.dma_semaphore, #tpu.memory_space<semaphore_mem>>)
    %dma_start3A_22 = arith.constant 0 : i32
    %dma_start3A_23 = arith.constant 0 : i32
    %dma_start3A_24 = tpu.memref_slice %arg3[%dma_start3A_22, %dma_start3A_23] : memref<10000x128xf32, #tpu.memory_space<hbm>> -> memref<10000x128xf32, #tpu.memory_space<hbm>>
    tpu.enqueue_indirect_dma source(%dma_start3A_24 : memref<10000x128xf32, #tpu.memory_space<hbm>>) target(%arg13 : memref<80x128xf32, #tpu.memory_space<vmem>>) offsets(%arg9 : memref<80xi32, #tpu.memory_space<vmem>>) semaphore(%arg21 : memref<!tpu.dma_semaphore, #tpu.memory_space<semaphore_mem>>)
    %scan3A = arith.constant 0 : i32
    %scan3A_25 = arith.constant 0 : i32
    %scan3A_26 = arith.constant 3 : i32
    %scan3A_27 = arith.addi %scan3A_25, %scan3A_26 : i32
    %scan3A_28 = arith.constant 1 : i32
    scf.for %scan3A_36 = %scan3A_25 to %scan3A_27 step %scan3A_28  : i32 {
      %mul3A_37 = arith.constant 2 : i32
      %mul3A_38 = arith.muli %mul3A_37, %scan3A_36 : i32
      %add3A_39 = arith.constant 0 : i32
      %add3A_40 = arith.addi %mul3A_38, %add3A_39 : i32
      %lt3A = arith.constant 5 : i32
      %lt3A_41 = arith.cmpi slt, %add3A_40, %lt3A : i32
      %convert_element_type3A = arith.extui %lt3A_41 : i1 to i32
      %cond3A = arith.constant 0 : i32
      %cond3A_42 = arith.cmpi ne, %convert_element_type3A, %cond3A : i32
      scf.if %cond3A_42 {
        %dma_wait3A_52 = arith.constant 0 : i32
        %dma_wait3A_53 = arith.constant 0 : i32
        %dma_wait3A_54 = tpu.memref_slice %arg2[%dma_wait3A_52, %dma_wait3A_53] : memref<10000x128xf32, #tpu.memory_space<hbm>> -> memref<10000x128xf32, #tpu.memory_space<hbm>>
        tpu.wait_indirect_dma semaphore(%arg19 : memref<!tpu.dma_semaphore, #tpu.memory_space<semaphore_mem>>) src(%dma_wait3A_54 : memref<10000x128xf32, #tpu.memory_space<hbm>>) dst(%arg11 : memref<80x128xf32, #tpu.memory_space<vmem>>)
        %dma_wait3A_55 = arith.constant 0 : i32
        %dma_wait3A_56 = arith.constant 0 : i32
        %dma_wait3A_57 = tpu.memref_slice %arg3[%dma_wait3A_55, %dma_wait3A_56] : memref<10000x128xf32, #tpu.memory_space<hbm>> -> memref<10000x128xf32, #tpu.memory_space<hbm>>
        tpu.wait_indirect_dma semaphore(%arg21 : memref<!tpu.dma_semaphore, #tpu.memory_space<semaphore_mem>>) src(%dma_wait3A_57 : memref<10000x128xf32, #tpu.memory_space<hbm>>) dst(%arg13 : memref<80x128xf32, #tpu.memory_space<vmem>>)
        %add3A_58 = arith.constant 2 : i32
        %add3A_59 = arith.addi %add3A_40, %add3A_58 : i32
        %lt3A_60 = arith.constant 5 : i32
        %lt3A_61 = arith.cmpi slt, %add3A_59, %lt3A_60 : i32
        %convert_element_type3A_62 = arith.extui %lt3A_61 : i1 to i32
        %cond3A_63 = arith.constant 0 : i32
        %cond3A_64 = arith.cmpi ne, %convert_element_type3A_62, %cond3A_63 : i32
        scf.if %cond3A_64 {
          %add3A_89 = arith.constant 2 : i32
          %add3A_90 = arith.addi %add3A_40, %add3A_89 : i32
          %mul3A_91 = arith.constant 80 : i32
          %mul3A_92 = arith.muli %add3A_90, %mul3A_91 : i32
          %add3A_93 = arith.addi %mul3A_2, %mul3A_92 : i32
          %dma_start3A_94 = tpu.memref_slice %arg4[%add3A_93] : memref<12800xi32, #tpu.memory_space<hbm>> -> memref<80xi32, #tpu.memory_space<hbm>>
          %dma_start3A_95 = tpu.memref_slice %arg4[%add3A_93] : memref<12800xi32, #tpu.memory_space<hbm>> -> memref<80xi32, #tpu.memory_space<hbm>>
          tpu.enqueue_dma source(%dma_start3A_95 : memref<80xi32, #tpu.memory_space<hbm>>) target(%arg7 : memref<80xi32, #tpu.memory_space<vmem>>) target_semaphore(%arg15 : memref<!tpu.dma_semaphore, #tpu.memory_space<semaphore_mem>>)
          %dma_start3A_96 = tpu.memref_slice %arg5[%add3A_93] : memref<12800xi32, #tpu.memory_space<hbm>> -> memref<80xi32, #tpu.memory_space<hbm>>
          %dma_start3A_97 = tpu.memref_slice %arg5[%add3A_93] : memref<12800xi32, #tpu.memory_space<hbm>> -> memref<80xi32, #tpu.memory_space<hbm>>
          tpu.enqueue_dma source(%dma_start3A_97 : memref<80xi32, #tpu.memory_space<hbm>>) target(%arg9 : memref<80xi32, #tpu.memory_space<vmem>>) target_semaphore(%arg17 : memref<!tpu.dma_semaphore, #tpu.memory_space<semaphore_mem>>)
        } else {
        }
        %ge3A = arith.constant 1 : i32
        %ge3A_65 = arith.cmpi sge, %add3A_40, %ge3A : i32
        %convert_element_type3A_66 = arith.extui %ge3A_65 : i1 to i32
        %cond3A_67 = arith.constant 0 : i32
        %cond3A_68 = arith.cmpi ne, %convert_element_type3A_66, %cond3A_67 : i32
        scf.if %cond3A_68 {
          %sub3A = arith.constant 1 : i32
          %sub3A_89 = arith.subi %add3A_40, %sub3A : i32
          %mul3A_90 = arith.constant 80 : i32
          %mul3A_91 = arith.muli %sub3A_89, %mul3A_90 : i32
          %add3A_92 = arith.addi %mul3A_2, %mul3A_91 : i32
          %dma_wait3A_93 = arith.constant 0 : i32
          %dma_wait3A_94 = tpu.memref_slice %arg6[%add3A_92, %dma_wait3A_93] : memref<12800x128xf32, #tpu.memory_space<hbm>> -> memref<80x128xf32, #tpu.memory_space<hbm>>
          %dma_wait3A_95 = arith.constant 0 : i32
          %dma_wait3A_96 = tpu.memref_slice %arg6[%add3A_92, %dma_wait3A_95] : memref<12800x128xf32, #tpu.memory_space<hbm>> -> memref<80x128xf32, #tpu.memory_space<hbm>>
          tpu.wait_dma2 semaphore(%arg24 : memref<!tpu.dma_semaphore, #tpu.memory_space<semaphore_mem>>) src(%arg12 : memref<80x128xf32, #tpu.memory_space<vmem>>) dst(%dma_wait3A_96 : memref<80x128xf32, #tpu.memory_space<hbm>>)
        } else {
        }
        %add3A_69 = arith.constant 1 : i32
        %add3A_70 = arith.addi %add3A_40, %add3A_69 : i32
        %lt3A_71 = arith.constant 5 : i32
        %lt3A_72 = arith.cmpi slt, %add3A_70, %lt3A_71 : i32
        %convert_element_type3A_73 = arith.extui %lt3A_72 : i1 to i32
        %cond3A_74 = arith.constant 0 : i32
        %cond3A_75 = arith.cmpi ne, %convert_element_type3A_73, %cond3A_74 : i32
        scf.if %cond3A_75 {
          %add3A_89 = arith.constant 1 : i32
          %add3A_90 = arith.addi %add3A_40, %add3A_89 : i32
          %mul3A_91 = arith.constant 80 : i32
          %mul3A_92 = arith.muli %add3A_90, %mul3A_91 : i32
          %add3A_93 = arith.addi %mul3A_2, %mul3A_92 : i32
          %dma_wait3A_94 = tpu.memref_slice %arg4[%add3A_93] : memref<12800xi32, #tpu.memory_space<hbm>> -> memref<80xi32, #tpu.memory_space<hbm>>
          %dma_wait3A_95 = tpu.memref_slice %arg4[%add3A_93] : memref<12800xi32, #tpu.memory_space<hbm>> -> memref<80xi32, #tpu.memory_space<hbm>>
          tpu.wait_dma2 semaphore(%arg16 : memref<!tpu.dma_semaphore, #tpu.memory_space<semaphore_mem>>) src(%dma_wait3A_95 : memref<80xi32, #tpu.memory_space<hbm>>) dst(%arg8 : memref<80xi32, #tpu.memory_space<vmem>>)
          %dma_wait3A_96 = tpu.memref_slice %arg5[%add3A_93] : memref<12800xi32, #tpu.memory_space<hbm>> -> memref<80xi32, #tpu.memory_space<hbm>>
          %dma_wait3A_97 = tpu.memref_slice %arg5[%add3A_93] : memref<12800xi32, #tpu.memory_space<hbm>> -> memref<80xi32, #tpu.memory_space<hbm>>
          tpu.wait_dma2 semaphore(%arg18 : memref<!tpu.dma_semaphore, #tpu.memory_space<semaphore_mem>>) src(%dma_wait3A_97 : memref<80xi32, #tpu.memory_space<hbm>>) dst(%arg10 : memref<80xi32, #tpu.memory_space<vmem>>)
          %dma_start3A_98 = arith.constant 0 : i32
          %dma_start3A_99 = arith.constant 0 : i32
          %dma_start3A_100 = tpu.memref_slice %arg2[%dma_start3A_98, %dma_start3A_99] : memref<10000x128xf32, #tpu.memory_space<hbm>> -> memref<10000x128xf32, #tpu.memory_space<hbm>>
          tpu.enqueue_indirect_dma source(%dma_start3A_100 : memref<10000x128xf32, #tpu.memory_space<hbm>>) target(%arg12 : memref<80x128xf32, #tpu.memory_space<vmem>>) offsets(%arg8 : memref<80xi32, #tpu.memory_space<vmem>>) semaphore(%arg20 : memref<!tpu.dma_semaphore, #tpu.memory_space<semaphore_mem>>)
          %dma_start3A_101 = arith.constant 0 : i32
          %dma_start3A_102 = arith.constant 0 : i32
          %dma_start3A_103 = tpu.memref_slice %arg3[%dma_start3A_101, %dma_start3A_102] : memref<10000x128xf32, #tpu.memory_space<hbm>> -> memref<10000x128xf32, #tpu.memory_space<hbm>>
          tpu.enqueue_indirect_dma source(%dma_start3A_103 : memref<10000x128xf32, #tpu.memory_space<hbm>>) target(%arg14 : memref<80x128xf32, #tpu.memory_space<vmem>>) offsets(%arg10 : memref<80xi32, #tpu.memory_space<vmem>>) semaphore(%arg22 : memref<!tpu.dma_semaphore, #tpu.memory_space<semaphore_mem>>)
        } else {
        }
        %scan3A_76 = arith.constant 0 : i32
        %scan3A_77 = arith.constant 0 : i32
        %scan3A_78 = arith.constant 80 : i32
        %scan3A_79 = arith.addi %scan3A_77, %scan3A_78 : i32
        %scan3A_80 = arith.constant 1 : i32
        scf.for %scan3A_89 = %scan3A_77 to %scan3A_79 step %scan3A_80  : i32 {
          %get3A = arith.index_cast %scan3A_89 : i32 to index
          %get3A_90 = arith.constant 0 : index
          %get3A_91 = tpu.vector_load %arg11[%get3A, %get3A_90] {strides = array<i32>} : memref<80x128xf32, #tpu.memory_space<vmem>>, vector<1x16xf32>,
          %get3A_92 = vector.shape_cast %get3A_91 : vector<1x16xf32> to vector<16xf32>
          %get3A_93 = arith.index_cast %scan3A_89 : i32 to index
          %get3A_94 = arith.constant 0 : index
          %get3A_95 = tpu.vector_load %arg13[%get3A_93, %get3A_94] {strides = array<i32>} : memref<80x128xf32, #tpu.memory_space<vmem>>, vector<1x16xf32>,
          %get3A_96 = vector.shape_cast %get3A_95 : vector<1x16xf32> to vector<16xf32>
          %add3A_97 = arith.addf %get3A_92, %get3A_96 : vector<16xf32>
          %swap3A = arith.index_cast %scan3A_89 : i32 to index
          %swap3A_98 = arith.constant 0 : index
          %swap3A_99 = tpu.vector_load %arg11[%swap3A, %swap3A_98] {strides = array<i32>} : memref<80x128xf32, #tpu.memory_space<vmem>>, vector<1x16xf32>,
          %swap3A_100 = vector.shape_cast %swap3A_99 : vector<1x16xf32> to vector<16xf32>
          %swap3A_101 = vector.shape_cast %add3A_97 : vector<16xf32> to vector<1x16xf32>
          tpu.vector_store %arg11[%swap3A, %swap3A_98], %swap3A_101 {strides = array<i32>} : memref<80x128xf32, #tpu.memory_space<vmem>>, vector<1x16xf32>,
          %get3A_102 = arith.index_cast %scan3A_89 : i32 to index
          %get3A_103 = arith.constant 16 : index
          %get3A_104 = tpu.vector_load %arg11[%get3A_102, %get3A_103] {strides = array<i32>} : memref<80x128xf32, #tpu.memory_space<vmem>>, vector<1x16xf32>,
          %get3A_105 = vector.shape_cast %get3A_104 : vector<1x16xf32> to vector<16xf32>
          %get3A_106 = arith.index_cast %scan3A_89 : i32 to index
          %get3A_107 = arith.constant 16 : index
          %get3A_108 = tpu.vector_load %arg13[%get3A_106, %get3A_107] {strides = array<i32>} : memref<80x128xf32, #tpu.memory_space<vmem>>, vector<1x16xf32>,
          %get3A_109 = vector.shape_cast %get3A_108 : vector<1x16xf32> to vector<16xf32>
          %add3A_110 = arith.addf %get3A_105, %get3A_109 : vector<16xf32>
          %swap3A_111 = arith.index_cast %scan3A_89 : i32 to index
          %swap3A_112 = arith.constant 16 : index
          %swap3A_113 = tpu.vector_load %arg11[%swap3A_111, %swap3A_112] {strides = array<i32>} : memref<80x128xf32, #tpu.memory_space<vmem>>, vector<1x16xf32>,
          %swap3A_114 = vector.shape_cast %swap3A_113 : vector<1x16xf32> to vector<16xf32>
          %swap3A_115 = vector.shape_cast %add3A_110 : vector<16xf32> to vector<1x16xf32>
          tpu.vector_store %arg11[%swap3A_111, %swap3A_112], %swap3A_115 {strides = array<i32>} : memref<80x128xf32, #tpu.memory_space<vmem>>, vector<1x16xf32>,
          %get3A_116 = arith.index_cast %scan3A_89 : i32 to index
          %get3A_117 = arith.constant 32 : index
          %get3A_118 = tpu.vector_load %arg11[%get3A_116, %get3A_117] {strides = array<i32>} : memref<80x128xf32, #tpu.memory_space<vmem>>, vector<1x16xf32>,
          %get3A_119 = vector.shape_cast %get3A_118 : vector<1x16xf32> to vector<16xf32>
          %get3A_120 = arith.index_cast %scan3A_89 : i32 to index
          %get3A_121 = arith.constant 32 : index
          %get3A_122 = tpu.vector_load %arg13[%get3A_120, %get3A_121] {strides = array<i32>} : memref<80x128xf32, #tpu.memory_space<vmem>>, vector<1x16xf32>,
          %get3A_123 = vector.shape_cast %get3A_122 : vector<1x16xf32> to vector<16xf32>
          %add3A_124 = arith.addf %get3A_119, %get3A_123 : vector<16xf32>
          %swap3A_125 = arith.index_cast %scan3A_89 : i32 to index
          %swap3A_126 = arith.constant 32 : index
          %swap3A_127 = tpu.vector_load %arg11[%swap3A_125, %swap3A_126] {strides = array<i32>} : memref<80x128xf32, #tpu.memory_space<vmem>>, vector<1x16xf32>,
          %swap3A_128 = vector.shape_cast %swap3A_127 : vector<1x16xf32> to vector<16xf32>
          %swap3A_129 = vector.shape_cast %add3A_124 : vector<16xf32> to vector<1x16xf32>
          tpu.vector_store %arg11[%swap3A_125, %swap3A_126], %swap3A_129 {strides = array<i32>} : memref<80x128xf32, #tpu.memory_space<vmem>>, vector<1x16xf32>,
          %get3A_130 = arith.index_cast %scan3A_89 : i32 to index
          %get3A_131 = arith.constant 48 : index
          %get3A_132 = tpu.vector_load %arg11[%get3A_130, %get3A_131] {strides = array<i32>} : memref<80x128xf32, #tpu.memory_space<vmem>>, vector<1x16xf32>,
          %get3A_133 = vector.shape_cast %get3A_132 : vector<1x16xf32> to vector<16xf32>
          %get3A_134 = arith.index_cast %scan3A_89 : i32 to index
          %get3A_135 = arith.constant 48 : index
          %get3A_136 = tpu.vector_load %arg13[%get3A_134, %get3A_135] {strides = array<i32>} : memref<80x128xf32, #tpu.memory_space<vmem>>, vector<1x16xf32>,
          %get3A_137 = vector.shape_cast %get3A_136 : vector<1x16xf32> to vector<16xf32>
          %add3A_138 = arith.addf %get3A_133, %get3A_137 : vector<16xf32>
          %swap3A_139 = arith.index_cast %scan3A_89 : i32 to index
          %swap3A_140 = arith.constant 48 : index
          %swap3A_141 = tpu.vector_load %arg11[%swap3A_139, %swap3A_140] {strides = array<i32>} : memref<80x128xf32, #tpu.memory_space<vmem>>, vector<1x16xf32>,
          %swap3A_142 = vector.shape_cast %swap3A_141 : vector<1x16xf32> to vector<16xf32>
          %swap3A_143 = vector.shape_cast %add3A_138 : vector<16xf32> to vector<1x16xf32>
          tpu.vector_store %arg11[%swap3A_139, %swap3A_140], %swap3A_143 {strides = array<i32>} : memref<80x128xf32, #tpu.memory_space<vmem>>, vector<1x16xf32>,
          %get3A_144 = arith.index_cast %scan3A_89 : i32 to index
          %get3A_145 = arith.constant 64 : index
          %get3A_146 = tpu.vector_load %arg11[%get3A_144, %get3A_145] {strides = array<i32>} : memref<80x128xf32, #tpu.memory_space<vmem>>, vector<1x16xf32>,
          %get3A_147 = vector.shape_cast %get3A_146 : vector<1x16xf32> to vector<16xf32>
          %get3A_148 = arith.index_cast %scan3A_89 : i32 to index
          %get3A_149 = arith.constant 64 : index
          %get3A_150 = tpu.vector_load %arg13[%get3A_148, %get3A_149] {strides = array<i32>} : memref<80x128xf32, #tpu.memory_space<vmem>>, vector<1x16xf32>,
          %get3A_151 = vector.shape_cast %get3A_150 : vector<1x16xf32> to vector<16xf32>
          %add3A_152 = arith.addf %get3A_147, %get3A_151 : vector<16xf32>
          %swap3A_153 = arith.index_cast %scan3A_89 : i32 to index
          %swap3A_154 = arith.constant 64 : index
          %swap3A_155 = tpu.vector_load %arg11[%swap3A_153, %swap3A_154] {strides = array<i32>} : memref<80x128xf32, #tpu.memory_space<vmem>>, vector<1x16xf32>,
          %swap3A_156 = vector.shape_cast %swap3A_155 : vector<1x16xf32> to vector<16xf32>
          %swap3A_157 = vector.shape_cast %add3A_152 : vector<16xf32> to vector<1x16xf32>
          tpu.vector_store %arg11[%swap3A_153, %swap3A_154], %swap3A_157 {strides = array<i32>} : memref<80x128xf32, #tpu.memory_space<vmem>>, vector<1x16xf32>,
          %get3A_158 = arith.index_cast %scan3A_89 : i32 to index
          %get3A_159 = arith.constant 80 : index
          %get3A_160 = tpu.vector_load %arg11[%get3A_158, %get3A_159] {strides = array<i32>} : memref<80x128xf32, #tpu.memory_space<vmem>>, vector<1x16xf32>,
          %get3A_161 = vector.shape_cast %get3A_160 : vector<1x16xf32> to vector<16xf32>
          %get3A_162 = arith.index_cast %scan3A_89 : i32 to index
          %get3A_163 = arith.constant 80 : index
          %get3A_164 = tpu.vector_load %arg13[%get3A_162, %get3A_163] {strides = array<i32>} : memref<80x128xf32, #tpu.memory_space<vmem>>, vector<1x16xf32>,
          %get3A_165 = vector.shape_cast %get3A_164 : vector<1x16xf32> to vector<16xf32>
          %add3A_166 = arith.addf %get3A_161, %get3A_165 : vector<16xf32>
          %swap3A_167 = arith.index_cast %scan3A_89 : i32 to index
          %swap3A_168 = arith.constant 80 : index
          %swap3A_169 = tpu.vector_load %arg11[%swap3A_167, %swap3A_168] {strides = array<i32>} : memref<80x128xf32, #tpu.memory_space<vmem>>, vector<1x16xf32>,
          %swap3A_170 = vector.shape_cast %swap3A_169 : vector<1x16xf32> to vector<16xf32>
          %swap3A_171 = vector.shape_cast %add3A_166 : vector<16xf32> to vector<1x16xf32>
          tpu.vector_store %arg11[%swap3A_167, %swap3A_168], %swap3A_171 {strides = array<i32>} : memref<80x128xf32, #tpu.memory_space<vmem>>, vector<1x16xf32>,
          %get3A_172 = arith.index_cast %scan3A_89 : i32 to index
          %get3A_173 = arith.constant 96 : index
          %get3A_174 = tpu.vector_load %arg11[%get3A_172, %get3A_173] {strides = array<i32>} : memref<80x128xf32, #tpu.memory_space<vmem>>, vector<1x16xf32>,
          %get3A_175 = vector.shape_cast %get3A_174 : vector<1x16xf32> to vector<16xf32>
          %get3A_176 = arith.index_cast %scan3A_89 : i32 to index
          %get3A_177 = arith.constant 96 : index
          %get3A_178 = tpu.vector_load %arg13[%get3A_176, %get3A_177] {strides = array<i32>} : memref<80x128xf32, #tpu.memory_space<vmem>>, vector<1x16xf32>,
          %get3A_179 = vector.shape_cast %get3A_178 : vector<1x16xf32> to vector<16xf32>
          %add3A_180 = arith.addf %get3A_175, %get3A_179 : vector<16xf32>
          %swap3A_181 = arith.index_cast %scan3A_89 : i32 to index
          %swap3A_182 = arith.constant 96 : index
          %swap3A_183 = tpu.vector_load %arg11[%swap3A_181, %swap3A_182] {strides = array<i32>} : memref<80x128xf32, #tpu.memory_space<vmem>>, vector<1x16xf32>,
          %swap3A_184 = vector.shape_cast %swap3A_183 : vector<1x16xf32> to vector<16xf32>
          %swap3A_185 = vector.shape_cast %add3A_180 : vector<16xf32> to vector<1x16xf32>
          tpu.vector_store %arg11[%swap3A_181, %swap3A_182], %swap3A_185 {strides = array<i32>} : memref<80x128xf32, #tpu.memory_space<vmem>>, vector<1x16xf32>,
          %get3A_186 = arith.index_cast %scan3A_89 : i32 to index
          %get3A_187 = arith.constant 112 : index
          %get3A_188 = tpu.vector_load %arg11[%get3A_186, %get3A_187] {strides = array<i32>} : memref<80x128xf32, #tpu.memory_space<vmem>>, vector<1x16xf32>,
          %get3A_189 = vector.shape_cast %get3A_188 : vector<1x16xf32> to vector<16xf32>
          %get3A_190 = arith.index_cast %scan3A_89 : i32 to index
          %get3A_191 = arith.constant 112 : index
          %get3A_192 = tpu.vector_load %arg13[%get3A_190, %get3A_191] {strides = array<i32>} : memref<80x128xf32, #tpu.memory_space<vmem>>, vector<1x16xf32>,
          %get3A_193 = vector.shape_cast %get3A_192 : vector<1x16xf32> to vector<16xf32>
          %add3A_194 = arith.addf %get3A_189, %get3A_193 : vector<16xf32>
          %swap3A_195 = arith.index_cast %scan3A_89 : i32 to index
          %swap3A_196 = arith.constant 112 : index
          %swap3A_197 = tpu.vector_load %arg11[%swap3A_195, %swap3A_196] {strides = array<i32>} : memref<80x128xf32, #tpu.memory_space<vmem>>, vector<1x16xf32>,
          %swap3A_198 = vector.shape_cast %swap3A_197 : vector<1x16xf32> to vector<16xf32>
          %swap3A_199 = vector.shape_cast %add3A_194 : vector<16xf32> to vector<1x16xf32>
          tpu.vector_store %arg11[%swap3A_195, %swap3A_196], %swap3A_199 {strides = array<i32>} : memref<80x128xf32, #tpu.memory_space<vmem>>, vector<1x16xf32>,
        }
        %scan3A_81 = arith.constant 80 : i32
        %mul3A_82 = arith.constant 80 : i32
        %mul3A_83 = arith.muli %add3A_40, %mul3A_82 : i32
        %add3A_84 = arith.addi %mul3A_2, %mul3A_83 : i32
        %dma_start3A_85 = arith.constant 0 : i32
        %dma_start3A_86 = tpu.memref_slice %arg6[%add3A_84, %dma_start3A_85] : memref<12800x128xf32, #tpu.memory_space<hbm>> -> memref<80x128xf32, #tpu.memory_space<hbm>>
        %dma_start3A_87 = arith.constant 0 : i32
        %dma_start3A_88 = tpu.memref_slice %arg6[%add3A_84, %dma_start3A_87] : memref<12800x128xf32, #tpu.memory_space<hbm>> -> memref<80x128xf32, #tpu.memory_space<hbm>>
        tpu.enqueue_dma source(%arg11 : memref<80x128xf32, #tpu.memory_space<vmem>>) target(%dma_start3A_88 : memref<80x128xf32, #tpu.memory_space<hbm>>) target_semaphore(%arg23 : memref<!tpu.dma_semaphore, #tpu.memory_space<semaphore_mem>>)
      } else {
      }
      %mul3A_43 = arith.constant 2 : i32
      %mul3A_44 = arith.muli %mul3A_43, %scan3A_36 : i32
      %add3A_45 = arith.constant 1 : i32
      %add3A_46 = arith.addi %mul3A_44, %add3A_45 : i32
      %lt3A_47 = arith.constant 5 : i32
      %lt3A_48 = arith.cmpi slt, %add3A_46, %lt3A_47 : i32
      %convert_element_type3A_49 = arith.extui %lt3A_48 : i1 to i32
      %cond3A_50 = arith.constant 0 : i32
      %cond3A_51 = arith.cmpi ne, %convert_element_type3A_49, %cond3A_50 : i32
      scf.if %cond3A_51 {
        %dma_wait3A_52 = arith.constant 0 : i32
        %dma_wait3A_53 = arith.constant 0 : i32
        %dma_wait3A_54 = tpu.memref_slice %arg2[%dma_wait3A_52, %dma_wait3A_53] : memref<10000x128xf32, #tpu.memory_space<hbm>> -> memref<10000x128xf32, #tpu.memory_space<hbm>>
        tpu.wait_indirect_dma semaphore(%arg20 : memref<!tpu.dma_semaphore, #tpu.memory_space<semaphore_mem>>) src(%dma_wait3A_54 : memref<10000x128xf32, #tpu.memory_space<hbm>>) dst(%arg12 : memref<80x128xf32, #tpu.memory_space<vmem>>)
        %dma_wait3A_55 = arith.constant 0 : i32
        %dma_wait3A_56 = arith.constant 0 : i32
        %dma_wait3A_57 = tpu.memref_slice %arg3[%dma_wait3A_55, %dma_wait3A_56] : memref<10000x128xf32, #tpu.memory_space<hbm>> -> memref<10000x128xf32, #tpu.memory_space<hbm>>
        tpu.wait_indirect_dma semaphore(%arg22 : memref<!tpu.dma_semaphore, #tpu.memory_space<semaphore_mem>>) src(%dma_wait3A_57 : memref<10000x128xf32, #tpu.memory_space<hbm>>) dst(%arg14 : memref<80x128xf32, #tpu.memory_space<vmem>>)
        %add3A_58 = arith.constant 2 : i32
        %add3A_59 = arith.addi %add3A_46, %add3A_58 : i32
        %lt3A_60 = arith.constant 5 : i32
        %lt3A_61 = arith.cmpi slt, %add3A_59, %lt3A_60 : i32
        %convert_element_type3A_62 = arith.extui %lt3A_61 : i1 to i32
        %cond3A_63 = arith.constant 0 : i32
        %cond3A_64 = arith.cmpi ne, %convert_element_type3A_62, %cond3A_63 : i32
        scf.if %cond3A_64 {
          %add3A_89 = arith.constant 2 : i32
          %add3A_90 = arith.addi %add3A_46, %add3A_89 : i32
          %mul3A_91 = arith.constant 80 : i32
          %mul3A_92 = arith.muli %add3A_90, %mul3A_91 : i32
          %add3A_93 = arith.addi %mul3A_2, %mul3A_92 : i32
          %dma_start3A_94 = tpu.memref_slice %arg4[%add3A_93] : memref<12800xi32, #tpu.memory_space<hbm>> -> memref<80xi32, #tpu.memory_space<hbm>>
          %dma_start3A_95 = tpu.memref_slice %arg4[%add3A_93] : memref<12800xi32, #tpu.memory_space<hbm>> -> memref<80xi32, #tpu.memory_space<hbm>>
          tpu.enqueue_dma source(%dma_start3A_95 : memref<80xi32, #tpu.memory_space<hbm>>) target(%arg8 : memref<80xi32, #tpu.memory_space<vmem>>) target_semaphore(%arg16 : memref<!tpu.dma_semaphore, #tpu.memory_space<semaphore_mem>>)
          %dma_start3A_96 = tpu.memref_slice %arg5[%add3A_93] : memref<12800xi32, #tpu.memory_space<hbm>> -> memref<80xi32, #tpu.memory_space<hbm>>
          %dma_start3A_97 = tpu.memref_slice %arg5[%add3A_93] : memref<12800xi32, #tpu.memory_space<hbm>> -> memref<80xi32, #tpu.memory_space<hbm>>
          tpu.enqueue_dma source(%dma_start3A_97 : memref<80xi32, #tpu.memory_space<hbm>>) target(%arg10 : memref<80xi32, #tpu.memory_space<vmem>>) target_semaphore(%arg18 : memref<!tpu.dma_semaphore, #tpu.memory_space<semaphore_mem>>)
        } else {
        }
        %ge3A = arith.constant 1 : i32
        %ge3A_65 = arith.cmpi sge, %add3A_46, %ge3A : i32
        %convert_element_type3A_66 = arith.extui %ge3A_65 : i1 to i32
        %cond3A_67 = arith.constant 0 : i32
        %cond3A_68 = arith.cmpi ne, %convert_element_type3A_66, %cond3A_67 : i32
        scf.if %cond3A_68 {
          %sub3A = arith.constant 1 : i32
          %sub3A_89 = arith.subi %add3A_46, %sub3A : i32
          %mul3A_90 = arith.constant 80 : i32
          %mul3A_91 = arith.muli %sub3A_89, %mul3A_90 : i32
          %add3A_92 = arith.addi %mul3A_2, %mul3A_91 : i32
          %dma_wait3A_93 = arith.constant 0 : i32
          %dma_wait3A_94 = tpu.memref_slice %arg6[%add3A_92, %dma_wait3A_93] : memref<12800x128xf32, #tpu.memory_space<hbm>> -> memref<80x128xf32, #tpu.memory_space<hbm>>
          %dma_wait3A_95 = arith.constant 0 : i32
          %dma_wait3A_96 = tpu.memref_slice %arg6[%add3A_92, %dma_wait3A_95] : memref<12800x128xf32, #tpu.memory_space<hbm>> -> memref<80x128xf32, #tpu.memory_space<hbm>>
          tpu.wait_dma2 semaphore(%arg23 : memref<!tpu.dma_semaphore, #tpu.memory_space<semaphore_mem>>) src(%arg11 : memref<80x128xf32, #tpu.memory_space<vmem>>) dst(%dma_wait3A_96 : memref<80x128xf32, #tpu.memory_space<hbm>>)
        } else {
        }
        %add3A_69 = arith.constant 1 : i32
        %add3A_70 = arith.addi %add3A_46, %add3A_69 : i32
        %lt3A_71 = arith.constant 5 : i32
        %lt3A_72 = arith.cmpi slt, %add3A_70, %lt3A_71 : i32
        %convert_element_type3A_73 = arith.extui %lt3A_72 : i1 to i32
        %cond3A_74 = arith.constant 0 : i32
        %cond3A_75 = arith.cmpi ne, %convert_element_type3A_73, %cond3A_74 : i32
        scf.if %cond3A_75 {
          %add3A_89 = arith.constant 1 : i32
          %add3A_90 = arith.addi %add3A_46, %add3A_89 : i32
          %mul3A_91 = arith.constant 80 : i32
          %mul3A_92 = arith.muli %add3A_90, %mul3A_91 : i32
          %add3A_93 = arith.addi %mul3A_2, %mul3A_92 : i32
          %dma_wait3A_94 = tpu.memref_slice %arg4[%add3A_93] : memref<12800xi32, #tpu.memory_space<hbm>> -> memref<80xi32, #tpu.memory_space<hbm>>
          %dma_wait3A_95 = tpu.memref_slice %arg4[%add3A_93] : memref<12800xi32, #tpu.memory_space<hbm>> -> memref<80xi32, #tpu.memory_space<hbm>>
          tpu.wait_dma2 semaphore(%arg15 : memref<!tpu.dma_semaphore, #tpu.memory_space<semaphore_mem>>) src(%dma_wait3A_95 : memref<80xi32, #tpu.memory_space<hbm>>) dst(%arg7 : memref<80xi32, #tpu.memory_space<vmem>>)
          %dma_wait3A_96 = tpu.memref_slice %arg5[%add3A_93] : memref<12800xi32, #tpu.memory_space<hbm>> -> memref<80xi32, #tpu.memory_space<hbm>>
          %dma_wait3A_97 = tpu.memref_slice %arg5[%add3A_93] : memref<12800xi32, #tpu.memory_space<hbm>> -> memref<80xi32, #tpu.memory_space<hbm>>
          tpu.wait_dma2 semaphore(%arg17 : memref<!tpu.dma_semaphore, #tpu.memory_space<semaphore_mem>>) src(%dma_wait3A_97 : memref<80xi32, #tpu.memory_space<hbm>>) dst(%arg9 : memref<80xi32, #tpu.memory_space<vmem>>)
          %dma_start3A_98 = arith.constant 0 : i32
          %dma_start3A_99 = arith.constant 0 : i32
          %dma_start3A_100 = tpu.memref_slice %arg2[%dma_start3A_98, %dma_start3A_99] : memref<10000x128xf32, #tpu.memory_space<hbm>> -> memref<10000x128xf32, #tpu.memory_space<hbm>>
          tpu.enqueue_indirect_dma source(%dma_start3A_100 : memref<10000x128xf32, #tpu.memory_space<hbm>>) target(%arg11 : memref<80x128xf32, #tpu.memory_space<vmem>>) offsets(%arg7 : memref<80xi32, #tpu.memory_space<vmem>>) semaphore(%arg19 : memref<!tpu.dma_semaphore, #tpu.memory_space<semaphore_mem>>)
          %dma_start3A_101 = arith.constant 0 : i32
          %dma_start3A_102 = arith.constant 0 : i32
          %dma_start3A_103 = tpu.memref_slice %arg3[%dma_start3A_101, %dma_start3A_102] : memref<10000x128xf32, #tpu.memory_space<hbm>> -> memref<10000x128xf32, #tpu.memory_space<hbm>>
          tpu.enqueue_indirect_dma source(%dma_start3A_103 : memref<10000x128xf32, #tpu.memory_space<hbm>>) target(%arg13 : memref<80x128xf32, #tpu.memory_space<vmem>>) offsets(%arg9 : memref<80xi32, #tpu.memory_space<vmem>>) semaphore(%arg21 : memref<!tpu.dma_semaphore, #tpu.memory_space<semaphore_mem>>)
        } else {
        }
        %scan3A_76 = arith.constant 0 : i32
        %scan3A_77 = arith.constant 0 : i32
        %scan3A_78 = arith.constant 80 : i32
        %scan3A_79 = arith.addi %scan3A_77, %scan3A_78 : i32
        %scan3A_80 = arith.constant 1 : i32
        scf.for %scan3A_89 = %scan3A_77 to %scan3A_79 step %scan3A_80  : i32 {
          %get3A = arith.index_cast %scan3A_89 : i32 to index
          %get3A_90 = arith.constant 0 : index
          %get3A_91 = tpu.vector_load %arg12[%get3A, %get3A_90] {strides = array<i32>} : memref<80x128xf32, #tpu.memory_space<vmem>>, vector<1x16xf32>,
          %get3A_92 = vector.shape_cast %get3A_91 : vector<1x16xf32> to vector<16xf32>
          %get3A_93 = arith.index_cast %scan3A_89 : i32 to index
          %get3A_94 = arith.constant 0 : index
          %get3A_95 = tpu.vector_load %arg14[%get3A_93, %get3A_94] {strides = array<i32>} : memref<80x128xf32, #tpu.memory_space<vmem>>, vector<1x16xf32>,
          %get3A_96 = vector.shape_cast %get3A_95 : vector<1x16xf32> to vector<16xf32>
          %add3A_97 = arith.addf %get3A_92, %get3A_96 : vector<16xf32>
          %swap3A = arith.index_cast %scan3A_89 : i32 to index
          %swap3A_98 = arith.constant 0 : index
          %swap3A_99 = tpu.vector_load %arg12[%swap3A, %swap3A_98] {strides = array<i32>} : memref<80x128xf32, #tpu.memory_space<vmem>>, vector<1x16xf32>,
          %swap3A_100 = vector.shape_cast %swap3A_99 : vector<1x16xf32> to vector<16xf32>
          %swap3A_101 = vector.shape_cast %add3A_97 : vector<16xf32> to vector<1x16xf32>
          tpu.vector_store %arg12[%swap3A, %swap3A_98], %swap3A_101 {strides = array<i32>} : memref<80x128xf32, #tpu.memory_space<vmem>>, vector<1x16xf32>,
          %get3A_102 = arith.index_cast %scan3A_89 : i32 to index
          %get3A_103 = arith.constant 16 : index
          %get3A_104 = tpu.vector_load %arg12[%get3A_102, %get3A_103] {strides = array<i32>} : memref<80x128xf32, #tpu.memory_space<vmem>>, vector<1x16xf32>,
          %get3A_105 = vector.shape_cast %get3A_104 : vector<1x16xf32> to vector<16xf32>
          %get3A_106 = arith.index_cast %scan3A_89 : i32 to index
          %get3A_107 = arith.constant 16 : index
          %get3A_108 = tpu.vector_load %arg14[%get3A_106, %get3A_107] {strides = array<i32>} : memref<80x128xf32, #tpu.memory_space<vmem>>, vector<1x16xf32>,
          %get3A_109 = vector.shape_cast %get3A_108 : vector<1x16xf32> to vector<16xf32>
          %add3A_110 = arith.addf %get3A_105, %get3A_109 : vector<16xf32>
          %swap3A_111 = arith.index_cast %scan3A_89 : i32 to index
          %swap3A_112 = arith.constant 16 : index
          %swap3A_113 = tpu.vector_load %arg12[%swap3A_111, %swap3A_112] {strides = array<i32>} : memref<80x128xf32, #tpu.memory_space<vmem>>, vector<1x16xf32>,
          %swap3A_114 = vector.shape_cast %swap3A_113 : vector<1x16xf32> to vector<16xf32>
          %swap3A_115 = vector.shape_cast %add3A_110 : vector<16xf32> to vector<1x16xf32>
          tpu.vector_store %arg12[%swap3A_111, %swap3A_112], %swap3A_115 {strides = array<i32>} : memref<80x128xf32, #tpu.memory_space<vmem>>, vector<1x16xf32>,
          %get3A_116 = arith.index_cast %scan3A_89 : i32 to index
          %get3A_117 = arith.constant 32 : index
          %get3A_118 = tpu.vector_load %arg12[%get3A_116, %get3A_117] {strides = array<i32>} : memref<80x128xf32, #tpu.memory_space<vmem>>, vector<1x16xf32>,
          %get3A_119 = vector.shape_cast %get3A_118 : vector<1x16xf32> to vector<16xf32>
          %get3A_120 = arith.index_cast %scan3A_89 : i32 to index
          %get3A_121 = arith.constant 32 : index
          %get3A_122 = tpu.vector_load %arg14[%get3A_120, %get3A_121] {strides = array<i32>} : memref<80x128xf32, #tpu.memory_space<vmem>>, vector<1x16xf32>,
          %get3A_123 = vector.shape_cast %get3A_122 : vector<1x16xf32> to vector<16xf32>
          %add3A_124 = arith.addf %get3A_119, %get3A_123 : vector<16xf32>
          %swap3A_125 = arith.index_cast %scan3A_89 : i32 to index
          %swap3A_126 = arith.constant 32 : index
          %swap3A_127 = tpu.vector_load %arg12[%swap3A_125, %swap3A_126] {strides = array<i32>} : memref<80x128xf32, #tpu.memory_space<vmem>>, vector<1x16xf32>,
          %swap3A_128 = vector.shape_cast %swap3A_127 : vector<1x16xf32> to vector<16xf32>
          %swap3A_129 = vector.shape_cast %add3A_124 : vector<16xf32> to vector<1x16xf32>
          tpu.vector_store %arg12[%swap3A_125, %swap3A_126], %swap3A_129 {strides = array<i32>} : memref<80x128xf32, #tpu.memory_space<vmem>>, vector<1x16xf32>,
          %get3A_130 = arith.index_cast %scan3A_89 : i32 to index
          %get3A_131 = arith.constant 48 : index
          %get3A_132 = tpu.vector_load %arg12[%get3A_130, %get3A_131] {strides = array<i32>} : memref<80x128xf32, #tpu.memory_space<vmem>>, vector<1x16xf32>,
          %get3A_133 = vector.shape_cast %get3A_132 : vector<1x16xf32> to vector<16xf32>
          %get3A_134 = arith.index_cast %scan3A_89 : i32 to index
          %get3A_135 = arith.constant 48 : index
          %get3A_136 = tpu.vector_load %arg14[%get3A_134, %get3A_135] {strides = array<i32>} : memref<80x128xf32, #tpu.memory_space<vmem>>, vector<1x16xf32>,
          %get3A_137 = vector.shape_cast %get3A_136 : vector<1x16xf32> to vector<16xf32>
          %add3A_138 = arith.addf %get3A_133, %get3A_137 : vector<16xf32>
          %swap3A_139 = arith.index_cast %scan3A_89 : i32 to index
          %swap3A_140 = arith.constant 48 : index
          %swap3A_141 = tpu.vector_load %arg12[%swap3A_139, %swap3A_140] {strides = array<i32>} : memref<80x128xf32, #tpu.memory_space<vmem>>, vector<1x16xf32>,
          %swap3A_142 = vector.shape_cast %swap3A_141 : vector<1x16xf32> to vector<16xf32>
          %swap3A_143 = vector.shape_cast %add3A_138 : vector<16xf32> to vector<1x16xf32>
          tpu.vector_store %arg12[%swap3A_139, %swap3A_140], %swap3A_143 {strides = array<i32>} : memref<80x128xf32, #tpu.memory_space<vmem>>, vector<1x16xf32>,
          %get3A_144 = arith.index_cast %scan3A_89 : i32 to index
          %get3A_145 = arith.constant 64 : index
          %get3A_146 = tpu.vector_load %arg12[%get3A_144, %get3A_145] {strides = array<i32>} : memref<80x128xf32, #tpu.memory_space<vmem>>, vector<1x16xf32>,
          %get3A_147 = vector.shape_cast %get3A_146 : vector<1x16xf32> to vector<16xf32>
          %get3A_148 = arith.index_cast %scan3A_89 : i32 to index
          %get3A_149 = arith.constant 64 : index
          %get3A_150 = tpu.vector_load %arg14[%get3A_148, %get3A_149] {strides = array<i32>} : memref<80x128xf32, #tpu.memory_space<vmem>>, vector<1x16xf32>,
          %get3A_151 = vector.shape_cast %get3A_150 : vector<1x16xf32> to vector<16xf32>
          %add3A_152 = arith.addf %get3A_147, %get3A_151 : vector<16xf32>
          %swap3A_153 = arith.index_cast %scan3A_89 : i32 to index
          %swap3A_154 = arith.constant 64 : index
          %swap3A_155 = tpu.vector_load %arg12[%swap3A_153, %swap3A_154] {strides = array<i32>} : memref<80x128xf32, #tpu.memory_space<vmem>>, vector<1x16xf32>,
          %swap3A_156 = vector.shape_cast %swap3A_155 : vector<1x16xf32> to vector<16xf32>
          %swap3A_157 = vector.shape_cast %add3A_152 : vector<16xf32> to vector<1x16xf32>
          tpu.vector_store %arg12[%swap3A_153, %swap3A_154], %swap3A_157 {strides = array<i32>} : memref<80x128xf32, #tpu.memory_space<vmem>>, vector<1x16xf32>,
          %get3A_158 = arith.index_cast %scan3A_89 : i32 to index
          %get3A_159 = arith.constant 80 : index
          %get3A_160 = tpu.vector_load %arg12[%get3A_158, %get3A_159] {strides = array<i32>} : memref<80x128xf32, #tpu.memory_space<vmem>>, vector<1x16xf32>,
          %get3A_161 = vector.shape_cast %get3A_160 : vector<1x16xf32> to vector<16xf32>
          %get3A_162 = arith.index_cast %scan3A_89 : i32 to index
          %get3A_163 = arith.constant 80 : index
          %get3A_164 = tpu.vector_load %arg14[%get3A_162, %get3A_163] {strides = array<i32>} : memref<80x128xf32, #tpu.memory_space<vmem>>, vector<1x16xf32>,
          %get3A_165 = vector.shape_cast %get3A_164 : vector<1x16xf32> to vector<16xf32>
          %add3A_166 = arith.addf %get3A_161, %get3A_165 : vector<16xf32>
          %swap3A_167 = arith.index_cast %scan3A_89 : i32 to index
          %swap3A_168 = arith.constant 80 : index
          %swap3A_169 = tpu.vector_load %arg12[%swap3A_167, %swap3A_168] {strides = array<i32>} : memref<80x128xf32, #tpu.memory_space<vmem>>, vector<1x16xf32>,
          %swap3A_170 = vector.shape_cast %swap3A_169 : vector<1x16xf32> to vector<16xf32>
          %swap3A_171 = vector.shape_cast %add3A_166 : vector<16xf32> to vector<1x16xf32>
          tpu.vector_store %arg12[%swap3A_167, %swap3A_168], %swap3A_171 {strides = array<i32>} : memref<80x128xf32, #tpu.memory_space<vmem>>, vector<1x16xf32>,
          %get3A_172 = arith.index_cast %scan3A_89 : i32 to index
          %get3A_173 = arith.constant 96 : index
          %get3A_174 = tpu.vector_load %arg12[%get3A_172, %get3A_173] {strides = array<i32>} : memref<80x128xf32, #tpu.memory_space<vmem>>, vector<1x16xf32>,
          %get3A_175 = vector.shape_cast %get3A_174 : vector<1x16xf32> to vector<16xf32>
          %get3A_176 = arith.index_cast %scan3A_89 : i32 to index
          %get3A_177 = arith.constant 96 : index
          %get3A_178 = tpu.vector_load %arg14[%get3A_176, %get3A_177] {strides = array<i32>} : memref<80x128xf32, #tpu.memory_space<vmem>>, vector<1x16xf32>,
          %get3A_179 = vector.shape_cast %get3A_178 : vector<1x16xf32> to vector<16xf32>
          %add3A_180 = arith.addf %get3A_175, %get3A_179 : vector<16xf32>
          %swap3A_181 = arith.index_cast %scan3A_89 : i32 to index
          %swap3A_182 = arith.constant 96 : index
          %swap3A_183 = tpu.vector_load %arg12[%swap3A_181, %swap3A_182] {strides = array<i32>} : memref<80x128xf32, #tpu.memory_space<vmem>>, vector<1x16xf32>,
          %swap3A_184 = vector.shape_cast %swap3A_183 : vector<1x16xf32> to vector<16xf32>
          %swap3A_185 = vector.shape_cast %add3A_180 : vector<16xf32> to vector<1x16xf32>
          tpu.vector_store %arg12[%swap3A_181, %swap3A_182], %swap3A_185 {strides = array<i32>} : memref<80x128xf32, #tpu.memory_space<vmem>>, vector<1x16xf32>,
          %get3A_186 = arith.index_cast %scan3A_89 : i32 to index
          %get3A_187 = arith.constant 112 : index
          %get3A_188 = tpu.vector_load %arg12[%get3A_186, %get3A_187] {strides = array<i32>} : memref<80x128xf32, #tpu.memory_space<vmem>>, vector<1x16xf32>,
          %get3A_189 = vector.shape_cast %get3A_188 : vector<1x16xf32> to vector<16xf32>
          %get3A_190 = arith.index_cast %scan3A_89 : i32 to index
          %get3A_191 = arith.constant 112 : index
          %get3A_192 = tpu.vector_load %arg14[%get3A_190, %get3A_191] {strides = array<i32>} : memref<80x128xf32, #tpu.memory_space<vmem>>, vector<1x16xf32>,
          %get3A_193 = vector.shape_cast %get3A_192 : vector<1x16xf32> to vector<16xf32>
          %add3A_194 = arith.addf %get3A_189, %get3A_193 : vector<16xf32>
          %swap3A_195 = arith.index_cast %scan3A_89 : i32 to index
          %swap3A_196 = arith.constant 112 : index
          %swap3A_197 = tpu.vector_load %arg12[%swap3A_195, %swap3A_196] {strides = array<i32>} : memref<80x128xf32, #tpu.memory_space<vmem>>, vector<1x16xf32>,
          %swap3A_198 = vector.shape_cast %swap3A_197 : vector<1x16xf32> to vector<16xf32>
          %swap3A_199 = vector.shape_cast %add3A_194 : vector<16xf32> to vector<1x16xf32>
          tpu.vector_store %arg12[%swap3A_195, %swap3A_196], %swap3A_199 {strides = array<i32>} : memref<80x128xf32, #tpu.memory_space<vmem>>, vector<1x16xf32>,
        }
        %scan3A_81 = arith.constant 80 : i32
        %mul3A_82 = arith.constant 80 : i32
        %mul3A_83 = arith.muli %add3A_46, %mul3A_82 : i32
        %add3A_84 = arith.addi %mul3A_2, %mul3A_83 : i32
        %dma_start3A_85 = arith.constant 0 : i32
        %dma_start3A_86 = tpu.memref_slice %arg6[%add3A_84, %dma_start3A_85] : memref<12800x128xf32, #tpu.memory_space<hbm>> -> memref<80x128xf32, #tpu.memory_space<hbm>>
        %dma_start3A_87 = arith.constant 0 : i32
        %dma_start3A_88 = tpu.memref_slice %arg6[%add3A_84, %dma_start3A_87] : memref<12800x128xf32, #tpu.memory_space<hbm>> -> memref<80x128xf32, #tpu.memory_space<hbm>>
        tpu.enqueue_dma source(%arg12 : memref<80x128xf32, #tpu.memory_space<vmem>>) target(%dma_start3A_88 : memref<80x128xf32, #tpu.memory_space<hbm>>) target_semaphore(%arg24 : memref<!tpu.dma_semaphore, #tpu.memory_space<semaphore_mem>>)
      } else {
      }
    }
    %scan3A_29 = arith.constant 3 : i32
    %add3A_30 = arith.constant 320 : i32
    %add3A_31 = arith.addi %mul3A_2, %add3A_30 : i32
    %dma_wait3A_32 = arith.constant 0 : i32
    %dma_wait3A_33 = tpu.memref_slice %arg6[%add3A_31, %dma_wait3A_32] : memref<12800x128xf32, #tpu.memory_space<hbm>> -> memref<80x128xf32, #tpu.memory_space<hbm>>
    %dma_wait3A_34 = arith.constant 0 : i32
    %dma_wait3A_35 = tpu.memref_slice %arg6[%add3A_31, %dma_wait3A_34] : memref<12800x128xf32, #tpu.memory_space<hbm>> -> memref<80x128xf32, #tpu.memory_space<hbm>>
    tpu.wait_dma2 semaphore(%arg23 : memref<!tpu.dma_semaphore, #tpu.memory_space<semaphore_mem>>) src(%arg11 : memref<80x128xf32, #tpu.memory_space<vmem>>) dst(%dma_wait3A_35 : memref<80x128xf32, #tpu.memory_space<hbm>>)
    return
  }
}

#map = affine_map<(d0, d1) -> (0, 0)>
#map1 = affine_map<(d0, d1) -> (0)>
module attributes {stable_mosaic.version = 14 : i64} {
  func.func @gather_add(%arg0: i32, %arg1: i32, %arg2: memref<10000x128xf32, #tpu.memory_space<hbm>>, %arg3: memref<10000x128xf32, #tpu.memory_space<hbm>>, %arg4: memref<64000xi32, #tpu.memory_space<hbm>>, %arg5: memref<64000xi32, #tpu.memory_space<hbm>>, %arg6: memref<64000x128xf32, #tpu.memory_space<hbm>>, %arg7: memref<80xi32, #tpu.memory_space<vmem>>, %arg8: memref<80xi32, #tpu.memory_space<vmem>>, %arg9: memref<80xi32, #tpu.memory_space<vmem>>, %arg10: memref<80xi32, #tpu.memory_space<vmem>>, %arg11: memref<80x128xf32, #tpu.memory_space<vmem>>, %arg12: memref<80x128xf32, #tpu.memory_space<vmem>>, %arg13: memref<80x128xf32, #tpu.memory_space<vmem>>, %arg14: memref<80x128xf32, #tpu.memory_space<vmem>>, %arg15: memref<!tpu.dma_semaphore, #tpu.memory_space<semaphore_mem>>, %arg16: memref<!tpu.dma_semaphore, #tpu.memory_space<semaphore_mem>>, %arg17: memref<!tpu.dma_semaphore, #tpu.memory_space<semaphore_mem>>, %arg18: memref<!tpu.dma_semaphore, #tpu.memory_space<semaphore_mem>>, %arg19: memref<!tpu.dma_semaphore, #tpu.memory_space<semaphore_mem>>, %arg20: memref<!tpu.dma_semaphore, #tpu.memory_space<semaphore_mem>>, %arg21: memref<!tpu.dma_semaphore, #tpu.memory_space<semaphore_mem>>, %arg22: memref<!tpu.dma_semaphore, #tpu.memory_space<semaphore_mem>>, %arg23: memref<!tpu.dma_semaphore, #tpu.memory_space<semaphore_mem>>, %arg24: memref<!tpu.dma_semaphore, #tpu.memory_space<semaphore_mem>>) attributes {dimension_semantics = [#tpu.dimension_semantics<core_parallel>, #tpu.dimension_semantics<subcore_parallel>], iteration_bounds = array<i64: 2, 16>, scalar_prefetch = 0 : i64, scratch_operands = 18 : i64, tpu.core_type = #tpu.core_type<sc_vector_subcore>, window_params = [{transform_indices = #map}, {transform_indices = #map}, {transform_indices = #map1}, {transform_indices = #map1}, {transform_indices = #map}]} {
    %mul3A = arith.constant 2 : i32
    %mul3A_0 = arith.muli %arg1, %mul3A : i32
    %add3A = arith.addi %mul3A_0, %arg0 : i32
    %mul3A_1 = arith.constant 2000 : i32
    %mul3A_2 = arith.muli %add3A, %mul3A_1 : i32
    %add3A_3 = arith.constant 0 : i32
    %add3A_4 = arith.addi %mul3A_2, %add3A_3 : i32
    %dma_start3A = tpu.memref_slice %arg4[%add3A_4] : memref<64000xi32, #tpu.memory_space<hbm>> -> memref<80xi32, #tpu.memory_space<hbm>>
    %dma_start3A_5 = tpu.memref_slice %arg4[%add3A_4] : memref<64000xi32, #tpu.memory_space<hbm>> -> memref<80xi32, #tpu.memory_space<hbm>>
    tpu.enqueue_dma source(%dma_start3A_5 : memref<80xi32, #tpu.memory_space<hbm>>) target(%arg7 : memref<80xi32, #tpu.memory_space<vmem>>) target_semaphore(%arg15 : memref<!tpu.dma_semaphore, #tpu.memory_space<semaphore_mem>>)
    %dma_start3A_6 = tpu.memref_slice %arg5[%add3A_4] : memref<64000xi32, #tpu.memory_space<hbm>> -> memref<80xi32, #tpu.memory_space<hbm>>
    %dma_start3A_7 = tpu.memref_slice %arg5[%add3A_4] : memref<64000xi32, #tpu.memory_space<hbm>> -> memref<80xi32, #tpu.memory_space<hbm>>
    tpu.enqueue_dma source(%dma_start3A_7 : memref<80xi32, #tpu.memory_space<hbm>>) target(%arg9 : memref<80xi32, #tpu.memory_space<vmem>>) target_semaphore(%arg17 : memref<!tpu.dma_semaphore, #tpu.memory_space<semaphore_mem>>)
    %add3A_8 = arith.constant 80 : i32
    %add3A_9 = arith.addi %mul3A_2, %add3A_8 : i32
    %dma_start3A_10 = tpu.memref_slice %arg4[%add3A_9] : memref<64000xi32, #tpu.memory_space<hbm>> -> memref<80xi32, #tpu.memory_space<hbm>>
    %dma_start3A_11 = tpu.memref_slice %arg4[%add3A_9] : memref<64000xi32, #tpu.memory_space<hbm>> -> memref<80xi32, #tpu.memory_space<hbm>>
    tpu.enqueue_dma source(%dma_start3A_11 : memref<80xi32, #tpu.memory_space<hbm>>) target(%arg8 : memref<80xi32, #tpu.memory_space<vmem>>) target_semaphore(%arg16 : memref<!tpu.dma_semaphore, #tpu.memory_space<semaphore_mem>>)
    %dma_start3A_12 = tpu.memref_slice %arg5[%add3A_9] : memref<64000xi32, #tpu.memory_space<hbm>> -> memref<80xi32, #tpu.memory_space<hbm>>
    %dma_start3A_13 = tpu.memref_slice %arg5[%add3A_9] : memref<64000xi32, #tpu.memory_space<hbm>> -> memref<80xi32, #tpu.memory_space<hbm>>
    tpu.enqueue_dma source(%dma_start3A_13 : memref<80xi32, #tpu.memory_space<hbm>>) target(%arg10 : memref<80xi32, #tpu.memory_space<vmem>>) target_semaphore(%arg18 : memref<!tpu.dma_semaphore, #tpu.memory_space<semaphore_mem>>)
    %add3A_14 = arith.constant 0 : i32
    %add3A_15 = arith.addi %mul3A_2, %add3A_14 : i32
    %dma_wait3A = tpu.memref_slice %arg4[%add3A_15] : memref<64000xi32, #tpu.memory_space<hbm>> -> memref<80xi32, #tpu.memory_space<hbm>>
    %dma_wait3A_16 = tpu.memref_slice %arg4[%add3A_15] : memref<64000xi32, #tpu.memory_space<hbm>> -> memref<80xi32, #tpu.memory_space<hbm>>
    tpu.wait_dma2 semaphore(%arg15 : memref<!tpu.dma_semaphore, #tpu.memory_space<semaphore_mem>>) src(%dma_wait3A_16 : memref<80xi32, #tpu.memory_space<hbm>>) dst(%arg7 : memref<80xi32, #tpu.memory_space<vmem>>)
    %dma_wait3A_17 = tpu.memref_slice %arg5[%add3A_15] : memref<64000xi32, #tpu.memory_space<hbm>> -> memref<80xi32, #tpu.memory_space<hbm>>
    %dma_wait3A_18 = tpu.memref_slice %arg5[%add3A_15] : memref<64000xi32, #tpu.memory_space<hbm>> -> memref<80xi32, #tpu.memory_space<hbm>>
    tpu.wait_dma2 semaphore(%arg17 : memref<!tpu.dma_semaphore, #tpu.memory_space<semaphore_mem>>) src(%dma_wait3A_18 : memref<80xi32, #tpu.memory_space<hbm>>) dst(%arg9 : memref<80xi32, #tpu.memory_space<vmem>>)
    %dma_start3A_19 = arith.constant 0 : i32
    %dma_start3A_20 = arith.constant 0 : i32
    %dma_start3A_21 = tpu.memref_slice %arg2[%dma_start3A_19, %dma_start3A_20] : memref<10000x128xf32, #tpu.memory_space<hbm>> -> memref<10000x128xf32, #tpu.memory_space<hbm>>
    tpu.enqueue_indirect_dma source(%dma_start3A_21 : memref<10000x128xf32, #tpu.memory_space<hbm>>) target(%arg11 : memref<80x128xf32, #tpu.memory_space<vmem>>) offsets(%arg7 : memref<80xi32, #tpu.memory_space<vmem>>) semaphore(%arg19 : memref<!tpu.dma_semaphore, #tpu.memory_space<semaphore_mem>>)
    %dma_start3A_22 = arith.constant 0 : i32
    %dma_start3A_23 = arith.constant 0 : i32
    %dma_start3A_24 = tpu.memref_slice %arg3[%dma_start3A_22, %dma_start3A_23] : memref<10000x128xf32, #tpu.memory_space<hbm>> -> memref<10000x128xf32, #tpu.memory_space<hbm>>
    tpu.enqueue_indirect_dma source(%dma_start3A_24 : memref<10000x128xf32, #tpu.memory_space<hbm>>) target(%arg13 : memref<80x128xf32, #tpu.memory_space<vmem>>) offsets(%arg9 : memref<80xi32, #tpu.memory_space<vmem>>) semaphore(%arg21 : memref<!tpu.dma_semaphore, #tpu.memory_space<semaphore_mem>>)
    %scan3A = arith.constant 0 : i32
    %scan3A_25 = arith.constant 0 : i32
    %scan3A_26 = arith.constant 13 : i32
    %scan3A_27 = arith.addi %scan3A_25, %scan3A_26 : i32
    %scan3A_28 = arith.constant 1 : i32
    scf.for %scan3A_36 = %scan3A_25 to %scan3A_27 step %scan3A_28  : i32 {
      %mul3A_37 = arith.constant 2 : i32
      %mul3A_38 = arith.muli %mul3A_37, %scan3A_36 : i32
      %add3A_39 = arith.constant 0 : i32
      %add3A_40 = arith.addi %mul3A_38, %add3A_39 : i32
      %lt3A = arith.constant 25 : i32
      %lt3A_41 = arith.cmpi slt, %add3A_40, %lt3A : i32
      %convert_element_type3A = arith.extui %lt3A_41 : i1 to i32
      %cond3A = arith.constant 0 : i32
      %cond3A_42 = arith.cmpi ne, %convert_element_type3A, %cond3A : i32
      scf.if %cond3A_42 {
        %dma_wait3A_52 = arith.constant 0 : i32
        %dma_wait3A_53 = arith.constant 0 : i32
        %dma_wait3A_54 = tpu.memref_slice %arg2[%dma_wait3A_52, %dma_wait3A_53] : memref<10000x128xf32, #tpu.memory_space<hbm>> -> memref<10000x128xf32, #tpu.memory_space<hbm>>
        tpu.wait_indirect_dma semaphore(%arg19 : memref<!tpu.dma_semaphore, #tpu.memory_space<semaphore_mem>>) src(%dma_wait3A_54 : memref<10000x128xf32, #tpu.memory_space<hbm>>) dst(%arg11 : memref<80x128xf32, #tpu.memory_space<vmem>>)
        %dma_wait3A_55 = arith.constant 0 : i32
        %dma_wait3A_56 = arith.constant 0 : i32
        %dma_wait3A_57 = tpu.memref_slice %arg3[%dma_wait3A_55, %dma_wait3A_56] : memref<10000x128xf32, #tpu.memory_space<hbm>> -> memref<10000x128xf32, #tpu.memory_space<hbm>>
        tpu.wait_indirect_dma semaphore(%arg21 : memref<!tpu.dma_semaphore, #tpu.memory_space<semaphore_mem>>) src(%dma_wait3A_57 : memref<10000x128xf32, #tpu.memory_space<hbm>>) dst(%arg13 : memref<80x128xf32, #tpu.memory_space<vmem>>)
        %add3A_58 = arith.constant 2 : i32
        %add3A_59 = arith.addi %add3A_40, %add3A_58 : i32
        %lt3A_60 = arith.constant 25 : i32
        %lt3A_61 = arith.cmpi slt, %add3A_59, %lt3A_60 : i32
        %convert_element_type3A_62 = arith.extui %lt3A_61 : i1 to i32
        %cond3A_63 = arith.constant 0 : i32
        %cond3A_64 = arith.cmpi ne, %convert_element_type3A_62, %cond3A_63 : i32
        scf.if %cond3A_64 {
          %add3A_89 = arith.constant 2 : i32
          %add3A_90 = arith.addi %add3A_40, %add3A_89 : i32
          %mul3A_91 = arith.constant 80 : i32
          %mul3A_92 = arith.muli %add3A_90, %mul3A_91 : i32
          %add3A_93 = arith.addi %mul3A_2, %mul3A_92 : i32
          %dma_start3A_94 = tpu.memref_slice %arg4[%add3A_93] : memref<64000xi32, #tpu.memory_space<hbm>> -> memref<80xi32, #tpu.memory_space<hbm>>
          %dma_start3A_95 = tpu.memref_slice %arg4[%add3A_93] : memref<64000xi32, #tpu.memory_space<hbm>> -> memref<80xi32, #tpu.memory_space<hbm>>
          tpu.enqueue_dma source(%dma_start3A_95 : memref<80xi32, #tpu.memory_space<hbm>>) target(%arg7 : memref<80xi32, #tpu.memory_space<vmem>>) target_semaphore(%arg15 : memref<!tpu.dma_semaphore, #tpu.memory_space<semaphore_mem>>)
          %dma_start3A_96 = tpu.memref_slice %arg5[%add3A_93] : memref<64000xi32, #tpu.memory_space<hbm>> -> memref<80xi32, #tpu.memory_space<hbm>>
          %dma_start3A_97 = tpu.memref_slice %arg5[%add3A_93] : memref<64000xi32, #tpu.memory_space<hbm>> -> memref<80xi32, #tpu.memory_space<hbm>>
          tpu.enqueue_dma source(%dma_start3A_97 : memref<80xi32, #tpu.memory_space<hbm>>) target(%arg9 : memref<80xi32, #tpu.memory_space<vmem>>) target_semaphore(%arg17 : memref<!tpu.dma_semaphore, #tpu.memory_space<semaphore_mem>>)
        } else {
        }
        %ge3A = arith.constant 1 : i32
        %ge3A_65 = arith.cmpi sge, %add3A_40, %ge3A : i32
        %convert_element_type3A_66 = arith.extui %ge3A_65 : i1 to i32
        %cond3A_67 = arith.constant 0 : i32
        %cond3A_68 = arith.cmpi ne, %convert_element_type3A_66, %cond3A_67 : i32
        scf.if %cond3A_68 {
          %sub3A = arith.constant 1 : i32
          %sub3A_89 = arith.subi %add3A_40, %sub3A : i32
          %mul3A_90 = arith.constant 80 : i32
          %mul3A_91 = arith.muli %sub3A_89, %mul3A_90 : i32
          %add3A_92 = arith.addi %mul3A_2, %mul3A_91 : i32
          %dma_wait3A_93 = arith.constant 0 : i32
          %dma_wait3A_94 = tpu.memref_slice %arg6[%add3A_92, %dma_wait3A_93] : memref<64000x128xf32, #tpu.memory_space<hbm>> -> memref<80x128xf32, #tpu.memory_space<hbm>>
          %dma_wait3A_95 = arith.constant 0 : i32
          %dma_wait3A_96 = tpu.memref_slice %arg6[%add3A_92, %dma_wait3A_95] : memref<64000x128xf32, #tpu.memory_space<hbm>> -> memref<80x128xf32, #tpu.memory_space<hbm>>
          tpu.wait_dma2 semaphore(%arg24 : memref<!tpu.dma_semaphore, #tpu.memory_space<semaphore_mem>>) src(%arg12 : memref<80x128xf32, #tpu.memory_space<vmem>>) dst(%dma_wait3A_96 : memref<80x128xf32, #tpu.memory_space<hbm>>)
        } else {
        }
        %add3A_69 = arith.constant 1 : i32
        %add3A_70 = arith.addi %add3A_40, %add3A_69 : i32
        %lt3A_71 = arith.constant 25 : i32
        %lt3A_72 = arith.cmpi slt, %add3A_70, %lt3A_71 : i32
        %convert_element_type3A_73 = arith.extui %lt3A_72 : i1 to i32
        %cond3A_74 = arith.constant 0 : i32
        %cond3A_75 = arith.cmpi ne, %convert_element_type3A_73, %cond3A_74 : i32
        scf.if %cond3A_75 {
          %add3A_89 = arith.constant 1 : i32
          %add3A_90 = arith.addi %add3A_40, %add3A_89 : i32
          %mul3A_91 = arith.constant 80 : i32
          %mul3A_92 = arith.muli %add3A_90, %mul3A_91 : i32
          %add3A_93 = arith.addi %mul3A_2, %mul3A_92 : i32
          %dma_wait3A_94 = tpu.memref_slice %arg4[%add3A_93] : memref<64000xi32, #tpu.memory_space<hbm>> -> memref<80xi32, #tpu.memory_space<hbm>>
          %dma_wait3A_95 = tpu.memref_slice %arg4[%add3A_93] : memref<64000xi32, #tpu.memory_space<hbm>> -> memref<80xi32, #tpu.memory_space<hbm>>
          tpu.wait_dma2 semaphore(%arg16 : memref<!tpu.dma_semaphore, #tpu.memory_space<semaphore_mem>>) src(%dma_wait3A_95 : memref<80xi32, #tpu.memory_space<hbm>>) dst(%arg8 : memref<80xi32, #tpu.memory_space<vmem>>)
          %dma_wait3A_96 = tpu.memref_slice %arg5[%add3A_93] : memref<64000xi32, #tpu.memory_space<hbm>> -> memref<80xi32, #tpu.memory_space<hbm>>
          %dma_wait3A_97 = tpu.memref_slice %arg5[%add3A_93] : memref<64000xi32, #tpu.memory_space<hbm>> -> memref<80xi32, #tpu.memory_space<hbm>>
          tpu.wait_dma2 semaphore(%arg18 : memref<!tpu.dma_semaphore, #tpu.memory_space<semaphore_mem>>) src(%dma_wait3A_97 : memref<80xi32, #tpu.memory_space<hbm>>) dst(%arg10 : memref<80xi32, #tpu.memory_space<vmem>>)
          %dma_start3A_98 = arith.constant 0 : i32
          %dma_start3A_99 = arith.constant 0 : i32
          %dma_start3A_100 = tpu.memref_slice %arg2[%dma_start3A_98, %dma_start3A_99] : memref<10000x128xf32, #tpu.memory_space<hbm>> -> memref<10000x128xf32, #tpu.memory_space<hbm>>
          tpu.enqueue_indirect_dma source(%dma_start3A_100 : memref<10000x128xf32, #tpu.memory_space<hbm>>) target(%arg12 : memref<80x128xf32, #tpu.memory_space<vmem>>) offsets(%arg8 : memref<80xi32, #tpu.memory_space<vmem>>) semaphore(%arg20 : memref<!tpu.dma_semaphore, #tpu.memory_space<semaphore_mem>>)
          %dma_start3A_101 = arith.constant 0 : i32
          %dma_start3A_102 = arith.constant 0 : i32
          %dma_start3A_103 = tpu.memref_slice %arg3[%dma_start3A_101, %dma_start3A_102] : memref<10000x128xf32, #tpu.memory_space<hbm>> -> memref<10000x128xf32, #tpu.memory_space<hbm>>
          tpu.enqueue_indirect_dma source(%dma_start3A_103 : memref<10000x128xf32, #tpu.memory_space<hbm>>) target(%arg14 : memref<80x128xf32, #tpu.memory_space<vmem>>) offsets(%arg10 : memref<80xi32, #tpu.memory_space<vmem>>) semaphore(%arg22 : memref<!tpu.dma_semaphore, #tpu.memory_space<semaphore_mem>>)
        } else {
        }
        %scan3A_76 = arith.constant 0 : i32
        %scan3A_77 = arith.constant 0 : i32
        %scan3A_78 = arith.constant 80 : i32
        %scan3A_79 = arith.addi %scan3A_77, %scan3A_78 : i32
        %scan3A_80 = arith.constant 1 : i32
        scf.for %scan3A_89 = %scan3A_77 to %scan3A_79 step %scan3A_80  : i32 {
          %get3A = arith.index_cast %scan3A_89 : i32 to index
          %get3A_90 = arith.constant 0 : index
          %get3A_91 = tpu.vector_load %arg11[%get3A, %get3A_90] {strides = array<i32>} : memref<80x128xf32, #tpu.memory_space<vmem>>, vector<1x16xf32>,
          %get3A_92 = vector.shape_cast %get3A_91 : vector<1x16xf32> to vector<16xf32>
          %get3A_93 = arith.index_cast %scan3A_89 : i32 to index
          %get3A_94 = arith.constant 0 : index
          %get3A_95 = tpu.vector_load %arg13[%get3A_93, %get3A_94] {strides = array<i32>} : memref<80x128xf32, #tpu.memory_space<vmem>>, vector<1x16xf32>,
          %get3A_96 = vector.shape_cast %get3A_95 : vector<1x16xf32> to vector<16xf32>
          %add3A_97 = arith.addf %get3A_92, %get3A_96 : vector<16xf32>
          %swap3A = arith.index_cast %scan3A_89 : i32 to index
          %swap3A_98 = arith.constant 0 : index
          %swap3A_99 = tpu.vector_load %arg11[%swap3A, %swap3A_98] {strides = array<i32>} : memref<80x128xf32, #tpu.memory_space<vmem>>, vector<1x16xf32>,
          %swap3A_100 = vector.shape_cast %swap3A_99 : vector<1x16xf32> to vector<16xf32>
          %swap3A_101 = vector.shape_cast %add3A_97 : vector<16xf32> to vector<1x16xf32>
          tpu.vector_store %arg11[%swap3A, %swap3A_98], %swap3A_101 {strides = array<i32>} : memref<80x128xf32, #tpu.memory_space<vmem>>, vector<1x16xf32>,
          %get3A_102 = arith.index_cast %scan3A_89 : i32 to index
          %get3A_103 = arith.constant 16 : index
          %get3A_104 = tpu.vector_load %arg11[%get3A_102, %get3A_103] {strides = array<i32>} : memref<80x128xf32, #tpu.memory_space<vmem>>, vector<1x16xf32>,
          %get3A_105 = vector.shape_cast %get3A_104 : vector<1x16xf32> to vector<16xf32>
          %get3A_106 = arith.index_cast %scan3A_89 : i32 to index
          %get3A_107 = arith.constant 16 : index
          %get3A_108 = tpu.vector_load %arg13[%get3A_106, %get3A_107] {strides = array<i32>} : memref<80x128xf32, #tpu.memory_space<vmem>>, vector<1x16xf32>,
          %get3A_109 = vector.shape_cast %get3A_108 : vector<1x16xf32> to vector<16xf32>
          %add3A_110 = arith.addf %get3A_105, %get3A_109 : vector<16xf32>
          %swap3A_111 = arith.index_cast %scan3A_89 : i32 to index
          %swap3A_112 = arith.constant 16 : index
          %swap3A_113 = tpu.vector_load %arg11[%swap3A_111, %swap3A_112] {strides = array<i32>} : memref<80x128xf32, #tpu.memory_space<vmem>>, vector<1x16xf32>,
          %swap3A_114 = vector.shape_cast %swap3A_113 : vector<1x16xf32> to vector<16xf32>
          %swap3A_115 = vector.shape_cast %add3A_110 : vector<16xf32> to vector<1x16xf32>
          tpu.vector_store %arg11[%swap3A_111, %swap3A_112], %swap3A_115 {strides = array<i32>} : memref<80x128xf32, #tpu.memory_space<vmem>>, vector<1x16xf32>,
          %get3A_116 = arith.index_cast %scan3A_89 : i32 to index
          %get3A_117 = arith.constant 32 : index
          %get3A_118 = tpu.vector_load %arg11[%get3A_116, %get3A_117] {strides = array<i32>} : memref<80x128xf32, #tpu.memory_space<vmem>>, vector<1x16xf32>,
          %get3A_119 = vector.shape_cast %get3A_118 : vector<1x16xf32> to vector<16xf32>
          %get3A_120 = arith.index_cast %scan3A_89 : i32 to index
          %get3A_121 = arith.constant 32 : index
          %get3A_122 = tpu.vector_load %arg13[%get3A_120, %get3A_121] {strides = array<i32>} : memref<80x128xf32, #tpu.memory_space<vmem>>, vector<1x16xf32>,
          %get3A_123 = vector.shape_cast %get3A_122 : vector<1x16xf32> to vector<16xf32>
          %add3A_124 = arith.addf %get3A_119, %get3A_123 : vector<16xf32>
          %swap3A_125 = arith.index_cast %scan3A_89 : i32 to index
          %swap3A_126 = arith.constant 32 : index
          %swap3A_127 = tpu.vector_load %arg11[%swap3A_125, %swap3A_126] {strides = array<i32>} : memref<80x128xf32, #tpu.memory_space<vmem>>, vector<1x16xf32>,
          %swap3A_128 = vector.shape_cast %swap3A_127 : vector<1x16xf32> to vector<16xf32>
          %swap3A_129 = vector.shape_cast %add3A_124 : vector<16xf32> to vector<1x16xf32>
          tpu.vector_store %arg11[%swap3A_125, %swap3A_126], %swap3A_129 {strides = array<i32>} : memref<80x128xf32, #tpu.memory_space<vmem>>, vector<1x16xf32>,
          %get3A_130 = arith.index_cast %scan3A_89 : i32 to index
          %get3A_131 = arith.constant 48 : index
          %get3A_132 = tpu.vector_load %arg11[%get3A_130, %get3A_131] {strides = array<i32>} : memref<80x128xf32, #tpu.memory_space<vmem>>, vector<1x16xf32>,
          %get3A_133 = vector.shape_cast %get3A_132 : vector<1x16xf32> to vector<16xf32>
          %get3A_134 = arith.index_cast %scan3A_89 : i32 to index
          %get3A_135 = arith.constant 48 : index
          %get3A_136 = tpu.vector_load %arg13[%get3A_134, %get3A_135] {strides = array<i32>} : memref<80x128xf32, #tpu.memory_space<vmem>>, vector<1x16xf32>,
          %get3A_137 = vector.shape_cast %get3A_136 : vector<1x16xf32> to vector<16xf32>
          %add3A_138 = arith.addf %get3A_133, %get3A_137 : vector<16xf32>
          %swap3A_139 = arith.index_cast %scan3A_89 : i32 to index
          %swap3A_140 = arith.constant 48 : index
          %swap3A_141 = tpu.vector_load %arg11[%swap3A_139, %swap3A_140] {strides = array<i32>} : memref<80x128xf32, #tpu.memory_space<vmem>>, vector<1x16xf32>,
          %swap3A_142 = vector.shape_cast %swap3A_141 : vector<1x16xf32> to vector<16xf32>
          %swap3A_143 = vector.shape_cast %add3A_138 : vector<16xf32> to vector<1x16xf32>
          tpu.vector_store %arg11[%swap3A_139, %swap3A_140], %swap3A_143 {strides = array<i32>} : memref<80x128xf32, #tpu.memory_space<vmem>>, vector<1x16xf32>,
          %get3A_144 = arith.index_cast %scan3A_89 : i32 to index
          %get3A_145 = arith.constant 64 : index
          %get3A_146 = tpu.vector_load %arg11[%get3A_144, %get3A_145] {strides = array<i32>} : memref<80x128xf32, #tpu.memory_space<vmem>>, vector<1x16xf32>,
          %get3A_147 = vector.shape_cast %get3A_146 : vector<1x16xf32> to vector<16xf32>
          %get3A_148 = arith.index_cast %scan3A_89 : i32 to index
          %get3A_149 = arith.constant 64 : index
          %get3A_150 = tpu.vector_load %arg13[%get3A_148, %get3A_149] {strides = array<i32>} : memref<80x128xf32, #tpu.memory_space<vmem>>, vector<1x16xf32>,
          %get3A_151 = vector.shape_cast %get3A_150 : vector<1x16xf32> to vector<16xf32>
          %add3A_152 = arith.addf %get3A_147, %get3A_151 : vector<16xf32>
          %swap3A_153 = arith.index_cast %scan3A_89 : i32 to index
          %swap3A_154 = arith.constant 64 : index
          %swap3A_155 = tpu.vector_load %arg11[%swap3A_153, %swap3A_154] {strides = array<i32>} : memref<80x128xf32, #tpu.memory_space<vmem>>, vector<1x16xf32>,
          %swap3A_156 = vector.shape_cast %swap3A_155 : vector<1x16xf32> to vector<16xf32>
          %swap3A_157 = vector.shape_cast %add3A_152 : vector<16xf32> to vector<1x16xf32>
          tpu.vector_store %arg11[%swap3A_153, %swap3A_154], %swap3A_157 {strides = array<i32>} : memref<80x128xf32, #tpu.memory_space<vmem>>, vector<1x16xf32>,
          %get3A_158 = arith.index_cast %scan3A_89 : i32 to index
          %get3A_159 = arith.constant 80 : index
          %get3A_160 = tpu.vector_load %arg11[%get3A_158, %get3A_159] {strides = array<i32>} : memref<80x128xf32, #tpu.memory_space<vmem>>, vector<1x16xf32>,
          %get3A_161 = vector.shape_cast %get3A_160 : vector<1x16xf32> to vector<16xf32>
          %get3A_162 = arith.index_cast %scan3A_89 : i32 to index
          %get3A_163 = arith.constant 80 : index
          %get3A_164 = tpu.vector_load %arg13[%get3A_162, %get3A_163] {strides = array<i32>} : memref<80x128xf32, #tpu.memory_space<vmem>>, vector<1x16xf32>,
          %get3A_165 = vector.shape_cast %get3A_164 : vector<1x16xf32> to vector<16xf32>
          %add3A_166 = arith.addf %get3A_161, %get3A_165 : vector<16xf32>
          %swap3A_167 = arith.index_cast %scan3A_89 : i32 to index
          %swap3A_168 = arith.constant 80 : index
          %swap3A_169 = tpu.vector_load %arg11[%swap3A_167, %swap3A_168] {strides = array<i32>} : memref<80x128xf32, #tpu.memory_space<vmem>>, vector<1x16xf32>,
          %swap3A_170 = vector.shape_cast %swap3A_169 : vector<1x16xf32> to vector<16xf32>
          %swap3A_171 = vector.shape_cast %add3A_166 : vector<16xf32> to vector<1x16xf32>
          tpu.vector_store %arg11[%swap3A_167, %swap3A_168], %swap3A_171 {strides = array<i32>} : memref<80x128xf32, #tpu.memory_space<vmem>>, vector<1x16xf32>,
          %get3A_172 = arith.index_cast %scan3A_89 : i32 to index
          %get3A_173 = arith.constant 96 : index
          %get3A_174 = tpu.vector_load %arg11[%get3A_172, %get3A_173] {strides = array<i32>} : memref<80x128xf32, #tpu.memory_space<vmem>>, vector<1x16xf32>,
          %get3A_175 = vector.shape_cast %get3A_174 : vector<1x16xf32> to vector<16xf32>
          %get3A_176 = arith.index_cast %scan3A_89 : i32 to index
          %get3A_177 = arith.constant 96 : index
          %get3A_178 = tpu.vector_load %arg13[%get3A_176, %get3A_177] {strides = array<i32>} : memref<80x128xf32, #tpu.memory_space<vmem>>, vector<1x16xf32>,
          %get3A_179 = vector.shape_cast %get3A_178 : vector<1x16xf32> to vector<16xf32>
          %add3A_180 = arith.addf %get3A_175, %get3A_179 : vector<16xf32>
          %swap3A_181 = arith.index_cast %scan3A_89 : i32 to index
          %swap3A_182 = arith.constant 96 : index
          %swap3A_183 = tpu.vector_load %arg11[%swap3A_181, %swap3A_182] {strides = array<i32>} : memref<80x128xf32, #tpu.memory_space<vmem>>, vector<1x16xf32>,
          %swap3A_184 = vector.shape_cast %swap3A_183 : vector<1x16xf32> to vector<16xf32>
          %swap3A_185 = vector.shape_cast %add3A_180 : vector<16xf32> to vector<1x16xf32>
          tpu.vector_store %arg11[%swap3A_181, %swap3A_182], %swap3A_185 {strides = array<i32>} : memref<80x128xf32, #tpu.memory_space<vmem>>, vector<1x16xf32>,
          %get3A_186 = arith.index_cast %scan3A_89 : i32 to index
          %get3A_187 = arith.constant 112 : index
          %get3A_188 = tpu.vector_load %arg11[%get3A_186, %get3A_187] {strides = array<i32>} : memref<80x128xf32, #tpu.memory_space<vmem>>, vector<1x16xf32>,
          %get3A_189 = vector.shape_cast %get3A_188 : vector<1x16xf32> to vector<16xf32>
          %get3A_190 = arith.index_cast %scan3A_89 : i32 to index
          %get3A_191 = arith.constant 112 : index
          %get3A_192 = tpu.vector_load %arg13[%get3A_190, %get3A_191] {strides = array<i32>} : memref<80x128xf32, #tpu.memory_space<vmem>>, vector<1x16xf32>,
          %get3A_193 = vector.shape_cast %get3A_192 : vector<1x16xf32> to vector<16xf32>
          %add3A_194 = arith.addf %get3A_189, %get3A_193 : vector<16xf32>
          %swap3A_195 = arith.index_cast %scan3A_89 : i32 to index
          %swap3A_196 = arith.constant 112 : index
          %swap3A_197 = tpu.vector_load %arg11[%swap3A_195, %swap3A_196] {strides = array<i32>} : memref<80x128xf32, #tpu.memory_space<vmem>>, vector<1x16xf32>,
          %swap3A_198 = vector.shape_cast %swap3A_197 : vector<1x16xf32> to vector<16xf32>
          %swap3A_199 = vector.shape_cast %add3A_194 : vector<16xf32> to vector<1x16xf32>
          tpu.vector_store %arg11[%swap3A_195, %swap3A_196], %swap3A_199 {strides = array<i32>} : memref<80x128xf32, #tpu.memory_space<vmem>>, vector<1x16xf32>,
        }
        %scan3A_81 = arith.constant 80 : i32
        %mul3A_82 = arith.constant 80 : i32
        %mul3A_83 = arith.muli %add3A_40, %mul3A_82 : i32
        %add3A_84 = arith.addi %mul3A_2, %mul3A_83 : i32
        %dma_start3A_85 = arith.constant 0 : i32
        %dma_start3A_86 = tpu.memref_slice %arg6[%add3A_84, %dma_start3A_85] : memref<64000x128xf32, #tpu.memory_space<hbm>> -> memref<80x128xf32, #tpu.memory_space<hbm>>
        %dma_start3A_87 = arith.constant 0 : i32
        %dma_start3A_88 = tpu.memref_slice %arg6[%add3A_84, %dma_start3A_87] : memref<64000x128xf32, #tpu.memory_space<hbm>> -> memref<80x128xf32, #tpu.memory_space<hbm>>
        tpu.enqueue_dma source(%arg11 : memref<80x128xf32, #tpu.memory_space<vmem>>) target(%dma_start3A_88 : memref<80x128xf32, #tpu.memory_space<hbm>>) target_semaphore(%arg23 : memref<!tpu.dma_semaphore, #tpu.memory_space<semaphore_mem>>)
      } else {
      }
      %mul3A_43 = arith.constant 2 : i32
      %mul3A_44 = arith.muli %mul3A_43, %scan3A_36 : i32
      %add3A_45 = arith.constant 1 : i32
      %add3A_46 = arith.addi %mul3A_44, %add3A_45 : i32
      %lt3A_47 = arith.constant 25 : i32
      %lt3A_48 = arith.cmpi slt, %add3A_46, %lt3A_47 : i32
      %convert_element_type3A_49 = arith.extui %lt3A_48 : i1 to i32
      %cond3A_50 = arith.constant 0 : i32
      %cond3A_51 = arith.cmpi ne, %convert_element_type3A_49, %cond3A_50 : i32
      scf.if %cond3A_51 {
        %dma_wait3A_52 = arith.constant 0 : i32
        %dma_wait3A_53 = arith.constant 0 : i32
        %dma_wait3A_54 = tpu.memref_slice %arg2[%dma_wait3A_52, %dma_wait3A_53] : memref<10000x128xf32, #tpu.memory_space<hbm>> -> memref<10000x128xf32, #tpu.memory_space<hbm>>
        tpu.wait_indirect_dma semaphore(%arg20 : memref<!tpu.dma_semaphore, #tpu.memory_space<semaphore_mem>>) src(%dma_wait3A_54 : memref<10000x128xf32, #tpu.memory_space<hbm>>) dst(%arg12 : memref<80x128xf32, #tpu.memory_space<vmem>>)
        %dma_wait3A_55 = arith.constant 0 : i32
        %dma_wait3A_56 = arith.constant 0 : i32
        %dma_wait3A_57 = tpu.memref_slice %arg3[%dma_wait3A_55, %dma_wait3A_56] : memref<10000x128xf32, #tpu.memory_space<hbm>> -> memref<10000x128xf32, #tpu.memory_space<hbm>>
        tpu.wait_indirect_dma semaphore(%arg22 : memref<!tpu.dma_semaphore, #tpu.memory_space<semaphore_mem>>) src(%dma_wait3A_57 : memref<10000x128xf32, #tpu.memory_space<hbm>>) dst(%arg14 : memref<80x128xf32, #tpu.memory_space<vmem>>)
        %add3A_58 = arith.constant 2 : i32
        %add3A_59 = arith.addi %add3A_46, %add3A_58 : i32
        %lt3A_60 = arith.constant 25 : i32
        %lt3A_61 = arith.cmpi slt, %add3A_59, %lt3A_60 : i32
        %convert_element_type3A_62 = arith.extui %lt3A_61 : i1 to i32
        %cond3A_63 = arith.constant 0 : i32
        %cond3A_64 = arith.cmpi ne, %convert_element_type3A_62, %cond3A_63 : i32
        scf.if %cond3A_64 {
          %add3A_89 = arith.constant 2 : i32
          %add3A_90 = arith.addi %add3A_46, %add3A_89 : i32
          %mul3A_91 = arith.constant 80 : i32
          %mul3A_92 = arith.muli %add3A_90, %mul3A_91 : i32
          %add3A_93 = arith.addi %mul3A_2, %mul3A_92 : i32
          %dma_start3A_94 = tpu.memref_slice %arg4[%add3A_93] : memref<64000xi32, #tpu.memory_space<hbm>> -> memref<80xi32, #tpu.memory_space<hbm>>
          %dma_start3A_95 = tpu.memref_slice %arg4[%add3A_93] : memref<64000xi32, #tpu.memory_space<hbm>> -> memref<80xi32, #tpu.memory_space<hbm>>
          tpu.enqueue_dma source(%dma_start3A_95 : memref<80xi32, #tpu.memory_space<hbm>>) target(%arg8 : memref<80xi32, #tpu.memory_space<vmem>>) target_semaphore(%arg16 : memref<!tpu.dma_semaphore, #tpu.memory_space<semaphore_mem>>)
          %dma_start3A_96 = tpu.memref_slice %arg5[%add3A_93] : memref<64000xi32, #tpu.memory_space<hbm>> -> memref<80xi32, #tpu.memory_space<hbm>>
          %dma_start3A_97 = tpu.memref_slice %arg5[%add3A_93] : memref<64000xi32, #tpu.memory_space<hbm>> -> memref<80xi32, #tpu.memory_space<hbm>>
          tpu.enqueue_dma source(%dma_start3A_97 : memref<80xi32, #tpu.memory_space<hbm>>) target(%arg10 : memref<80xi32, #tpu.memory_space<vmem>>) target_semaphore(%arg18 : memref<!tpu.dma_semaphore, #tpu.memory_space<semaphore_mem>>)
        } else {
        }
        %ge3A = arith.constant 1 : i32
        %ge3A_65 = arith.cmpi sge, %add3A_46, %ge3A : i32
        %convert_element_type3A_66 = arith.extui %ge3A_65 : i1 to i32
        %cond3A_67 = arith.constant 0 : i32
        %cond3A_68 = arith.cmpi ne, %convert_element_type3A_66, %cond3A_67 : i32
        scf.if %cond3A_68 {
          %sub3A = arith.constant 1 : i32
          %sub3A_89 = arith.subi %add3A_46, %sub3A : i32
          %mul3A_90 = arith.constant 80 : i32
          %mul3A_91 = arith.muli %sub3A_89, %mul3A_90 : i32
          %add3A_92 = arith.addi %mul3A_2, %mul3A_91 : i32
          %dma_wait3A_93 = arith.constant 0 : i32
          %dma_wait3A_94 = tpu.memref_slice %arg6[%add3A_92, %dma_wait3A_93] : memref<64000x128xf32, #tpu.memory_space<hbm>> -> memref<80x128xf32, #tpu.memory_space<hbm>>
          %dma_wait3A_95 = arith.constant 0 : i32
          %dma_wait3A_96 = tpu.memref_slice %arg6[%add3A_92, %dma_wait3A_95] : memref<64000x128xf32, #tpu.memory_space<hbm>> -> memref<80x128xf32, #tpu.memory_space<hbm>>
          tpu.wait_dma2 semaphore(%arg23 : memref<!tpu.dma_semaphore, #tpu.memory_space<semaphore_mem>>) src(%arg11 : memref<80x128xf32, #tpu.memory_space<vmem>>) dst(%dma_wait3A_96 : memref<80x128xf32, #tpu.memory_space<hbm>>)
        } else {
        }
        %add3A_69 = arith.constant 1 : i32
        %add3A_70 = arith.addi %add3A_46, %add3A_69 : i32
        %lt3A_71 = arith.constant 25 : i32
        %lt3A_72 = arith.cmpi slt, %add3A_70, %lt3A_71 : i32
        %convert_element_type3A_73 = arith.extui %lt3A_72 : i1 to i32
        %cond3A_74 = arith.constant 0 : i32
        %cond3A_75 = arith.cmpi ne, %convert_element_type3A_73, %cond3A_74 : i32
        scf.if %cond3A_75 {
          %add3A_89 = arith.constant 1 : i32
          %add3A_90 = arith.addi %add3A_46, %add3A_89 : i32
          %mul3A_91 = arith.constant 80 : i32
          %mul3A_92 = arith.muli %add3A_90, %mul3A_91 : i32
          %add3A_93 = arith.addi %mul3A_2, %mul3A_92 : i32
          %dma_wait3A_94 = tpu.memref_slice %arg4[%add3A_93] : memref<64000xi32, #tpu.memory_space<hbm>> -> memref<80xi32, #tpu.memory_space<hbm>>
          %dma_wait3A_95 = tpu.memref_slice %arg4[%add3A_93] : memref<64000xi32, #tpu.memory_space<hbm>> -> memref<80xi32, #tpu.memory_space<hbm>>
          tpu.wait_dma2 semaphore(%arg15 : memref<!tpu.dma_semaphore, #tpu.memory_space<semaphore_mem>>) src(%dma_wait3A_95 : memref<80xi32, #tpu.memory_space<hbm>>) dst(%arg7 : memref<80xi32, #tpu.memory_space<vmem>>)
          %dma_wait3A_96 = tpu.memref_slice %arg5[%add3A_93] : memref<64000xi32, #tpu.memory_space<hbm>> -> memref<80xi32, #tpu.memory_space<hbm>>
          %dma_wait3A_97 = tpu.memref_slice %arg5[%add3A_93] : memref<64000xi32, #tpu.memory_space<hbm>> -> memref<80xi32, #tpu.memory_space<hbm>>
          tpu.wait_dma2 semaphore(%arg17 : memref<!tpu.dma_semaphore, #tpu.memory_space<semaphore_mem>>) src(%dma_wait3A_97 : memref<80xi32, #tpu.memory_space<hbm>>) dst(%arg9 : memref<80xi32, #tpu.memory_space<vmem>>)
          %dma_start3A_98 = arith.constant 0 : i32
          %dma_start3A_99 = arith.constant 0 : i32
          %dma_start3A_100 = tpu.memref_slice %arg2[%dma_start3A_98, %dma_start3A_99] : memref<10000x128xf32, #tpu.memory_space<hbm>> -> memref<10000x128xf32, #tpu.memory_space<hbm>>
          tpu.enqueue_indirect_dma source(%dma_start3A_100 : memref<10000x128xf32, #tpu.memory_space<hbm>>) target(%arg11 : memref<80x128xf32, #tpu.memory_space<vmem>>) offsets(%arg7 : memref<80xi32, #tpu.memory_space<vmem>>) semaphore(%arg19 : memref<!tpu.dma_semaphore, #tpu.memory_space<semaphore_mem>>)
          %dma_start3A_101 = arith.constant 0 : i32
          %dma_start3A_102 = arith.constant 0 : i32
          %dma_start3A_103 = tpu.memref_slice %arg3[%dma_start3A_101, %dma_start3A_102] : memref<10000x128xf32, #tpu.memory_space<hbm>> -> memref<10000x128xf32, #tpu.memory_space<hbm>>
          tpu.enqueue_indirect_dma source(%dma_start3A_103 : memref<10000x128xf32, #tpu.memory_space<hbm>>) target(%arg13 : memref<80x128xf32, #tpu.memory_space<vmem>>) offsets(%arg9 : memref<80xi32, #tpu.memory_space<vmem>>) semaphore(%arg21 : memref<!tpu.dma_semaphore, #tpu.memory_space<semaphore_mem>>)
        } else {
        }
        %scan3A_76 = arith.constant 0 : i32
        %scan3A_77 = arith.constant 0 : i32
        %scan3A_78 = arith.constant 80 : i32
        %scan3A_79 = arith.addi %scan3A_77, %scan3A_78 : i32
        %scan3A_80 = arith.constant 1 : i32
        scf.for %scan3A_89 = %scan3A_77 to %scan3A_79 step %scan3A_80  : i32 {
          %get3A = arith.index_cast %scan3A_89 : i32 to index
          %get3A_90 = arith.constant 0 : index
          %get3A_91 = tpu.vector_load %arg12[%get3A, %get3A_90] {strides = array<i32>} : memref<80x128xf32, #tpu.memory_space<vmem>>, vector<1x16xf32>,
          %get3A_92 = vector.shape_cast %get3A_91 : vector<1x16xf32> to vector<16xf32>
          %get3A_93 = arith.index_cast %scan3A_89 : i32 to index
          %get3A_94 = arith.constant 0 : index
          %get3A_95 = tpu.vector_load %arg14[%get3A_93, %get3A_94] {strides = array<i32>} : memref<80x128xf32, #tpu.memory_space<vmem>>, vector<1x16xf32>,
          %get3A_96 = vector.shape_cast %get3A_95 : vector<1x16xf32> to vector<16xf32>
          %add3A_97 = arith.addf %get3A_92, %get3A_96 : vector<16xf32>
          %swap3A = arith.index_cast %scan3A_89 : i32 to index
          %swap3A_98 = arith.constant 0 : index
          %swap3A_99 = tpu.vector_load %arg12[%swap3A, %swap3A_98] {strides = array<i32>} : memref<80x128xf32, #tpu.memory_space<vmem>>, vector<1x16xf32>,
          %swap3A_100 = vector.shape_cast %swap3A_99 : vector<1x16xf32> to vector<16xf32>
          %swap3A_101 = vector.shape_cast %add3A_97 : vector<16xf32> to vector<1x16xf32>
          tpu.vector_store %arg12[%swap3A, %swap3A_98], %swap3A_101 {strides = array<i32>} : memref<80x128xf32, #tpu.memory_space<vmem>>, vector<1x16xf32>,
          %get3A_102 = arith.index_cast %scan3A_89 : i32 to index
          %get3A_103 = arith.constant 16 : index
          %get3A_104 = tpu.vector_load %arg12[%get3A_102, %get3A_103] {strides = array<i32>} : memref<80x128xf32, #tpu.memory_space<vmem>>, vector<1x16xf32>,
          %get3A_105 = vector.shape_cast %get3A_104 : vector<1x16xf32> to vector<16xf32>
          %get3A_106 = arith.index_cast %scan3A_89 : i32 to index
          %get3A_107 = arith.constant 16 : index
          %get3A_108 = tpu.vector_load %arg14[%get3A_106, %get3A_107] {strides = array<i32>} : memref<80x128xf32, #tpu.memory_space<vmem>>, vector<1x16xf32>,
          %get3A_109 = vector.shape_cast %get3A_108 : vector<1x16xf32> to vector<16xf32>
          %add3A_110 = arith.addf %get3A_105, %get3A_109 : vector<16xf32>
          %swap3A_111 = arith.index_cast %scan3A_89 : i32 to index
          %swap3A_112 = arith.constant 16 : index
          %swap3A_113 = tpu.vector_load %arg12[%swap3A_111, %swap3A_112] {strides = array<i32>} : memref<80x128xf32, #tpu.memory_space<vmem>>, vector<1x16xf32>,
          %swap3A_114 = vector.shape_cast %swap3A_113 : vector<1x16xf32> to vector<16xf32>
          %swap3A_115 = vector.shape_cast %add3A_110 : vector<16xf32> to vector<1x16xf32>
          tpu.vector_store %arg12[%swap3A_111, %swap3A_112], %swap3A_115 {strides = array<i32>} : memref<80x128xf32, #tpu.memory_space<vmem>>, vector<1x16xf32>,
          %get3A_116 = arith.index_cast %scan3A_89 : i32 to index
          %get3A_117 = arith.constant 32 : index
          %get3A_118 = tpu.vector_load %arg12[%get3A_116, %get3A_117] {strides = array<i32>} : memref<80x128xf32, #tpu.memory_space<vmem>>, vector<1x16xf32>,
          %get3A_119 = vector.shape_cast %get3A_118 : vector<1x16xf32> to vector<16xf32>
          %get3A_120 = arith.index_cast %scan3A_89 : i32 to index
          %get3A_121 = arith.constant 32 : index
          %get3A_122 = tpu.vector_load %arg14[%get3A_120, %get3A_121] {strides = array<i32>} : memref<80x128xf32, #tpu.memory_space<vmem>>, vector<1x16xf32>,
          %get3A_123 = vector.shape_cast %get3A_122 : vector<1x16xf32> to vector<16xf32>
          %add3A_124 = arith.addf %get3A_119, %get3A_123 : vector<16xf32>
          %swap3A_125 = arith.index_cast %scan3A_89 : i32 to index
          %swap3A_126 = arith.constant 32 : index
          %swap3A_127 = tpu.vector_load %arg12[%swap3A_125, %swap3A_126] {strides = array<i32>} : memref<80x128xf32, #tpu.memory_space<vmem>>, vector<1x16xf32>,
          %swap3A_128 = vector.shape_cast %swap3A_127 : vector<1x16xf32> to vector<16xf32>
          %swap3A_129 = vector.shape_cast %add3A_124 : vector<16xf32> to vector<1x16xf32>
          tpu.vector_store %arg12[%swap3A_125, %swap3A_126], %swap3A_129 {strides = array<i32>} : memref<80x128xf32, #tpu.memory_space<vmem>>, vector<1x16xf32>,
          %get3A_130 = arith.index_cast %scan3A_89 : i32 to index
          %get3A_131 = arith.constant 48 : index
          %get3A_132 = tpu.vector_load %arg12[%get3A_130, %get3A_131] {strides = array<i32>} : memref<80x128xf32, #tpu.memory_space<vmem>>, vector<1x16xf32>,
          %get3A_133 = vector.shape_cast %get3A_132 : vector<1x16xf32> to vector<16xf32>
          %get3A_134 = arith.index_cast %scan3A_89 : i32 to index
          %get3A_135 = arith.constant 48 : index
          %get3A_136 = tpu.vector_load %arg14[%get3A_134, %get3A_135] {strides = array<i32>} : memref<80x128xf32, #tpu.memory_space<vmem>>, vector<1x16xf32>,
          %get3A_137 = vector.shape_cast %get3A_136 : vector<1x16xf32> to vector<16xf32>
          %add3A_138 = arith.addf %get3A_133, %get3A_137 : vector<16xf32>
          %swap3A_139 = arith.index_cast %scan3A_89 : i32 to index
          %swap3A_140 = arith.constant 48 : index
          %swap3A_141 = tpu.vector_load %arg12[%swap3A_139, %swap3A_140] {strides = array<i32>} : memref<80x128xf32, #tpu.memory_space<vmem>>, vector<1x16xf32>,
          %swap3A_142 = vector.shape_cast %swap3A_141 : vector<1x16xf32> to vector<16xf32>
          %swap3A_143 = vector.shape_cast %add3A_138 : vector<16xf32> to vector<1x16xf32>
          tpu.vector_store %arg12[%swap3A_139, %swap3A_140], %swap3A_143 {strides = array<i32>} : memref<80x128xf32, #tpu.memory_space<vmem>>, vector<1x16xf32>,
          %get3A_144 = arith.index_cast %scan3A_89 : i32 to index
          %get3A_145 = arith.constant 64 : index
          %get3A_146 = tpu.vector_load %arg12[%get3A_144, %get3A_145] {strides = array<i32>} : memref<80x128xf32, #tpu.memory_space<vmem>>, vector<1x16xf32>,
          %get3A_147 = vector.shape_cast %get3A_146 : vector<1x16xf32> to vector<16xf32>
          %get3A_148 = arith.index_cast %scan3A_89 : i32 to index
          %get3A_149 = arith.constant 64 : index
          %get3A_150 = tpu.vector_load %arg14[%get3A_148, %get3A_149] {strides = array<i32>} : memref<80x128xf32, #tpu.memory_space<vmem>>, vector<1x16xf32>,
          %get3A_151 = vector.shape_cast %get3A_150 : vector<1x16xf32> to vector<16xf32>
          %add3A_152 = arith.addf %get3A_147, %get3A_151 : vector<16xf32>
          %swap3A_153 = arith.index_cast %scan3A_89 : i32 to index
          %swap3A_154 = arith.constant 64 : index
          %swap3A_155 = tpu.vector_load %arg12[%swap3A_153, %swap3A_154] {strides = array<i32>} : memref<80x128xf32, #tpu.memory_space<vmem>>, vector<1x16xf32>,
          %swap3A_156 = vector.shape_cast %swap3A_155 : vector<1x16xf32> to vector<16xf32>
          %swap3A_157 = vector.shape_cast %add3A_152 : vector<16xf32> to vector<1x16xf32>
          tpu.vector_store %arg12[%swap3A_153, %swap3A_154], %swap3A_157 {strides = array<i32>} : memref<80x128xf32, #tpu.memory_space<vmem>>, vector<1x16xf32>,
          %get3A_158 = arith.index_cast %scan3A_89 : i32 to index
          %get3A_159 = arith.constant 80 : index
          %get3A_160 = tpu.vector_load %arg12[%get3A_158, %get3A_159] {strides = array<i32>} : memref<80x128xf32, #tpu.memory_space<vmem>>, vector<1x16xf32>,
          %get3A_161 = vector.shape_cast %get3A_160 : vector<1x16xf32> to vector<16xf32>
          %get3A_162 = arith.index_cast %scan3A_89 : i32 to index
          %get3A_163 = arith.constant 80 : index
          %get3A_164 = tpu.vector_load %arg14[%get3A_162, %get3A_163] {strides = array<i32>} : memref<80x128xf32, #tpu.memory_space<vmem>>, vector<1x16xf32>,
          %get3A_165 = vector.shape_cast %get3A_164 : vector<1x16xf32> to vector<16xf32>
          %add3A_166 = arith.addf %get3A_161, %get3A_165 : vector<16xf32>
          %swap3A_167 = arith.index_cast %scan3A_89 : i32 to index
          %swap3A_168 = arith.constant 80 : index
          %swap3A_169 = tpu.vector_load %arg12[%swap3A_167, %swap3A_168] {strides = array<i32>} : memref<80x128xf32, #tpu.memory_space<vmem>>, vector<1x16xf32>,
          %swap3A_170 = vector.shape_cast %swap3A_169 : vector<1x16xf32> to vector<16xf32>
          %swap3A_171 = vector.shape_cast %add3A_166 : vector<16xf32> to vector<1x16xf32>
          tpu.vector_store %arg12[%swap3A_167, %swap3A_168], %swap3A_171 {strides = array<i32>} : memref<80x128xf32, #tpu.memory_space<vmem>>, vector<1x16xf32>,
          %get3A_172 = arith.index_cast %scan3A_89 : i32 to index
          %get3A_173 = arith.constant 96 : index
          %get3A_174 = tpu.vector_load %arg12[%get3A_172, %get3A_173] {strides = array<i32>} : memref<80x128xf32, #tpu.memory_space<vmem>>, vector<1x16xf32>,
          %get3A_175 = vector.shape_cast %get3A_174 : vector<1x16xf32> to vector<16xf32>
          %get3A_176 = arith.index_cast %scan3A_89 : i32 to index
          %get3A_177 = arith.constant 96 : index
          %get3A_178 = tpu.vector_load %arg14[%get3A_176, %get3A_177] {strides = array<i32>} : memref<80x128xf32, #tpu.memory_space<vmem>>, vector<1x16xf32>,
          %get3A_179 = vector.shape_cast %get3A_178 : vector<1x16xf32> to vector<16xf32>
          %add3A_180 = arith.addf %get3A_175, %get3A_179 : vector<16xf32>
          %swap3A_181 = arith.index_cast %scan3A_89 : i32 to index
          %swap3A_182 = arith.constant 96 : index
          %swap3A_183 = tpu.vector_load %arg12[%swap3A_181, %swap3A_182] {strides = array<i32>} : memref<80x128xf32, #tpu.memory_space<vmem>>, vector<1x16xf32>,
          %swap3A_184 = vector.shape_cast %swap3A_183 : vector<1x16xf32> to vector<16xf32>
          %swap3A_185 = vector.shape_cast %add3A_180 : vector<16xf32> to vector<1x16xf32>
          tpu.vector_store %arg12[%swap3A_181, %swap3A_182], %swap3A_185 {strides = array<i32>} : memref<80x128xf32, #tpu.memory_space<vmem>>, vector<1x16xf32>,
          %get3A_186 = arith.index_cast %scan3A_89 : i32 to index
          %get3A_187 = arith.constant 112 : index
          %get3A_188 = tpu.vector_load %arg12[%get3A_186, %get3A_187] {strides = array<i32>} : memref<80x128xf32, #tpu.memory_space<vmem>>, vector<1x16xf32>,
          %get3A_189 = vector.shape_cast %get3A_188 : vector<1x16xf32> to vector<16xf32>
          %get3A_190 = arith.index_cast %scan3A_89 : i32 to index
          %get3A_191 = arith.constant 112 : index
          %get3A_192 = tpu.vector_load %arg14[%get3A_190, %get3A_191] {strides = array<i32>} : memref<80x128xf32, #tpu.memory_space<vmem>>, vector<1x16xf32>,
          %get3A_193 = vector.shape_cast %get3A_192 : vector<1x16xf32> to vector<16xf32>
          %add3A_194 = arith.addf %get3A_189, %get3A_193 : vector<16xf32>
          %swap3A_195 = arith.index_cast %scan3A_89 : i32 to index
          %swap3A_196 = arith.constant 112 : index
          %swap3A_197 = tpu.vector_load %arg12[%swap3A_195, %swap3A_196] {strides = array<i32>} : memref<80x128xf32, #tpu.memory_space<vmem>>, vector<1x16xf32>,
          %swap3A_198 = vector.shape_cast %swap3A_197 : vector<1x16xf32> to vector<16xf32>
          %swap3A_199 = vector.shape_cast %add3A_194 : vector<16xf32> to vector<1x16xf32>
          tpu.vector_store %arg12[%swap3A_195, %swap3A_196], %swap3A_199 {strides = array<i32>} : memref<80x128xf32, #tpu.memory_space<vmem>>, vector<1x16xf32>,
        }
        %scan3A_81 = arith.constant 80 : i32
        %mul3A_82 = arith.constant 80 : i32
        %mul3A_83 = arith.muli %add3A_46, %mul3A_82 : i32
        %add3A_84 = arith.addi %mul3A_2, %mul3A_83 : i32
        %dma_start3A_85 = arith.constant 0 : i32
        %dma_start3A_86 = tpu.memref_slice %arg6[%add3A_84, %dma_start3A_85] : memref<64000x128xf32, #tpu.memory_space<hbm>> -> memref<80x128xf32, #tpu.memory_space<hbm>>
        %dma_start3A_87 = arith.constant 0 : i32
        %dma_start3A_88 = tpu.memref_slice %arg6[%add3A_84, %dma_start3A_87] : memref<64000x128xf32, #tpu.memory_space<hbm>> -> memref<80x128xf32, #tpu.memory_space<hbm>>
        tpu.enqueue_dma source(%arg12 : memref<80x128xf32, #tpu.memory_space<vmem>>) target(%dma_start3A_88 : memref<80x128xf32, #tpu.memory_space<hbm>>) target_semaphore(%arg24 : memref<!tpu.dma_semaphore, #tpu.memory_space<semaphore_mem>>)
      } else {
      }
    }
    %scan3A_29 = arith.constant 13 : i32
    %add3A_30 = arith.constant 1920 : i32
    %add3A_31 = arith.addi %mul3A_2, %add3A_30 : i32
    %dma_wait3A_32 = arith.constant 0 : i32
    %dma_wait3A_33 = tpu.memref_slice %arg6[%add3A_31, %dma_wait3A_32] : memref<64000x128xf32, #tpu.memory_space<hbm>> -> memref<80x128xf32, #tpu.memory_space<hbm>>
    %dma_wait3A_34 = arith.constant 0 : i32
    %dma_wait3A_35 = tpu.memref_slice %arg6[%add3A_31, %dma_wait3A_34] : memref<64000x128xf32, #tpu.memory_space<hbm>> -> memref<80x128xf32, #tpu.memory_space<hbm>>
    tpu.wait_dma2 semaphore(%arg23 : memref<!tpu.dma_semaphore, #tpu.memory_space<semaphore_mem>>) src(%arg11 : memref<80x128xf32, #tpu.memory_space<vmem>>) dst(%dma_wait3A_35 : memref<80x128xf32, #tpu.memory_space<hbm>>)
    return
  }
}

#map = affine_map<(d0, d1) -> (0, 0)>
#map1 = affine_map<(d0, d1) -> (0)>
module attributes {stable_mosaic.version = 14 : i64} {
  func.func @gather_add(%arg0: i32, %arg1: i32, %arg2: memref<10000x128xf32, #tpu.memory_space<hbm>>, %arg3: memref<10000x128xf32, #tpu.memory_space<hbm>>, %arg4: memref<64000xi32, #tpu.memory_space<hbm>>, %arg5: memref<64000xi32, #tpu.memory_space<hbm>>, %arg6: memref<64000x128xf32, #tpu.memory_space<hbm>>, %arg7: memref<80xi32, #tpu.memory_space<vmem>>, %arg8: memref<80xi32, #tpu.memory_space<vmem>>, %arg9: memref<80xi32, #tpu.memory_space<vmem>>, %arg10: memref<80xi32, #tpu.memory_space<vmem>>, %arg11: memref<80x128xf32, #tpu.memory_space<vmem>>, %arg12: memref<80x128xf32, #tpu.memory_space<vmem>>, %arg13: memref<80x128xf32, #tpu.memory_space<vmem>>, %arg14: memref<80x128xf32, #tpu.memory_space<vmem>>, %arg15: memref<!tpu.dma_semaphore, #tpu.memory_space<semaphore_mem>>, %arg16: memref<!tpu.dma_semaphore, #tpu.memory_space<semaphore_mem>>, %arg17: memref<!tpu.dma_semaphore, #tpu.memory_space<semaphore_mem>>, %arg18: memref<!tpu.dma_semaphore, #tpu.memory_space<semaphore_mem>>, %arg19: memref<!tpu.dma_semaphore, #tpu.memory_space<semaphore_mem>>, %arg20: memref<!tpu.dma_semaphore, #tpu.memory_space<semaphore_mem>>, %arg21: memref<!tpu.dma_semaphore, #tpu.memory_space<semaphore_mem>>, %arg22: memref<!tpu.dma_semaphore, #tpu.memory_space<semaphore_mem>>, %arg23: memref<!tpu.dma_semaphore, #tpu.memory_space<semaphore_mem>>, %arg24: memref<!tpu.dma_semaphore, #tpu.memory_space<semaphore_mem>>) attributes {dimension_semantics = [#tpu.dimension_semantics<core_parallel>, #tpu.dimension_semantics<subcore_parallel>], iteration_bounds = array<i64: 2, 16>, scalar_prefetch = 0 : i64, scratch_operands = 18 : i64, tpu.core_type = #tpu.core_type<sc_vector_subcore>, window_params = [{transform_indices = #map}, {transform_indices = #map}, {transform_indices = #map1}, {transform_indices = #map1}, {transform_indices = #map}]} {
    %mul3A = arith.constant 2 : i32
    %mul3A_0 = arith.muli %arg1, %mul3A : i32
    %add3A = arith.addi %mul3A_0, %arg0 : i32
    %mul3A_1 = arith.constant 2000 : i32
    %mul3A_2 = arith.muli %add3A, %mul3A_1 : i32
    %add3A_3 = arith.constant 0 : i32
    %add3A_4 = arith.addi %mul3A_2, %add3A_3 : i32
    %dma_start3A = tpu.memref_slice %arg4[%add3A_4] : memref<64000xi32, #tpu.memory_space<hbm>> -> memref<80xi32, #tpu.memory_space<hbm>>
    %dma_start3A_5 = tpu.memref_slice %arg4[%add3A_4] : memref<64000xi32, #tpu.memory_space<hbm>> -> memref<80xi32, #tpu.memory_space<hbm>>
    tpu.enqueue_dma source(%dma_start3A_5 : memref<80xi32, #tpu.memory_space<hbm>>) target(%arg7 : memref<80xi32, #tpu.memory_space<vmem>>) target_semaphore(%arg15 : memref<!tpu.dma_semaphore, #tpu.memory_space<semaphore_mem>>)
    %dma_start3A_6 = tpu.memref_slice %arg5[%add3A_4] : memref<64000xi32, #tpu.memory_space<hbm>> -> memref<80xi32, #tpu.memory_space<hbm>>
    %dma_start3A_7 = tpu.memref_slice %arg5[%add3A_4] : memref<64000xi32, #tpu.memory_space<hbm>> -> memref<80xi32, #tpu.memory_space<hbm>>
    tpu.enqueue_dma source(%dma_start3A_7 : memref<80xi32, #tpu.memory_space<hbm>>) target(%arg9 : memref<80xi32, #tpu.memory_space<vmem>>) target_semaphore(%arg17 : memref<!tpu.dma_semaphore, #tpu.memory_space<semaphore_mem>>)
    %add3A_8 = arith.constant 80 : i32
    %add3A_9 = arith.addi %mul3A_2, %add3A_8 : i32
    %dma_start3A_10 = tpu.memref_slice %arg4[%add3A_9] : memref<64000xi32, #tpu.memory_space<hbm>> -> memref<80xi32, #tpu.memory_space<hbm>>
    %dma_start3A_11 = tpu.memref_slice %arg4[%add3A_9] : memref<64000xi32, #tpu.memory_space<hbm>> -> memref<80xi32, #tpu.memory_space<hbm>>
    tpu.enqueue_dma source(%dma_start3A_11 : memref<80xi32, #tpu.memory_space<hbm>>) target(%arg8 : memref<80xi32, #tpu.memory_space<vmem>>) target_semaphore(%arg16 : memref<!tpu.dma_semaphore, #tpu.memory_space<semaphore_mem>>)
    %dma_start3A_12 = tpu.memref_slice %arg5[%add3A_9] : memref<64000xi32, #tpu.memory_space<hbm>> -> memref<80xi32, #tpu.memory_space<hbm>>
    %dma_start3A_13 = tpu.memref_slice %arg5[%add3A_9] : memref<64000xi32, #tpu.memory_space<hbm>> -> memref<80xi32, #tpu.memory_space<hbm>>
    tpu.enqueue_dma source(%dma_start3A_13 : memref<80xi32, #tpu.memory_space<hbm>>) target(%arg10 : memref<80xi32, #tpu.memory_space<vmem>>) target_semaphore(%arg18 : memref<!tpu.dma_semaphore, #tpu.memory_space<semaphore_mem>>)
    %add3A_14 = arith.constant 0 : i32
    %add3A_15 = arith.addi %mul3A_2, %add3A_14 : i32
    %dma_wait3A = tpu.memref_slice %arg4[%add3A_15] : memref<64000xi32, #tpu.memory_space<hbm>> -> memref<80xi32, #tpu.memory_space<hbm>>
    %dma_wait3A_16 = tpu.memref_slice %arg4[%add3A_15] : memref<64000xi32, #tpu.memory_space<hbm>> -> memref<80xi32, #tpu.memory_space<hbm>>
    tpu.wait_dma2 semaphore(%arg15 : memref<!tpu.dma_semaphore, #tpu.memory_space<semaphore_mem>>) src(%dma_wait3A_16 : memref<80xi32, #tpu.memory_space<hbm>>) dst(%arg7 : memref<80xi32, #tpu.memory_space<vmem>>)
    %dma_wait3A_17 = tpu.memref_slice %arg5[%add3A_15] : memref<64000xi32, #tpu.memory_space<hbm>> -> memref<80xi32, #tpu.memory_space<hbm>>
    %dma_wait3A_18 = tpu.memref_slice %arg5[%add3A_15] : memref<64000xi32, #tpu.memory_space<hbm>> -> memref<80xi32, #tpu.memory_space<hbm>>
    tpu.wait_dma2 semaphore(%arg17 : memref<!tpu.dma_semaphore, #tpu.memory_space<semaphore_mem>>) src(%dma_wait3A_18 : memref<80xi32, #tpu.memory_space<hbm>>) dst(%arg9 : memref<80xi32, #tpu.memory_space<vmem>>)
    %dma_start3A_19 = arith.constant 0 : i32
    %dma_start3A_20 = arith.constant 0 : i32
    %dma_start3A_21 = tpu.memref_slice %arg2[%dma_start3A_19, %dma_start3A_20] : memref<10000x128xf32, #tpu.memory_space<hbm>> -> memref<10000x128xf32, #tpu.memory_space<hbm>>
    tpu.enqueue_indirect_dma source(%dma_start3A_21 : memref<10000x128xf32, #tpu.memory_space<hbm>>) target(%arg11 : memref<80x128xf32, #tpu.memory_space<vmem>>) offsets(%arg7 : memref<80xi32, #tpu.memory_space<vmem>>) semaphore(%arg19 : memref<!tpu.dma_semaphore, #tpu.memory_space<semaphore_mem>>)
    %dma_start3A_22 = arith.constant 0 : i32
    %dma_start3A_23 = arith.constant 0 : i32
    %dma_start3A_24 = tpu.memref_slice %arg3[%dma_start3A_22, %dma_start3A_23] : memref<10000x128xf32, #tpu.memory_space<hbm>> -> memref<10000x128xf32, #tpu.memory_space<hbm>>
    tpu.enqueue_indirect_dma source(%dma_start3A_24 : memref<10000x128xf32, #tpu.memory_space<hbm>>) target(%arg13 : memref<80x128xf32, #tpu.memory_space<vmem>>) offsets(%arg9 : memref<80xi32, #tpu.memory_space<vmem>>) semaphore(%arg21 : memref<!tpu.dma_semaphore, #tpu.memory_space<semaphore_mem>>)
    %scan3A = arith.constant 0 : i32
    %scan3A_25 = arith.constant 0 : i32
    %scan3A_26 = arith.constant 13 : i32
    %scan3A_27 = arith.addi %scan3A_25, %scan3A_26 : i32
    %scan3A_28 = arith.constant 1 : i32
    scf.for %scan3A_36 = %scan3A_25 to %scan3A_27 step %scan3A_28  : i32 {
      %mul3A_37 = arith.constant 2 : i32
      %mul3A_38 = arith.muli %mul3A_37, %scan3A_36 : i32
      %add3A_39 = arith.constant 0 : i32
      %add3A_40 = arith.addi %mul3A_38, %add3A_39 : i32
      %lt3A = arith.constant 25 : i32
      %lt3A_41 = arith.cmpi slt, %add3A_40, %lt3A : i32
      %convert_element_type3A = arith.extui %lt3A_41 : i1 to i32
      %cond3A = arith.constant 0 : i32
      %cond3A_42 = arith.cmpi ne, %convert_element_type3A, %cond3A : i32
      scf.if %cond3A_42 {
        %dma_wait3A_52 = arith.constant 0 : i32
        %dma_wait3A_53 = arith.constant 0 : i32
        %dma_wait3A_54 = tpu.memref_slice %arg2[%dma_wait3A_52, %dma_wait3A_53] : memref<10000x128xf32, #tpu.memory_space<hbm>> -> memref<10000x128xf32, #tpu.memory_space<hbm>>
        tpu.wait_indirect_dma semaphore(%arg19 : memref<!tpu.dma_semaphore, #tpu.memory_space<semaphore_mem>>) src(%dma_wait3A_54 : memref<10000x128xf32, #tpu.memory_space<hbm>>) dst(%arg11 : memref<80x128xf32, #tpu.memory_space<vmem>>)
        %dma_wait3A_55 = arith.constant 0 : i32
        %dma_wait3A_56 = arith.constant 0 : i32
        %dma_wait3A_57 = tpu.memref_slice %arg3[%dma_wait3A_55, %dma_wait3A_56] : memref<10000x128xf32, #tpu.memory_space<hbm>> -> memref<10000x128xf32, #tpu.memory_space<hbm>>
        tpu.wait_indirect_dma semaphore(%arg21 : memref<!tpu.dma_semaphore, #tpu.memory_space<semaphore_mem>>) src(%dma_wait3A_57 : memref<10000x128xf32, #tpu.memory_space<hbm>>) dst(%arg13 : memref<80x128xf32, #tpu.memory_space<vmem>>)
        %add3A_58 = arith.constant 2 : i32
        %add3A_59 = arith.addi %add3A_40, %add3A_58 : i32
        %lt3A_60 = arith.constant 25 : i32
        %lt3A_61 = arith.cmpi slt, %add3A_59, %lt3A_60 : i32
        %convert_element_type3A_62 = arith.extui %lt3A_61 : i1 to i32
        %cond3A_63 = arith.constant 0 : i32
        %cond3A_64 = arith.cmpi ne, %convert_element_type3A_62, %cond3A_63 : i32
        scf.if %cond3A_64 {
          %add3A_89 = arith.constant 2 : i32
          %add3A_90 = arith.addi %add3A_40, %add3A_89 : i32
          %mul3A_91 = arith.constant 80 : i32
          %mul3A_92 = arith.muli %add3A_90, %mul3A_91 : i32
          %add3A_93 = arith.addi %mul3A_2, %mul3A_92 : i32
          %dma_start3A_94 = tpu.memref_slice %arg4[%add3A_93] : memref<64000xi32, #tpu.memory_space<hbm>> -> memref<80xi32, #tpu.memory_space<hbm>>
          %dma_start3A_95 = tpu.memref_slice %arg4[%add3A_93] : memref<64000xi32, #tpu.memory_space<hbm>> -> memref<80xi32, #tpu.memory_space<hbm>>
          tpu.enqueue_dma source(%dma_start3A_95 : memref<80xi32, #tpu.memory_space<hbm>>) target(%arg7 : memref<80xi32, #tpu.memory_space<vmem>>) target_semaphore(%arg15 : memref<!tpu.dma_semaphore, #tpu.memory_space<semaphore_mem>>)
          %dma_start3A_96 = tpu.memref_slice %arg5[%add3A_93] : memref<64000xi32, #tpu.memory_space<hbm>> -> memref<80xi32, #tpu.memory_space<hbm>>
          %dma_start3A_97 = tpu.memref_slice %arg5[%add3A_93] : memref<64000xi32, #tpu.memory_space<hbm>> -> memref<80xi32, #tpu.memory_space<hbm>>
          tpu.enqueue_dma source(%dma_start3A_97 : memref<80xi32, #tpu.memory_space<hbm>>) target(%arg9 : memref<80xi32, #tpu.memory_space<vmem>>) target_semaphore(%arg17 : memref<!tpu.dma_semaphore, #tpu.memory_space<semaphore_mem>>)
        } else {
        }
        %ge3A = arith.constant 1 : i32
        %ge3A_65 = arith.cmpi sge, %add3A_40, %ge3A : i32
        %convert_element_type3A_66 = arith.extui %ge3A_65 : i1 to i32
        %cond3A_67 = arith.constant 0 : i32
        %cond3A_68 = arith.cmpi ne, %convert_element_type3A_66, %cond3A_67 : i32
        scf.if %cond3A_68 {
          %sub3A = arith.constant 1 : i32
          %sub3A_89 = arith.subi %add3A_40, %sub3A : i32
          %mul3A_90 = arith.constant 80 : i32
          %mul3A_91 = arith.muli %sub3A_89, %mul3A_90 : i32
          %add3A_92 = arith.addi %mul3A_2, %mul3A_91 : i32
          %dma_wait3A_93 = arith.constant 0 : i32
          %dma_wait3A_94 = tpu.memref_slice %arg6[%add3A_92, %dma_wait3A_93] : memref<64000x128xf32, #tpu.memory_space<hbm>> -> memref<80x128xf32, #tpu.memory_space<hbm>>
          %dma_wait3A_95 = arith.constant 0 : i32
          %dma_wait3A_96 = tpu.memref_slice %arg6[%add3A_92, %dma_wait3A_95] : memref<64000x128xf32, #tpu.memory_space<hbm>> -> memref<80x128xf32, #tpu.memory_space<hbm>>
          tpu.wait_dma2 semaphore(%arg24 : memref<!tpu.dma_semaphore, #tpu.memory_space<semaphore_mem>>) src(%arg12 : memref<80x128xf32, #tpu.memory_space<vmem>>) dst(%dma_wait3A_96 : memref<80x128xf32, #tpu.memory_space<hbm>>)
        } else {
        }
        %add3A_69 = arith.constant 1 : i32
        %add3A_70 = arith.addi %add3A_40, %add3A_69 : i32
        %lt3A_71 = arith.constant 25 : i32
        %lt3A_72 = arith.cmpi slt, %add3A_70, %lt3A_71 : i32
        %convert_element_type3A_73 = arith.extui %lt3A_72 : i1 to i32
        %cond3A_74 = arith.constant 0 : i32
        %cond3A_75 = arith.cmpi ne, %convert_element_type3A_73, %cond3A_74 : i32
        scf.if %cond3A_75 {
          %add3A_89 = arith.constant 1 : i32
          %add3A_90 = arith.addi %add3A_40, %add3A_89 : i32
          %mul3A_91 = arith.constant 80 : i32
          %mul3A_92 = arith.muli %add3A_90, %mul3A_91 : i32
          %add3A_93 = arith.addi %mul3A_2, %mul3A_92 : i32
          %dma_wait3A_94 = tpu.memref_slice %arg4[%add3A_93] : memref<64000xi32, #tpu.memory_space<hbm>> -> memref<80xi32, #tpu.memory_space<hbm>>
          %dma_wait3A_95 = tpu.memref_slice %arg4[%add3A_93] : memref<64000xi32, #tpu.memory_space<hbm>> -> memref<80xi32, #tpu.memory_space<hbm>>
          tpu.wait_dma2 semaphore(%arg16 : memref<!tpu.dma_semaphore, #tpu.memory_space<semaphore_mem>>) src(%dma_wait3A_95 : memref<80xi32, #tpu.memory_space<hbm>>) dst(%arg8 : memref<80xi32, #tpu.memory_space<vmem>>)
          %dma_wait3A_96 = tpu.memref_slice %arg5[%add3A_93] : memref<64000xi32, #tpu.memory_space<hbm>> -> memref<80xi32, #tpu.memory_space<hbm>>
          %dma_wait3A_97 = tpu.memref_slice %arg5[%add3A_93] : memref<64000xi32, #tpu.memory_space<hbm>> -> memref<80xi32, #tpu.memory_space<hbm>>
          tpu.wait_dma2 semaphore(%arg18 : memref<!tpu.dma_semaphore, #tpu.memory_space<semaphore_mem>>) src(%dma_wait3A_97 : memref<80xi32, #tpu.memory_space<hbm>>) dst(%arg10 : memref<80xi32, #tpu.memory_space<vmem>>)
          %dma_start3A_98 = arith.constant 0 : i32
          %dma_start3A_99 = arith.constant 0 : i32
          %dma_start3A_100 = tpu.memref_slice %arg2[%dma_start3A_98, %dma_start3A_99] : memref<10000x128xf32, #tpu.memory_space<hbm>> -> memref<10000x128xf32, #tpu.memory_space<hbm>>
          tpu.enqueue_indirect_dma source(%dma_start3A_100 : memref<10000x128xf32, #tpu.memory_space<hbm>>) target(%arg12 : memref<80x128xf32, #tpu.memory_space<vmem>>) offsets(%arg8 : memref<80xi32, #tpu.memory_space<vmem>>) semaphore(%arg20 : memref<!tpu.dma_semaphore, #tpu.memory_space<semaphore_mem>>)
          %dma_start3A_101 = arith.constant 0 : i32
          %dma_start3A_102 = arith.constant 0 : i32
          %dma_start3A_103 = tpu.memref_slice %arg3[%dma_start3A_101, %dma_start3A_102] : memref<10000x128xf32, #tpu.memory_space<hbm>> -> memref<10000x128xf32, #tpu.memory_space<hbm>>
          tpu.enqueue_indirect_dma source(%dma_start3A_103 : memref<10000x128xf32, #tpu.memory_space<hbm>>) target(%arg14 : memref<80x128xf32, #tpu.memory_space<vmem>>) offsets(%arg10 : memref<80xi32, #tpu.memory_space<vmem>>) semaphore(%arg22 : memref<!tpu.dma_semaphore, #tpu.memory_space<semaphore_mem>>)
        } else {
        }
        %scan3A_76 = arith.constant 0 : i32
        %scan3A_77 = arith.constant 0 : i32
        %scan3A_78 = arith.constant 80 : i32
        %scan3A_79 = arith.addi %scan3A_77, %scan3A_78 : i32
        %scan3A_80 = arith.constant 1 : i32
        scf.for %scan3A_89 = %scan3A_77 to %scan3A_79 step %scan3A_80  : i32 {
          %get3A = arith.index_cast %scan3A_89 : i32 to index
          %get3A_90 = arith.constant 0 : index
          %get3A_91 = tpu.vector_load %arg11[%get3A, %get3A_90] {strides = array<i32>} : memref<80x128xf32, #tpu.memory_space<vmem>>, vector<1x16xf32>,
          %get3A_92 = vector.shape_cast %get3A_91 : vector<1x16xf32> to vector<16xf32>
          %get3A_93 = arith.index_cast %scan3A_89 : i32 to index
          %get3A_94 = arith.constant 0 : index
          %get3A_95 = tpu.vector_load %arg13[%get3A_93, %get3A_94] {strides = array<i32>} : memref<80x128xf32, #tpu.memory_space<vmem>>, vector<1x16xf32>,
          %get3A_96 = vector.shape_cast %get3A_95 : vector<1x16xf32> to vector<16xf32>
          %add3A_97 = arith.addf %get3A_92, %get3A_96 : vector<16xf32>
          %swap3A = arith.index_cast %scan3A_89 : i32 to index
          %swap3A_98 = arith.constant 0 : index
          %swap3A_99 = tpu.vector_load %arg11[%swap3A, %swap3A_98] {strides = array<i32>} : memref<80x128xf32, #tpu.memory_space<vmem>>, vector<1x16xf32>,
          %swap3A_100 = vector.shape_cast %swap3A_99 : vector<1x16xf32> to vector<16xf32>
          %swap3A_101 = vector.shape_cast %add3A_97 : vector<16xf32> to vector<1x16xf32>
          tpu.vector_store %arg11[%swap3A, %swap3A_98], %swap3A_101 {strides = array<i32>} : memref<80x128xf32, #tpu.memory_space<vmem>>, vector<1x16xf32>,
          %get3A_102 = arith.index_cast %scan3A_89 : i32 to index
          %get3A_103 = arith.constant 16 : index
          %get3A_104 = tpu.vector_load %arg11[%get3A_102, %get3A_103] {strides = array<i32>} : memref<80x128xf32, #tpu.memory_space<vmem>>, vector<1x16xf32>,
          %get3A_105 = vector.shape_cast %get3A_104 : vector<1x16xf32> to vector<16xf32>
          %get3A_106 = arith.index_cast %scan3A_89 : i32 to index
          %get3A_107 = arith.constant 16 : index
          %get3A_108 = tpu.vector_load %arg13[%get3A_106, %get3A_107] {strides = array<i32>} : memref<80x128xf32, #tpu.memory_space<vmem>>, vector<1x16xf32>,
          %get3A_109 = vector.shape_cast %get3A_108 : vector<1x16xf32> to vector<16xf32>
          %add3A_110 = arith.addf %get3A_105, %get3A_109 : vector<16xf32>
          %swap3A_111 = arith.index_cast %scan3A_89 : i32 to index
          %swap3A_112 = arith.constant 16 : index
          %swap3A_113 = tpu.vector_load %arg11[%swap3A_111, %swap3A_112] {strides = array<i32>} : memref<80x128xf32, #tpu.memory_space<vmem>>, vector<1x16xf32>,
          %swap3A_114 = vector.shape_cast %swap3A_113 : vector<1x16xf32> to vector<16xf32>
          %swap3A_115 = vector.shape_cast %add3A_110 : vector<16xf32> to vector<1x16xf32>
          tpu.vector_store %arg11[%swap3A_111, %swap3A_112], %swap3A_115 {strides = array<i32>} : memref<80x128xf32, #tpu.memory_space<vmem>>, vector<1x16xf32>,
          %get3A_116 = arith.index_cast %scan3A_89 : i32 to index
          %get3A_117 = arith.constant 32 : index
          %get3A_118 = tpu.vector_load %arg11[%get3A_116, %get3A_117] {strides = array<i32>} : memref<80x128xf32, #tpu.memory_space<vmem>>, vector<1x16xf32>,
          %get3A_119 = vector.shape_cast %get3A_118 : vector<1x16xf32> to vector<16xf32>
          %get3A_120 = arith.index_cast %scan3A_89 : i32 to index
          %get3A_121 = arith.constant 32 : index
          %get3A_122 = tpu.vector_load %arg13[%get3A_120, %get3A_121] {strides = array<i32>} : memref<80x128xf32, #tpu.memory_space<vmem>>, vector<1x16xf32>,
          %get3A_123 = vector.shape_cast %get3A_122 : vector<1x16xf32> to vector<16xf32>
          %add3A_124 = arith.addf %get3A_119, %get3A_123 : vector<16xf32>
          %swap3A_125 = arith.index_cast %scan3A_89 : i32 to index
          %swap3A_126 = arith.constant 32 : index
          %swap3A_127 = tpu.vector_load %arg11[%swap3A_125, %swap3A_126] {strides = array<i32>} : memref<80x128xf32, #tpu.memory_space<vmem>>, vector<1x16xf32>,
          %swap3A_128 = vector.shape_cast %swap3A_127 : vector<1x16xf32> to vector<16xf32>
          %swap3A_129 = vector.shape_cast %add3A_124 : vector<16xf32> to vector<1x16xf32>
          tpu.vector_store %arg11[%swap3A_125, %swap3A_126], %swap3A_129 {strides = array<i32>} : memref<80x128xf32, #tpu.memory_space<vmem>>, vector<1x16xf32>,
          %get3A_130 = arith.index_cast %scan3A_89 : i32 to index
          %get3A_131 = arith.constant 48 : index
          %get3A_132 = tpu.vector_load %arg11[%get3A_130, %get3A_131] {strides = array<i32>} : memref<80x128xf32, #tpu.memory_space<vmem>>, vector<1x16xf32>,
          %get3A_133 = vector.shape_cast %get3A_132 : vector<1x16xf32> to vector<16xf32>
          %get3A_134 = arith.index_cast %scan3A_89 : i32 to index
          %get3A_135 = arith.constant 48 : index
          %get3A_136 = tpu.vector_load %arg13[%get3A_134, %get3A_135] {strides = array<i32>} : memref<80x128xf32, #tpu.memory_space<vmem>>, vector<1x16xf32>,
          %get3A_137 = vector.shape_cast %get3A_136 : vector<1x16xf32> to vector<16xf32>
          %add3A_138 = arith.addf %get3A_133, %get3A_137 : vector<16xf32>
          %swap3A_139 = arith.index_cast %scan3A_89 : i32 to index
          %swap3A_140 = arith.constant 48 : index
          %swap3A_141 = tpu.vector_load %arg11[%swap3A_139, %swap3A_140] {strides = array<i32>} : memref<80x128xf32, #tpu.memory_space<vmem>>, vector<1x16xf32>,
          %swap3A_142 = vector.shape_cast %swap3A_141 : vector<1x16xf32> to vector<16xf32>
          %swap3A_143 = vector.shape_cast %add3A_138 : vector<16xf32> to vector<1x16xf32>
          tpu.vector_store %arg11[%swap3A_139, %swap3A_140], %swap3A_143 {strides = array<i32>} : memref<80x128xf32, #tpu.memory_space<vmem>>, vector<1x16xf32>,
          %get3A_144 = arith.index_cast %scan3A_89 : i32 to index
          %get3A_145 = arith.constant 64 : index
          %get3A_146 = tpu.vector_load %arg11[%get3A_144, %get3A_145] {strides = array<i32>} : memref<80x128xf32, #tpu.memory_space<vmem>>, vector<1x16xf32>,
          %get3A_147 = vector.shape_cast %get3A_146 : vector<1x16xf32> to vector<16xf32>
          %get3A_148 = arith.index_cast %scan3A_89 : i32 to index
          %get3A_149 = arith.constant 64 : index
          %get3A_150 = tpu.vector_load %arg13[%get3A_148, %get3A_149] {strides = array<i32>} : memref<80x128xf32, #tpu.memory_space<vmem>>, vector<1x16xf32>,
          %get3A_151 = vector.shape_cast %get3A_150 : vector<1x16xf32> to vector<16xf32>
          %add3A_152 = arith.addf %get3A_147, %get3A_151 : vector<16xf32>
          %swap3A_153 = arith.index_cast %scan3A_89 : i32 to index
          %swap3A_154 = arith.constant 64 : index
          %swap3A_155 = tpu.vector_load %arg11[%swap3A_153, %swap3A_154] {strides = array<i32>} : memref<80x128xf32, #tpu.memory_space<vmem>>, vector<1x16xf32>,
          %swap3A_156 = vector.shape_cast %swap3A_155 : vector<1x16xf32> to vector<16xf32>
          %swap3A_157 = vector.shape_cast %add3A_152 : vector<16xf32> to vector<1x16xf32>
          tpu.vector_store %arg11[%swap3A_153, %swap3A_154], %swap3A_157 {strides = array<i32>} : memref<80x128xf32, #tpu.memory_space<vmem>>, vector<1x16xf32>,
          %get3A_158 = arith.index_cast %scan3A_89 : i32 to index
          %get3A_159 = arith.constant 80 : index
          %get3A_160 = tpu.vector_load %arg11[%get3A_158, %get3A_159] {strides = array<i32>} : memref<80x128xf32, #tpu.memory_space<vmem>>, vector<1x16xf32>,
          %get3A_161 = vector.shape_cast %get3A_160 : vector<1x16xf32> to vector<16xf32>
          %get3A_162 = arith.index_cast %scan3A_89 : i32 to index
          %get3A_163 = arith.constant 80 : index
          %get3A_164 = tpu.vector_load %arg13[%get3A_162, %get3A_163] {strides = array<i32>} : memref<80x128xf32, #tpu.memory_space<vmem>>, vector<1x16xf32>,
          %get3A_165 = vector.shape_cast %get3A_164 : vector<1x16xf32> to vector<16xf32>
          %add3A_166 = arith.addf %get3A_161, %get3A_165 : vector<16xf32>
          %swap3A_167 = arith.index_cast %scan3A_89 : i32 to index
          %swap3A_168 = arith.constant 80 : index
          %swap3A_169 = tpu.vector_load %arg11[%swap3A_167, %swap3A_168] {strides = array<i32>} : memref<80x128xf32, #tpu.memory_space<vmem>>, vector<1x16xf32>,
          %swap3A_170 = vector.shape_cast %swap3A_169 : vector<1x16xf32> to vector<16xf32>
          %swap3A_171 = vector.shape_cast %add3A_166 : vector<16xf32> to vector<1x16xf32>
          tpu.vector_store %arg11[%swap3A_167, %swap3A_168], %swap3A_171 {strides = array<i32>} : memref<80x128xf32, #tpu.memory_space<vmem>>, vector<1x16xf32>,
          %get3A_172 = arith.index_cast %scan3A_89 : i32 to index
          %get3A_173 = arith.constant 96 : index
          %get3A_174 = tpu.vector_load %arg11[%get3A_172, %get3A_173] {strides = array<i32>} : memref<80x128xf32, #tpu.memory_space<vmem>>, vector<1x16xf32>,
          %get3A_175 = vector.shape_cast %get3A_174 : vector<1x16xf32> to vector<16xf32>
          %get3A_176 = arith.index_cast %scan3A_89 : i32 to index
          %get3A_177 = arith.constant 96 : index
          %get3A_178 = tpu.vector_load %arg13[%get3A_176, %get3A_177] {strides = array<i32>} : memref<80x128xf32, #tpu.memory_space<vmem>>, vector<1x16xf32>,
          %get3A_179 = vector.shape_cast %get3A_178 : vector<1x16xf32> to vector<16xf32>
          %add3A_180 = arith.addf %get3A_175, %get3A_179 : vector<16xf32>
          %swap3A_181 = arith.index_cast %scan3A_89 : i32 to index
          %swap3A_182 = arith.constant 96 : index
          %swap3A_183 = tpu.vector_load %arg11[%swap3A_181, %swap3A_182] {strides = array<i32>} : memref<80x128xf32, #tpu.memory_space<vmem>>, vector<1x16xf32>,
          %swap3A_184 = vector.shape_cast %swap3A_183 : vector<1x16xf32> to vector<16xf32>
          %swap3A_185 = vector.shape_cast %add3A_180 : vector<16xf32> to vector<1x16xf32>
          tpu.vector_store %arg11[%swap3A_181, %swap3A_182], %swap3A_185 {strides = array<i32>} : memref<80x128xf32, #tpu.memory_space<vmem>>, vector<1x16xf32>,
          %get3A_186 = arith.index_cast %scan3A_89 : i32 to index
          %get3A_187 = arith.constant 112 : index
          %get3A_188 = tpu.vector_load %arg11[%get3A_186, %get3A_187] {strides = array<i32>} : memref<80x128xf32, #tpu.memory_space<vmem>>, vector<1x16xf32>,
          %get3A_189 = vector.shape_cast %get3A_188 : vector<1x16xf32> to vector<16xf32>
          %get3A_190 = arith.index_cast %scan3A_89 : i32 to index
          %get3A_191 = arith.constant 112 : index
          %get3A_192 = tpu.vector_load %arg13[%get3A_190, %get3A_191] {strides = array<i32>} : memref<80x128xf32, #tpu.memory_space<vmem>>, vector<1x16xf32>,
          %get3A_193 = vector.shape_cast %get3A_192 : vector<1x16xf32> to vector<16xf32>
          %add3A_194 = arith.addf %get3A_189, %get3A_193 : vector<16xf32>
          %swap3A_195 = arith.index_cast %scan3A_89 : i32 to index
          %swap3A_196 = arith.constant 112 : index
          %swap3A_197 = tpu.vector_load %arg11[%swap3A_195, %swap3A_196] {strides = array<i32>} : memref<80x128xf32, #tpu.memory_space<vmem>>, vector<1x16xf32>,
          %swap3A_198 = vector.shape_cast %swap3A_197 : vector<1x16xf32> to vector<16xf32>
          %swap3A_199 = vector.shape_cast %add3A_194 : vector<16xf32> to vector<1x16xf32>
          tpu.vector_store %arg11[%swap3A_195, %swap3A_196], %swap3A_199 {strides = array<i32>} : memref<80x128xf32, #tpu.memory_space<vmem>>, vector<1x16xf32>,
        }
        %scan3A_81 = arith.constant 80 : i32
        %mul3A_82 = arith.constant 80 : i32
        %mul3A_83 = arith.muli %add3A_40, %mul3A_82 : i32
        %add3A_84 = arith.addi %mul3A_2, %mul3A_83 : i32
        %dma_start3A_85 = arith.constant 0 : i32
        %dma_start3A_86 = tpu.memref_slice %arg6[%add3A_84, %dma_start3A_85] : memref<64000x128xf32, #tpu.memory_space<hbm>> -> memref<80x128xf32, #tpu.memory_space<hbm>>
        %dma_start3A_87 = arith.constant 0 : i32
        %dma_start3A_88 = tpu.memref_slice %arg6[%add3A_84, %dma_start3A_87] : memref<64000x128xf32, #tpu.memory_space<hbm>> -> memref<80x128xf32, #tpu.memory_space<hbm>>
        tpu.enqueue_dma source(%arg11 : memref<80x128xf32, #tpu.memory_space<vmem>>) target(%dma_start3A_88 : memref<80x128xf32, #tpu.memory_space<hbm>>) target_semaphore(%arg23 : memref<!tpu.dma_semaphore, #tpu.memory_space<semaphore_mem>>)
      } else {
      }
      %mul3A_43 = arith.constant 2 : i32
      %mul3A_44 = arith.muli %mul3A_43, %scan3A_36 : i32
      %add3A_45 = arith.constant 1 : i32
      %add3A_46 = arith.addi %mul3A_44, %add3A_45 : i32
      %lt3A_47 = arith.constant 25 : i32
      %lt3A_48 = arith.cmpi slt, %add3A_46, %lt3A_47 : i32
      %convert_element_type3A_49 = arith.extui %lt3A_48 : i1 to i32
      %cond3A_50 = arith.constant 0 : i32
      %cond3A_51 = arith.cmpi ne, %convert_element_type3A_49, %cond3A_50 : i32
      scf.if %cond3A_51 {
        %dma_wait3A_52 = arith.constant 0 : i32
        %dma_wait3A_53 = arith.constant 0 : i32
        %dma_wait3A_54 = tpu.memref_slice %arg2[%dma_wait3A_52, %dma_wait3A_53] : memref<10000x128xf32, #tpu.memory_space<hbm>> -> memref<10000x128xf32, #tpu.memory_space<hbm>>
        tpu.wait_indirect_dma semaphore(%arg20 : memref<!tpu.dma_semaphore, #tpu.memory_space<semaphore_mem>>) src(%dma_wait3A_54 : memref<10000x128xf32, #tpu.memory_space<hbm>>) dst(%arg12 : memref<80x128xf32, #tpu.memory_space<vmem>>)
        %dma_wait3A_55 = arith.constant 0 : i32
        %dma_wait3A_56 = arith.constant 0 : i32
        %dma_wait3A_57 = tpu.memref_slice %arg3[%dma_wait3A_55, %dma_wait3A_56] : memref<10000x128xf32, #tpu.memory_space<hbm>> -> memref<10000x128xf32, #tpu.memory_space<hbm>>
        tpu.wait_indirect_dma semaphore(%arg22 : memref<!tpu.dma_semaphore, #tpu.memory_space<semaphore_mem>>) src(%dma_wait3A_57 : memref<10000x128xf32, #tpu.memory_space<hbm>>) dst(%arg14 : memref<80x128xf32, #tpu.memory_space<vmem>>)
        %add3A_58 = arith.constant 2 : i32
        %add3A_59 = arith.addi %add3A_46, %add3A_58 : i32
        %lt3A_60 = arith.constant 25 : i32
        %lt3A_61 = arith.cmpi slt, %add3A_59, %lt3A_60 : i32
        %convert_element_type3A_62 = arith.extui %lt3A_61 : i1 to i32
        %cond3A_63 = arith.constant 0 : i32
        %cond3A_64 = arith.cmpi ne, %convert_element_type3A_62, %cond3A_63 : i32
        scf.if %cond3A_64 {
          %add3A_89 = arith.constant 2 : i32
          %add3A_90 = arith.addi %add3A_46, %add3A_89 : i32
          %mul3A_91 = arith.constant 80 : i32
          %mul3A_92 = arith.muli %add3A_90, %mul3A_91 : i32
          %add3A_93 = arith.addi %mul3A_2, %mul3A_92 : i32
          %dma_start3A_94 = tpu.memref_slice %arg4[%add3A_93] : memref<64000xi32, #tpu.memory_space<hbm>> -> memref<80xi32, #tpu.memory_space<hbm>>
          %dma_start3A_95 = tpu.memref_slice %arg4[%add3A_93] : memref<64000xi32, #tpu.memory_space<hbm>> -> memref<80xi32, #tpu.memory_space<hbm>>
          tpu.enqueue_dma source(%dma_start3A_95 : memref<80xi32, #tpu.memory_space<hbm>>) target(%arg8 : memref<80xi32, #tpu.memory_space<vmem>>) target_semaphore(%arg16 : memref<!tpu.dma_semaphore, #tpu.memory_space<semaphore_mem>>)
          %dma_start3A_96 = tpu.memref_slice %arg5[%add3A_93] : memref<64000xi32, #tpu.memory_space<hbm>> -> memref<80xi32, #tpu.memory_space<hbm>>
          %dma_start3A_97 = tpu.memref_slice %arg5[%add3A_93] : memref<64000xi32, #tpu.memory_space<hbm>> -> memref<80xi32, #tpu.memory_space<hbm>>
          tpu.enqueue_dma source(%dma_start3A_97 : memref<80xi32, #tpu.memory_space<hbm>>) target(%arg10 : memref<80xi32, #tpu.memory_space<vmem>>) target_semaphore(%arg18 : memref<!tpu.dma_semaphore, #tpu.memory_space<semaphore_mem>>)
        } else {
        }
        %ge3A = arith.constant 1 : i32
        %ge3A_65 = arith.cmpi sge, %add3A_46, %ge3A : i32
        %convert_element_type3A_66 = arith.extui %ge3A_65 : i1 to i32
        %cond3A_67 = arith.constant 0 : i32
        %cond3A_68 = arith.cmpi ne, %convert_element_type3A_66, %cond3A_67 : i32
        scf.if %cond3A_68 {
          %sub3A = arith.constant 1 : i32
          %sub3A_89 = arith.subi %add3A_46, %sub3A : i32
          %mul3A_90 = arith.constant 80 : i32
          %mul3A_91 = arith.muli %sub3A_89, %mul3A_90 : i32
          %add3A_92 = arith.addi %mul3A_2, %mul3A_91 : i32
          %dma_wait3A_93 = arith.constant 0 : i32
          %dma_wait3A_94 = tpu.memref_slice %arg6[%add3A_92, %dma_wait3A_93] : memref<64000x128xf32, #tpu.memory_space<hbm>> -> memref<80x128xf32, #tpu.memory_space<hbm>>
          %dma_wait3A_95 = arith.constant 0 : i32
          %dma_wait3A_96 = tpu.memref_slice %arg6[%add3A_92, %dma_wait3A_95] : memref<64000x128xf32, #tpu.memory_space<hbm>> -> memref<80x128xf32, #tpu.memory_space<hbm>>
          tpu.wait_dma2 semaphore(%arg23 : memref<!tpu.dma_semaphore, #tpu.memory_space<semaphore_mem>>) src(%arg11 : memref<80x128xf32, #tpu.memory_space<vmem>>) dst(%dma_wait3A_96 : memref<80x128xf32, #tpu.memory_space<hbm>>)
        } else {
        }
        %add3A_69 = arith.constant 1 : i32
        %add3A_70 = arith.addi %add3A_46, %add3A_69 : i32
        %lt3A_71 = arith.constant 25 : i32
        %lt3A_72 = arith.cmpi slt, %add3A_70, %lt3A_71 : i32
        %convert_element_type3A_73 = arith.extui %lt3A_72 : i1 to i32
        %cond3A_74 = arith.constant 0 : i32
        %cond3A_75 = arith.cmpi ne, %convert_element_type3A_73, %cond3A_74 : i32
        scf.if %cond3A_75 {
          %add3A_89 = arith.constant 1 : i32
          %add3A_90 = arith.addi %add3A_46, %add3A_89 : i32
          %mul3A_91 = arith.constant 80 : i32
          %mul3A_92 = arith.muli %add3A_90, %mul3A_91 : i32
          %add3A_93 = arith.addi %mul3A_2, %mul3A_92 : i32
          %dma_wait3A_94 = tpu.memref_slice %arg4[%add3A_93] : memref<64000xi32, #tpu.memory_space<hbm>> -> memref<80xi32, #tpu.memory_space<hbm>>
          %dma_wait3A_95 = tpu.memref_slice %arg4[%add3A_93] : memref<64000xi32, #tpu.memory_space<hbm>> -> memref<80xi32, #tpu.memory_space<hbm>>
          tpu.wait_dma2 semaphore(%arg15 : memref<!tpu.dma_semaphore, #tpu.memory_space<semaphore_mem>>) src(%dma_wait3A_95 : memref<80xi32, #tpu.memory_space<hbm>>) dst(%arg7 : memref<80xi32, #tpu.memory_space<vmem>>)
          %dma_wait3A_96 = tpu.memref_slice %arg5[%add3A_93] : memref<64000xi32, #tpu.memory_space<hbm>> -> memref<80xi32, #tpu.memory_space<hbm>>
          %dma_wait3A_97 = tpu.memref_slice %arg5[%add3A_93] : memref<64000xi32, #tpu.memory_space<hbm>> -> memref<80xi32, #tpu.memory_space<hbm>>
          tpu.wait_dma2 semaphore(%arg17 : memref<!tpu.dma_semaphore, #tpu.memory_space<semaphore_mem>>) src(%dma_wait3A_97 : memref<80xi32, #tpu.memory_space<hbm>>) dst(%arg9 : memref<80xi32, #tpu.memory_space<vmem>>)
          %dma_start3A_98 = arith.constant 0 : i32
          %dma_start3A_99 = arith.constant 0 : i32
          %dma_start3A_100 = tpu.memref_slice %arg2[%dma_start3A_98, %dma_start3A_99] : memref<10000x128xf32, #tpu.memory_space<hbm>> -> memref<10000x128xf32, #tpu.memory_space<hbm>>
          tpu.enqueue_indirect_dma source(%dma_start3A_100 : memref<10000x128xf32, #tpu.memory_space<hbm>>) target(%arg11 : memref<80x128xf32, #tpu.memory_space<vmem>>) offsets(%arg7 : memref<80xi32, #tpu.memory_space<vmem>>) semaphore(%arg19 : memref<!tpu.dma_semaphore, #tpu.memory_space<semaphore_mem>>)
          %dma_start3A_101 = arith.constant 0 : i32
          %dma_start3A_102 = arith.constant 0 : i32
          %dma_start3A_103 = tpu.memref_slice %arg3[%dma_start3A_101, %dma_start3A_102] : memref<10000x128xf32, #tpu.memory_space<hbm>> -> memref<10000x128xf32, #tpu.memory_space<hbm>>
          tpu.enqueue_indirect_dma source(%dma_start3A_103 : memref<10000x128xf32, #tpu.memory_space<hbm>>) target(%arg13 : memref<80x128xf32, #tpu.memory_space<vmem>>) offsets(%arg9 : memref<80xi32, #tpu.memory_space<vmem>>) semaphore(%arg21 : memref<!tpu.dma_semaphore, #tpu.memory_space<semaphore_mem>>)
        } else {
        }
        %scan3A_76 = arith.constant 0 : i32
        %scan3A_77 = arith.constant 0 : i32
        %scan3A_78 = arith.constant 80 : i32
        %scan3A_79 = arith.addi %scan3A_77, %scan3A_78 : i32
        %scan3A_80 = arith.constant 1 : i32
        scf.for %scan3A_89 = %scan3A_77 to %scan3A_79 step %scan3A_80  : i32 {
          %get3A = arith.index_cast %scan3A_89 : i32 to index
          %get3A_90 = arith.constant 0 : index
          %get3A_91 = tpu.vector_load %arg12[%get3A, %get3A_90] {strides = array<i32>} : memref<80x128xf32, #tpu.memory_space<vmem>>, vector<1x16xf32>,
          %get3A_92 = vector.shape_cast %get3A_91 : vector<1x16xf32> to vector<16xf32>
          %get3A_93 = arith.index_cast %scan3A_89 : i32 to index
          %get3A_94 = arith.constant 0 : index
          %get3A_95 = tpu.vector_load %arg14[%get3A_93, %get3A_94] {strides = array<i32>} : memref<80x128xf32, #tpu.memory_space<vmem>>, vector<1x16xf32>,
          %get3A_96 = vector.shape_cast %get3A_95 : vector<1x16xf32> to vector<16xf32>
          %add3A_97 = arith.addf %get3A_92, %get3A_96 : vector<16xf32>
          %swap3A = arith.index_cast %scan3A_89 : i32 to index
          %swap3A_98 = arith.constant 0 : index
          %swap3A_99 = tpu.vector_load %arg12[%swap3A, %swap3A_98] {strides = array<i32>} : memref<80x128xf32, #tpu.memory_space<vmem>>, vector<1x16xf32>,
          %swap3A_100 = vector.shape_cast %swap3A_99 : vector<1x16xf32> to vector<16xf32>
          %swap3A_101 = vector.shape_cast %add3A_97 : vector<16xf32> to vector<1x16xf32>
          tpu.vector_store %arg12[%swap3A, %swap3A_98], %swap3A_101 {strides = array<i32>} : memref<80x128xf32, #tpu.memory_space<vmem>>, vector<1x16xf32>,
          %get3A_102 = arith.index_cast %scan3A_89 : i32 to index
          %get3A_103 = arith.constant 16 : index
          %get3A_104 = tpu.vector_load %arg12[%get3A_102, %get3A_103] {strides = array<i32>} : memref<80x128xf32, #tpu.memory_space<vmem>>, vector<1x16xf32>,
          %get3A_105 = vector.shape_cast %get3A_104 : vector<1x16xf32> to vector<16xf32>
          %get3A_106 = arith.index_cast %scan3A_89 : i32 to index
          %get3A_107 = arith.constant 16 : index
          %get3A_108 = tpu.vector_load %arg14[%get3A_106, %get3A_107] {strides = array<i32>} : memref<80x128xf32, #tpu.memory_space<vmem>>, vector<1x16xf32>,
          %get3A_109 = vector.shape_cast %get3A_108 : vector<1x16xf32> to vector<16xf32>
          %add3A_110 = arith.addf %get3A_105, %get3A_109 : vector<16xf32>
          %swap3A_111 = arith.index_cast %scan3A_89 : i32 to index
          %swap3A_112 = arith.constant 16 : index
          %swap3A_113 = tpu.vector_load %arg12[%swap3A_111, %swap3A_112] {strides = array<i32>} : memref<80x128xf32, #tpu.memory_space<vmem>>, vector<1x16xf32>,
          %swap3A_114 = vector.shape_cast %swap3A_113 : vector<1x16xf32> to vector<16xf32>
          %swap3A_115 = vector.shape_cast %add3A_110 : vector<16xf32> to vector<1x16xf32>
          tpu.vector_store %arg12[%swap3A_111, %swap3A_112], %swap3A_115 {strides = array<i32>} : memref<80x128xf32, #tpu.memory_space<vmem>>, vector<1x16xf32>,
          %get3A_116 = arith.index_cast %scan3A_89 : i32 to index
          %get3A_117 = arith.constant 32 : index
          %get3A_118 = tpu.vector_load %arg12[%get3A_116, %get3A_117] {strides = array<i32>} : memref<80x128xf32, #tpu.memory_space<vmem>>, vector<1x16xf32>,
          %get3A_119 = vector.shape_cast %get3A_118 : vector<1x16xf32> to vector<16xf32>
          %get3A_120 = arith.index_cast %scan3A_89 : i32 to index
          %get3A_121 = arith.constant 32 : index
          %get3A_122 = tpu.vector_load %arg14[%get3A_120, %get3A_121] {strides = array<i32>} : memref<80x128xf32, #tpu.memory_space<vmem>>, vector<1x16xf32>,
          %get3A_123 = vector.shape_cast %get3A_122 : vector<1x16xf32> to vector<16xf32>
          %add3A_124 = arith.addf %get3A_119, %get3A_123 : vector<16xf32>
          %swap3A_125 = arith.index_cast %scan3A_89 : i32 to index
          %swap3A_126 = arith.constant 32 : index
          %swap3A_127 = tpu.vector_load %arg12[%swap3A_125, %swap3A_126] {strides = array<i32>} : memref<80x128xf32, #tpu.memory_space<vmem>>, vector<1x16xf32>,
          %swap3A_128 = vector.shape_cast %swap3A_127 : vector<1x16xf32> to vector<16xf32>
          %swap3A_129 = vector.shape_cast %add3A_124 : vector<16xf32> to vector<1x16xf32>
          tpu.vector_store %arg12[%swap3A_125, %swap3A_126], %swap3A_129 {strides = array<i32>} : memref<80x128xf32, #tpu.memory_space<vmem>>, vector<1x16xf32>,
          %get3A_130 = arith.index_cast %scan3A_89 : i32 to index
          %get3A_131 = arith.constant 48 : index
          %get3A_132 = tpu.vector_load %arg12[%get3A_130, %get3A_131] {strides = array<i32>} : memref<80x128xf32, #tpu.memory_space<vmem>>, vector<1x16xf32>,
          %get3A_133 = vector.shape_cast %get3A_132 : vector<1x16xf32> to vector<16xf32>
          %get3A_134 = arith.index_cast %scan3A_89 : i32 to index
          %get3A_135 = arith.constant 48 : index
          %get3A_136 = tpu.vector_load %arg14[%get3A_134, %get3A_135] {strides = array<i32>} : memref<80x128xf32, #tpu.memory_space<vmem>>, vector<1x16xf32>,
          %get3A_137 = vector.shape_cast %get3A_136 : vector<1x16xf32> to vector<16xf32>
          %add3A_138 = arith.addf %get3A_133, %get3A_137 : vector<16xf32>
          %swap3A_139 = arith.index_cast %scan3A_89 : i32 to index
          %swap3A_140 = arith.constant 48 : index
          %swap3A_141 = tpu.vector_load %arg12[%swap3A_139, %swap3A_140] {strides = array<i32>} : memref<80x128xf32, #tpu.memory_space<vmem>>, vector<1x16xf32>,
          %swap3A_142 = vector.shape_cast %swap3A_141 : vector<1x16xf32> to vector<16xf32>
          %swap3A_143 = vector.shape_cast %add3A_138 : vector<16xf32> to vector<1x16xf32>
          tpu.vector_store %arg12[%swap3A_139, %swap3A_140], %swap3A_143 {strides = array<i32>} : memref<80x128xf32, #tpu.memory_space<vmem>>, vector<1x16xf32>,
          %get3A_144 = arith.index_cast %scan3A_89 : i32 to index
          %get3A_145 = arith.constant 64 : index
          %get3A_146 = tpu.vector_load %arg12[%get3A_144, %get3A_145] {strides = array<i32>} : memref<80x128xf32, #tpu.memory_space<vmem>>, vector<1x16xf32>,
          %get3A_147 = vector.shape_cast %get3A_146 : vector<1x16xf32> to vector<16xf32>
          %get3A_148 = arith.index_cast %scan3A_89 : i32 to index
          %get3A_149 = arith.constant 64 : index
          %get3A_150 = tpu.vector_load %arg14[%get3A_148, %get3A_149] {strides = array<i32>} : memref<80x128xf32, #tpu.memory_space<vmem>>, vector<1x16xf32>,
          %get3A_151 = vector.shape_cast %get3A_150 : vector<1x16xf32> to vector<16xf32>
          %add3A_152 = arith.addf %get3A_147, %get3A_151 : vector<16xf32>
          %swap3A_153 = arith.index_cast %scan3A_89 : i32 to index
          %swap3A_154 = arith.constant 64 : index
          %swap3A_155 = tpu.vector_load %arg12[%swap3A_153, %swap3A_154] {strides = array<i32>} : memref<80x128xf32, #tpu.memory_space<vmem>>, vector<1x16xf32>,
          %swap3A_156 = vector.shape_cast %swap3A_155 : vector<1x16xf32> to vector<16xf32>
          %swap3A_157 = vector.shape_cast %add3A_152 : vector<16xf32> to vector<1x16xf32>
          tpu.vector_store %arg12[%swap3A_153, %swap3A_154], %swap3A_157 {strides = array<i32>} : memref<80x128xf32, #tpu.memory_space<vmem>>, vector<1x16xf32>,
          %get3A_158 = arith.index_cast %scan3A_89 : i32 to index
          %get3A_159 = arith.constant 80 : index
          %get3A_160 = tpu.vector_load %arg12[%get3A_158, %get3A_159] {strides = array<i32>} : memref<80x128xf32, #tpu.memory_space<vmem>>, vector<1x16xf32>,
          %get3A_161 = vector.shape_cast %get3A_160 : vector<1x16xf32> to vector<16xf32>
          %get3A_162 = arith.index_cast %scan3A_89 : i32 to index
          %get3A_163 = arith.constant 80 : index
          %get3A_164 = tpu.vector_load %arg14[%get3A_162, %get3A_163] {strides = array<i32>} : memref<80x128xf32, #tpu.memory_space<vmem>>, vector<1x16xf32>,
          %get3A_165 = vector.shape_cast %get3A_164 : vector<1x16xf32> to vector<16xf32>
          %add3A_166 = arith.addf %get3A_161, %get3A_165 : vector<16xf32>
          %swap3A_167 = arith.index_cast %scan3A_89 : i32 to index
          %swap3A_168 = arith.constant 80 : index
          %swap3A_169 = tpu.vector_load %arg12[%swap3A_167, %swap3A_168] {strides = array<i32>} : memref<80x128xf32, #tpu.memory_space<vmem>>, vector<1x16xf32>,
          %swap3A_170 = vector.shape_cast %swap3A_169 : vector<1x16xf32> to vector<16xf32>
          %swap3A_171 = vector.shape_cast %add3A_166 : vector<16xf32> to vector<1x16xf32>
          tpu.vector_store %arg12[%swap3A_167, %swap3A_168], %swap3A_171 {strides = array<i32>} : memref<80x128xf32, #tpu.memory_space<vmem>>, vector<1x16xf32>,
          %get3A_172 = arith.index_cast %scan3A_89 : i32 to index
          %get3A_173 = arith.constant 96 : index
          %get3A_174 = tpu.vector_load %arg12[%get3A_172, %get3A_173] {strides = array<i32>} : memref<80x128xf32, #tpu.memory_space<vmem>>, vector<1x16xf32>,
          %get3A_175 = vector.shape_cast %get3A_174 : vector<1x16xf32> to vector<16xf32>
          %get3A_176 = arith.index_cast %scan3A_89 : i32 to index
          %get3A_177 = arith.constant 96 : index
          %get3A_178 = tpu.vector_load %arg14[%get3A_176, %get3A_177] {strides = array<i32>} : memref<80x128xf32, #tpu.memory_space<vmem>>, vector<1x16xf32>,
          %get3A_179 = vector.shape_cast %get3A_178 : vector<1x16xf32> to vector<16xf32>
          %add3A_180 = arith.addf %get3A_175, %get3A_179 : vector<16xf32>
          %swap3A_181 = arith.index_cast %scan3A_89 : i32 to index
          %swap3A_182 = arith.constant 96 : index
          %swap3A_183 = tpu.vector_load %arg12[%swap3A_181, %swap3A_182] {strides = array<i32>} : memref<80x128xf32, #tpu.memory_space<vmem>>, vector<1x16xf32>,
          %swap3A_184 = vector.shape_cast %swap3A_183 : vector<1x16xf32> to vector<16xf32>
          %swap3A_185 = vector.shape_cast %add3A_180 : vector<16xf32> to vector<1x16xf32>
          tpu.vector_store %arg12[%swap3A_181, %swap3A_182], %swap3A_185 {strides = array<i32>} : memref<80x128xf32, #tpu.memory_space<vmem>>, vector<1x16xf32>,
          %get3A_186 = arith.index_cast %scan3A_89 : i32 to index
          %get3A_187 = arith.constant 112 : index
          %get3A_188 = tpu.vector_load %arg12[%get3A_186, %get3A_187] {strides = array<i32>} : memref<80x128xf32, #tpu.memory_space<vmem>>, vector<1x16xf32>,
          %get3A_189 = vector.shape_cast %get3A_188 : vector<1x16xf32> to vector<16xf32>
          %get3A_190 = arith.index_cast %scan3A_89 : i32 to index
          %get3A_191 = arith.constant 112 : index
          %get3A_192 = tpu.vector_load %arg14[%get3A_190, %get3A_191] {strides = array<i32>} : memref<80x128xf32, #tpu.memory_space<vmem>>, vector<1x16xf32>,
          %get3A_193 = vector.shape_cast %get3A_192 : vector<1x16xf32> to vector<16xf32>
          %add3A_194 = arith.addf %get3A_189, %get3A_193 : vector<16xf32>
          %swap3A_195 = arith.index_cast %scan3A_89 : i32 to index
          %swap3A_196 = arith.constant 112 : index
          %swap3A_197 = tpu.vector_load %arg12[%swap3A_195, %swap3A_196] {strides = array<i32>} : memref<80x128xf32, #tpu.memory_space<vmem>>, vector<1x16xf32>,
          %swap3A_198 = vector.shape_cast %swap3A_197 : vector<1x16xf32> to vector<16xf32>
          %swap3A_199 = vector.shape_cast %add3A_194 : vector<16xf32> to vector<1x16xf32>
          tpu.vector_store %arg12[%swap3A_195, %swap3A_196], %swap3A_199 {strides = array<i32>} : memref<80x128xf32, #tpu.memory_space<vmem>>, vector<1x16xf32>,
        }
        %scan3A_81 = arith.constant 80 : i32
        %mul3A_82 = arith.constant 80 : i32
        %mul3A_83 = arith.muli %add3A_46, %mul3A_82 : i32
        %add3A_84 = arith.addi %mul3A_2, %mul3A_83 : i32
        %dma_start3A_85 = arith.constant 0 : i32
        %dma_start3A_86 = tpu.memref_slice %arg6[%add3A_84, %dma_start3A_85] : memref<64000x128xf32, #tpu.memory_space<hbm>> -> memref<80x128xf32, #tpu.memory_space<hbm>>
        %dma_start3A_87 = arith.constant 0 : i32
        %dma_start3A_88 = tpu.memref_slice %arg6[%add3A_84, %dma_start3A_87] : memref<64000x128xf32, #tpu.memory_space<hbm>> -> memref<80x128xf32, #tpu.memory_space<hbm>>
        tpu.enqueue_dma source(%arg12 : memref<80x128xf32, #tpu.memory_space<vmem>>) target(%dma_start3A_88 : memref<80x128xf32, #tpu.memory_space<hbm>>) target_semaphore(%arg24 : memref<!tpu.dma_semaphore, #tpu.memory_space<semaphore_mem>>)
      } else {
      }
    }
    %scan3A_29 = arith.constant 13 : i32
    %add3A_30 = arith.constant 1920 : i32
    %add3A_31 = arith.addi %mul3A_2, %add3A_30 : i32
    %dma_wait3A_32 = arith.constant 0 : i32
    %dma_wait3A_33 = tpu.memref_slice %arg6[%add3A_31, %dma_wait3A_32] : memref<64000x128xf32, #tpu.memory_space<hbm>> -> memref<80x128xf32, #tpu.memory_space<hbm>>
    %dma_wait3A_34 = arith.constant 0 : i32
    %dma_wait3A_35 = tpu.memref_slice %arg6[%add3A_31, %dma_wait3A_34] : memref<64000x128xf32, #tpu.memory_space<hbm>> -> memref<80x128xf32, #tpu.memory_space<hbm>>
    tpu.wait_dma2 semaphore(%arg23 : memref<!tpu.dma_semaphore, #tpu.memory_space<semaphore_mem>>) src(%arg11 : memref<80x128xf32, #tpu.memory_space<vmem>>) dst(%dma_wait3A_35 : memref<80x128xf32, #tpu.memory_space<hbm>>)
    return
  }
}

module attributes {stable_mosaic.version = 14 : i64} {
  func.func @_pq_body(%arg0: memref<10000x128xf32, #tpu.memory_space<vmem>>, %arg1: memref<128x128xf32, #tpu.memory_space<vmem>>, %arg2: memref<128x128xf32, #tpu.memory_space<vmem>>, %arg3: memref<10000x128xf32, #tpu.memory_space<vmem>>, %arg4: memref<10000x128xf32, #tpu.memory_space<vmem>>) attributes {dimension_semantics = [], scalar_prefetch = 0 : i64, scratch_operands = 0 : i64, tpu.core_type = #tpu.core_type<tc>} {
    %get3A = arith.constant 0 : index
    %get3A_0 = arith.constant 0 : index
    %get3A_1 = vector.load %arg0[%get3A, %get3A_0] : memref<10000x128xf32, #tpu.memory_space<vmem>>, vector<10000x128xf32>
    %get3A_2 = arith.constant 0 : index
    %get3A_3 = arith.constant 0 : index
    %get3A_4 = vector.load %arg1[%get3A_2, %get3A_3] : memref<128x128xf32, #tpu.memory_space<vmem>>, vector<128x128xf32>
    %dot_general3A = arith.constant dense<0.000000e+00> : vector<10000x128xf32>
    %dot_general3A_5 = tpu.matmul %get3A_1, %get3A_4, %dot_general3A {dimension_numbers = #tpu.dot_dimension_numbers<[1], [1], [0], [0], [0, 0, 1, 0], [], []>, transpose_lhs_hint = false} : vector<10000x128xf32>, vector<128x128xf32>, vector<10000x128xf32> -> vector<10000x128xf32>
    %swap3A = arith.constant 0 : index
    %swap3A_6 = arith.constant 0 : index
    %swap3A_7 = vector.load %arg3[%swap3A, %swap3A_6] : memref<10000x128xf32, #tpu.memory_space<vmem>>, vector<10000x128xf32>
    tpu.vector_store %arg3[%swap3A, %swap3A_6], %dot_general3A_5 {strides = array<i32>} : memref<10000x128xf32, #tpu.memory_space<vmem>>, vector<10000x128xf32>,
    %get3A_8 = arith.constant 0 : index
    %get3A_9 = arith.constant 0 : index
    %get3A_10 = vector.load %arg2[%get3A_8, %get3A_9] : memref<128x128xf32, #tpu.memory_space<vmem>>, vector<128x128xf32>
    %dot_general3A_11 = arith.constant dense<0.000000e+00> : vector<10000x128xf32>
    %dot_general3A_12 = tpu.matmul %get3A_1, %get3A_10, %dot_general3A_11 {dimension_numbers = #tpu.dot_dimension_numbers<[1], [1], [0], [0], [0, 0, 1, 0], [], []>, transpose_lhs_hint = false} : vector<10000x128xf32>, vector<128x128xf32>, vector<10000x128xf32> -> vector<10000x128xf32>
    %swap3A_13 = arith.constant 0 : index
    %swap3A_14 = arith.constant 0 : index
    %swap3A_15 = vector.load %arg4[%swap3A_13, %swap3A_14] : memref<10000x128xf32, #tpu.memory_space<vmem>>, vector<10000x128xf32>
    tpu.vector_store %arg4[%swap3A_13, %swap3A_14], %dot_general3A_12 {strides = array<i32>} : memref<10000x128xf32, #tpu.memory_space<vmem>>, vector<10000x128xf32>,
    return
  }
}

module attributes {stable_mosaic.version = 14 : i64} {
  func.func @_msg_body(%arg0: i32, %arg1: memref<6400x128xf32, #tpu.memory_space<vmem>>, %arg2: memref<6400x128xf32, #tpu.memory_space<vmem>>, %arg3: memref<128x128xf32, #tpu.memory_space<vmem>>, %arg4: memref<6400x128xf32, #tpu.memory_space<vmem>>) attributes {dimension_semantics = [#tpu.dimension_semantics<arbitrary>], iteration_bounds = array<i64: 2>, scalar_prefetch = 0 : i64, scratch_operands = 0 : i64, tpu.core_type = #tpu.core_type<tc>, window_params = [{transform_indices = @transform_0, window_bounds = array<i64: 6400, 128>}, {transform_indices = @transform_1, window_bounds = array<i64: 6400, 128>}, {pipeline_mode = #tpu.pipeline_mode<synchronous>, transform_indices = @transform_2, window_bounds = array<i64: 128, 128>}, {transform_indices = @transform_3, window_bounds = array<i64: 6400, 128>}]} {
    %get3A = arith.constant 0 : index
    %get3A_0 = arith.constant 0 : index
    %get3A_1 = vector.load %arg2[%get3A, %get3A_0] : memref<6400x128xf32, #tpu.memory_space<vmem>>, vector<6400x128xf32>
    %get3A_2 = arith.constant 0 : index
    %get3A_3 = arith.constant 0 : index
    %get3A_4 = vector.load %arg1[%get3A_2, %get3A_3] : memref<6400x128xf32, #tpu.memory_space<vmem>>, vector<6400x128xf32>
    %get3A_5 = arith.constant 0 : index
    %get3A_6 = arith.constant 0 : index
    %get3A_7 = vector.load %arg3[%get3A_5, %get3A_6] : memref<128x128xf32, #tpu.memory_space<vmem>>, vector<128x128xf32>
    %dot_general3A = arith.constant dense<0.000000e+00> : vector<6400x128xf32>
    %dot_general3A_8 = tpu.matmul %get3A_4, %get3A_7, %dot_general3A {dimension_numbers = #tpu.dot_dimension_numbers<[1], [1], [0], [0], [0, 0, 1, 0], [], []>, transpose_lhs_hint = false} : vector<6400x128xf32>, vector<128x128xf32>, vector<6400x128xf32> -> vector<6400x128xf32>
    %add3A = arith.addf %get3A_1, %dot_general3A_8 : vector<6400x128xf32>
    %swap3A = arith.constant 0 : index
    %swap3A_9 = arith.constant 0 : index
    %swap3A_10 = vector.load %arg4[%swap3A, %swap3A_9] : memref<6400x128xf32, #tpu.memory_space<vmem>>, vector<6400x128xf32>
    tpu.vector_store %arg4[%swap3A, %swap3A_9], %add3A {strides = array<i32>} : memref<6400x128xf32, #tpu.memory_space<vmem>>, vector<6400x128xf32>,
    return
  }
  func.func @transform_0(%arg0: i32) -> (i32, i32) {
    %add3A = arith.constant 0 : i32
    %add3A_0 = arith.addi %arg0, %add3A : i32
    %c0_i32 = arith.constant 0 : i32
    %c0_i32_1 = arith.constant 0 : i32
    return %add3A_0, %c0_i32 : i32, i32
  }
  func.func @transform_1(%arg0: i32) -> (i32, i32) {
    %c0_i32 = arith.constant 0 : i32
    %c0_i32_0 = arith.constant 0 : i32
    return %arg0, %c0_i32 : i32, i32
  }
  func.func @transform_2(%arg0: i32) -> (i32, i32) {
    %c0_i32 = arith.constant 0 : i32
    %c0_i32_0 = arith.constant 0 : i32
    %c0_i32_1 = arith.constant 0 : i32
    return %c0_i32, %c0_i32_0 : i32, i32
  }
  func.func @transform_3(%arg0: i32) -> (i32, i32) {
    %add3A = arith.constant 0 : i32
    %add3A_0 = arith.addi %arg0, %add3A : i32
    %c0_i32 = arith.constant 0 : i32
    %c0_i32_1 = arith.constant 0 : i32
    return %add3A_0, %c0_i32 : i32, i32
  }
}

module attributes {stable_mosaic.version = 14 : i64} {
  func.func @_msg_body_aliased(%arg0: i32, %arg1: memref<6400x128xf32, #tpu.memory_space<vmem>>, %arg2: memref<6400x128xf32, #tpu.memory_space<vmem>>, %arg3: memref<128x128xf32, #tpu.memory_space<vmem>>, %arg4: memref<320000x128xf32, #tpu.memory_space<any>>, %arg5: memref<6400x128xf32, #tpu.memory_space<vmem>>) attributes {dimension_semantics = [#tpu.dimension_semantics<arbitrary>], iteration_bounds = array<i64: 8>, scalar_prefetch = 0 : i64, scratch_operands = 0 : i64, tpu.core_type = #tpu.core_type<tc>, window_params = [{transform_indices = @transform_0, window_bounds = array<i64: 6400, 128>}, {transform_indices = @transform_1, window_bounds = array<i64: 6400, 128>}, {pipeline_mode = #tpu.pipeline_mode<synchronous>, transform_indices = @transform_2, window_bounds = array<i64: 128, 128>}, {}, {transform_indices = @transform_4, window_bounds = array<i64: 6400, 128>}]} {
    %get3A = arith.constant 0 : index
    %get3A_0 = arith.constant 0 : index
    %get3A_1 = vector.load %arg2[%get3A, %get3A_0] : memref<6400x128xf32, #tpu.memory_space<vmem>>, vector<6400x128xf32>
    %get3A_2 = arith.constant 0 : index
    %get3A_3 = arith.constant 0 : index
    %get3A_4 = vector.load %arg1[%get3A_2, %get3A_3] : memref<6400x128xf32, #tpu.memory_space<vmem>>, vector<6400x128xf32>
    %get3A_5 = arith.constant 0 : index
    %get3A_6 = arith.constant 0 : index
    %get3A_7 = vector.load %arg3[%get3A_5, %get3A_6] : memref<128x128xf32, #tpu.memory_space<vmem>>, vector<128x128xf32>
    %dot_general3A = arith.constant dense<0.000000e+00> : vector<6400x128xf32>
    %dot_general3A_8 = tpu.matmul %get3A_4, %get3A_7, %dot_general3A {dimension_numbers = #tpu.dot_dimension_numbers<[1], [1], [0], [0], [0, 0, 1, 0], [], []>, transpose_lhs_hint = false} : vector<6400x128xf32>, vector<128x128xf32>, vector<6400x128xf32> -> vector<6400x128xf32>
    %add3A = arith.addf %get3A_1, %dot_general3A_8 : vector<6400x128xf32>
    %swap3A = arith.constant 0 : index
    %swap3A_9 = arith.constant 0 : index
    %swap3A_10 = vector.load %arg5[%swap3A, %swap3A_9] : memref<6400x128xf32, #tpu.memory_space<vmem>>, vector<6400x128xf32>
    tpu.vector_store %arg5[%swap3A, %swap3A_9], %add3A {strides = array<i32>} : memref<6400x128xf32, #tpu.memory_space<vmem>>, vector<6400x128xf32>,
    return
  }
  func.func @transform_0(%arg0: i32) -> (i32, i32) {
    %add3A = arith.constant 2 : i32
    %add3A_0 = arith.addi %arg0, %add3A : i32
    %c0_i32 = arith.constant 0 : i32
    %c0_i32_1 = arith.constant 0 : i32
    return %add3A_0, %c0_i32 : i32, i32
  }
  func.func @transform_1(%arg0: i32) -> (i32, i32) {
    %c0_i32 = arith.constant 0 : i32
    %c0_i32_0 = arith.constant 0 : i32
    return %arg0, %c0_i32 : i32, i32
  }
  func.func @transform_2(%arg0: i32) -> (i32, i32) {
    %c0_i32 = arith.constant 0 : i32
    %c0_i32_0 = arith.constant 0 : i32
    %c0_i32_1 = arith.constant 0 : i32
    return %c0_i32, %c0_i32_0 : i32, i32
  }
  func.func @transform_4(%arg0: i32) -> (i32, i32) {
    %add3A = arith.constant 2 : i32
    %add3A_0 = arith.addi %arg0, %add3A : i32
    %c0_i32 = arith.constant 0 : i32
    %c0_i32_1 = arith.constant 0 : i32
    return %add3A_0, %c0_i32 : i32, i32
  }
}

module attributes {stable_mosaic.version = 14 : i64} {
  func.func @_msg_body_aliased(%arg0: i32, %arg1: memref<6400x128xf32, #tpu.memory_space<vmem>>, %arg2: memref<6400x128xf32, #tpu.memory_space<vmem>>, %arg3: memref<128x128xf32, #tpu.memory_space<vmem>>, %arg4: memref<320000x128xf32, #tpu.memory_space<any>>, %arg5: memref<6400x128xf32, #tpu.memory_space<vmem>>) attributes {dimension_semantics = [#tpu.dimension_semantics<arbitrary>], iteration_bounds = array<i64: 10>, scalar_prefetch = 0 : i64, scratch_operands = 0 : i64, tpu.core_type = #tpu.core_type<tc>, window_params = [{transform_indices = @transform_0, window_bounds = array<i64: 6400, 128>}, {transform_indices = @transform_1, window_bounds = array<i64: 6400, 128>}, {pipeline_mode = #tpu.pipeline_mode<synchronous>, transform_indices = @transform_2, window_bounds = array<i64: 128, 128>}, {}, {transform_indices = @transform_4, window_bounds = array<i64: 6400, 128>}]} {
    %get3A = arith.constant 0 : index
    %get3A_0 = arith.constant 0 : index
    %get3A_1 = vector.load %arg2[%get3A, %get3A_0] : memref<6400x128xf32, #tpu.memory_space<vmem>>, vector<6400x128xf32>
    %get3A_2 = arith.constant 0 : index
    %get3A_3 = arith.constant 0 : index
    %get3A_4 = vector.load %arg1[%get3A_2, %get3A_3] : memref<6400x128xf32, #tpu.memory_space<vmem>>, vector<6400x128xf32>
    %get3A_5 = arith.constant 0 : index
    %get3A_6 = arith.constant 0 : index
    %get3A_7 = vector.load %arg3[%get3A_5, %get3A_6] : memref<128x128xf32, #tpu.memory_space<vmem>>, vector<128x128xf32>
    %dot_general3A = arith.constant dense<0.000000e+00> : vector<6400x128xf32>
    %dot_general3A_8 = tpu.matmul %get3A_4, %get3A_7, %dot_general3A {dimension_numbers = #tpu.dot_dimension_numbers<[1], [1], [0], [0], [0, 0, 1, 0], [], []>, transpose_lhs_hint = false} : vector<6400x128xf32>, vector<128x128xf32>, vector<6400x128xf32> -> vector<6400x128xf32>
    %add3A = arith.addf %get3A_1, %dot_general3A_8 : vector<6400x128xf32>
    %swap3A = arith.constant 0 : index
    %swap3A_9 = arith.constant 0 : index
    %swap3A_10 = vector.load %arg5[%swap3A, %swap3A_9] : memref<6400x128xf32, #tpu.memory_space<vmem>>, vector<6400x128xf32>
    tpu.vector_store %arg5[%swap3A, %swap3A_9], %add3A {strides = array<i32>} : memref<6400x128xf32, #tpu.memory_space<vmem>>, vector<6400x128xf32>,
    return
  }
  func.func @transform_0(%arg0: i32) -> (i32, i32) {
    %add3A = arith.constant 10 : i32
    %add3A_0 = arith.addi %arg0, %add3A : i32
    %c0_i32 = arith.constant 0 : i32
    %c0_i32_1 = arith.constant 0 : i32
    return %add3A_0, %c0_i32 : i32, i32
  }
  func.func @transform_1(%arg0: i32) -> (i32, i32) {
    %c0_i32 = arith.constant 0 : i32
    %c0_i32_0 = arith.constant 0 : i32
    return %arg0, %c0_i32 : i32, i32
  }
  func.func @transform_2(%arg0: i32) -> (i32, i32) {
    %c0_i32 = arith.constant 0 : i32
    %c0_i32_0 = arith.constant 0 : i32
    %c0_i32_1 = arith.constant 0 : i32
    return %c0_i32, %c0_i32_0 : i32, i32
  }
  func.func @transform_4(%arg0: i32) -> (i32, i32) {
    %add3A = arith.constant 10 : i32
    %add3A_0 = arith.addi %arg0, %add3A : i32
    %c0_i32 = arith.constant 0 : i32
    %c0_i32_1 = arith.constant 0 : i32
    return %add3A_0, %c0_i32 : i32, i32
  }
}

module attributes {stable_mosaic.version = 14 : i64} {
  func.func @_msg_body_aliased(%arg0: i32, %arg1: memref<6400x128xf32, #tpu.memory_space<vmem>>, %arg2: memref<6400x128xf32, #tpu.memory_space<vmem>>, %arg3: memref<128x128xf32, #tpu.memory_space<vmem>>, %arg4: memref<320000x128xf32, #tpu.memory_space<any>>, %arg5: memref<6400x128xf32, #tpu.memory_space<vmem>>) attributes {dimension_semantics = [#tpu.dimension_semantics<arbitrary>], iteration_bounds = array<i64: 10>, scalar_prefetch = 0 : i64, scratch_operands = 0 : i64, tpu.core_type = #tpu.core_type<tc>, window_params = [{transform_indices = @transform_0, window_bounds = array<i64: 6400, 128>}, {transform_indices = @transform_1, window_bounds = array<i64: 6400, 128>}, {pipeline_mode = #tpu.pipeline_mode<synchronous>, transform_indices = @transform_2, window_bounds = array<i64: 128, 128>}, {}, {transform_indices = @transform_4, window_bounds = array<i64: 6400, 128>}]} {
    %get3A = arith.constant 0 : index
    %get3A_0 = arith.constant 0 : index
    %get3A_1 = vector.load %arg2[%get3A, %get3A_0] : memref<6400x128xf32, #tpu.memory_space<vmem>>, vector<6400x128xf32>
    %get3A_2 = arith.constant 0 : index
    %get3A_3 = arith.constant 0 : index
    %get3A_4 = vector.load %arg1[%get3A_2, %get3A_3] : memref<6400x128xf32, #tpu.memory_space<vmem>>, vector<6400x128xf32>
    %get3A_5 = arith.constant 0 : index
    %get3A_6 = arith.constant 0 : index
    %get3A_7 = vector.load %arg3[%get3A_5, %get3A_6] : memref<128x128xf32, #tpu.memory_space<vmem>>, vector<128x128xf32>
    %dot_general3A = arith.constant dense<0.000000e+00> : vector<6400x128xf32>
    %dot_general3A_8 = tpu.matmul %get3A_4, %get3A_7, %dot_general3A {dimension_numbers = #tpu.dot_dimension_numbers<[1], [1], [0], [0], [0, 0, 1, 0], [], []>, transpose_lhs_hint = false} : vector<6400x128xf32>, vector<128x128xf32>, vector<6400x128xf32> -> vector<6400x128xf32>
    %add3A = arith.addf %get3A_1, %dot_general3A_8 : vector<6400x128xf32>
    %swap3A = arith.constant 0 : index
    %swap3A_9 = arith.constant 0 : index
    %swap3A_10 = vector.load %arg5[%swap3A, %swap3A_9] : memref<6400x128xf32, #tpu.memory_space<vmem>>, vector<6400x128xf32>
    tpu.vector_store %arg5[%swap3A, %swap3A_9], %add3A {strides = array<i32>} : memref<6400x128xf32, #tpu.memory_space<vmem>>, vector<6400x128xf32>,
    return
  }
  func.func @transform_0(%arg0: i32) -> (i32, i32) {
    %add3A = arith.constant 20 : i32
    %add3A_0 = arith.addi %arg0, %add3A : i32
    %c0_i32 = arith.constant 0 : i32
    %c0_i32_1 = arith.constant 0 : i32
    return %add3A_0, %c0_i32 : i32, i32
  }
  func.func @transform_1(%arg0: i32) -> (i32, i32) {
    %c0_i32 = arith.constant 0 : i32
    %c0_i32_0 = arith.constant 0 : i32
    return %arg0, %c0_i32 : i32, i32
  }
  func.func @transform_2(%arg0: i32) -> (i32, i32) {
    %c0_i32 = arith.constant 0 : i32
    %c0_i32_0 = arith.constant 0 : i32
    %c0_i32_1 = arith.constant 0 : i32
    return %c0_i32, %c0_i32_0 : i32, i32
  }
  func.func @transform_4(%arg0: i32) -> (i32, i32) {
    %add3A = arith.constant 20 : i32
    %add3A_0 = arith.addi %arg0, %add3A : i32
    %c0_i32 = arith.constant 0 : i32
    %c0_i32_1 = arith.constant 0 : i32
    return %add3A_0, %c0_i32 : i32, i32
  }
}

module attributes {stable_mosaic.version = 14 : i64} {
  func.func @_msg_body_aliased(%arg0: i32, %arg1: memref<6400x128xf32, #tpu.memory_space<vmem>>, %arg2: memref<6400x128xf32, #tpu.memory_space<vmem>>, %arg3: memref<128x128xf32, #tpu.memory_space<vmem>>, %arg4: memref<320000x128xf32, #tpu.memory_space<any>>, %arg5: memref<6400x128xf32, #tpu.memory_space<vmem>>) attributes {dimension_semantics = [#tpu.dimension_semantics<arbitrary>], iteration_bounds = array<i64: 10>, scalar_prefetch = 0 : i64, scratch_operands = 0 : i64, tpu.core_type = #tpu.core_type<tc>, window_params = [{transform_indices = @transform_0, window_bounds = array<i64: 6400, 128>}, {transform_indices = @transform_1, window_bounds = array<i64: 6400, 128>}, {pipeline_mode = #tpu.pipeline_mode<synchronous>, transform_indices = @transform_2, window_bounds = array<i64: 128, 128>}, {}, {transform_indices = @transform_4, window_bounds = array<i64: 6400, 128>}]} {
    %get3A = arith.constant 0 : index
    %get3A_0 = arith.constant 0 : index
    %get3A_1 = vector.load %arg2[%get3A, %get3A_0] : memref<6400x128xf32, #tpu.memory_space<vmem>>, vector<6400x128xf32>
    %get3A_2 = arith.constant 0 : index
    %get3A_3 = arith.constant 0 : index
    %get3A_4 = vector.load %arg1[%get3A_2, %get3A_3] : memref<6400x128xf32, #tpu.memory_space<vmem>>, vector<6400x128xf32>
    %get3A_5 = arith.constant 0 : index
    %get3A_6 = arith.constant 0 : index
    %get3A_7 = vector.load %arg3[%get3A_5, %get3A_6] : memref<128x128xf32, #tpu.memory_space<vmem>>, vector<128x128xf32>
    %dot_general3A = arith.constant dense<0.000000e+00> : vector<6400x128xf32>
    %dot_general3A_8 = tpu.matmul %get3A_4, %get3A_7, %dot_general3A {dimension_numbers = #tpu.dot_dimension_numbers<[1], [1], [0], [0], [0, 0, 1, 0], [], []>, transpose_lhs_hint = false} : vector<6400x128xf32>, vector<128x128xf32>, vector<6400x128xf32> -> vector<6400x128xf32>
    %add3A = arith.addf %get3A_1, %dot_general3A_8 : vector<6400x128xf32>
    %swap3A = arith.constant 0 : index
    %swap3A_9 = arith.constant 0 : index
    %swap3A_10 = vector.load %arg5[%swap3A, %swap3A_9] : memref<6400x128xf32, #tpu.memory_space<vmem>>, vector<6400x128xf32>
    tpu.vector_store %arg5[%swap3A, %swap3A_9], %add3A {strides = array<i32>} : memref<6400x128xf32, #tpu.memory_space<vmem>>, vector<6400x128xf32>,
    return
  }
  func.func @transform_0(%arg0: i32) -> (i32, i32) {
    %add3A = arith.constant 30 : i32
    %add3A_0 = arith.addi %arg0, %add3A : i32
    %c0_i32 = arith.constant 0 : i32
    %c0_i32_1 = arith.constant 0 : i32
    return %add3A_0, %c0_i32 : i32, i32
  }
  func.func @transform_1(%arg0: i32) -> (i32, i32) {
    %c0_i32 = arith.constant 0 : i32
    %c0_i32_0 = arith.constant 0 : i32
    return %arg0, %c0_i32 : i32, i32
  }
  func.func @transform_2(%arg0: i32) -> (i32, i32) {
    %c0_i32 = arith.constant 0 : i32
    %c0_i32_0 = arith.constant 0 : i32
    %c0_i32_1 = arith.constant 0 : i32
    return %c0_i32, %c0_i32_0 : i32, i32
  }
  func.func @transform_4(%arg0: i32) -> (i32, i32) {
    %add3A = arith.constant 30 : i32
    %add3A_0 = arith.addi %arg0, %add3A : i32
    %c0_i32 = arith.constant 0 : i32
    %c0_i32_1 = arith.constant 0 : i32
    return %add3A_0, %c0_i32 : i32, i32
  }
}

module attributes {stable_mosaic.version = 14 : i64} {
  func.func @_msg_body_aliased(%arg0: i32, %arg1: memref<6400x128xf32, #tpu.memory_space<vmem>>, %arg2: memref<6400x128xf32, #tpu.memory_space<vmem>>, %arg3: memref<128x128xf32, #tpu.memory_space<vmem>>, %arg4: memref<320000x128xf32, #tpu.memory_space<any>>, %arg5: memref<6400x128xf32, #tpu.memory_space<vmem>>) attributes {dimension_semantics = [#tpu.dimension_semantics<arbitrary>], iteration_bounds = array<i64: 10>, scalar_prefetch = 0 : i64, scratch_operands = 0 : i64, tpu.core_type = #tpu.core_type<tc>, window_params = [{transform_indices = @transform_0, window_bounds = array<i64: 6400, 128>}, {transform_indices = @transform_1, window_bounds = array<i64: 6400, 128>}, {pipeline_mode = #tpu.pipeline_mode<synchronous>, transform_indices = @transform_2, window_bounds = array<i64: 128, 128>}, {}, {transform_indices = @transform_4, window_bounds = array<i64: 6400, 128>}]} {
    %get3A = arith.constant 0 : index
    %get3A_0 = arith.constant 0 : index
    %get3A_1 = vector.load %arg2[%get3A, %get3A_0] : memref<6400x128xf32, #tpu.memory_space<vmem>>, vector<6400x128xf32>
    %get3A_2 = arith.constant 0 : index
    %get3A_3 = arith.constant 0 : index
    %get3A_4 = vector.load %arg1[%get3A_2, %get3A_3] : memref<6400x128xf32, #tpu.memory_space<vmem>>, vector<6400x128xf32>
    %get3A_5 = arith.constant 0 : index
    %get3A_6 = arith.constant 0 : index
    %get3A_7 = vector.load %arg3[%get3A_5, %get3A_6] : memref<128x128xf32, #tpu.memory_space<vmem>>, vector<128x128xf32>
    %dot_general3A = arith.constant dense<0.000000e+00> : vector<6400x128xf32>
    %dot_general3A_8 = tpu.matmul %get3A_4, %get3A_7, %dot_general3A {dimension_numbers = #tpu.dot_dimension_numbers<[1], [1], [0], [0], [0, 0, 1, 0], [], []>, transpose_lhs_hint = false} : vector<6400x128xf32>, vector<128x128xf32>, vector<6400x128xf32> -> vector<6400x128xf32>
    %add3A = arith.addf %get3A_1, %dot_general3A_8 : vector<6400x128xf32>
    %swap3A = arith.constant 0 : index
    %swap3A_9 = arith.constant 0 : index
    %swap3A_10 = vector.load %arg5[%swap3A, %swap3A_9] : memref<6400x128xf32, #tpu.memory_space<vmem>>, vector<6400x128xf32>
    tpu.vector_store %arg5[%swap3A, %swap3A_9], %add3A {strides = array<i32>} : memref<6400x128xf32, #tpu.memory_space<vmem>>, vector<6400x128xf32>,
    return
  }
  func.func @transform_0(%arg0: i32) -> (i32, i32) {
    %add3A = arith.constant 40 : i32
    %add3A_0 = arith.addi %arg0, %add3A : i32
    %c0_i32 = arith.constant 0 : i32
    %c0_i32_1 = arith.constant 0 : i32
    return %add3A_0, %c0_i32 : i32, i32
  }
  func.func @transform_1(%arg0: i32) -> (i32, i32) {
    %c0_i32 = arith.constant 0 : i32
    %c0_i32_0 = arith.constant 0 : i32
    return %arg0, %c0_i32 : i32, i32
  }
  func.func @transform_2(%arg0: i32) -> (i32, i32) {
    %c0_i32 = arith.constant 0 : i32
    %c0_i32_0 = arith.constant 0 : i32
    %c0_i32_1 = arith.constant 0 : i32
    return %c0_i32, %c0_i32_0 : i32, i32
  }
  func.func @transform_4(%arg0: i32) -> (i32, i32) {
    %add3A = arith.constant 40 : i32
    %add3A_0 = arith.addi %arg0, %add3A : i32
    %c0_i32 = arith.constant 0 : i32
    %c0_i32_1 = arith.constant 0 : i32
    return %add3A_0, %c0_i32 : i32, i32
  }
}

</mosaic_0001>

<sc_bundles>
// kernel: kernel.15.cloned.1.call-start
scs
__scs_entry_jumppad:
0x0: {  	(pc) =	sbr.rel $0x88, $3  }
0x1: {  	(tag) =	ssettag $0x0;
	lr =	simm.s32 $0x1  }
0x2: {  	[smem:$0x3F9D] =	sst lr;
	_ =	strace $0xD0000000  }
0x3: {  	_ = 	snop  }
0x4: {  	_ = 	snop  }
0x5: {  	_ = 	snop  }
0x6: {  	_ = 	snop  }
0x7: {  	_ = 	snop  }
__scs_overlays_trampoline_lowered:
0x8: {  	[smem:$0x3FAC] =	sst s0  }
0x9: {  	[smem:$0x3FAD] =	sst s1  }
0xa: {  	[smem:$0x3FAE] =	sst s2  }
0xb: {  	[smem:$0x3FAF] =	sst s3  }
0xc: {  	[smem:$0x3FB0] =	sst s4  }
0xd: {  	[smem:$0x3FB1] =	sst s5  }
0xe: {  	[smem:$0x3FB2] =	sst s6  }
0xf: {  	[smem:$0x3FB3] =	sst s7  }
0x10: {  	[smem:$0x3FB4] =	sst s8  }
0x11: {  	[smem:$0x3FB5] =	sst s9;
	s0 =	simm.s32 @!p0 $0x0  }
0x12: {  	s1 =	sld [smem:$0x3F9B];
	s0 =	simm.s32 @p0 $0x1  }
0x13: {  	[smem:$0x3FB6] =	sst s0;
	s0 =	simm.s32 @!p1 $0x0  }
0x14: {  	s2 =	sld [smem:$0x3F9A];
	s0 =	simm.s32 @p1 $0x1  }
0x15: {  	[smem:$0x3FB7] =	sst s0;
	s0 =	simm.s32 @!p2 $0x0  }
0x16: {  	s3 =	sld [smem:$0x3FDB];
	s0 =	simm.s32 @p2 $0x1  }
0x17: {  	s4 =	simm.s32 $0x1BF5;
	[smem:$0x3FB9] =	sst s0  }
0x18: {  	s0 =	sld [smem:$0x3F9C];
	_ =	swait.ge [sflag:s4], $0x0  }
0x19: {  	s7 =	sld [smem:$0x3F9D]  }
0x1a: {  	s8 =	sadd.s32 $0xFFFFE003, lr  }
0x1b: {  	s9 =	sadd.s32 $0xFFFFFEF7, lr;
	s5 =	simm.s32 $0xFFFFFFFF;
	p2 =	slt.u32 s8, $0xFFFFF086  }
0x1c: {  	p1 =	slt.u32 s9, $0xF7A;
	s5 =	simm.s32 @!p2 $0x0  }
0x1d: {  	s5 =	simm.s32 @p1 $0x1;
	p0 =	seq.s32 s7, s2  }
0x1e: {  	s7 =	smul.u32 @!p0 $0xF7A, s2;
	p2 =	seq.s32 @!p0 s5, $0x0  }
0x1f: {  	s9 =	smul.u32 $0xF7A, s1;
	s8 =	simm.s32 @!p0 $0x1BF5;
	p2 =	por !p2, p0  }
0x20: {  	[sflag:s8] =	ssyncset.s32 @!p0 $0xFFFFF086;
	s6 =	sadd.s32 @!p0 s3, s7;
	s7 =	simm.s32 @!p0 $0x108  }
0x21: {  	s3 =	sadd.s32 s3, s9;
	s6 =	sadd.s32 @!p0 $0x88, s6;
	s7 =	simm.s32 @p2 $0x1082  }
0x22: {  	[simem:s7], [sflag:s8] =	dma.local @!p0 [hbm:s6], $0xF7A  }
0x23: {  	s9 =	sor.u32 $0xD0000000, s2;
	s6 =	simm.s32 $0x108;
	_ =	swait.ge @!p0 [sflag:s8], $0x0  }
0x24: {  	s3 =	sadd.s32 $0x88, s3;
	s6 =	simm.s32 @!p1 $0x1082;
	[sflag:s4] =	ssyncset.s32 $0xFFFFF086  }
0x25: {  	[simem:s6], [sflag:s4] =	dma.local [hbm:s3], $0xF7A  }
0x26: {  	[smem:$0x3F9D] =	sst s1;
	(tag) =	ssettag s2;
	_ =	strace s9  }
0x27: {  	s1 =	sld [smem:$0x3FAD]  }
0x28: {  	s2 =	sld [smem:$0x3FAE]  }
0x29: {  	s4 =	sld [smem:$0x3FB0]  }
0x2a: {  	p0 =	seq.s32 s5, $0x0;
	s5 =	sld [smem:$0x3FB1]  }
0x2b: {  	s6 =	sld [smem:$0x3FB2]  }
0x2c: {  	s7 =	sld [smem:$0x3FB3]  }
0x2d: {  	s3 =	simm.s32 $0x108;
	s8 =	sld [smem:$0x3FB4]  }
0x2e: {  	s3 =	simm.s32 @!p0 $0x1082;
	s9 =	sld [smem:$0x3FB5]  }
0x2f: {  	lr =	sadd.s32 s0, s3;
	s0 =	sld [smem:$0x3FAC]  }
0x30: {  	s3 =	sld [smem:$0x3FAF]  }
0x31: {  	[smem:$0x3FB8] =	sst s10  }
0x32: {  	s10 =	sld [smem:$0x3FB6];
	_ =	sdelay $0x3  }
0x33: {  	p0 =	seq.s32 s10, $0x1;
	s10 =	sld [smem:$0x3FB8];
	_ =	sdelay $0x3  }
0x34: {  	[smem:$0x3FB8] =	sst s10  }
0x35: {  	s10 =	sld [smem:$0x3FB7];
	_ =	sdelay $0x3  }
0x36: {  	p1 =	seq.s32 s10, $0x1;
	s10 =	sld [smem:$0x3FB8];
	_ =	sdelay $0x3  }
0x37: {  	[smem:$0x3FB8] =	sst s10  }
0x38: {  	s10 =	sld [smem:$0x3FB9]  }
0x39: {  	_ = 	snop;
	(pc) =	sbr.ind lr, $3  }
0x3a: {  	_ = 	snop  }
0x3b: {  	_ = 	snop  }
0x3c: {  	p2 =	seq.s32 s10, $0x1;
	s10 =	sld [smem:$0x3FB8]  }
0x3d: {  	_ =	shalt  }
0x3e: {  	_ =	shalt  }
0x3f: {  	_ =	shalt  }
0x40: {  	_ =	shalt  }
0x41: {  	_ =	shalt  }
0x42: {  	_ =	shalt  }
0x43: {  	_ =	shalt  }
0x44: {  	_ =	shalt  }
0x45: {  	_ =	shalt  }
0x46: {  	_ =	shalt  }
0x47: {  	_ =	shalt  }
0x48: {  	_ =	shalt  }
0x49: {  	_ =	shalt  }
0x4a: {  	_ =	shalt  }
0x4b: {  	_ =	shalt  }
0x4c: {  	_ =	shalt  }
0x4d: {  	_ =	shalt  }
0x4e: {  	_ =	shalt  }
0x4f: {  	_ =	shalt  }
0x50: {  	_ =	shalt  }
0x51: {  	_ =	shalt  }
0x52: {  	_ =	shalt  }
0x53: {  	_ =	shalt  }
0x54: {  	_ =	shalt  }
0x55: {  	_ =	shalt  }
0x56: {  	_ =	shalt  }
0x57: {  	_ =	shalt  }
0x58: {  	_ =	shalt  }
0x59: {  	_ =	shalt  }
0x5a: {  	_ =	shalt  }
0x5b: {  	_ =	shalt  }
0x5c: {  	_ =	shalt  }
0x5d: {  	_ =	shalt  }
0x5e: {  	_ =	shalt  }
0x5f: {  	_ =	shalt  }
0x60: {  	_ =	shalt  }
0x61: {  	_ =	shalt  }
0x62: {  	_ =	shalt  }
0x63: {  	_ =	shalt  }
0x64: {  	_ =	shalt  }
0x65: {  	_ =	shalt  }
0x66: {  	_ =	shalt  }
0x67: {  	_ =	shalt  }
0x68: {  	_ =	shalt  }
0x69: {  	_ =	shalt  }
0x6a: {  	_ =	shalt  }
0x6b: {  	_ =	shalt  }
0x6c: {  	_ =	shalt  }
0x6d: {  	_ =	shalt  }
0x6e: {  	_ =	shalt  }
0x6f: {  	_ =	shalt  }
0x70: {  	_ =	shalt  }
0x71: {  	_ =	shalt  }
0x72: {  	_ =	shalt  }
0x73: {  	_ =	shalt  }
0x74: {  	_ =	shalt  }
0x75: {  	_ =	shalt  }
0x76: {  	_ =	shalt  }
0x77: {  	_ =	shalt  }
0x78: {  	_ =	shalt  }
0x79: {  	_ =	shalt  }
0x7a: {  	_ =	shalt  }
0x7b: {  	_ =	shalt  }
0x7c: {  	_ =	shalt  }
0x7d: {  	_ =	shalt  }
0x7e: {  	_ =	shalt  }
0x7f: {  	_ =	shalt  }
0x80: {  	_ =	shalt  }
0x81: {  	_ =	shalt  }
0x82: {  	_ =	shalt  }
0x83: {  	_ =	shalt  }
0x84: {  	_ =	shalt  }
0x85: {  	_ =	shalt  }
0x86: {  	_ =	shalt  }
0x87: {  	_ =	shalt  }
.Lfunc_end0:
.L_simem_size_0:
called_computation_lowered:
.L_overlay_start_0:
0x88: {  	s2 =	sld [smem:$0x3FD9]  }
0x89: {  	s3 =	sld [smem:$0x3FFE];
	_ =	sdelay $0x1  }
0x8a: {  	s1 =	srdreg.scid  }
0x8b: {  	s0 =	sand.u32 $0x1, s1  }
0x8c: {  	s17 =	sshll.u32 s0, $0xA;
	s2 =	sadd.s32 s3, s2  }
0x8d: {  	s2 =	sadd.s32 s2, s17  }
0x8e: {  	[smem:$0x3FC4] =	sst s2  }
0x8f: {  	_ = 	snop  }
0x90: {  	s2 =	sld [smem:$0x3FD0];
	(tm) =	ssettm $0x1  }
0x91: {  	s18 =	sld [smem:$0x3FFB];
	_ =	sdelay $0x3  }
0x92: {  	_ =	strace s18  }
0x93: {  	s3 =	sld [smem:$0x3FFC];
	_ =	sdelay $0x3  }
0x94: {  	_ =	strace s3  }
0x95: {  	s3 =	sld [smem:$0x3FFD];
	_ =	sdelay $0x3  }
0x96: {  	_ =	strace s3  }
0x97: {  	_ =	strace $0x8FFFFFFF  }
0x98: {  	s19 =	sld [smem:$0x3FDB];
	_ =	sdelay $0x1  }
0x99: {  	s4 =	simm.s32 $_scs_section_size  }
0x9a: {  	s5 =	simm.s32 $_size__tile_overlayer_lowered;
	s6 =	simm.s32 $_tile_overlayer_lowered  }
0x9b: {  	s22 =	simm.s32 $0x1BFF;
	s21 =	sshll.u32 s6, $0x1;
	s3 =	sadd.s32 s4, s19  }
0x9c: {  	s7 =	simm.s32 $0x0;
	s20 =	sshll.u32 s5, $0x1;
	s5 =	sadd.s32 s21, s3  }
0x9d: {  	[timem:s7], [sflag:s22] =	dma.local [hbm:s5], s20  }
0x9e: {  	_ =	swait.ge [sflag:s22], s20  }
0x9f: {  	s4 =	ssub.s32 $0x0, s20;
	[sflag:s22] =	ssyncset.done $0x0  }
0xa0: {  	[sflag:s22] =	ssyncadd.s32 s4;
	_ =	sdelay $0x1  }
0xa1: {  	s23 =	simm.s32 $0x1B8B  }
0xa2: {  	_ =	swait.ge [sflag:s23], $0x1  }
0xa3: {  	[sflag:s23] =	ssyncset.done $0x0  }
0xa4: {  	s25 =	simm.s32 $0x1B8E;
	s24 =	sld [smem:$0x3FFE];
	[sflag:s23] =	ssyncadd.s32 $0xFFFFFFFF  }
0xa5: {  	s26 =	simm.s32 $execute0_lowered;
	[smem:$0x3FD2] =	sst s25  }
0xa6: {  	s5 =	sshll.u32 s26, $0x1;
	_ =	strace $0x80000046;
	[dreg:$0x1] =	wrdreg $0xFFFFFFFF  }
0xa7: {  	s28 =	simm.s32 $_size_execute0_lowered;
	s3 =	sadd.s32 s3, s5;
	[dreg:$0x0] =	wrdreg $0x0  }
0xa8: {  	s5 =	sshll.u32 s28, $0x1;
	[dreg:$0x2] =	wrdreg s3  }
0xa9: {  	[dreg:$0x3] =	wrdreg s5  }
0xaa: {  	[dreg:$0x4] =	wrdreg $0xC0  }
0xab: {  	_ =	task [dreg:s7], $0x5FFFF  }
0xac: {  	[dreg:$0x1] =	wrdreg $0xFFFFFFFF  }
0xad: {  	[dreg:$0x0] =	wrdreg $0x60  }
0xae: {  	[dreg:$0x2] =	wrdreg s24  }
0xaf: {  	[dreg:$0x3] =	wrdreg s2  }
0xb0: {  	[dreg:$0x4] =	wrdreg $0x9  }
0xb1: {  	_ =	task.clear_ibuf [dreg:s7], $0x5FFFF;
	_ =	strace $0x90000046  }
0xb2: {  	s29 =	simm.s32 $0x9;
	_ =	strace $0x80000048  }
0xb3: {  	_ =	swait.ge [sflag:s29], $0x1  }
0xb4: {  	[sflag:s29] =	ssyncadd.s32 $0xFFFFFFFF  }
0xb5: {  	_ =	strace $0x90000048  }
0xb6: {  	_ =	sfence  }
0xb7: {  	s30 =	sld [smem:$0x0];
	_ =	sdelay $0x2  }
0xb8: {  	s31 =	sshll.u32 s1, $0xD;
	s1 =	sshrl.u32 s1, $0x2  }
0xb9: {  	s3 =	sand.u32 $0x4000, s31;
	s1 =	sadd.s32 s1, s30  }
0xba: {  	s0 =	sor.u32 s3, s0;
	s1 =	sshll.u32 s1, $0x11  }
0xbb: {  	s0 =	sor.u32 s1, s0  }
0xbc: {  	s0 =	sadd.s32 $0x8F2B, s0  }
0xbd: {  	[sflag:s0] =	ssyncadd.remote.s32 $0x1  }
0xbe: {  	_ =	sfence.sel $0xFFFF  }
0xbf: {  	[dreg:$0x0] =	wrdreg $0xFFFFFFFF;
	(pc) =	sbr.abs _section_cstart, $3  }
0xc0: {  	[dreg:$0x1] =	wrdreg $0xFFFFFFFF  }
0xc1: {  	_ =	task.clear_ibuf [dreg:s7], $0x2FFFF;
	_ =	strace $0x9FFFFFFF  }
0xc2: {  	(tm) =	ssettm $0x7FFFFFFF  }
0xc3: {  	_ =	shalt  }
tec
execute0_lowered:
.L_overlay_start_1:
0x0: {  	(tag) =	ssettag $0x1  }
0x1: {  	s0 =	rddreg [dreg:$0x0]  }
0x2: {  	s2 =	rddreg [dreg:$0x1]  }
0x3: {  	s1 =	srdreg.scid;
	s4 =	stileid.u32  }
0x4: {  	s3 =	simm.s32 $0x0;
	s17 =	simm.s32 $0x100;
	s18 =	simm.s32 $0x80  }
0x5: {  	s19 =	simm.s32 $0x180;
	s28 =	simm.s32 $0x2;
	s29 =	simm.s32 $0x4  }
0x6: {  	s30 =	simm.s32 $0x2A00;
	s31 =	simm.s32 $0x7A00;
	s1 =	sand.u32 $0x1, s1  }
0x7: {  	s4 =	sshll.u32 s4, $0x1;
	[smem:$0x7FF] =	sst s3;
	s5 =	sadd.s32 $0x3000, s0  }
0x8: {  	s6 =	sadd.s32 $0x2A200, s0;
	s4 =	sor.u32 s1, s4;
	s1 =	ssub.s32 $0x2, s1  }
0x9: {  	s7 =	sadd.s32 $0x2800, s0;
	s4 =	smul.u32 $0x190, s4;
	s9 =	sshrl.u32 s1, $0x1  }
0xa: {  	s8 =	sadd.s32 $0x2000, s0;
	_ =	strace $0x80000047;
	s20 =	ssub.s32 s1, s9  }
0xb: {  	s9 =	simm.s32 $0x9;
	s10 =	sshrl.u32 s4, $0x3;
	s13 =	sadd.s32 $0xA0, s4  }
0xc: {  	s0 =	smax.u32 s20, $0x1;
	s20 =	simm.s32 $0x1;
	s21 =	sadd.s32 $0xA, s10  }
0xd: {  	s22 =	sadd.s32 s7, s10;
	s23 =	sadd.s32 s8, s10;
	[dreg:$0x9] =	wrdreg s0  }
0xe: {  	s25 =	sadd.s32 $0x1E, s10;
	s0 =	simm.s32 $0x6;
	[dreg:$0x3] =	wrdreg s22  }
0xf: {  	s10 =	simm.s32 $0x0;
	[dreg:$0x4] =	wrdreg s23;
	s24 =	sadd.s32 s7, s21  }
.Ltmp0:
0x10: {  	s1 =	sadd.s32 s8, s21;
	[dreg:$0x5] =	wrdreg s24;
	(pc) =	sbr.rel .LBB2_1-.Ltmp0, $4  }
0x11: {  	s26 =	sadd.s32 s7, s25;
	s21 =	simm.s32 $0x3;
	[dreg:$0x6] =	wrdreg s1  }
0x12: {  	s22 =	simm.s32 $0x50;
	s23 =	simm.s32 $0x200;
	[dreg:$0x7] =	wrdreg s26  }
0x13: {  	s1 =	sadd.s32 s8, s25;
	s24 =	simm.s32 $0x5200;
	s25 =	simm.s32 $0x5  }
0x14: {  	s26 =	simm.s32 $0x7;
	[dreg:$0x8] =	wrdreg s1;
	s1 =	simm.s32 $0x8  }
.LBB2_16:
0x15: {  	_ =	swait.ge [sflag:s9], $0x2800  }
0x16: {  	s10 =	sadd.s32 $0x1, s10;
	s11 =	rddreg [dreg:$0x9]  }
0x17: {  	p0 =	sne.s32 s10, s11  }
.Ltmp1:
0x18: {  	_ = 	snop;
	(pc) =	sbr.rel @!p0 .LBB2_17-.Ltmp1, $3  }
0x19: {  	_ =	sdelay $0x1  }
0x1a: {  	[sflag:s9] =	ssyncset.done $0x0  }
0x1b: {  	[sflag:s9] =	ssyncadd.s32 $0xFFFFD800  }
.LBB2_1:
0x1c: {  	s11 =	rddreg [dreg:$0x3]  }
0x1d: {  	[tilespmem:s3], [sflag:$0x1] =	stream.linear.gather [hbm4b:s11+s3], $0x50, $0x38;
	[tilespmem:$0xA200] =	vst v63  }
0x1e: {  	s14 =	rddreg [dreg:$0x4]  }
0x1f: {  	[tilespmem:s17], [sflag:$0x3] =	stream.linear.gather [hbm4b:s14+s3], $0x50, $0x38;
	[tilespmem:$0xA200] =	vst v63  }
0x20: {  	s15 =	rddreg [dreg:$0x5]  }
0x21: {  	[tilespmem:s18], [sflag:$0x2] =	stream.linear.gather [hbm4b:s15+s3], $0x50, $0x38;
	[tilespmem:$0xA200] =	vst v63  }
0x22: {  	s16 =	rddreg [dreg:$0x6]  }
0x23: {  	[tilespmem:s19], [sflag:$0x4] =	stream.linear.gather [hbm4b:s16+s3], $0x50, $0x38;
	[tilespmem:$0xA200] =	vst v63  }
0x24: {  	_ =	swait.ge [sflag:s20], $0x50  }
0x25: {  	[sflag:s20] =	ssyncset.done $0x0  }
0x26: {  	[sflag:s20] =	ssyncadd.s32 $0xFFFFFFB0  }
0x27: {  	_ =	swait.ge [sflag:s21], $0x50  }
.Ltmp2:
0x28: {  	[sflag:s21] =	ssyncset.done $0x0;
	(pc) =	sbr.rel .LBB2_2-.Ltmp2, $4  }
0x29: {  	[sflag:s21] =	ssyncadd.s32 $0xFFFFFFB0  }
0x2a: {  	[tilespmem:s23], [sflag:$0x5] =	stream.indirect.gather [hbm4b:s5+s22], $0x80, s3, s22, $0xb8;
	[tilespmem:$0xA200] =	vst v63  }
0x2b: {  	s11 =	simm.s32 $0x0  }
0x2c: {  	[tilespmem:s24], [sflag:$0x7] =	stream.indirect.gather [hbm4b:s6+s22], $0x80, s17, s22, $0xb8;
	[tilespmem:$0xA200] =	vst v63  }
.LBB2_15:
0x2d: {  	s11 =	sadd.s32 $0x1, s11  }
0x2e: {  	p0 =	sne.s32 s11, $0x3  }
.Ltmp3:
0x2f: {  	_ = 	snop;
	(pc) =	sbr.rel @!p0 .LBB2_16-.Ltmp3, $1  }
0x30: {  	_ =	sdelay $0x3  }
.LBB2_2:
0x31: {  	_ =	swait.ge [sflag:s25], $0x2800;
	p0 =	seq.s32 s11, $0x2  }
0x32: {  	[sflag:s25] =	ssyncset.done $0x0;
	s12 =	smul.u32 @!p0 $0xA0, s11  }
0x33: {  	[sflag:s25] =	ssyncadd.s32 $0xFFFFD800  }
0x34: {  	_ =	swait.ge [sflag:s26], $0x2800;
	s12 =	sadd.s32 @!p0 s12, s13  }
0x35: {  	[sflag:s26] =	ssyncset.done $0x0;
	s12 =	sshrl.u32 @!p0 s12, $0x3  }
0x36: {  	s16 =	simm.s32 @!p0 $0x0;
	[sflag:s26] =	ssyncadd.s32 $0xFFFFD800;
	s14 =	sadd.s32 @!p0 s7, s12  }
0x37: {  	[tilespmem:s16], [sflag:$0x1] =	stream.linear.gather @!p0 [hbm4b:s14+s16], $0x50, $0x38;
	[tilespmem:$0xA200] =	vst v63  }
0x38: {  	p1 =	seq.s32 @!p0 s11, $0x0;
	s12 =	sadd.s32 @!p0 s8, s12;
	s14 =	simm.s32 @!p0 $0x100  }
0x39: {  	[tilespmem:s14], [sflag:$0x3] =	stream.linear.gather @!p0 [hbm4b:s12+s16], $0x50, $0x38;
	[tilespmem:$0xA200] =	vst v63  }
0x3a: {  	p1 =	por p0, !p1;
	s12 =	sshll.u32 s11, $0x1  }
0x3b: {  	s12 =	sor.u32 @p1 $0x1, s12  }
0x3c: {  	p2 =	sgt.u32 @p1 s12, $0x4  }
0x3d: {  	p2 =	por !p1, !p2  }
.Ltmp4:
0x3e: {  	_ = 	snop;
	(pc) =	sbr.rel @!p2 .LBB2_3-.Ltmp4, $4  }
0x3f: {  	s14 =	simm.s32 @p1 $0xA  }
0x40: {  	_ =	swait.ge @p1 [sflag:s14], $0x2800  }
0x41: {  	[sflag:s14] =	ssyncset.done @p1 $0x0  }
0x42: {  	[sflag:s14] =	ssyncadd.s32 @p1 $0xFFFFD800  }
0x43: {  	_ =	swait.ge [sflag:s28], $0x50  }
0x44: {  	[sflag:s28] =	ssyncset.done $0x0  }
0x45: {  	[sflag:s28] =	ssyncadd.s32 $0xFFFFFFB0  }
0x46: {  	_ =	swait.ge [sflag:s29], $0x50  }
.Ltmp5:
0x47: {  	[sflag:s29] =	ssyncset.done $0x0;
	(pc) =	sbr.rel .LBB2_5-.Ltmp5, $4  }
0x48: {  	s12 =	simm.s32 @!p1 $0x1;
	[sflag:s29] =	ssyncadd.s32 $0xFFFFFFB0  }
0x49: {  	[tilespmem:s30], [sflag:$0x6] =	stream.indirect.gather [hbm4b:s5+s22], $0x80, s18, s22, $0xb8;
	[tilespmem:$0xA200] =	vst v63  }
0x4a: {  	p1 =	por $0x1, $0x1;
	s12 =	smul.u32 $0x50, s12  }
0x4b: {  	[tilespmem:s31], [sflag:$0x8] =	stream.indirect.gather [hbm4b:s6+s22], $0x80, s19, s22, $0xb8;
	[tilespmem:$0xA200] =	vst v63  }
.LBB2_3:
0x4c: {  	s12 =	simm.s32 @p1 $0x190;
	p1 =	por @p1 $0x0, $0x0  }
.LBB2_5:
0x4d: {  	s16 =	simm.s32 $0x0  }
0x4e: {  	v6 =	vld [tilespmem:s16+$0x5200]  }
0x4f: {  	v11 =	vld [tilespmem:s16+$0x5210]  }
0x50: {  	v5 =	vld [tilespmem:s16+$0x5220]  }
0x51: {  	v4 =	vld [tilespmem:s16+$0x5230]  }
0x52: {  	v3 =	vld [tilespmem:s16+$0x5240]  }
0x53: {  	v2 =	vld [tilespmem:s16+$0x5250]  }
0x54: {  	v1 =	vld [tilespmem:s16+$0x5260]  }
0x55: {  	v0 =	vld [tilespmem:s16+$0x5270]  }
0x56: {  	v12 =	vld [tilespmem:s16+$0x200]  }
0x57: {  	v13 =	vld [tilespmem:s16+$0x210]  }
0x58: {  	v10 =	vld [tilespmem:s16+$0x220]  }
0x59: {  	v9 =	vld [tilespmem:s16+$0x230]  }
0x5a: {  	v8 =	vld [tilespmem:s16+$0x240]  }
0x5b: {  	v7 =	vld [tilespmem:s16+$0x250];
	v12 =	vadd.f32 v6, v12  }
0x5c: {  	s14 =	simm.s32 $0x200;
	v11 =	vadd.f32 v11, v13;
	v6 =	vld [tilespmem:s16+$0x260]  }
.LBB2_6:
0x5d: {  	s15 =	sshra.s32 s14, $0x2;
	p2 =	sne.s32 s14, $0x9E00;
	[tilespmem:s16+$0x200] =	vst v12;
	v5 =	vadd.f32 v5, v10;
	v10 =	vld [tilespmem:s16+$0x270]  }
0x5e: {  	v12 =	vld [tilespmem:s15+$0x5200];
	[tilespmem:s16+$0x210] =	vst v11;
	v4 =	vadd.f32 v4, v9  }
0x5f: {  	v11 =	vld [tilespmem:s15+$0x5210];
	[tilespmem:s16+$0x220] =	vst v5;
	v3 =	vadd.f32 v3, v8  }
0x60: {  	v5 =	vld [tilespmem:s15+$0x5220];
	[tilespmem:s16+$0x230] =	vst v4;
	v2 =	vadd.f32 v2, v7  }
0x61: {  	v4 =	vld [tilespmem:s15+$0x5230];
	[tilespmem:s16+$0x240] =	vst v3;
	v1 =	vadd.f32 v1, v6  }
0x62: {  	v3 =	vld [tilespmem:s15+$0x5240];
	[tilespmem:s16+$0x250] =	vst v2;
	v0 =	vadd.f32 v0, v10  }
0x63: {  	v2 =	vld [tilespmem:s15+$0x5250];
	[tilespmem:s16+$0x260] =	vst v1  }
0x64: {  	v1 =	vld [tilespmem:s15+$0x5260];
	[tilespmem:s16+$0x270] =	vst v0;
	s16 =	smov.u32 s15  }
0x65: {  	v0 =	vld [tilespmem:s16+$0x5270]  }
0x66: {  	v6 =	vld [tilespmem:s16+$0x200]  }
0x67: {  	v13 =	vld [tilespmem:s16+$0x210]  }
.Ltmp6:
0x68: {  	v10 =	vld [tilespmem:s16+$0x220];
	(pc) =	sbr.rel @p2 .LBB2_6-.Ltmp6, $4  }
0x69: {  	v9 =	vld [tilespmem:s16+$0x230]  }
0x6a: {  	v8 =	vld [tilespmem:s16+$0x240]  }
0x6b: {  	v12 =	vadd.f32 v12, v6;
	v7 =	vld [tilespmem:s16+$0x250]  }
0x6c: {  	s14 =	sadd.s32 $0x200, s14;
	v11 =	vadd.f32 v11, v13;
	v6 =	vld [tilespmem:s16+$0x260]  }
0x6d: {  	[tilespmem:s16+$0x200] =	vst v12;
	v5 =	vadd.f32 v5, v10;
	v63 =	vld [tilespmem:s16+$0x270]  }
0x6e: {  	[tilespmem:s16+$0x210] =	vst v11;
	v4 =	vadd.f32 v4, v9  }
0x6f: {  	[tilespmem:s16+$0x220] =	vst v5;
	v3 =	vadd.f32 v3, v8  }
0x70: {  	s14 =	smul.u32 $0xA0, s11;
	[tilespmem:s16+$0x230] =	vst v4;
	v2 =	vadd.f32 v2, v7  }
.Ltmp7:
0x71: {  	[tilespmem:s16+$0x240] =	vst v3;
	v1 =	vadd.f32 v1, v6;
	(pc) =	sbr.rel @!p1 .LBB2_15-.Ltmp7, $4  }
0x72: {  	s14 =	sadd.s32 s4, s14;
	[tilespmem:s16+$0x250] =	vst v2;
	v0 =	vadd.f32 v0, v63  }
0x73: {  	s14 =	sshll.u32 s14, $0x4;
	[tilespmem:s16+$0x260] =	vst v1  }
0x74: {  	s14 =	sadd.s32 s2, s14;
	[tilespmem:s16+$0x270] =	vst v0  }
0x75: {  	[hbm4b:s14+s3] =	stream.linear.scatter [tilespmem:s23], [sflag:$0x9], $0x2800, $0x38;
	[tilespmem:$0xA200] =	vst v63  }
0x76: {  	_ =	swait.ge [sflag:s0], $0x2800;
	p1 =	sne.s32 s11, $0x0  }
.Ltmp8:
0x77: {  	[sflag:s0] =	ssyncset.done $0x0;
	(pc) =	sbr.rel @!p1 .LBB2_9-.Ltmp8, $4  }
0x78: {  	[sflag:s0] =	ssyncadd.s32 $0xFFFFD800  }
0x79: {  	_ =	swait.ge [sflag:s1], $0x2800  }
0x7a: {  	[sflag:s1] =	ssyncset.done $0x0  }
0x7b: {  	[sflag:s1] =	ssyncadd.s32 $0xFFFFD800  }
.Ltmp9:
0x7c: {  	(pc) =	sbr.rel @p0 .LBB2_12-.Ltmp9, $4  }
.Ltmp10:
0x7d: {  	(pc) =	sbr.rel @!p0 .LBB2_11-.Ltmp10, $4  }
0x7e: {  	_ =	swait.ge [sflag:s9], $0x2800  }
0x7f: {  	[sflag:s9] =	ssyncset.done $0x0  }
0x80: {  	[sflag:s9] =	ssyncadd.s32 $0xFFFFD800  }
0x81: {  	_ = 	snop  }
.LBB2_9:
0x82: {  	s14 =	rddreg [dreg:$0x7]  }
0x83: {  	[tilespmem:s18], [sflag:$0x2] =	stream.linear.gather [hbm4b:s14+s3], $0x50, $0x38;
	[tilespmem:$0xA200] =	vst v63  }
0x84: {  	s16 =	rddreg [dreg:$0x8]  }
0x85: {  	[tilespmem:s19], [sflag:$0x4] =	stream.linear.gather [hbm4b:s16+s3], $0x50, $0x38;
	[tilespmem:$0xA200] =	vst v63  }
0x86: {  	_ =	swait.ge [sflag:s9], $0x2800  }
0x87: {  	[sflag:s9] =	ssyncset.done $0x0  }
0x88: {  	[sflag:s9] =	ssyncadd.s32 $0xFFFFD800  }
.LBB2_11:
0x89: {  	_ =	swait.ge [sflag:s20], $0x50  }
0x8a: {  	[sflag:s20] =	ssyncset.done $0x0  }
0x8b: {  	[sflag:s20] =	ssyncadd.s32 $0xFFFFFFB0  }
0x8c: {  	_ =	swait.ge [sflag:s21], $0x50  }
0x8d: {  	[sflag:s21] =	ssyncset.done $0x0  }
0x8e: {  	[sflag:s21] =	ssyncadd.s32 $0xFFFFFFB0  }
0x8f: {  	[tilespmem:s23], [sflag:$0x5] =	stream.indirect.gather [hbm4b:s5+s22], $0x80, s3, s22, $0xb8;
	[tilespmem:$0xA200] =	vst v63  }
0x90: {  	_ = 	snop  }
0x91: {  	[tilespmem:s24], [sflag:$0x7] =	stream.indirect.gather [hbm4b:s6+s22], $0x80, s17, s22, $0xb8;
	[tilespmem:$0xA200] =	vst v63  }
.LBB2_12:
0x92: {  	s16 =	simm.s32 $0x0  }
0x93: {  	v7 =	vld [tilespmem:s16+$0x7A00]  }
0x94: {  	v11 =	vld [tilespmem:s16+$0x7A10]  }
0x95: {  	v5 =	vld [tilespmem:s16+$0x7A20]  }
0x96: {  	v4 =	vld [tilespmem:s16+$0x7A30]  }
0x97: {  	v3 =	vld [tilespmem:s16+$0x7A40]  }
0x98: {  	v2 =	vld [tilespmem:s16+$0x7A50]  }
0x99: {  	v1 =	vld [tilespmem:s16+$0x7A60]  }
0x9a: {  	v0 =	vld [tilespmem:s16+$0x7A70]  }
0x9b: {  	v12 =	vld [tilespmem:s16+$0x2A00]  }
0x9c: {  	v13 =	vld [tilespmem:s16+$0x2A10]  }
0x9d: {  	v10 =	vld [tilespmem:s16+$0x2A20]  }
0x9e: {  	v9 =	vld [tilespmem:s16+$0x2A30]  }
0x9f: {  	v8 =	vld [tilespmem:s16+$0x2A40]  }
0xa0: {  	v6 =	vld [tilespmem:s16+$0x2A50];
	v12 =	vadd.f32 v7, v12  }
0xa1: {  	s14 =	simm.s32 $0x200;
	v11 =	vadd.f32 v11, v13;
	v7 =	vld [tilespmem:s16+$0x2A60]  }
.LBB2_13:
0xa2: {  	s15 =	sshra.s32 s14, $0x2;
	p0 =	sne.s32 s14, $0x9E00;
	[tilespmem:s16+$0x2A00] =	vst v12;
	v5 =	vadd.f32 v5, v10;
	v10 =	vld [tilespmem:s16+$0x2A70]  }
0xa3: {  	v12 =	vld [tilespmem:s15+$0x7A00];
	[tilespmem:s16+$0x2A10] =	vst v11;
	v4 =	vadd.f32 v4, v9  }
0xa4: {  	v11 =	vld [tilespmem:s15+$0x7A10];
	[tilespmem:s16+$0x2A20] =	vst v5;
	v3 =	vadd.f32 v3, v8  }
0xa5: {  	v5 =	vld [tilespmem:s15+$0x7A20];
	[tilespmem:s16+$0x2A30] =	vst v4;
	v2 =	vadd.f32 v2, v6  }
0xa6: {  	v4 =	vld [tilespmem:s15+$0x7A30];
	[tilespmem:s16+$0x2A40] =	vst v3;
	v1 =	vadd.f32 v1, v7  }
0xa7: {  	v3 =	vld [tilespmem:s15+$0x7A40];
	[tilespmem:s16+$0x2A50] =	vst v2;
	v0 =	vadd.f32 v0, v10  }
0xa8: {  	v2 =	vld [tilespmem:s15+$0x7A50];
	[tilespmem:s16+$0x2A60] =	vst v1  }
0xa9: {  	v1 =	vld [tilespmem:s15+$0x7A60];
	[tilespmem:s16+$0x2A70] =	vst v0;
	s16 =	smov.u32 s15  }
0xaa: {  	v0 =	vld [tilespmem:s16+$0x7A70]  }
0xab: {  	v6 =	vld [tilespmem:s16+$0x2A00]  }
0xac: {  	v7 =	vld [tilespmem:s16+$0x2A10]  }
.Ltmp11:
0xad: {  	v10 =	vld [tilespmem:s16+$0x2A20];
	(pc) =	sbr.rel @p0 .LBB2_13-.Ltmp11, $4  }
0xae: {  	v9 =	vld [tilespmem:s16+$0x2A30]  }
0xaf: {  	v8 =	vld [tilespmem:s16+$0x2A40]  }
0xb0: {  	v12 =	vadd.f32 v12, v6;
	v6 =	vld [tilespmem:s16+$0x2A50]  }
0xb1: {  	s14 =	sadd.s32 $0x200, s14;
	v11 =	vadd.f32 v11, v7;
	v7 =	vld [tilespmem:s16+$0x2A60]  }
0xb2: {  	[tilespmem:s16+$0x2A00] =	vst v12;
	v5 =	vadd.f32 v5, v10;
	v63 =	vld [tilespmem:s16+$0x2A70]  }
0xb3: {  	[tilespmem:s16+$0x2A10] =	vst v11;
	v4 =	vadd.f32 v4, v9  }
0xb4: {  	[tilespmem:s16+$0x2A20] =	vst v5;
	v3 =	vadd.f32 v3, v8  }
0xb5: {  	[tilespmem:s16+$0x2A30] =	vst v4;
	v2 =	vadd.f32 v2, v6  }
.Ltmp12:
0xb6: {  	[tilespmem:s16+$0x2A40] =	vst v3;
	v1 =	vadd.f32 v1, v7;
	(pc) =	sbr.rel .LBB2_15-.Ltmp12, $4  }
0xb7: {  	s12 =	sadd.s32 s4, s12;
	[tilespmem:s16+$0x2A50] =	vst v2;
	v0 =	vadd.f32 v0, v63  }
0xb8: {  	s12 =	sshll.u32 s12, $0x4;
	[tilespmem:s16+$0x2A60] =	vst v1  }
0xb9: {  	s12 =	sadd.s32 s2, s12;
	[tilespmem:s16+$0x2A70] =	vst v0  }
0xba: {  	[hbm4b:s12+s3] =	stream.linear.scatter [tilespmem:s30], [sflag:$0xA], $0x2800, $0x38;
	[tilespmem:$0xA200] =	vst v63  }
.LBB2_17:
0xbb: {  	_ =	sfence.sel $0x180000  }
0xbc: {  	[bflag:$0x0] =	sbarrier.arrive $0xFFFF  }
0xbd: {  	_ =	strace $0x90000047  }
0xbe: {  	s0 =	stileid.u32;
	[bflag:$0x2] =	sbarrier.arrive $0xFFFF  }
0xbf: {  	p0 =	sne.s32 s0, $0x0;
	s0 =	rddreg [dreg:$0x2]  }
0xc0: {  	s0 =	sadd.s32 @!p0 $0x100000, s0  }
0xc1: {  	[sflag:s0] =	ssyncadd.tile.s32 @!p0 $0x1;
	_ =	shalt  }
.Lfunc_end2:
_tile_overlayer_lowered:
.L_overlay_start_2:
0xc2: {  	(tag) =	ssettag $0x2  }
0xc3: {  	s0 =	rddreg [dreg:$0x0];
	s2 =	stileid.u32  }
0xc4: {  	s1 =	rddreg [dreg:$0x1];
	p0 =	sne.s32 s2, $0x0  }
0xc5: {  	s3 =	rddreg [dreg:$0x2];
	[bflag:$0x3] =	sbarrier.arrive $0xFFFF;
	s2 =	simm.s32 @!p0 $0x1C0B  }
0xc6: {  	[timem:s3], [sflag:s2] =	dma.local @!p0 [hbm:s0], s1  }
0xc7: {  	s0 =	simm.s32 @!p0 $0xB  }
0xc8: {  	_ =	swait.ge @!p0 [sflag:s0], s1  }
0xc9: {  	s1 =	ssub.s32 @!p0 $0x0, s1;
	[sflag:s0] =	ssyncset.done @!p0 $0x0  }
0xca: {  	[sflag:s0] =	ssyncadd.s32 @!p0 s1  }
0xcb: {  	[bflag:$0x3] =	sbarrier.arrive $0xFFFF  }
0xcc: {  	_ =	shalt  }

// kernel: kernel.18.cloned.1.call-start
scs
__scs_entry_jumppad:
0x0: {  	(pc) =	sbr.rel $0x88, $3  }
0x1: {  	(tag) =	ssettag $0x0;
	lr =	simm.s32 $0x1  }
0x2: {  	[smem:$0x3F9D] =	sst lr;
	_ =	strace $0xD0000000  }
0x3: {  	_ = 	snop  }
0x4: {  	_ = 	snop  }
0x5: {  	_ = 	snop  }
0x6: {  	_ = 	snop  }
0x7: {  	_ = 	snop  }
__scs_overlays_trampoline_lowered:
0x8: {  	[smem:$0x3FAC] =	sst s0  }
0x9: {  	[smem:$0x3FAD] =	sst s1  }
0xa: {  	[smem:$0x3FAE] =	sst s2  }
0xb: {  	[smem:$0x3FAF] =	sst s3  }
0xc: {  	[smem:$0x3FB0] =	sst s4  }
0xd: {  	[smem:$0x3FB1] =	sst s5  }
0xe: {  	[smem:$0x3FB2] =	sst s6  }
0xf: {  	[smem:$0x3FB3] =	sst s7  }
0x10: {  	[smem:$0x3FB4] =	sst s8  }
0x11: {  	[smem:$0x3FB5] =	sst s9;
	s0 =	simm.s32 @!p0 $0x0  }
0x12: {  	s1 =	sld [smem:$0x3F9B];
	s0 =	simm.s32 @p0 $0x1  }
0x13: {  	[smem:$0x3FB6] =	sst s0;
	s0 =	simm.s32 @!p1 $0x0  }
0x14: {  	s2 =	sld [smem:$0x3F9A];
	s0 =	simm.s32 @p1 $0x1  }
0x15: {  	[smem:$0x3FB7] =	sst s0;
	s0 =	simm.s32 @!p2 $0x0  }
0x16: {  	s3 =	sld [smem:$0x3FDB];
	s0 =	simm.s32 @p2 $0x1  }
0x17: {  	s4 =	simm.s32 $0x1BF5;
	[smem:$0x3FB9] =	sst s0  }
0x18: {  	s0 =	sld [smem:$0x3F9C];
	_ =	swait.ge [sflag:s4], $0x0  }
0x19: {  	s7 =	sld [smem:$0x3F9D]  }
0x1a: {  	s8 =	sadd.s32 $0xFFFFE003, lr  }
0x1b: {  	s9 =	sadd.s32 $0xFFFFFEF7, lr;
	s5 =	simm.s32 $0xFFFFFFFF;
	p2 =	slt.u32 s8, $0xFFFFF086  }
0x1c: {  	p1 =	slt.u32 s9, $0xF7A;
	s5 =	simm.s32 @!p2 $0x0  }
0x1d: {  	s5 =	simm.s32 @p1 $0x1;
	p0 =	seq.s32 s7, s2  }
0x1e: {  	s7 =	smul.u32 @!p0 $0xF7A, s2;
	p2 =	seq.s32 @!p0 s5, $0x0  }
0x1f: {  	s9 =	smul.u32 $0xF7A, s1;
	s8 =	simm.s32 @!p0 $0x1BF5;
	p2 =	por !p2, p0  }
0x20: {  	[sflag:s8] =	ssyncset.s32 @!p0 $0xFFFFF086;
	s6 =	sadd.s32 @!p0 s3, s7;
	s7 =	simm.s32 @!p0 $0x108  }
0x21: {  	s3 =	sadd.s32 s3, s9;
	s6 =	sadd.s32 @!p0 $0x88, s6;
	s7 =	simm.s32 @p2 $0x1082  }
0x22: {  	[simem:s7], [sflag:s8] =	dma.local @!p0 [hbm:s6], $0xF7A  }
0x23: {  	s9 =	sor.u32 $0xD0000000, s2;
	s6 =	simm.s32 $0x108;
	_ =	swait.ge @!p0 [sflag:s8], $0x0  }
0x24: {  	s3 =	sadd.s32 $0x88, s3;
	s6 =	simm.s32 @!p1 $0x1082;
	[sflag:s4] =	ssyncset.s32 $0xFFFFF086  }
0x25: {  	[simem:s6], [sflag:s4] =	dma.local [hbm:s3], $0xF7A  }
0x26: {  	[smem:$0x3F9D] =	sst s1;
	(tag) =	ssettag s2;
	_ =	strace s9  }
0x27: {  	s1 =	sld [smem:$0x3FAD]  }
0x28: {  	s2 =	sld [smem:$0x3FAE]  }
0x29: {  	s4 =	sld [smem:$0x3FB0]  }
0x2a: {  	p0 =	seq.s32 s5, $0x0;
	s5 =	sld [smem:$0x3FB1]  }
0x2b: {  	s6 =	sld [smem:$0x3FB2]  }
0x2c: {  	s7 =	sld [smem:$0x3FB3]  }
0x2d: {  	s3 =	simm.s32 $0x108;
	s8 =	sld [smem:$0x3FB4]  }
0x2e: {  	s3 =	simm.s32 @!p0 $0x1082;
	s9 =	sld [smem:$0x3FB5]  }
0x2f: {  	lr =	sadd.s32 s0, s3;
	s0 =	sld [smem:$0x3FAC]  }
0x30: {  	s3 =	sld [smem:$0x3FAF]  }
0x31: {  	[smem:$0x3FB8] =	sst s10  }
0x32: {  	s10 =	sld [smem:$0x3FB6];
	_ =	sdelay $0x3  }
0x33: {  	p0 =	seq.s32 s10, $0x1;
	s10 =	sld [smem:$0x3FB8];
	_ =	sdelay $0x3  }
0x34: {  	[smem:$0x3FB8] =	sst s10  }
0x35: {  	s10 =	sld [smem:$0x3FB7];
	_ =	sdelay $0x3  }
0x36: {  	p1 =	seq.s32 s10, $0x1;
	s10 =	sld [smem:$0x3FB8];
	_ =	sdelay $0x3  }
0x37: {  	[smem:$0x3FB8] =	sst s10  }
0x38: {  	s10 =	sld [smem:$0x3FB9]  }
0x39: {  	_ = 	snop;
	(pc) =	sbr.ind lr, $3  }
0x3a: {  	_ = 	snop  }
0x3b: {  	_ = 	snop  }
0x3c: {  	p2 =	seq.s32 s10, $0x1;
	s10 =	sld [smem:$0x3FB8]  }
0x3d: {  	_ =	shalt  }
0x3e: {  	_ =	shalt  }
0x3f: {  	_ =	shalt  }
0x40: {  	_ =	shalt  }
0x41: {  	_ =	shalt  }
0x42: {  	_ =	shalt  }
0x43: {  	_ =	shalt  }
0x44: {  	_ =	shalt  }
0x45: {  	_ =	shalt  }
0x46: {  	_ =	shalt  }
0x47: {  	_ =	shalt  }
0x48: {  	_ =	shalt  }
0x49: {  	_ =	shalt  }
0x4a: {  	_ =	shalt  }
0x4b: {  	_ =	shalt  }
0x4c: {  	_ =	shalt  }
0x4d: {  	_ =	shalt  }
0x4e: {  	_ =	shalt  }
0x4f: {  	_ =	shalt  }
0x50: {  	_ =	shalt  }
0x51: {  	_ =	shalt  }
0x52: {  	_ =	shalt  }
0x53: {  	_ =	shalt  }
0x54: {  	_ =	shalt  }
0x55: {  	_ =	shalt  }
0x56: {  	_ =	shalt  }
0x57: {  	_ =	shalt  }
0x58: {  	_ =	shalt  }
0x59: {  	_ =	shalt  }
0x5a: {  	_ =	shalt  }
0x5b: {  	_ =	shalt  }
0x5c: {  	_ =	shalt  }
0x5d: {  	_ =	shalt  }
0x5e: {  	_ =	shalt  }
0x5f: {  	_ =	shalt  }
0x60: {  	_ =	shalt  }
0x61: {  	_ =	shalt  }
0x62: {  	_ =	shalt  }
0x63: {  	_ =	shalt  }
0x64: {  	_ =	shalt  }
0x65: {  	_ =	shalt  }
0x66: {  	_ =	shalt  }
0x67: {  	_ =	shalt  }
0x68: {  	_ =	shalt  }
0x69: {  	_ =	shalt  }
0x6a: {  	_ =	shalt  }
0x6b: {  	_ =	shalt  }
0x6c: {  	_ =	shalt  }
0x6d: {  	_ =	shalt  }
0x6e: {  	_ =	shalt  }
0x6f: {  	_ =	shalt  }
0x70: {  	_ =	shalt  }
0x71: {  	_ =	shalt  }
0x72: {  	_ =	shalt  }
0x73: {  	_ =	shalt  }
0x74: {  	_ =	shalt  }
0x75: {  	_ =	shalt  }
0x76: {  	_ =	shalt  }
0x77: {  	_ =	shalt  }
0x78: {  	_ =	shalt  }
0x79: {  	_ =	shalt  }
0x7a: {  	_ =	shalt  }
0x7b: {  	_ =	shalt  }
0x7c: {  	_ =	shalt  }
0x7d: {  	_ =	shalt  }
0x7e: {  	_ =	shalt  }
0x7f: {  	_ =	shalt  }
0x80: {  	_ =	shalt  }
0x81: {  	_ =	shalt  }
0x82: {  	_ =	shalt  }
0x83: {  	_ =	shalt  }
0x84: {  	_ =	shalt  }
0x85: {  	_ =	shalt  }
0x86: {  	_ =	shalt  }
0x87: {  	_ =	shalt  }
.Lfunc_end0:
.L_simem_size_0:
called_computation.1_lowered:
.L_overlay_start_0:
0x88: {  	s2 =	sld [smem:$0x3FD9]  }
0x89: {  	s3 =	sld [smem:$0x3FFE];
	_ =	sdelay $0x1  }
0x8a: {  	s1 =	srdreg.scid  }
0x8b: {  	s0 =	sand.u32 $0x1, s1  }
0x8c: {  	s17 =	sshll.u32 s0, $0xA;
	s2 =	sadd.s32 s3, s2  }
0x8d: {  	s2 =	sadd.s32 s2, s17  }
0x8e: {  	[smem:$0x3FC4] =	sst s2  }
0x8f: {  	_ = 	snop  }
0x90: {  	(tm) =	ssettm $0x1  }
0x91: {  	s18 =	sld [smem:$0x3FFB];
	_ =	sdelay $0x3  }
0x92: {  	_ =	strace s18  }
0x93: {  	s2 =	sld [smem:$0x3FFC];
	_ =	sdelay $0x3  }
0x94: {  	_ =	strace s2  }
0x95: {  	s2 =	sld [smem:$0x3FFD];
	_ =	sdelay $0x3  }
0x96: {  	_ =	strace s2  }
0x97: {  	_ =	strace $0x8FFFFFFF  }
0x98: {  	s19 =	sld [smem:$0x3FDB];
	_ =	sdelay $0x1  }
0x99: {  	s20 =	simm.s32 $_scs_section_size  }
0x9a: {  	s4 =	simm.s32 $_size__tile_overlayer_lowered;
	s5 =	simm.s32 $_tile_overlayer_lowered  }
0x9b: {  	s6 =	simm.s32 $0x1BFF;
	s21 =	sshll.u32 s5, $0x1;
	s3 =	sadd.s32 s20, s19  }
0x9c: {  	s22 =	simm.s32 $0x0;
	s4 =	sshll.u32 s4, $0x1;
	s5 =	sadd.s32 s21, s3  }
0x9d: {  	[timem:s22], [sflag:s6] =	dma.local [hbm:s5], s4  }
0x9e: {  	_ =	swait.ge [sflag:s6], s4  }
0x9f: {  	s4 =	ssub.s32 $0x0, s4;
	[sflag:s6] =	ssyncset.done $0x0  }
0xa0: {  	[sflag:s6] =	ssyncadd.s32 s4;
	_ =	sdelay $0x1  }
0xa1: {  	s23 =	simm.s32 $0x1B8B  }
0xa2: {  	_ =	swait.ge [sflag:s23], $0x1  }
0xa3: {  	[sflag:s23] =	ssyncset.done $0x0  }
0xa4: {  	[sflag:s23] =	ssyncadd.s32 $0xFFFFFFFF  }
0xa5: {  	s4 =	sld [smem:$0x0]  }
0xa6: {  	s5 =	sand.u32 $0xFFFFFFFE, s1  }
0xa7: {  	p0 =	sne.s32 s1, s5  }
0xa8: {  	s5 =	sshll.u32 @p0 s5, $0xE  }
0xa9: {  	s5 =	sadd.s32 @p0 $0x11B8D, s5;
	s6 =	sshll.u32 @p0 s4, $0x11  }
0xaa: {  	s5 =	sor.u32 @p0 s6, s5  }
0xab: {  	[sflag:s5] =	ssyncadd.remote.s32 @p0 $0x1;
	_ =	sdelay $0x1  }
0xac: {  	s5 =	simm.s32 @p0 $0x1B8D  }
0xad: {  	_ =	swait.eq @p0 [sflag:s5], $0x1  }
0xae: {  	[sflag:s5] =	ssyncadd.s32 @p0 $0xFFFFFFFF  }
0xaf: {  	s6 =	sshll.u32 @!p0 s1, $0xE  }
0xb0: {  	s6 =	sor.u32 @!p0 $0x4000, s6;
	s5 =	simm.s32 @!p0 $0x1B8D  }
0xb1: {  	s4 =	sshll.u32 @!p0 s4, $0x11;
	s6 =	sadd.s32 @!p0 $0x11B8D, s6;
	_ =	swait.eq @!p0 [sflag:s5], $0x1  }
0xb2: {  	s4 =	sor.u32 @!p0 s4, s6;
	[sflag:s5] =	ssyncadd.s32 @!p0 $0xFFFFFFFF  }
0xb3: {  	s25 =	simm.s32 $0x1B8E;
	s24 =	sld [smem:$0x3FFE];
	[sflag:s4] =	ssyncadd.remote.s32 @!p0 $0x1  }
0xb4: {  	s26 =	simm.s32 $execute0_lowered;
	[smem:$0x3FD2] =	sst s25  }
0xb5: {  	s5 =	sshll.u32 s26, $0x1;
	_ =	strace $0x80000049;
	[dreg:$0x1] =	wrdreg $0xFFFFFFFF  }
0xb6: {  	s28 =	simm.s32 $_size_execute0_lowered;
	s3 =	sadd.s32 s3, s5;
	[dreg:$0x0] =	wrdreg $0x0  }
0xb7: {  	s5 =	sshll.u32 s28, $0x1;
	[dreg:$0x2] =	wrdreg s3  }
0xb8: {  	[dreg:$0x3] =	wrdreg s5  }
0xb9: {  	[dreg:$0x4] =	wrdreg $0xC0  }
0xba: {  	_ =	task [dreg:s22], $0x5FFFF  }
0xbb: {  	[dreg:$0x1] =	wrdreg $0xFFFFFFFF  }
0xbc: {  	[dreg:$0x0] =	wrdreg $0x60  }
0xbd: {  	[dreg:$0x2] =	wrdreg s24  }
0xbe: {  	[dreg:$0x3] =	wrdreg $0xA  }
0xbf: {  	_ =	task.clear_ibuf [dreg:s22], $0x4FFFF;
	_ =	strace $0x90000049  }
0xc0: {  	s29 =	simm.s32 $0xA;
	_ =	strace $0x8000004B  }
0xc1: {  	_ =	swait.ge [sflag:s29], $0x1  }
0xc2: {  	[sflag:s29] =	ssyncadd.s32 $0xFFFFFFFF  }
0xc3: {  	_ =	strace $0x9000004B  }
0xc4: {  	_ =	sfence  }
0xc5: {  	s30 =	sld [smem:$0x0];
	_ =	sdelay $0x2  }
0xc6: {  	s31 =	sshll.u32 s1, $0xD;
	s1 =	sshrl.u32 s1, $0x2  }
0xc7: {  	s4 =	sand.u32 $0x4000, s31;
	s1 =	sadd.s32 s1, s30  }
0xc8: {  	s0 =	sor.u32 s4, s0;
	s1 =	sshll.u32 s1, $0x11  }
0xc9: {  	s0 =	sor.u32 s1, s0  }
0xca: {  	s0 =	sadd.s32 $0x8F2B, s0  }
0xcb: {  	[sflag:s0] =	ssyncadd.remote.s32 $0x1  }
0xcc: {  	_ =	sfence.sel $0xFFFF  }
0xcd: {  	[dreg:$0x0] =	wrdreg $0xFFFFFFFF;
	(pc) =	sbr.abs _section_cstart, $3  }
0xce: {  	[dreg:$0x1] =	wrdreg $0xFFFFFFFF  }
0xcf: {  	_ =	task.clear_ibuf [dreg:s22], $0x2FFFF;
	_ =	strace $0x9FFFFFFF  }
0xd0: {  	(tm) =	ssettm $0x7FFFFFFF  }
0xd1: {  	_ =	shalt  }
tec
execute0_lowered:
.L_overlay_start_1:
0x0: {  	(tag) =	ssettag $0x1  }
0x1: {  	s0 =	rddreg [dreg:$0x0]  }
0x2: {  	s2 =	simm.s32 $0x0;
	s1 =	srdreg.scid;
	s3 =	stileid.u32  }
0x3: {  	s18 =	simm.s32 $0x80;
	s19 =	simm.s32 $0x180;
	s21 =	simm.s32 $0x3  }
0x4: {  	s22 =	simm.s32 $0x50;
	s28 =	simm.s32 $0x7;
	s29 =	simm.s32 $0x2  }
0x5: {  	s30 =	simm.s32 $0x4;
	s31 =	simm.s32 $0x2A00;
	[smem:$0x7FF] =	sst s2  }
0x6: {  	s1 =	sand.u32 $0x1, s1;
	s4 =	sshll.u32 s3, $0x1;
	s3 =	sadd.s32 $0x3000, s0  }
0x7: {  	s5 =	sadd.s32 $0x51400, s0;
	s7 =	sadd.s32 $0x52E00, s0;
	s6 =	sor.u32 s1, s4  }
0x8: {  	s8 =	sadd.s32 $0x54800, s0;
	s23 =	ssub.s32 $0x2, s1;
	s6 =	smul.u32 $0x640, s6  }
0x9: {  	_ =	strace $0x8000004A;
	s4 =	sadd.s32 $0x2A200, s0;
	s1 =	sshrl.u32 s23, $0x1  }
0xa: {  	s0 =	ssub.s32 s23, s1;
	s23 =	simm.s32 $0x200;
	s10 =	sshrl.u32 s6, $0x3  }
0xb: {  	s9 =	sadd.s32 $0x50, s6;
	s14 =	sadd.s32 $0xA0, s6;
	s0 =	smax.u32 s0, $0x1  }
0xc: {  	s15 =	sadd.s32 $0xF0, s6;
	s24 =	sadd.s32 s5, s10;
	[dreg:$0x6] =	wrdreg s0  }
.Ltmp0:
0xd: {  	s10 =	sadd.s32 s7, s10;
	[dreg:$0x2] =	wrdreg s24;
	(pc) =	sbr.rel .LBB2_1-.Ltmp0, $4  }
0xe: {  	s25 =	sshrl.u32 s9, $0x3;
	s0 =	simm.s32 $0x7A00;
	[dreg:$0x3] =	wrdreg s10  }
0xf: {  	s26 =	sadd.s32 s5, s25;
	s1 =	sadd.s32 s7, s25;
	s25 =	simm.s32 $0xA  }
0x10: {  	s24 =	simm.s32 $0x8;
	s10 =	simm.s32 $0x0;
	[dreg:$0x4] =	wrdreg s26  }
0x11: {  	[dreg:$0x5] =	wrdreg s1;
	s26 =	simm.s32 $0x5;
	s1 =	simm.s32 $0x6  }
.LBB2_8:
0x12: {  	_ =	swait.ge [sflag:s25], $0x2800  }
0x13: {  	s10 =	sadd.s32 $0x1, s10;
	s11 =	rddreg [dreg:$0x6]  }
0x14: {  	p0 =	sne.s32 s10, s11  }
.Ltmp1:
0x15: {  	_ = 	snop;
	(pc) =	sbr.rel @!p0 .LBB2_9-.Ltmp1, $3  }
0x16: {  	_ =	sdelay $0x1  }
0x17: {  	[sflag:s25] =	ssyncset.done $0x0  }
0x18: {  	[sflag:s25] =	ssyncadd.s32 $0xFFFFD800  }
.LBB2_1:
0x19: {  	s11 =	rddreg [dreg:$0x2]  }
0x1a: {  	[tilespmem:s2], [sflag:$0x1] =	stream.linear.gather [hbm4b:s11+s2], $0x50, $0x38;
	[tilespmem:$0xA200] =	vst v63  }
0x1b: {  	s20 =	rddreg [dreg:$0x3];
	s12 =	simm.s32 $0x100  }
0x1c: {  	[tilespmem:s12], [sflag:$0x3] =	stream.linear.gather [hbm4b:s20+s2], $0x50, $0x38;
	[tilespmem:$0xA200] =	vst v63  }
0x1d: {  	s13 =	rddreg [dreg:$0x4]  }
0x1e: {  	[tilespmem:s18], [sflag:$0x2] =	stream.linear.gather [hbm4b:s13+s2], $0x50, $0x38;
	[tilespmem:$0xA200] =	vst v63  }
0x1f: {  	s16 =	rddreg [dreg:$0x5];
	s17 =	simm.s32 $0x1  }
0x20: {  	[tilespmem:s19], [sflag:$0x4] =	stream.linear.gather [hbm4b:s16+s2], $0x50, $0x38;
	[tilespmem:$0xA200] =	vst v63  }
0x21: {  	_ =	swait.ge [sflag:s17], $0x50  }
0x22: {  	[sflag:s17] =	ssyncset.done $0x0  }
0x23: {  	[sflag:s17] =	ssyncadd.s32 $0xFFFFFFB0  }
0x24: {  	_ =	swait.ge [sflag:s21], $0x50  }
0x25: {  	[sflag:s21] =	ssyncset.done $0x0  }
0x26: {  	[sflag:s21] =	ssyncadd.s32 $0xFFFFFFB0  }
0x27: {  	[tilespmem:s23], [sflag:$0x5] =	stream.indirect.gather [hbm4b:s3+s22], $0x80, s2, s22, $0xb8;
	[tilespmem:$0xA200] =	vst v63  }
0x28: {  	s11 =	simm.s32 $0x0;
	s20 =	simm.s32 $0x5200  }
0x29: {  	[tilespmem:s20], [sflag:$0x7] =	stream.indirect.gather [hbm4b:s4+s22], $0x80, s12, s22, $0xb8;
	[tilespmem:$0xA200] =	vst v63  }
.LBB2_2:
0x2a: {  	p0 =	seq.s32 s11, $0xA  }
.Ltmp2:
0x2b: {  	_ = 	snop;
	(pc) =	sbr.rel @p0 .LBB2_8-.Ltmp2, $1  }
0x2c: {  	_ =	sdelay $0x3  }
0x2d: {  	_ =	swait.ge [sflag:s26], $0x2800;
	p0 =	sgt.u32 s11, $0x8  }
0x2e: {  	[sflag:s26] =	ssyncset.done $0x0;
	s12 =	smul.u32 @!p0 $0xA0, s11  }
0x2f: {  	[sflag:s26] =	ssyncadd.s32 $0xFFFFD800  }
0x30: {  	_ =	swait.ge [sflag:s28], $0x2800;
	s12 =	sadd.s32 @!p0 s12, s14  }
0x31: {  	[sflag:s28] =	ssyncset.done $0x0;
	s12 =	sshrl.u32 @!p0 s12, $0x3  }
0x32: {  	s17 =	simm.s32 @!p0 $0x0;
	[sflag:s28] =	ssyncadd.s32 $0xFFFFD800;
	s13 =	sadd.s32 @!p0 s5, s12  }
0x33: {  	[tilespmem:s17], [sflag:$0x1] =	stream.linear.gather @!p0 [hbm4b:s13+s17], $0x50, $0x38;
	[tilespmem:$0xA200] =	vst v63  }
0x34: {  	p1 =	seq.s32 @!p0 s11, $0x0;
	s12 =	sadd.s32 @!p0 s7, s12;
	s13 =	simm.s32 @!p0 $0x100  }
0x35: {  	[tilespmem:s13], [sflag:$0x3] =	stream.linear.gather @!p0 [hbm4b:s12+s17], $0x50, $0x38;
	[tilespmem:$0xA200] =	vst v63  }
0x36: {  	p0 =	por p0, !p1  }
0x37: {  	_ =	swait.ge @p0 [sflag:s25], $0x2800  }
0x38: {  	[sflag:s25] =	ssyncset.done @p0 $0x0  }
0x39: {  	[sflag:s25] =	ssyncadd.s32 @p0 $0xFFFFD800  }
0x3a: {  	_ =	swait.ge [sflag:s29], $0x50  }
0x3b: {  	[sflag:s29] =	ssyncset.done $0x0  }
0x3c: {  	[sflag:s29] =	ssyncadd.s32 $0xFFFFFFB0  }
0x3d: {  	_ =	swait.ge [sflag:s30], $0x50  }
0x3e: {  	[sflag:s30] =	ssyncset.done $0x0  }
0x3f: {  	[sflag:s30] =	ssyncadd.s32 $0xFFFFFFB0  }
0x40: {  	[tilespmem:s31], [sflag:$0x6] =	stream.indirect.gather [hbm4b:s3+s22], $0x80, s18, s22, $0xb8;
	[tilespmem:$0xA200] =	vst v63  }
0x41: {  	s12 =	simm.s32 $0x0  }
0x42: {  	[tilespmem:s0], [sflag:$0x8] =	stream.indirect.gather [hbm4b:s4+s22], $0x80, s19, s22, $0xb8;
	[tilespmem:$0xA200] =	vst v63  }
0x43: {  	v6 =	vld [tilespmem:s12+$0x5200]  }
0x44: {  	v11 =	vld [tilespmem:s12+$0x5210]  }
0x45: {  	v5 =	vld [tilespmem:s12+$0x5220]  }
0x46: {  	v4 =	vld [tilespmem:s12+$0x5230]  }
0x47: {  	v3 =	vld [tilespmem:s12+$0x5240]  }
0x48: {  	v2 =	vld [tilespmem:s12+$0x5250]  }
0x49: {  	v1 =	vld [tilespmem:s12+$0x5260]  }
0x4a: {  	v0 =	vld [tilespmem:s12+$0x5270]  }
0x4b: {  	v12 =	vld [tilespmem:s12+$0x200]  }
0x4c: {  	v13 =	vld [tilespmem:s12+$0x210]  }
0x4d: {  	v10 =	vld [tilespmem:s12+$0x220]  }
0x4e: {  	v9 =	vld [tilespmem:s12+$0x230]  }
0x4f: {  	v8 =	vld [tilespmem:s12+$0x240]  }
0x50: {  	v7 =	vld [tilespmem:s12+$0x250];
	v12 =	vadd.f32 v6, v12  }
0x51: {  	s17 =	simm.s32 $0x200;
	v11 =	vadd.f32 v11, v13;
	v6 =	vld [tilespmem:s12+$0x260]  }
.LBB2_4:
0x52: {  	s13 =	sshra.s32 s17, $0x2;
	p0 =	sne.s32 s17, $0x9E00;
	[tilespmem:s12+$0x200] =	vst v12;
	v5 =	vadd.f32 v5, v10;
	v10 =	vld [tilespmem:s12+$0x270]  }
0x53: {  	v12 =	vld [tilespmem:s13+$0x5200];
	[tilespmem:s12+$0x210] =	vst v11;
	v4 =	vadd.f32 v4, v9  }
0x54: {  	v11 =	vld [tilespmem:s13+$0x5210];
	[tilespmem:s12+$0x220] =	vst v5;
	v3 =	vadd.f32 v3, v8  }
0x55: {  	v5 =	vld [tilespmem:s13+$0x5220];
	[tilespmem:s12+$0x230] =	vst v4;
	v2 =	vadd.f32 v2, v7  }
0x56: {  	v4 =	vld [tilespmem:s13+$0x5230];
	[tilespmem:s12+$0x240] =	vst v3;
	v1 =	vadd.f32 v1, v6  }
0x57: {  	v3 =	vld [tilespmem:s13+$0x5240];
	[tilespmem:s12+$0x250] =	vst v2;
	v0 =	vadd.f32 v0, v10  }
0x58: {  	v2 =	vld [tilespmem:s13+$0x5250];
	[tilespmem:s12+$0x260] =	vst v1  }
0x59: {  	v1 =	vld [tilespmem:s13+$0x5260];
	[tilespmem:s12+$0x270] =	vst v0;
	s12 =	smov.u32 s13  }
0x5a: {  	v0 =	vld [tilespmem:s12+$0x5270]  }
0x5b: {  	v6 =	vld [tilespmem:s12+$0x200]  }
0x5c: {  	v13 =	vld [tilespmem:s12+$0x210]  }
.Ltmp3:
0x5d: {  	v10 =	vld [tilespmem:s12+$0x220];
	(pc) =	sbr.rel @p0 .LBB2_4-.Ltmp3, $4  }
0x5e: {  	v9 =	vld [tilespmem:s12+$0x230]  }
0x5f: {  	v8 =	vld [tilespmem:s12+$0x240]  }
0x60: {  	v12 =	vadd.f32 v12, v6;
	v7 =	vld [tilespmem:s12+$0x250]  }
0x61: {  	s17 =	sadd.s32 $0x200, s17;
	v11 =	vadd.f32 v11, v13;
	v6 =	vld [tilespmem:s12+$0x260]  }
0x62: {  	[tilespmem:s12+$0x200] =	vst v12;
	v5 =	vadd.f32 v5, v10;
	v10 =	vld [tilespmem:s12+$0x270]  }
0x63: {  	[tilespmem:s12+$0x210] =	vst v11;
	v4 =	vadd.f32 v4, v9  }
0x64: {  	[tilespmem:s12+$0x220] =	vst v5;
	v3 =	vadd.f32 v3, v8  }
0x65: {  	s17 =	smul.u32 $0xA0, s11;
	[tilespmem:s12+$0x230] =	vst v4;
	v2 =	vadd.f32 v2, v7  }
0x66: {  	[tilespmem:s12+$0x240] =	vst v3;
	v1 =	vadd.f32 v1, v6  }
0x67: {  	s13 =	sadd.s32 s6, s17;
	[tilespmem:s12+$0x250] =	vst v2;
	v0 =	vadd.f32 v0, v10  }
0x68: {  	s13 =	sshll.u32 s13, $0x4;
	[tilespmem:s12+$0x260] =	vst v1  }
0x69: {  	s20 =	sadd.s32 s8, s13;
	[tilespmem:s12+$0x270] =	vst v0  }
0x6a: {  	[hbm4b:s20+s2] =	stream.linear.scatter [tilespmem:s23], [sflag:$0x9], $0x2800, $0x38;
	[tilespmem:$0xA200] =	vst v63  }
0x6b: {  	_ =	swait.ge [sflag:s1], $0x2800  }
0x6c: {  	[sflag:s1] =	ssyncset.done $0x0  }
0x6d: {  	p0 =	slt.u32 s11, $0x9;
	[sflag:s1] =	ssyncadd.s32 $0xFFFFD800  }
0x6e: {  	s12 =	sadd.s32 @p0 s17, s15;
	_ =	swait.ge [sflag:s24], $0x2800  }
0x6f: {  	s16 =	simm.s32 @p0 $0x0;
	s12 =	sshrl.u32 @p0 s12, $0x3;
	[sflag:s24] =	ssyncset.done $0x0  }
0x70: {  	s20 =	simm.s32 @p0 $0x80;
	s13 =	sadd.s32 @p0 s5, s12;
	[sflag:s24] =	ssyncadd.s32 $0xFFFFD800  }
0x71: {  	[tilespmem:s20], [sflag:$0x2] =	stream.linear.gather @p0 [hbm4b:s13+s16], $0x50, $0x38;
	[tilespmem:$0xA200] =	vst v63  }
0x72: {  	s12 =	sadd.s32 @p0 s7, s12;
	s13 =	simm.s32 @p0 $0x180  }
0x73: {  	[tilespmem:s13], [sflag:$0x4] =	stream.linear.gather @p0 [hbm4b:s12+s16], $0x50, $0x38;
	[tilespmem:$0xA200] =	vst v63  }
0x74: {  	s12 =	simm.s32 @p0 $0x9  }
0x75: {  	_ =	swait.ge @p0 [sflag:s12], $0x2800  }
0x76: {  	[sflag:s12] =	ssyncset.done @p0 $0x0  }
0x77: {  	[sflag:s12] =	ssyncadd.s32 @p0 $0xFFFFD800;
	s12 =	simm.s32 @p0 $0x1  }
0x78: {  	_ =	swait.ge @p0 [sflag:s12], $0x50  }
0x79: {  	[sflag:s12] =	ssyncset.done @p0 $0x0  }
0x7a: {  	[sflag:s12] =	ssyncadd.s32 @p0 $0xFFFFFFB0;
	s12 =	simm.s32 @p0 $0x3  }
0x7b: {  	_ =	swait.ge @p0 [sflag:s12], $0x50  }
0x7c: {  	[sflag:s12] =	ssyncset.done @p0 $0x0  }
0x7d: {  	s13 =	simm.s32 @p0 $0x200;
	[sflag:s12] =	ssyncadd.s32 @p0 $0xFFFFFFB0;
	s12 =	simm.s32 @p0 $0x50  }
0x7e: {  	[tilespmem:s13], [sflag:$0x5] =	stream.indirect.gather @p0 [hbm4b:s3+s12], $0x80, s16, s12, $0xb8;
	[tilespmem:$0xA200] =	vst v63  }
0x7f: {  	s13 =	simm.s32 @p0 $0x100;
	s16 =	simm.s32 @p0 $0x5200  }
0x80: {  	[tilespmem:s16], [sflag:$0x7] =	stream.indirect.gather @p0 [hbm4b:s4+s12], $0x80, s13, s12, $0xb8;
	[tilespmem:$0xA200] =	vst v63  }
0x81: {  	s12 =	simm.s32 @!p0 $0x9  }
0x82: {  	_ =	swait.ge @!p0 [sflag:s12], $0x2800  }
0x83: {  	[sflag:s12] =	ssyncset.done @!p0 $0x0  }
0x84: {  	[sflag:s12] =	ssyncadd.s32 @!p0 $0xFFFFD800;
	s12 =	simm.s32 $0x0  }
0x85: {  	v7 =	vld [tilespmem:s12+$0x7A00]  }
0x86: {  	v11 =	vld [tilespmem:s12+$0x7A10]  }
0x87: {  	v5 =	vld [tilespmem:s12+$0x7A20]  }
0x88: {  	v4 =	vld [tilespmem:s12+$0x7A30]  }
0x89: {  	v3 =	vld [tilespmem:s12+$0x7A40]  }
0x8a: {  	v2 =	vld [tilespmem:s12+$0x7A50]  }
0x8b: {  	v1 =	vld [tilespmem:s12+$0x7A60]  }
0x8c: {  	v0 =	vld [tilespmem:s12+$0x7A70]  }
0x8d: {  	v12 =	vld [tilespmem:s12+$0x2A00]  }
0x8e: {  	v13 =	vld [tilespmem:s12+$0x2A10]  }
0x8f: {  	v10 =	vld [tilespmem:s12+$0x2A20]  }
0x90: {  	v9 =	vld [tilespmem:s12+$0x2A30]  }
0x91: {  	v8 =	vld [tilespmem:s12+$0x2A40]  }
0x92: {  	v6 =	vld [tilespmem:s12+$0x2A50];
	v12 =	vadd.f32 v7, v12  }
0x93: {  	s13 =	simm.s32 $0x200;
	v11 =	vadd.f32 v11, v13;
	v7 =	vld [tilespmem:s12+$0x2A60]  }
.LBB2_6:
0x94: {  	s16 =	sshra.s32 s13, $0x2;
	p0 =	sne.s32 s13, $0x9E00;
	[tilespmem:s12+$0x2A00] =	vst v12;
	v5 =	vadd.f32 v5, v10;
	v10 =	vld [tilespmem:s12+$0x2A70]  }
0x95: {  	v12 =	vld [tilespmem:s16+$0x7A00];
	[tilespmem:s12+$0x2A10] =	vst v11;
	v4 =	vadd.f32 v4, v9  }
0x96: {  	v11 =	vld [tilespmem:s16+$0x7A10];
	[tilespmem:s12+$0x2A20] =	vst v5;
	v3 =	vadd.f32 v3, v8  }
0x97: {  	v5 =	vld [tilespmem:s16+$0x7A20];
	[tilespmem:s12+$0x2A30] =	vst v4;
	v2 =	vadd.f32 v2, v6  }
0x98: {  	v4 =	vld [tilespmem:s16+$0x7A30];
	[tilespmem:s12+$0x2A40] =	vst v3;
	v1 =	vadd.f32 v1, v7  }
0x99: {  	v3 =	vld [tilespmem:s16+$0x7A40];
	[tilespmem:s12+$0x2A50] =	vst v2;
	v0 =	vadd.f32 v0, v10  }
0x9a: {  	v2 =	vld [tilespmem:s16+$0x7A50];
	[tilespmem:s12+$0x2A60] =	vst v1  }
0x9b: {  	v1 =	vld [tilespmem:s16+$0x7A60];
	[tilespmem:s12+$0x2A70] =	vst v0;
	s12 =	smov.u32 s16  }
0x9c: {  	v0 =	vld [tilespmem:s12+$0x7A70]  }
0x9d: {  	v6 =	vld [tilespmem:s12+$0x2A00]  }
0x9e: {  	v7 =	vld [tilespmem:s12+$0x2A10]  }
.Ltmp4:
0x9f: {  	v10 =	vld [tilespmem:s12+$0x2A20];
	(pc) =	sbr.rel @p0 .LBB2_6-.Ltmp4, $4  }
0xa0: {  	v9 =	vld [tilespmem:s12+$0x2A30]  }
0xa1: {  	v8 =	vld [tilespmem:s12+$0x2A40]  }
0xa2: {  	v12 =	vadd.f32 v12, v6;
	v6 =	vld [tilespmem:s12+$0x2A50]  }
0xa3: {  	s13 =	sadd.s32 $0x200, s13;
	v11 =	vadd.f32 v11, v7;
	v7 =	vld [tilespmem:s12+$0x2A60]  }
0xa4: {  	[tilespmem:s12+$0x2A00] =	vst v12;
	v5 =	vadd.f32 v5, v10;
	v63 =	vld [tilespmem:s12+$0x2A70]  }
0xa5: {  	[tilespmem:s12+$0x2A10] =	vst v11;
	v4 =	vadd.f32 v4, v9  }
0xa6: {  	s11 =	sadd.s32 $0x1, s11;
	[tilespmem:s12+$0x2A20] =	vst v5;
	v3 =	vadd.f32 v3, v8  }
0xa7: {  	p0 =	sne.s32 s11, $0xB;
	[tilespmem:s12+$0x2A30] =	vst v4;
	v2 =	vadd.f32 v2, v6  }
.Ltmp5:
0xa8: {  	[tilespmem:s12+$0x2A40] =	vst v3;
	v1 =	vadd.f32 v1, v7;
	(pc) =	sbr.rel @p0 .LBB2_2-.Ltmp5, $4  }
.Ltmp6:
0xa9: {  	s13 =	sadd.s32 s17, s9;
	[tilespmem:s12+$0x2A50] =	vst v2;
	v0 =	vadd.f32 v0, v63;
	(pc) =	sbr.rel @!p0 .LBB2_8-.Ltmp6, $4  }
0xaa: {  	s13 =	sshll.u32 s13, $0x4;
	[tilespmem:s12+$0x2A60] =	vst v1  }
0xab: {  	s20 =	sadd.s32 s8, s13;
	[tilespmem:s12+$0x2A70] =	vst v0  }
0xac: {  	[hbm4b:s20+s2] =	stream.linear.scatter [tilespmem:s31], [sflag:$0xA], $0x2800, $0x38;
	[tilespmem:$0xA200] =	vst v63  }
0xad: {  	_ = 	snop  }
.LBB2_9:
0xae: {  	_ =	sfence.sel $0x180000  }
0xaf: {  	[bflag:$0x0] =	sbarrier.arrive $0xFFFF  }
0xb0: {  	_ =	strace $0x9000004A  }
0xb1: {  	s0 =	stileid.u32;
	[bflag:$0x2] =	sbarrier.arrive $0xFFFF  }
0xb2: {  	p0 =	sne.s32 s0, $0x0;
	s0 =	rddreg [dreg:$0x1]  }
0xb3: {  	s0 =	sadd.s32 @!p0 $0x100000, s0  }
0xb4: {  	[sflag:s0] =	ssyncadd.tile.s32 @!p0 $0x1;
	_ =	shalt  }
.Lfunc_end2:
_tile_overlayer_lowered:
.L_overlay_start_2:
0xb5: {  	(tag) =	ssettag $0x2  }
0xb6: {  	s0 =	rddreg [dreg:$0x0];
	s2 =	stileid.u32  }
0xb7: {  	s1 =	rddreg [dreg:$0x1];
	p0 =	sne.s32 s2, $0x0  }
0xb8: {  	s3 =	rddreg [dreg:$0x2];
	[bflag:$0x3] =	sbarrier.arrive $0xFFFF;
	s2 =	simm.s32 @!p0 $0x1C0B  }
0xb9: {  	[timem:s3], [sflag:s2] =	dma.local @!p0 [hbm:s0], s1  }
0xba: {  	s0 =	simm.s32 @!p0 $0xB  }
0xbb: {  	_ =	swait.ge @!p0 [sflag:s0], s1  }
0xbc: {  	s1 =	ssub.s32 @!p0 $0x0, s1;
	[sflag:s0] =	ssyncset.done @!p0 $0x0  }
0xbd: {  	[sflag:s0] =	ssyncadd.s32 @!p0 s1  }
0xbe: {  	[bflag:$0x3] =	sbarrier.arrive $0xFFFF  }
0xbf: {  	_ =	shalt  }

// kernel: kernel.21.cloned.1.call-start
scs
__scs_entry_jumppad:
0x0: {  	(pc) =	sbr.rel $0x88, $3  }
0x1: {  	(tag) =	ssettag $0x0;
	lr =	simm.s32 $0x1  }
0x2: {  	[smem:$0x3F9D] =	sst lr;
	_ =	strace $0xD0000000  }
0x3: {  	_ = 	snop  }
0x4: {  	_ = 	snop  }
0x5: {  	_ = 	snop  }
0x6: {  	_ = 	snop  }
0x7: {  	_ = 	snop  }
__scs_overlays_trampoline_lowered:
0x8: {  	[smem:$0x3FAC] =	sst s0  }
0x9: {  	[smem:$0x3FAD] =	sst s1  }
0xa: {  	[smem:$0x3FAE] =	sst s2  }
0xb: {  	[smem:$0x3FAF] =	sst s3  }
0xc: {  	[smem:$0x3FB0] =	sst s4  }
0xd: {  	[smem:$0x3FB1] =	sst s5  }
0xe: {  	[smem:$0x3FB2] =	sst s6  }
0xf: {  	[smem:$0x3FB3] =	sst s7  }
0x10: {  	[smem:$0x3FB4] =	sst s8  }
0x11: {  	[smem:$0x3FB5] =	sst s9;
	s0 =	simm.s32 @!p0 $0x0  }
0x12: {  	s1 =	sld [smem:$0x3F9B];
	s0 =	simm.s32 @p0 $0x1  }
0x13: {  	[smem:$0x3FB6] =	sst s0;
	s0 =	simm.s32 @!p1 $0x0  }
0x14: {  	s2 =	sld [smem:$0x3F9A];
	s0 =	simm.s32 @p1 $0x1  }
0x15: {  	[smem:$0x3FB7] =	sst s0;
	s0 =	simm.s32 @!p2 $0x0  }
0x16: {  	s3 =	sld [smem:$0x3FDB];
	s0 =	simm.s32 @p2 $0x1  }
0x17: {  	s4 =	simm.s32 $0x1BF5;
	[smem:$0x3FB9] =	sst s0  }
0x18: {  	s0 =	sld [smem:$0x3F9C];
	_ =	swait.ge [sflag:s4], $0x0  }
0x19: {  	s7 =	sld [smem:$0x3F9D]  }
0x1a: {  	s8 =	sadd.s32 $0xFFFFE003, lr  }
0x1b: {  	s9 =	sadd.s32 $0xFFFFFEF7, lr;
	s5 =	simm.s32 $0xFFFFFFFF;
	p2 =	slt.u32 s8, $0xFFFFF086  }
0x1c: {  	p1 =	slt.u32 s9, $0xF7A;
	s5 =	simm.s32 @!p2 $0x0  }
0x1d: {  	s5 =	simm.s32 @p1 $0x1;
	p0 =	seq.s32 s7, s2  }
0x1e: {  	s7 =	smul.u32 @!p0 $0xF7A, s2;
	p2 =	seq.s32 @!p0 s5, $0x0  }
0x1f: {  	s9 =	smul.u32 $0xF7A, s1;
	s8 =	simm.s32 @!p0 $0x1BF5;
	p2 =	por !p2, p0  }
0x20: {  	[sflag:s8] =	ssyncset.s32 @!p0 $0xFFFFF086;
	s6 =	sadd.s32 @!p0 s3, s7;
	s7 =	simm.s32 @!p0 $0x108  }
0x21: {  	s3 =	sadd.s32 s3, s9;
	s6 =	sadd.s32 @!p0 $0x88, s6;
	s7 =	simm.s32 @p2 $0x1082  }
0x22: {  	[simem:s7], [sflag:s8] =	dma.local @!p0 [hbm:s6], $0xF7A  }
0x23: {  	s9 =	sor.u32 $0xD0000000, s2;
	s6 =	simm.s32 $0x108;
	_ =	swait.ge @!p0 [sflag:s8], $0x0  }
0x24: {  	s3 =	sadd.s32 $0x88, s3;
	s6 =	simm.s32 @!p1 $0x1082;
	[sflag:s4] =	ssyncset.s32 $0xFFFFF086  }
0x25: {  	[simem:s6], [sflag:s4] =	dma.local [hbm:s3], $0xF7A  }
0x26: {  	[smem:$0x3F9D] =	sst s1;
	(tag) =	ssettag s2;
	_ =	strace s9  }
0x27: {  	s1 =	sld [smem:$0x3FAD]  }
0x28: {  	s2 =	sld [smem:$0x3FAE]  }
0x29: {  	s4 =	sld [smem:$0x3FB0]  }
0x2a: {  	p0 =	seq.s32 s5, $0x0;
	s5 =	sld [smem:$0x3FB1]  }
0x2b: {  	s6 =	sld [smem:$0x3FB2]  }
0x2c: {  	s7 =	sld [smem:$0x3FB3]  }
0x2d: {  	s3 =	simm.s32 $0x108;
	s8 =	sld [smem:$0x3FB4]  }
0x2e: {  	s3 =	simm.s32 @!p0 $0x1082;
	s9 =	sld [smem:$0x3FB5]  }
0x2f: {  	lr =	sadd.s32 s0, s3;
	s0 =	sld [smem:$0x3FAC]  }
0x30: {  	s3 =	sld [smem:$0x3FAF]  }
0x31: {  	[smem:$0x3FB8] =	sst s10  }
0x32: {  	s10 =	sld [smem:$0x3FB6];
	_ =	sdelay $0x3  }
0x33: {  	p0 =	seq.s32 s10, $0x1;
	s10 =	sld [smem:$0x3FB8];
	_ =	sdelay $0x3  }
0x34: {  	[smem:$0x3FB8] =	sst s10  }
0x35: {  	s10 =	sld [smem:$0x3FB7];
	_ =	sdelay $0x3  }
0x36: {  	p1 =	seq.s32 s10, $0x1;
	s10 =	sld [smem:$0x3FB8];
	_ =	sdelay $0x3  }
0x37: {  	[smem:$0x3FB8] =	sst s10  }
0x38: {  	s10 =	sld [smem:$0x3FB9]  }
0x39: {  	_ = 	snop;
	(pc) =	sbr.ind lr, $3  }
0x3a: {  	_ = 	snop  }
0x3b: {  	_ = 	snop  }
0x3c: {  	p2 =	seq.s32 s10, $0x1;
	s10 =	sld [smem:$0x3FB8]  }
0x3d: {  	_ =	shalt  }
0x3e: {  	_ =	shalt  }
0x3f: {  	_ =	shalt  }
0x40: {  	_ =	shalt  }
0x41: {  	_ =	shalt  }
0x42: {  	_ =	shalt  }
0x43: {  	_ =	shalt  }
0x44: {  	_ =	shalt  }
0x45: {  	_ =	shalt  }
0x46: {  	_ =	shalt  }
0x47: {  	_ =	shalt  }
0x48: {  	_ =	shalt  }
0x49: {  	_ =	shalt  }
0x4a: {  	_ =	shalt  }
0x4b: {  	_ =	shalt  }
0x4c: {  	_ =	shalt  }
0x4d: {  	_ =	shalt  }
0x4e: {  	_ =	shalt  }
0x4f: {  	_ =	shalt  }
0x50: {  	_ =	shalt  }
0x51: {  	_ =	shalt  }
0x52: {  	_ =	shalt  }
0x53: {  	_ =	shalt  }
0x54: {  	_ =	shalt  }
0x55: {  	_ =	shalt  }
0x56: {  	_ =	shalt  }
0x57: {  	_ =	shalt  }
0x58: {  	_ =	shalt  }
0x59: {  	_ =	shalt  }
0x5a: {  	_ =	shalt  }
0x5b: {  	_ =	shalt  }
0x5c: {  	_ =	shalt  }
0x5d: {  	_ =	shalt  }
0x5e: {  	_ =	shalt  }
0x5f: {  	_ =	shalt  }
0x60: {  	_ =	shalt  }
0x61: {  	_ =	shalt  }
0x62: {  	_ =	shalt  }
0x63: {  	_ =	shalt  }
0x64: {  	_ =	shalt  }
0x65: {  	_ =	shalt  }
0x66: {  	_ =	shalt  }
0x67: {  	_ =	shalt  }
0x68: {  	_ =	shalt  }
0x69: {  	_ =	shalt  }
0x6a: {  	_ =	shalt  }
0x6b: {  	_ =	shalt  }
0x6c: {  	_ =	shalt  }
0x6d: {  	_ =	shalt  }
0x6e: {  	_ =	shalt  }
0x6f: {  	_ =	shalt  }
0x70: {  	_ =	shalt  }
0x71: {  	_ =	shalt  }
0x72: {  	_ =	shalt  }
0x73: {  	_ =	shalt  }
0x74: {  	_ =	shalt  }
0x75: {  	_ =	shalt  }
0x76: {  	_ =	shalt  }
0x77: {  	_ =	shalt  }
0x78: {  	_ =	shalt  }
0x79: {  	_ =	shalt  }
0x7a: {  	_ =	shalt  }
0x7b: {  	_ =	shalt  }
0x7c: {  	_ =	shalt  }
0x7d: {  	_ =	shalt  }
0x7e: {  	_ =	shalt  }
0x7f: {  	_ =	shalt  }
0x80: {  	_ =	shalt  }
0x81: {  	_ =	shalt  }
0x82: {  	_ =	shalt  }
0x83: {  	_ =	shalt  }
0x84: {  	_ =	shalt  }
0x85: {  	_ =	shalt  }
0x86: {  	_ =	shalt  }
0x87: {  	_ =	shalt  }
.Lfunc_end0:
.L_simem_size_0:
called_computation.2_lowered:
.L_overlay_start_0:
0x88: {  	s2 =	sld [smem:$0x3FD9]  }
0x89: {  	s3 =	sld [smem:$0x3FFE];
	_ =	sdelay $0x1  }
0x8a: {  	s1 =	srdreg.scid  }
0x8b: {  	s0 =	sand.u32 $0x1, s1  }
0x8c: {  	s17 =	sshll.u32 s0, $0xA;
	s2 =	sadd.s32 s3, s2  }
0x8d: {  	s2 =	sadd.s32 s2, s17  }
0x8e: {  	[smem:$0x3FC4] =	sst s2  }
0x8f: {  	_ = 	snop  }
0x90: {  	(tm) =	ssettm $0x1  }
0x91: {  	s18 =	sld [smem:$0x3FFB];
	_ =	sdelay $0x3  }
0x92: {  	_ =	strace s18  }
0x93: {  	s2 =	sld [smem:$0x3FFC];
	_ =	sdelay $0x3  }
0x94: {  	_ =	strace s2  }
0x95: {  	s2 =	sld [smem:$0x3FFD];
	_ =	sdelay $0x3  }
0x96: {  	_ =	strace s2  }
0x97: {  	_ =	strace $0x8FFFFFFF  }
0x98: {  	s19 =	sld [smem:$0x3FDB];
	_ =	sdelay $0x1  }
0x99: {  	s20 =	simm.s32 $_scs_section_size  }
0x9a: {  	s4 =	simm.s32 $_size__tile_overlayer_lowered;
	s5 =	simm.s32 $_tile_overlayer_lowered  }
0x9b: {  	s6 =	simm.s32 $0x1BFF;
	s21 =	sshll.u32 s5, $0x1;
	s3 =	sadd.s32 s20, s19  }
0x9c: {  	s22 =	simm.s32 $0x0;
	s4 =	sshll.u32 s4, $0x1;
	s5 =	sadd.s32 s21, s3  }
0x9d: {  	[timem:s22], [sflag:s6] =	dma.local [hbm:s5], s4  }
0x9e: {  	_ =	swait.ge [sflag:s6], s4  }
0x9f: {  	s4 =	ssub.s32 $0x0, s4;
	[sflag:s6] =	ssyncset.done $0x0  }
0xa0: {  	[sflag:s6] =	ssyncadd.s32 s4;
	_ =	sdelay $0x1  }
0xa1: {  	s23 =	simm.s32 $0x1B8B  }
0xa2: {  	_ =	swait.ge [sflag:s23], $0x1  }
0xa3: {  	[sflag:s23] =	ssyncset.done $0x0  }
0xa4: {  	[sflag:s23] =	ssyncadd.s32 $0xFFFFFFFF  }
0xa5: {  	s4 =	sld [smem:$0x0]  }
0xa6: {  	s5 =	sand.u32 $0xFFFFFFFE, s1  }
0xa7: {  	p0 =	sne.s32 s1, s5  }
0xa8: {  	s5 =	sshll.u32 @p0 s5, $0xE  }
0xa9: {  	s5 =	sadd.s32 @p0 $0x11B8D, s5;
	s6 =	sshll.u32 @p0 s4, $0x11  }
0xaa: {  	s5 =	sor.u32 @p0 s6, s5  }
0xab: {  	[sflag:s5] =	ssyncadd.remote.s32 @p0 $0x1;
	_ =	sdelay $0x1  }
0xac: {  	s5 =	simm.s32 @p0 $0x1B8D  }
0xad: {  	_ =	swait.eq @p0 [sflag:s5], $0x1  }
0xae: {  	[sflag:s5] =	ssyncadd.s32 @p0 $0xFFFFFFFF  }
0xaf: {  	s6 =	sshll.u32 @!p0 s1, $0xE  }
0xb0: {  	s6 =	sor.u32 @!p0 $0x4000, s6;
	s5 =	simm.s32 @!p0 $0x1B8D  }
0xb1: {  	s4 =	sshll.u32 @!p0 s4, $0x11;
	s6 =	sadd.s32 @!p0 $0x11B8D, s6;
	_ =	swait.eq @!p0 [sflag:s5], $0x1  }
0xb2: {  	s4 =	sor.u32 @!p0 s4, s6;
	[sflag:s5] =	ssyncadd.s32 @!p0 $0xFFFFFFFF  }
0xb3: {  	s25 =	simm.s32 $0x1B8E;
	s24 =	sld [smem:$0x3FFE];
	[sflag:s4] =	ssyncadd.remote.s32 @!p0 $0x1  }
0xb4: {  	s26 =	simm.s32 $execute0_lowered;
	[smem:$0x3FD2] =	sst s25  }
0xb5: {  	s5 =	sshll.u32 s26, $0x1;
	_ =	strace $0x8000004C;
	[dreg:$0x1] =	wrdreg $0xFFFFFFFF  }
0xb6: {  	s28 =	simm.s32 $_size_execute0_lowered;
	s3 =	sadd.s32 s3, s5;
	[dreg:$0x0] =	wrdreg $0x0  }
0xb7: {  	s5 =	sshll.u32 s28, $0x1;
	[dreg:$0x2] =	wrdreg s3  }
0xb8: {  	[dreg:$0x3] =	wrdreg s5  }
0xb9: {  	[dreg:$0x4] =	wrdreg $0xC0  }
0xba: {  	_ =	task [dreg:s22], $0x5FFFF  }
0xbb: {  	[dreg:$0x1] =	wrdreg $0xFFFFFFFF  }
0xbc: {  	[dreg:$0x0] =	wrdreg $0x60  }
0xbd: {  	[dreg:$0x2] =	wrdreg s24  }
0xbe: {  	[dreg:$0x3] =	wrdreg $0xB  }
0xbf: {  	_ =	task.clear_ibuf [dreg:s22], $0x4FFFF;
	_ =	strace $0x9000004C  }
0xc0: {  	s29 =	simm.s32 $0xB;
	_ =	strace $0x8000004E  }
0xc1: {  	_ =	swait.ge [sflag:s29], $0x1  }
0xc2: {  	[sflag:s29] =	ssyncadd.s32 $0xFFFFFFFF  }
0xc3: {  	_ =	strace $0x9000004E  }
0xc4: {  	_ =	sfence  }
0xc5: {  	s30 =	sld [smem:$0x0];
	_ =	sdelay $0x2  }
0xc6: {  	s31 =	sshll.u32 s1, $0xD;
	s1 =	sshrl.u32 s1, $0x2  }
0xc7: {  	s4 =	sand.u32 $0x4000, s31;
	s1 =	sadd.s32 s1, s30  }
0xc8: {  	s0 =	sor.u32 s4, s0;
	s1 =	sshll.u32 s1, $0x11  }
0xc9: {  	s0 =	sor.u32 s1, s0  }
0xca: {  	s0 =	sadd.s32 $0x8F2B, s0  }
0xcb: {  	[sflag:s0] =	ssyncadd.remote.s32 $0x1  }
0xcc: {  	_ =	sfence.sel $0xFFFF  }
0xcd: {  	[dreg:$0x0] =	wrdreg $0xFFFFFFFF;
	(pc) =	sbr.abs _section_cstart, $3  }
0xce: {  	[dreg:$0x1] =	wrdreg $0xFFFFFFFF  }
0xcf: {  	_ =	task.clear_ibuf [dreg:s22], $0x2FFFF;
	_ =	strace $0x9FFFFFFF  }
0xd0: {  	(tm) =	ssettm $0x7FFFFFFF  }
0xd1: {  	_ =	shalt  }
tec
execute0_lowered:
.L_overlay_start_1:
0x0: {  	(tag) =	ssettag $0x1  }
0x1: {  	s0 =	rddreg [dreg:$0x0];
	s2 =	simm.s32 $0x0  }
0x2: {  	s1 =	srdreg.scid;
	s3 =	stileid.u32;
	s16 =	simm.s32 $0x100  }
0x3: {  	s17 =	simm.s32 $0x80;
	s18 =	simm.s32 $0x180;
	s19 =	simm.s32 $0x1  }
0x4: {  	s20 =	simm.s32 $0x3;
	s21 =	simm.s32 $0x50;
	s22 =	simm.s32 $0x200  }
0x5: {  	s28 =	simm.s32 $0x4;
	s29 =	simm.s32 $0x2A00;
	s30 =	simm.s32 $0x7A00  }
0x6: {  	s31 =	simm.s32 $0x6;
	[smem:$0x7FF] =	sst s2;
	s1 =	sand.u32 $0x1, s1  }
0x7: {  	s3 =	sshll.u32 s3, $0x1;
	s4 =	sadd.s32 $0x2A200, s0;
	s6 =	sadd.s32 $0x11E800, s0  }
0x8: {  	s7 =	sadd.s32 $0x11C800, s0;
	s5 =	sor.u32 s1, s3;
	s1 =	ssub.s32 $0x2, s1  }
0x9: {  	s8 =	sadd.s32 $0x12C800, s0;
	s5 =	smul.u32 $0x7D0, s5;
	s23 =	sshrl.u32 s1, $0x1  }
0xa: {  	_ =	strace $0x8000004D;
	s3 =	sadd.s32 $0x3000, s0;
	s0 =	ssub.s32 s1, s23  }
0xb: {  	s9 =	sshrl.u32 s5, $0x3;
	s13 =	sadd.s32 $0xA0, s5;
	s0 =	smax.u32 s0, $0x1  }
0xc: {  	s24 =	sadd.s32 s6, s9;
	s25 =	sadd.s32 $0xA, s9;
	[dreg:$0x6] =	wrdreg s0  }
.Ltmp0:
0xd: {  	s9 =	sadd.s32 s7, s9;
	[dreg:$0x2] =	wrdreg s24;
	(pc) =	sbr.rel .LBB2_1-.Ltmp0, $4  }
0xe: {  	s14 =	sadd.s32 $0xF0, s5;
	s0 =	simm.s32 $0x8;
	[dreg:$0x3] =	wrdreg s9  }
0xf: {  	s26 =	sadd.s32 s6, s25;
	s1 =	sadd.s32 s7, s25;
	s24 =	simm.s32 $0x5  }
0x10: {  	s25 =	simm.s32 $0x7;
	s9 =	simm.s32 $0x0;
	[dreg:$0x4] =	wrdreg s26  }
0x11: {  	[dreg:$0x5] =	wrdreg s1;
	s26 =	simm.s32 $0x2;
	s1 =	simm.s32 $0x9  }
.LBB2_16:
0x12: {  	_ =	swait.ge [sflag:s1], $0x2800  }
0x13: {  	s9 =	sadd.s32 $0x1, s9;
	s10 =	rddreg [dreg:$0x6]  }
0x14: {  	p0 =	sne.s32 s9, s10  }
.Ltmp1:
0x15: {  	_ = 	snop;
	(pc) =	sbr.rel @!p0 .LBB2_17-.Ltmp1, $3  }
0x16: {  	_ =	sdelay $0x1  }
0x17: {  	[sflag:s1] =	ssyncset.done $0x0  }
0x18: {  	[sflag:s1] =	ssyncadd.s32 $0xFFFFD800  }
.LBB2_1:
0x19: {  	s10 =	rddreg [dreg:$0x2]  }
0x1a: {  	[tilespmem:s2], [sflag:$0x1] =	stream.linear.gather [hbm4b:s10+s2], $0x50, $0x38;
	[tilespmem:$0xA200] =	vst v63  }
0x1b: {  	s11 =	rddreg [dreg:$0x3]  }
0x1c: {  	[tilespmem:s16], [sflag:$0x3] =	stream.linear.gather [hbm4b:s11+s2], $0x50, $0x38;
	[tilespmem:$0xA200] =	vst v63  }
0x1d: {  	s12 =	rddreg [dreg:$0x4]  }
0x1e: {  	[tilespmem:s17], [sflag:$0x2] =	stream.linear.gather [hbm4b:s12+s2], $0x50, $0x38;
	[tilespmem:$0xA200] =	vst v63  }
0x1f: {  	s15 =	rddreg [dreg:$0x5]  }
0x20: {  	[tilespmem:s18], [sflag:$0x4] =	stream.linear.gather [hbm4b:s15+s2], $0x50, $0x38;
	[tilespmem:$0xA200] =	vst v63  }
0x21: {  	_ =	swait.ge [sflag:s19], $0x50  }
0x22: {  	[sflag:s19] =	ssyncset.done $0x0  }
0x23: {  	[sflag:s19] =	ssyncadd.s32 $0xFFFFFFB0  }
0x24: {  	_ =	swait.ge [sflag:s20], $0x50  }
.Ltmp2:
0x25: {  	[sflag:s20] =	ssyncset.done $0x0;
	(pc) =	sbr.rel .LBB2_2-.Ltmp2, $4  }
0x26: {  	[sflag:s20] =	ssyncadd.s32 $0xFFFFFFB0  }
0x27: {  	[tilespmem:s22], [sflag:$0x5] =	stream.indirect.gather [hbm4b:s3+s21], $0x80, s2, s21, $0xb8;
	[tilespmem:$0xA200] =	vst v63  }
0x28: {  	s23 =	simm.s32 $0x5200;
	s10 =	simm.s32 $0x0  }
0x29: {  	[tilespmem:s23], [sflag:$0x7] =	stream.indirect.gather [hbm4b:s4+s21], $0x80, s16, s21, $0xb8;
	[tilespmem:$0xA200] =	vst v63  }
.LBB2_15:
0x2a: {  	s10 =	sadd.s32 $0x1, s10  }
0x2b: {  	p0 =	sne.s32 s10, $0xD  }
.Ltmp3:
0x2c: {  	_ = 	snop;
	(pc) =	sbr.rel @!p0 .LBB2_16-.Ltmp3, $1  }
0x2d: {  	_ =	sdelay $0x3  }
.LBB2_2:
0x2e: {  	_ =	swait.ge [sflag:s24], $0x2800;
	p0 =	seq.s32 s10, $0xC  }
0x2f: {  	[sflag:s24] =	ssyncset.done $0x0;
	s11 =	smul.u32 @!p0 $0xA0, s10  }
0x30: {  	[sflag:s24] =	ssyncadd.s32 $0xFFFFD800  }
0x31: {  	_ =	swait.ge [sflag:s25], $0x2800;
	s11 =	sadd.s32 @!p0 s11, s13  }
0x32: {  	[sflag:s25] =	ssyncset.done $0x0;
	s11 =	sshrl.u32 @!p0 s11, $0x3  }
0x33: {  	s15 =	simm.s32 @!p0 $0x0;
	[sflag:s25] =	ssyncadd.s32 $0xFFFFD800;
	s12 =	sadd.s32 @!p0 s6, s11  }
0x34: {  	[tilespmem:s15], [sflag:$0x1] =	stream.linear.gather @!p0 [hbm4b:s12+s15], $0x50, $0x38;
	[tilespmem:$0xA200] =	vst v63  }
0x35: {  	p1 =	seq.s32 @!p0 s10, $0x0;
	s11 =	sadd.s32 @!p0 s7, s11;
	s12 =	simm.s32 @!p0 $0x100  }
0x36: {  	[tilespmem:s12], [sflag:$0x3] =	stream.linear.gather @!p0 [hbm4b:s11+s15], $0x50, $0x38;
	[tilespmem:$0xA200] =	vst v63  }
0x37: {  	p1 =	por p0, !p1;
	s11 =	sshll.u32 s10, $0x1  }
0x38: {  	s11 =	sor.u32 @p1 $0x1, s11  }
0x39: {  	p2 =	sgt.u32 @p1 s11, $0x18  }
0x3a: {  	p2 =	por !p1, !p2  }
.Ltmp4:
0x3b: {  	_ = 	snop;
	(pc) =	sbr.rel @!p2 .LBB2_3-.Ltmp4, $4  }
0x3c: {  	s12 =	simm.s32 @p1 $0xA  }
0x3d: {  	_ =	swait.ge @p1 [sflag:s12], $0x2800  }
0x3e: {  	[sflag:s12] =	ssyncset.done @p1 $0x0  }
0x3f: {  	[sflag:s12] =	ssyncadd.s32 @p1 $0xFFFFD800  }
0x40: {  	_ =	swait.ge [sflag:s26], $0x50  }
0x41: {  	[sflag:s26] =	ssyncset.done $0x0  }
0x42: {  	[sflag:s26] =	ssyncadd.s32 $0xFFFFFFB0  }
0x43: {  	_ =	swait.ge [sflag:s28], $0x50  }
.Ltmp5:
0x44: {  	[sflag:s28] =	ssyncset.done $0x0;
	(pc) =	sbr.rel .LBB2_5-.Ltmp5, $4  }
0x45: {  	s11 =	simm.s32 @!p1 $0x1;
	[sflag:s28] =	ssyncadd.s32 $0xFFFFFFB0  }
0x46: {  	[tilespmem:s29], [sflag:$0x6] =	stream.indirect.gather [hbm4b:s3+s21], $0x80, s17, s21, $0xb8;
	[tilespmem:$0xA200] =	vst v63  }
0x47: {  	p1 =	por $0x1, $0x1;
	s11 =	smul.u32 $0x50, s11  }
0x48: {  	[tilespmem:s30], [sflag:$0x8] =	stream.indirect.gather [hbm4b:s4+s21], $0x80, s18, s21, $0xb8;
	[tilespmem:$0xA200] =	vst v63  }
.LBB2_3:
0x49: {  	s11 =	simm.s32 @p1 $0x7D0;
	p1 =	por @p1 $0x0, $0x0  }
.LBB2_5:
0x4a: {  	s12 =	simm.s32 $0x0  }
0x4b: {  	v6 =	vld [tilespmem:s12+$0x5200]  }
0x4c: {  	v11 =	vld [tilespmem:s12+$0x5210]  }
0x4d: {  	v5 =	vld [tilespmem:s12+$0x5220]  }
0x4e: {  	v4 =	vld [tilespmem:s12+$0x5230]  }
0x4f: {  	v3 =	vld [tilespmem:s12+$0x5240]  }
0x50: {  	v2 =	vld [tilespmem:s12+$0x5250]  }
0x51: {  	v1 =	vld [tilespmem:s12+$0x5260]  }
0x52: {  	v0 =	vld [tilespmem:s12+$0x5270]  }
0x53: {  	v12 =	vld [tilespmem:s12+$0x200]  }
0x54: {  	v13 =	vld [tilespmem:s12+$0x210]  }
0x55: {  	v10 =	vld [tilespmem:s12+$0x220]  }
0x56: {  	v9 =	vld [tilespmem:s12+$0x230]  }
0x57: {  	v8 =	vld [tilespmem:s12+$0x240]  }
0x58: {  	v7 =	vld [tilespmem:s12+$0x250];
	v12 =	vadd.f32 v6, v12  }
0x59: {  	s15 =	simm.s32 $0x200;
	v11 =	vadd.f32 v11, v13;
	v6 =	vld [tilespmem:s12+$0x260]  }
.LBB2_6:
0x5a: {  	s23 =	sshra.s32 s15, $0x2;
	p2 =	sne.s32 s15, $0x9E00;
	[tilespmem:s12+$0x200] =	vst v12;
	v5 =	vadd.f32 v5, v10;
	v10 =	vld [tilespmem:s12+$0x270]  }
0x5b: {  	v12 =	vld [tilespmem:s23+$0x5200];
	[tilespmem:s12+$0x210] =	vst v11;
	v4 =	vadd.f32 v4, v9  }
0x5c: {  	v11 =	vld [tilespmem:s23+$0x5210];
	[tilespmem:s12+$0x220] =	vst v5;
	v3 =	vadd.f32 v3, v8  }
0x5d: {  	v5 =	vld [tilespmem:s23+$0x5220];
	[tilespmem:s12+$0x230] =	vst v4;
	v2 =	vadd.f32 v2, v7  }
0x5e: {  	v4 =	vld [tilespmem:s23+$0x5230];
	[tilespmem:s12+$0x240] =	vst v3;
	v1 =	vadd.f32 v1, v6  }
0x5f: {  	v3 =	vld [tilespmem:s23+$0x5240];
	[tilespmem:s12+$0x250] =	vst v2;
	v0 =	vadd.f32 v0, v10  }
0x60: {  	v2 =	vld [tilespmem:s23+$0x5250];
	[tilespmem:s12+$0x260] =	vst v1  }
0x61: {  	v1 =	vld [tilespmem:s23+$0x5260];
	[tilespmem:s12+$0x270] =	vst v0;
	s12 =	smov.u32 s23  }
0x62: {  	v0 =	vld [tilespmem:s12+$0x5270]  }
0x63: {  	v6 =	vld [tilespmem:s12+$0x200]  }
0x64: {  	v13 =	vld [tilespmem:s12+$0x210]  }
.Ltmp6:
0x65: {  	v10 =	vld [tilespmem:s12+$0x220];
	(pc) =	sbr.rel @p2 .LBB2_6-.Ltmp6, $4  }
0x66: {  	v9 =	vld [tilespmem:s12+$0x230]  }
0x67: {  	v8 =	vld [tilespmem:s12+$0x240]  }
0x68: {  	v12 =	vadd.f32 v12, v6;
	v7 =	vld [tilespmem:s12+$0x250]  }
0x69: {  	s15 =	sadd.s32 $0x200, s15;
	v11 =	vadd.f32 v11, v13;
	v6 =	vld [tilespmem:s12+$0x260]  }
0x6a: {  	[tilespmem:s12+$0x200] =	vst v12;
	v5 =	vadd.f32 v5, v10;
	v63 =	vld [tilespmem:s12+$0x270]  }
0x6b: {  	[tilespmem:s12+$0x210] =	vst v11;
	v4 =	vadd.f32 v4, v9  }
0x6c: {  	[tilespmem:s12+$0x220] =	vst v5;
	v3 =	vadd.f32 v3, v8  }
0x6d: {  	s15 =	smul.u32 $0xA0, s10;
	[tilespmem:s12+$0x230] =	vst v4;
	v2 =	vadd.f32 v2, v7  }
.Ltmp7:
0x6e: {  	[tilespmem:s12+$0x240] =	vst v3;
	v1 =	vadd.f32 v1, v6;
	(pc) =	sbr.rel @!p1 .LBB2_15-.Ltmp7, $4  }
0x6f: {  	s23 =	sadd.s32 s5, s15;
	[tilespmem:s12+$0x250] =	vst v2;
	v0 =	vadd.f32 v0, v63  }
0x70: {  	s23 =	sshll.u32 s23, $0x4;
	[tilespmem:s12+$0x260] =	vst v1  }
0x71: {  	s23 =	sadd.s32 s8, s23;
	[tilespmem:s12+$0x270] =	vst v0  }
0x72: {  	[hbm4b:s23+s2] =	stream.linear.scatter [tilespmem:s22], [sflag:$0x9], $0x2800, $0x38;
	[tilespmem:$0xA200] =	vst v63  }
0x73: {  	_ =	swait.ge [sflag:s31], $0x2800;
	p1 =	sgt.u32 s10, $0xA  }
.Ltmp8:
0x74: {  	[sflag:s31] =	ssyncset.done $0x0;
	(pc) =	sbr.rel @p1 .LBB2_10-.Ltmp8, $4  }
0x75: {  	[sflag:s31] =	ssyncadd.s32 $0xFFFFD800  }
0x76: {  	_ =	swait.ge [sflag:s0], $0x2800  }
0x77: {  	[sflag:s0] =	ssyncset.done $0x0  }
0x78: {  	[sflag:s0] =	ssyncadd.s32 $0xFFFFD800  }
0x79: {  	s12 =	sadd.s32 s15, s14  }
0x7a: {  	s12 =	sshrl.u32 s12, $0x3  }
0x7b: {  	s23 =	sadd.s32 s6, s12  }
0x7c: {  	[tilespmem:s17], [sflag:$0x2] =	stream.linear.gather [hbm4b:s23+s2], $0x50, $0x38;
	[tilespmem:$0xA200] =	vst v63  }
.Ltmp9:
0x7d: {  	s12 =	sadd.s32 s7, s12;
	(pc) =	sbr.rel .LBB2_11-.Ltmp9, $4  }
0x7e: {  	[tilespmem:s18], [sflag:$0x4] =	stream.linear.gather [hbm4b:s12+s2], $0x50, $0x38;
	[tilespmem:$0xA200] =	vst v63  }
0x7f: {  	_ =	swait.ge [sflag:s1], $0x2800  }
0x80: {  	[sflag:s1] =	ssyncset.done $0x0  }
0x81: {  	[sflag:s1] =	ssyncadd.s32 $0xFFFFD800  }
.LBB2_10:
.Ltmp10:
0x82: {  	(pc) =	sbr.rel @p0 .LBB2_12-.Ltmp10, $4  }
0x83: {  	_ = 	snop  }
0x84: {  	_ =	swait.ge [sflag:s1], $0x2800  }
0x85: {  	[sflag:s1] =	ssyncset.done $0x0  }
0x86: {  	[sflag:s1] =	ssyncadd.s32 $0xFFFFD800  }
.LBB2_11:
0x87: {  	_ =	swait.ge [sflag:s19], $0x50  }
0x88: {  	[sflag:s19] =	ssyncset.done $0x0  }
0x89: {  	[sflag:s19] =	ssyncadd.s32 $0xFFFFFFB0  }
0x8a: {  	_ =	swait.ge [sflag:s20], $0x50  }
0x8b: {  	[sflag:s20] =	ssyncset.done $0x0  }
0x8c: {  	[sflag:s20] =	ssyncadd.s32 $0xFFFFFFB0  }
0x8d: {  	[tilespmem:s22], [sflag:$0x5] =	stream.indirect.gather [hbm4b:s3+s21], $0x80, s2, s21, $0xb8;
	[tilespmem:$0xA200] =	vst v63  }
0x8e: {  	s12 =	simm.s32 $0x5200  }
0x8f: {  	[tilespmem:s12], [sflag:$0x7] =	stream.indirect.gather [hbm4b:s4+s21], $0x80, s16, s21, $0xb8;
	[tilespmem:$0xA200] =	vst v63  }
.LBB2_12:
0x90: {  	s12 =	simm.s32 $0x0  }
0x91: {  	v7 =	vld [tilespmem:s12+$0x7A00]  }
0x92: {  	v11 =	vld [tilespmem:s12+$0x7A10]  }
0x93: {  	v5 =	vld [tilespmem:s12+$0x7A20]  }
0x94: {  	v4 =	vld [tilespmem:s12+$0x7A30]  }
0x95: {  	v3 =	vld [tilespmem:s12+$0x7A40]  }
0x96: {  	v2 =	vld [tilespmem:s12+$0x7A50]  }
0x97: {  	v1 =	vld [tilespmem:s12+$0x7A60]  }
0x98: {  	v0 =	vld [tilespmem:s12+$0x7A70]  }
0x99: {  	v12 =	vld [tilespmem:s12+$0x2A00]  }
0x9a: {  	v13 =	vld [tilespmem:s12+$0x2A10]  }
0x9b: {  	v10 =	vld [tilespmem:s12+$0x2A20]  }
0x9c: {  	v9 =	vld [tilespmem:s12+$0x2A30]  }
0x9d: {  	v8 =	vld [tilespmem:s12+$0x2A40]  }
0x9e: {  	v6 =	vld [tilespmem:s12+$0x2A50];
	v12 =	vadd.f32 v7, v12  }
0x9f: {  	s15 =	simm.s32 $0x200;
	v11 =	vadd.f32 v11, v13;
	v7 =	vld [tilespmem:s12+$0x2A60]  }
.LBB2_13:
0xa0: {  	s23 =	sshra.s32 s15, $0x2;
	p0 =	sne.s32 s15, $0x9E00;
	[tilespmem:s12+$0x2A00] =	vst v12;
	v5 =	vadd.f32 v5, v10;
	v10 =	vld [tilespmem:s12+$0x2A70]  }
0xa1: {  	v12 =	vld [tilespmem:s23+$0x7A00];
	[tilespmem:s12+$0x2A10] =	vst v11;
	v4 =	vadd.f32 v4, v9  }
0xa2: {  	v11 =	vld [tilespmem:s23+$0x7A10];
	[tilespmem:s12+$0x2A20] =	vst v5;
	v3 =	vadd.f32 v3, v8  }
0xa3: {  	v5 =	vld [tilespmem:s23+$0x7A20];
	[tilespmem:s12+$0x2A30] =	vst v4;
	v2 =	vadd.f32 v2, v6  }
0xa4: {  	v4 =	vld [tilespmem:s23+$0x7A30];
	[tilespmem:s12+$0x2A40] =	vst v3;
	v1 =	vadd.f32 v1, v7  }
0xa5: {  	v3 =	vld [tilespmem:s23+$0x7A40];
	[tilespmem:s12+$0x2A50] =	vst v2;
	v0 =	vadd.f32 v0, v10  }
0xa6: {  	v2 =	vld [tilespmem:s23+$0x7A50];
	[tilespmem:s12+$0x2A60] =	vst v1  }
0xa7: {  	v1 =	vld [tilespmem:s23+$0x7A60];
	[tilespmem:s12+$0x2A70] =	vst v0;
	s12 =	smov.u32 s23  }
0xa8: {  	v0 =	vld [tilespmem:s12+$0x7A70]  }
0xa9: {  	v6 =	vld [tilespmem:s12+$0x2A00]  }
0xaa: {  	v7 =	vld [tilespmem:s12+$0x2A10]  }
.Ltmp11:
0xab: {  	v10 =	vld [tilespmem:s12+$0x2A20];
	(pc) =	sbr.rel @p0 .LBB2_13-.Ltmp11, $4  }
0xac: {  	v9 =	vld [tilespmem:s12+$0x2A30]  }
0xad: {  	v8 =	vld [tilespmem:s12+$0x2A40]  }
0xae: {  	v12 =	vadd.f32 v12, v6;
	v6 =	vld [tilespmem:s12+$0x2A50]  }
0xaf: {  	s15 =	sadd.s32 $0x200, s15;
	v11 =	vadd.f32 v11, v7;
	v7 =	vld [tilespmem:s12+$0x2A60]  }
0xb0: {  	[tilespmem:s12+$0x2A00] =	vst v12;
	v5 =	vadd.f32 v5, v10;
	v63 =	vld [tilespmem:s12+$0x2A70]  }
0xb1: {  	[tilespmem:s12+$0x2A10] =	vst v11;
	v4 =	vadd.f32 v4, v9  }
0xb2: {  	[tilespmem:s12+$0x2A20] =	vst v5;
	v3 =	vadd.f32 v3, v8  }
0xb3: {  	[tilespmem:s12+$0x2A30] =	vst v4;
	v2 =	vadd.f32 v2, v6  }
.Ltmp12:
0xb4: {  	[tilespmem:s12+$0x2A40] =	vst v3;
	v1 =	vadd.f32 v1, v7;
	(pc) =	sbr.rel .LBB2_15-.Ltmp12, $4  }
0xb5: {  	s11 =	sadd.s32 s5, s11;
	[tilespmem:s12+$0x2A50] =	vst v2;
	v0 =	vadd.f32 v0, v63  }
0xb6: {  	s11 =	sshll.u32 s11, $0x4;
	[tilespmem:s12+$0x2A60] =	vst v1  }
0xb7: {  	s11 =	sadd.s32 s8, s11;
	[tilespmem:s12+$0x2A70] =	vst v0  }
0xb8: {  	[hbm4b:s11+s2] =	stream.linear.scatter [tilespmem:s29], [sflag:$0xA], $0x2800, $0x38;
	[tilespmem:$0xA200] =	vst v63  }
.LBB2_17:
0xb9: {  	_ =	sfence.sel $0x180000  }
0xba: {  	[bflag:$0x0] =	sbarrier.arrive $0xFFFF  }
0xbb: {  	_ =	strace $0x9000004D  }
0xbc: {  	s0 =	stileid.u32;
	[bflag:$0x2] =	sbarrier.arrive $0xFFFF  }
0xbd: {  	p0 =	sne.s32 s0, $0x0;
	s0 =	rddreg [dreg:$0x1]  }
0xbe: {  	s0 =	sadd.s32 @!p0 $0x100000, s0  }
0xbf: {  	[sflag:s0] =	ssyncadd.tile.s32 @!p0 $0x1;
	_ =	shalt  }
.Lfunc_end2:
_tile_overlayer_lowered:
.L_overlay_start_2:
0xc0: {  	(tag) =	ssettag $0x2  }
0xc1: {  	s0 =	rddreg [dreg:$0x0];
	s2 =	stileid.u32  }
0xc2: {  	s1 =	rddreg [dreg:$0x1];
	p0 =	sne.s32 s2, $0x0  }
0xc3: {  	s3 =	rddreg [dreg:$0x2];
	[bflag:$0x3] =	sbarrier.arrive $0xFFFF;
	s2 =	simm.s32 @!p0 $0x1C0B  }
0xc4: {  	[timem:s3], [sflag:s2] =	dma.local @!p0 [hbm:s0], s1  }
0xc5: {  	s0 =	simm.s32 @!p0 $0xB  }
0xc6: {  	_ =	swait.ge @!p0 [sflag:s0], s1  }
0xc7: {  	s1 =	ssub.s32 @!p0 $0x0, s1;
	[sflag:s0] =	ssyncset.done @!p0 $0x0  }
0xc8: {  	[sflag:s0] =	ssyncadd.s32 @!p0 s1  }
0xc9: {  	[bflag:$0x3] =	sbarrier.arrive $0xFFFF  }
0xca: {  	_ =	shalt  }

// kernel: kernel.24.cloned.1.call-start
scs
__scs_entry_jumppad:
0x0: {  	(pc) =	sbr.rel $0x88, $3  }
0x1: {  	(tag) =	ssettag $0x0;
	lr =	simm.s32 $0x1  }
0x2: {  	[smem:$0x3F9D] =	sst lr;
	_ =	strace $0xD0000000  }
0x3: {  	_ = 	snop  }
0x4: {  	_ = 	snop  }
0x5: {  	_ = 	snop  }
0x6: {  	_ = 	snop  }
0x7: {  	_ = 	snop  }
__scs_overlays_trampoline_lowered:
0x8: {  	[smem:$0x3FAC] =	sst s0  }
0x9: {  	[smem:$0x3FAD] =	sst s1  }
0xa: {  	[smem:$0x3FAE] =	sst s2  }
0xb: {  	[smem:$0x3FAF] =	sst s3  }
0xc: {  	[smem:$0x3FB0] =	sst s4  }
0xd: {  	[smem:$0x3FB1] =	sst s5  }
0xe: {  	[smem:$0x3FB2] =	sst s6  }
0xf: {  	[smem:$0x3FB3] =	sst s7  }
0x10: {  	[smem:$0x3FB4] =	sst s8  }
0x11: {  	[smem:$0x3FB5] =	sst s9;
	s0 =	simm.s32 @!p0 $0x0  }
0x12: {  	s1 =	sld [smem:$0x3F9B];
	s0 =	simm.s32 @p0 $0x1  }
0x13: {  	[smem:$0x3FB6] =	sst s0;
	s0 =	simm.s32 @!p1 $0x0  }
0x14: {  	s2 =	sld [smem:$0x3F9A];
	s0 =	simm.s32 @p1 $0x1  }
0x15: {  	[smem:$0x3FB7] =	sst s0;
	s0 =	simm.s32 @!p2 $0x0  }
0x16: {  	s3 =	sld [smem:$0x3FDB];
	s0 =	simm.s32 @p2 $0x1  }
0x17: {  	s4 =	simm.s32 $0x1BF5;
	[smem:$0x3FB9] =	sst s0  }
0x18: {  	s0 =	sld [smem:$0x3F9C];
	_ =	swait.ge [sflag:s4], $0x0  }
0x19: {  	s7 =	sld [smem:$0x3F9D]  }
0x1a: {  	s8 =	sadd.s32 $0xFFFFE003, lr  }
0x1b: {  	s9 =	sadd.s32 $0xFFFFFEF7, lr;
	s5 =	simm.s32 $0xFFFFFFFF;
	p2 =	slt.u32 s8, $0xFFFFF086  }
0x1c: {  	p1 =	slt.u32 s9, $0xF7A;
	s5 =	simm.s32 @!p2 $0x0  }
0x1d: {  	s5 =	simm.s32 @p1 $0x1;
	p0 =	seq.s32 s7, s2  }
0x1e: {  	s7 =	smul.u32 @!p0 $0xF7A, s2;
	p2 =	seq.s32 @!p0 s5, $0x0  }
0x1f: {  	s9 =	smul.u32 $0xF7A, s1;
	s8 =	simm.s32 @!p0 $0x1BF5;
	p2 =	por !p2, p0  }
0x20: {  	[sflag:s8] =	ssyncset.s32 @!p0 $0xFFFFF086;
	s6 =	sadd.s32 @!p0 s3, s7;
	s7 =	simm.s32 @!p0 $0x108  }
0x21: {  	s3 =	sadd.s32 s3, s9;
	s6 =	sadd.s32 @!p0 $0x88, s6;
	s7 =	simm.s32 @p2 $0x1082  }
0x22: {  	[simem:s7], [sflag:s8] =	dma.local @!p0 [hbm:s6], $0xF7A  }
0x23: {  	s9 =	sor.u32 $0xD0000000, s2;
	s6 =	simm.s32 $0x108;
	_ =	swait.ge @!p0 [sflag:s8], $0x0  }
0x24: {  	s3 =	sadd.s32 $0x88, s3;
	s6 =	simm.s32 @!p1 $0x1082;
	[sflag:s4] =	ssyncset.s32 $0xFFFFF086  }
0x25: {  	[simem:s6], [sflag:s4] =	dma.local [hbm:s3], $0xF7A  }
0x26: {  	[smem:$0x3F9D] =	sst s1;
	(tag) =	ssettag s2;
	_ =	strace s9  }
0x27: {  	s1 =	sld [smem:$0x3FAD]  }
0x28: {  	s2 =	sld [smem:$0x3FAE]  }
0x29: {  	s4 =	sld [smem:$0x3FB0]  }
0x2a: {  	p0 =	seq.s32 s5, $0x0;
	s5 =	sld [smem:$0x3FB1]  }
0x2b: {  	s6 =	sld [smem:$0x3FB2]  }
0x2c: {  	s7 =	sld [smem:$0x3FB3]  }
0x2d: {  	s3 =	simm.s32 $0x108;
	s8 =	sld [smem:$0x3FB4]  }
0x2e: {  	s3 =	simm.s32 @!p0 $0x1082;
	s9 =	sld [smem:$0x3FB5]  }
0x2f: {  	lr =	sadd.s32 s0, s3;
	s0 =	sld [smem:$0x3FAC]  }
0x30: {  	s3 =	sld [smem:$0x3FAF]  }
0x31: {  	[smem:$0x3FB8] =	sst s10  }
0x32: {  	s10 =	sld [smem:$0x3FB6];
	_ =	sdelay $0x3  }
0x33: {  	p0 =	seq.s32 s10, $0x1;
	s10 =	sld [smem:$0x3FB8];
	_ =	sdelay $0x3  }
0x34: {  	[smem:$0x3FB8] =	sst s10  }
0x35: {  	s10 =	sld [smem:$0x3FB7];
	_ =	sdelay $0x3  }
0x36: {  	p1 =	seq.s32 s10, $0x1;
	s10 =	sld [smem:$0x3FB8];
	_ =	sdelay $0x3  }
0x37: {  	[smem:$0x3FB8] =	sst s10  }
0x38: {  	s10 =	sld [smem:$0x3FB9]  }
0x39: {  	_ = 	snop;
	(pc) =	sbr.ind lr, $3  }
0x3a: {  	_ = 	snop  }
0x3b: {  	_ = 	snop  }
0x3c: {  	p2 =	seq.s32 s10, $0x1;
	s10 =	sld [smem:$0x3FB8]  }
0x3d: {  	_ =	shalt  }
0x3e: {  	_ =	shalt  }
0x3f: {  	_ =	shalt  }
0x40: {  	_ =	shalt  }
0x41: {  	_ =	shalt  }
0x42: {  	_ =	shalt  }
0x43: {  	_ =	shalt  }
0x44: {  	_ =	shalt  }
0x45: {  	_ =	shalt  }
0x46: {  	_ =	shalt  }
0x47: {  	_ =	shalt  }
0x48: {  	_ =	shalt  }
0x49: {  	_ =	shalt  }
0x4a: {  	_ =	shalt  }
0x4b: {  	_ =	shalt  }
0x4c: {  	_ =	shalt  }
0x4d: {  	_ =	shalt  }
0x4e: {  	_ =	shalt  }
0x4f: {  	_ =	shalt  }
0x50: {  	_ =	shalt  }
0x51: {  	_ =	shalt  }
0x52: {  	_ =	shalt  }
0x53: {  	_ =	shalt  }
0x54: {  	_ =	shalt  }
0x55: {  	_ =	shalt  }
0x56: {  	_ =	shalt  }
0x57: {  	_ =	shalt  }
0x58: {  	_ =	shalt  }
0x59: {  	_ =	shalt  }
0x5a: {  	_ =	shalt  }
0x5b: {  	_ =	shalt  }
0x5c: {  	_ =	shalt  }
0x5d: {  	_ =	shalt  }
0x5e: {  	_ =	shalt  }
0x5f: {  	_ =	shalt  }
0x60: {  	_ =	shalt  }
0x61: {  	_ =	shalt  }
0x62: {  	_ =	shalt  }
0x63: {  	_ =	shalt  }
0x64: {  	_ =	shalt  }
0x65: {  	_ =	shalt  }
0x66: {  	_ =	shalt  }
0x67: {  	_ =	shalt  }
0x68: {  	_ =	shalt  }
0x69: {  	_ =	shalt  }
0x6a: {  	_ =	shalt  }
0x6b: {  	_ =	shalt  }
0x6c: {  	_ =	shalt  }
0x6d: {  	_ =	shalt  }
0x6e: {  	_ =	shalt  }
0x6f: {  	_ =	shalt  }
0x70: {  	_ =	shalt  }
0x71: {  	_ =	shalt  }
0x72: {  	_ =	shalt  }
0x73: {  	_ =	shalt  }
0x74: {  	_ =	shalt  }
0x75: {  	_ =	shalt  }
0x76: {  	_ =	shalt  }
0x77: {  	_ =	shalt  }
0x78: {  	_ =	shalt  }
0x79: {  	_ =	shalt  }
0x7a: {  	_ =	shalt  }
0x7b: {  	_ =	shalt  }
0x7c: {  	_ =	shalt  }
0x7d: {  	_ =	shalt  }
0x7e: {  	_ =	shalt  }
0x7f: {  	_ =	shalt  }
0x80: {  	_ =	shalt  }
0x81: {  	_ =	shalt  }
0x82: {  	_ =	shalt  }
0x83: {  	_ =	shalt  }
0x84: {  	_ =	shalt  }
0x85: {  	_ =	shalt  }
0x86: {  	_ =	shalt  }
0x87: {  	_ =	shalt  }
.Lfunc_end0:
.L_simem_size_0:
called_computation.3_lowered:
.L_overlay_start_0:
0x88: {  	s2 =	sld [smem:$0x3FD9]  }
0x89: {  	s3 =	sld [smem:$0x3FFE];
	_ =	sdelay $0x1  }
0x8a: {  	s1 =	srdreg.scid  }
0x8b: {  	s0 =	sand.u32 $0x1, s1  }
0x8c: {  	s17 =	sshll.u32 s0, $0xA;
	s2 =	sadd.s32 s3, s2  }
0x8d: {  	s2 =	sadd.s32 s2, s17  }
0x8e: {  	[smem:$0x3FC4] =	sst s2  }
0x8f: {  	_ = 	snop  }
0x90: {  	(tm) =	ssettm $0x1  }
0x91: {  	s18 =	sld [smem:$0x3FFB];
	_ =	sdelay $0x3  }
0x92: {  	_ =	strace s18  }
0x93: {  	s2 =	sld [smem:$0x3FFC];
	_ =	sdelay $0x3  }
0x94: {  	_ =	strace s2  }
0x95: {  	s2 =	sld [smem:$0x3FFD];
	_ =	sdelay $0x3  }
0x96: {  	_ =	strace s2  }
0x97: {  	_ =	strace $0x8FFFFFFF  }
0x98: {  	s19 =	sld [smem:$0x3FDB];
	_ =	sdelay $0x1  }
0x99: {  	s20 =	simm.s32 $_scs_section_size  }
0x9a: {  	s4 =	simm.s32 $_size__tile_overlayer_lowered;
	s5 =	simm.s32 $_tile_overlayer_lowered  }
0x9b: {  	s6 =	simm.s32 $0x1BFF;
	s21 =	sshll.u32 s5, $0x1;
	s3 =	sadd.s32 s20, s19  }
0x9c: {  	s22 =	simm.s32 $0x0;
	s4 =	sshll.u32 s4, $0x1;
	s5 =	sadd.s32 s21, s3  }
0x9d: {  	[timem:s22], [sflag:s6] =	dma.local [hbm:s5], s4  }
0x9e: {  	_ =	swait.ge [sflag:s6], s4  }
0x9f: {  	s4 =	ssub.s32 $0x0, s4;
	[sflag:s6] =	ssyncset.done $0x0  }
0xa0: {  	[sflag:s6] =	ssyncadd.s32 s4;
	_ =	sdelay $0x1  }
0xa1: {  	s23 =	simm.s32 $0x1B8B  }
0xa2: {  	_ =	swait.ge [sflag:s23], $0x1  }
0xa3: {  	[sflag:s23] =	ssyncset.done $0x0  }
0xa4: {  	[sflag:s23] =	ssyncadd.s32 $0xFFFFFFFF  }
0xa5: {  	s4 =	sld [smem:$0x0]  }
0xa6: {  	s5 =	sand.u32 $0xFFFFFFFE, s1  }
0xa7: {  	p0 =	sne.s32 s1, s5  }
0xa8: {  	s5 =	sshll.u32 @p0 s5, $0xE  }
0xa9: {  	s5 =	sadd.s32 @p0 $0x11B8D, s5;
	s6 =	sshll.u32 @p0 s4, $0x11  }
0xaa: {  	s5 =	sor.u32 @p0 s6, s5  }
0xab: {  	[sflag:s5] =	ssyncadd.remote.s32 @p0 $0x1;
	_ =	sdelay $0x1  }
0xac: {  	s5 =	simm.s32 @p0 $0x1B8D  }
0xad: {  	_ =	swait.eq @p0 [sflag:s5], $0x1  }
0xae: {  	[sflag:s5] =	ssyncadd.s32 @p0 $0xFFFFFFFF  }
0xaf: {  	s6 =	sshll.u32 @!p0 s1, $0xE  }
0xb0: {  	s6 =	sor.u32 @!p0 $0x4000, s6;
	s5 =	simm.s32 @!p0 $0x1B8D  }
0xb1: {  	s4 =	sshll.u32 @!p0 s4, $0x11;
	s6 =	sadd.s32 @!p0 $0x11B8D, s6;
	_ =	swait.eq @!p0 [sflag:s5], $0x1  }
0xb2: {  	s4 =	sor.u32 @!p0 s4, s6;
	[sflag:s5] =	ssyncadd.s32 @!p0 $0xFFFFFFFF  }
0xb3: {  	s25 =	simm.s32 $0x1B8E;
	s24 =	sld [smem:$0x3FFE];
	[sflag:s4] =	ssyncadd.remote.s32 @!p0 $0x1  }
0xb4: {  	s26 =	simm.s32 $execute0_lowered;
	[smem:$0x3FD2] =	sst s25  }
0xb5: {  	s5 =	sshll.u32 s26, $0x1;
	_ =	strace $0x8000004F;
	[dreg:$0x1] =	wrdreg $0xFFFFFFFF  }
0xb6: {  	s28 =	simm.s32 $_size_execute0_lowered;
	s3 =	sadd.s32 s3, s5;
	[dreg:$0x0] =	wrdreg $0x0  }
0xb7: {  	s5 =	sshll.u32 s28, $0x1;
	[dreg:$0x2] =	wrdreg s3  }
0xb8: {  	[dreg:$0x3] =	wrdreg s5  }
0xb9: {  	[dreg:$0x4] =	wrdreg $0xC0  }
0xba: {  	_ =	task [dreg:s22], $0x5FFFF  }
0xbb: {  	[dreg:$0x1] =	wrdreg $0xFFFFFFFF  }
0xbc: {  	[dreg:$0x0] =	wrdreg $0x60  }
0xbd: {  	[dreg:$0x2] =	wrdreg s24  }
0xbe: {  	[dreg:$0x3] =	wrdreg $0xC  }
0xbf: {  	_ =	task.clear_ibuf [dreg:s22], $0x4FFFF;
	_ =	strace $0x9000004F  }
0xc0: {  	s29 =	simm.s32 $0xC;
	_ =	strace $0x80000051  }
0xc1: {  	_ =	swait.ge [sflag:s29], $0x1  }
0xc2: {  	[sflag:s29] =	ssyncadd.s32 $0xFFFFFFFF  }
0xc3: {  	_ =	strace $0x90000051  }
0xc4: {  	_ =	sfence  }
0xc5: {  	s30 =	sld [smem:$0x0];
	_ =	sdelay $0x2  }
0xc6: {  	s31 =	sshll.u32 s1, $0xD;
	s1 =	sshrl.u32 s1, $0x2  }
0xc7: {  	s4 =	sand.u32 $0x4000, s31;
	s1 =	sadd.s32 s1, s30  }
0xc8: {  	s0 =	sor.u32 s4, s0;
	s1 =	sshll.u32 s1, $0x11  }
0xc9: {  	s0 =	sor.u32 s1, s0  }
0xca: {  	s0 =	sadd.s32 $0x8F2B, s0  }
0xcb: {  	[sflag:s0] =	ssyncadd.remote.s32 $0x1  }
0xcc: {  	_ =	sfence.sel $0xFFFF  }
0xcd: {  	[dreg:$0x0] =	wrdreg $0xFFFFFFFF;
	(pc) =	sbr.abs _section_cstart, $3  }
0xce: {  	[dreg:$0x1] =	wrdreg $0xFFFFFFFF  }
0xcf: {  	_ =	task.clear_ibuf [dreg:s22], $0x2FFFF;
	_ =	strace $0x9FFFFFFF  }
0xd0: {  	(tm) =	ssettm $0x7FFFFFFF  }
0xd1: {  	_ =	shalt  }
tec
execute0_lowered:
.L_overlay_start_1:
0x0: {  	(tag) =	ssettag $0x1  }
0x1: {  	s0 =	rddreg [dreg:$0x0];
	s2 =	simm.s32 $0x0  }
0x2: {  	s1 =	srdreg.scid;
	s3 =	stileid.u32;
	s16 =	simm.s32 $0x100  }
0x3: {  	s17 =	simm.s32 $0x80;
	s18 =	simm.s32 $0x180;
	s19 =	simm.s32 $0x1  }
0x4: {  	s20 =	simm.s32 $0x3;
	s21 =	simm.s32 $0x50;
	s22 =	simm.s32 $0x200  }
0x5: {  	s28 =	simm.s32 $0x4;
	s29 =	simm.s32 $0x2A00;
	s30 =	simm.s32 $0x7A00  }
0x6: {  	s31 =	simm.s32 $0x6;
	[smem:$0x7FF] =	sst s2;
	s1 =	sand.u32 $0x1, s1  }
0x7: {  	s3 =	sshll.u32 s3, $0x1;
	s4 =	sadd.s32 $0x2A200, s0;
	s6 =	sadd.s32 $0x122800, s0  }
0x8: {  	s7 =	sadd.s32 $0x120800, s0;
	s5 =	sor.u32 s1, s3;
	s1 =	ssub.s32 $0x2, s1  }
0x9: {  	s8 =	sadd.s32 $0x226800, s0;
	s5 =	smul.u32 $0x7D0, s5;
	s23 =	sshrl.u32 s1, $0x1  }
0xa: {  	_ =	strace $0x80000050;
	s3 =	sadd.s32 $0x3000, s0;
	s0 =	ssub.s32 s1, s23  }
0xb: {  	s9 =	sshrl.u32 s5, $0x3;
	s13 =	sadd.s32 $0xA0, s5;
	s0 =	smax.u32 s0, $0x1  }
0xc: {  	s24 =	sadd.s32 s6, s9;
	s25 =	sadd.s32 $0xA, s9;
	[dreg:$0x6] =	wrdreg s0  }
.Ltmp0:
0xd: {  	s9 =	sadd.s32 s7, s9;
	[dreg:$0x2] =	wrdreg s24;
	(pc) =	sbr.rel .LBB2_1-.Ltmp0, $4  }
0xe: {  	s14 =	sadd.s32 $0xF0, s5;
	s0 =	simm.s32 $0x8;
	[dreg:$0x3] =	wrdreg s9  }
0xf: {  	s26 =	sadd.s32 s6, s25;
	s1 =	sadd.s32 s7, s25;
	s24 =	simm.s32 $0x5  }
0x10: {  	s25 =	simm.s32 $0x7;
	s9 =	simm.s32 $0x0;
	[dreg:$0x4] =	wrdreg s26  }
0x11: {  	[dreg:$0x5] =	wrdreg s1;
	s26 =	simm.s32 $0x2;
	s1 =	simm.s32 $0x9  }
.LBB2_16:
0x12: {  	_ =	swait.ge [sflag:s1], $0x2800  }
0x13: {  	s9 =	sadd.s32 $0x1, s9;
	s10 =	rddreg [dreg:$0x6]  }
0x14: {  	p0 =	sne.s32 s9, s10  }
.Ltmp1:
0x15: {  	_ = 	snop;
	(pc) =	sbr.rel @!p0 .LBB2_17-.Ltmp1, $3  }
0x16: {  	_ =	sdelay $0x1  }
0x17: {  	[sflag:s1] =	ssyncset.done $0x0  }
0x18: {  	[sflag:s1] =	ssyncadd.s32 $0xFFFFD800  }
.LBB2_1:
0x19: {  	s10 =	rddreg [dreg:$0x2]  }
0x1a: {  	[tilespmem:s2], [sflag:$0x1] =	stream.linear.gather [hbm4b:s10+s2], $0x50, $0x38;
	[tilespmem:$0xA200] =	vst v63  }
0x1b: {  	s11 =	rddreg [dreg:$0x3]  }
0x1c: {  	[tilespmem:s16], [sflag:$0x3] =	stream.linear.gather [hbm4b:s11+s2], $0x50, $0x38;
	[tilespmem:$0xA200] =	vst v63  }
0x1d: {  	s12 =	rddreg [dreg:$0x4]  }
0x1e: {  	[tilespmem:s17], [sflag:$0x2] =	stream.linear.gather [hbm4b:s12+s2], $0x50, $0x38;
	[tilespmem:$0xA200] =	vst v63  }
0x1f: {  	s15 =	rddreg [dreg:$0x5]  }
0x20: {  	[tilespmem:s18], [sflag:$0x4] =	stream.linear.gather [hbm4b:s15+s2], $0x50, $0x38;
	[tilespmem:$0xA200] =	vst v63  }
0x21: {  	_ =	swait.ge [sflag:s19], $0x50  }
0x22: {  	[sflag:s19] =	ssyncset.done $0x0  }
0x23: {  	[sflag:s19] =	ssyncadd.s32 $0xFFFFFFB0  }
0x24: {  	_ =	swait.ge [sflag:s20], $0x50  }
.Ltmp2:
0x25: {  	[sflag:s20] =	ssyncset.done $0x0;
	(pc) =	sbr.rel .LBB2_2-.Ltmp2, $4  }
0x26: {  	[sflag:s20] =	ssyncadd.s32 $0xFFFFFFB0  }
0x27: {  	[tilespmem:s22], [sflag:$0x5] =	stream.indirect.gather [hbm4b:s3+s21], $0x80, s2, s21, $0xb8;
	[tilespmem:$0xA200] =	vst v63  }
0x28: {  	s23 =	simm.s32 $0x5200;
	s10 =	simm.s32 $0x0  }
0x29: {  	[tilespmem:s23], [sflag:$0x7] =	stream.indirect.gather [hbm4b:s4+s21], $0x80, s16, s21, $0xb8;
	[tilespmem:$0xA200] =	vst v63  }
.LBB2_15:
0x2a: {  	s10 =	sadd.s32 $0x1, s10  }
0x2b: {  	p0 =	sne.s32 s10, $0xD  }
.Ltmp3:
0x2c: {  	_ = 	snop;
	(pc) =	sbr.rel @!p0 .LBB2_16-.Ltmp3, $1  }
0x2d: {  	_ =	sdelay $0x3  }
.LBB2_2:
0x2e: {  	_ =	swait.ge [sflag:s24], $0x2800;
	p0 =	seq.s32 s10, $0xC  }
0x2f: {  	[sflag:s24] =	ssyncset.done $0x0;
	s11 =	smul.u32 @!p0 $0xA0, s10  }
0x30: {  	[sflag:s24] =	ssyncadd.s32 $0xFFFFD800  }
0x31: {  	_ =	swait.ge [sflag:s25], $0x2800;
	s11 =	sadd.s32 @!p0 s11, s13  }
0x32: {  	[sflag:s25] =	ssyncset.done $0x0;
	s11 =	sshrl.u32 @!p0 s11, $0x3  }
0x33: {  	s15 =	simm.s32 @!p0 $0x0;
	[sflag:s25] =	ssyncadd.s32 $0xFFFFD800;
	s12 =	sadd.s32 @!p0 s6, s11  }
0x34: {  	[tilespmem:s15], [sflag:$0x1] =	stream.linear.gather @!p0 [hbm4b:s12+s15], $0x50, $0x38;
	[tilespmem:$0xA200] =	vst v63  }
0x35: {  	p1 =	seq.s32 @!p0 s10, $0x0;
	s11 =	sadd.s32 @!p0 s7, s11;
	s12 =	simm.s32 @!p0 $0x100  }
0x36: {  	[tilespmem:s12], [sflag:$0x3] =	stream.linear.gather @!p0 [hbm4b:s11+s15], $0x50, $0x38;
	[tilespmem:$0xA200] =	vst v63  }
0x37: {  	p1 =	por p0, !p1;
	s11 =	sshll.u32 s10, $0x1  }
0x38: {  	s11 =	sor.u32 @p1 $0x1, s11  }
0x39: {  	p2 =	sgt.u32 @p1 s11, $0x18  }
0x3a: {  	p2 =	por !p1, !p2  }
.Ltmp4:
0x3b: {  	_ = 	snop;
	(pc) =	sbr.rel @!p2 .LBB2_3-.Ltmp4, $4  }
0x3c: {  	s12 =	simm.s32 @p1 $0xA  }
0x3d: {  	_ =	swait.ge @p1 [sflag:s12], $0x2800  }
0x3e: {  	[sflag:s12] =	ssyncset.done @p1 $0x0  }
0x3f: {  	[sflag:s12] =	ssyncadd.s32 @p1 $0xFFFFD800  }
0x40: {  	_ =	swait.ge [sflag:s26], $0x50  }
0x41: {  	[sflag:s26] =	ssyncset.done $0x0  }
0x42: {  	[sflag:s26] =	ssyncadd.s32 $0xFFFFFFB0  }
0x43: {  	_ =	swait.ge [sflag:s28], $0x50  }
.Ltmp5:
0x44: {  	[sflag:s28] =	ssyncset.done $0x0;
	(pc) =	sbr.rel .LBB2_5-.Ltmp5, $4  }
0x45: {  	s11 =	simm.s32 @!p1 $0x1;
	[sflag:s28] =	ssyncadd.s32 $0xFFFFFFB0  }
0x46: {  	[tilespmem:s29], [sflag:$0x6] =	stream.indirect.gather [hbm4b:s3+s21], $0x80, s17, s21, $0xb8;
	[tilespmem:$0xA200] =	vst v63  }
0x47: {  	p1 =	por $0x1, $0x1;
	s11 =	smul.u32 $0x50, s11  }
0x48: {  	[tilespmem:s30], [sflag:$0x8] =	stream.indirect.gather [hbm4b:s4+s21], $0x80, s18, s21, $0xb8;
	[tilespmem:$0xA200] =	vst v63  }
.LBB2_3:
0x49: {  	s11 =	simm.s32 @p1 $0x7D0;
	p1 =	por @p1 $0x0, $0x0  }
.LBB2_5:
0x4a: {  	s12 =	simm.s32 $0x0  }
0x4b: {  	v6 =	vld [tilespmem:s12+$0x5200]  }
0x4c: {  	v11 =	vld [tilespmem:s12+$0x5210]  }
0x4d: {  	v5 =	vld [tilespmem:s12+$0x5220]  }
0x4e: {  	v4 =	vld [tilespmem:s12+$0x5230]  }
0x4f: {  	v3 =	vld [tilespmem:s12+$0x5240]  }
0x50: {  	v2 =	vld [tilespmem:s12+$0x5250]  }
0x51: {  	v1 =	vld [tilespmem:s12+$0x5260]  }
0x52: {  	v0 =	vld [tilespmem:s12+$0x5270]  }
0x53: {  	v12 =	vld [tilespmem:s12+$0x200]  }
0x54: {  	v13 =	vld [tilespmem:s12+$0x210]  }
0x55: {  	v10 =	vld [tilespmem:s12+$0x220]  }
0x56: {  	v9 =	vld [tilespmem:s12+$0x230]  }
0x57: {  	v8 =	vld [tilespmem:s12+$0x240]  }
0x58: {  	v7 =	vld [tilespmem:s12+$0x250];
	v12 =	vadd.f32 v6, v12  }
0x59: {  	s15 =	simm.s32 $0x200;
	v11 =	vadd.f32 v11, v13;
	v6 =	vld [tilespmem:s12+$0x260]  }
.LBB2_6:
0x5a: {  	s23 =	sshra.s32 s15, $0x2;
	p2 =	sne.s32 s15, $0x9E00;
	[tilespmem:s12+$0x200] =	vst v12;
	v5 =	vadd.f32 v5, v10;
	v10 =	vld [tilespmem:s12+$0x270]  }
0x5b: {  	v12 =	vld [tilespmem:s23+$0x5200];
	[tilespmem:s12+$0x210] =	vst v11;
	v4 =	vadd.f32 v4, v9  }
0x5c: {  	v11 =	vld [tilespmem:s23+$0x5210];
	[tilespmem:s12+$0x220] =	vst v5;
	v3 =	vadd.f32 v3, v8  }
0x5d: {  	v5 =	vld [tilespmem:s23+$0x5220];
	[tilespmem:s12+$0x230] =	vst v4;
	v2 =	vadd.f32 v2, v7  }
0x5e: {  	v4 =	vld [tilespmem:s23+$0x5230];
	[tilespmem:s12+$0x240] =	vst v3;
	v1 =	vadd.f32 v1, v6  }
0x5f: {  	v3 =	vld [tilespmem:s23+$0x5240];
	[tilespmem:s12+$0x250] =	vst v2;
	v0 =	vadd.f32 v0, v10  }
0x60: {  	v2 =	vld [tilespmem:s23+$0x5250];
	[tilespmem:s12+$0x260] =	vst v1  }
0x61: {  	v1 =	vld [tilespmem:s23+$0x5260];
	[tilespmem:s12+$0x270] =	vst v0;
	s12 =	smov.u32 s23  }
0x62: {  	v0 =	vld [tilespmem:s12+$0x5270]  }
0x63: {  	v6 =	vld [tilespmem:s12+$0x200]  }
0x64: {  	v13 =	vld [tilespmem:s12+$0x210]  }
.Ltmp6:
0x65: {  	v10 =	vld [tilespmem:s12+$0x220];
	(pc) =	sbr.rel @p2 .LBB2_6-.Ltmp6, $4  }
0x66: {  	v9 =	vld [tilespmem:s12+$0x230]  }
0x67: {  	v8 =	vld [tilespmem:s12+$0x240]  }
0x68: {  	v12 =	vadd.f32 v12, v6;
	v7 =	vld [tilespmem:s12+$0x250]  }
0x69: {  	s15 =	sadd.s32 $0x200, s15;
	v11 =	vadd.f32 v11, v13;
	v6 =	vld [tilespmem:s12+$0x260]  }
0x6a: {  	[tilespmem:s12+$0x200] =	vst v12;
	v5 =	vadd.f32 v5, v10;
	v63 =	vld [tilespmem:s12+$0x270]  }
0x6b: {  	[tilespmem:s12+$0x210] =	vst v11;
	v4 =	vadd.f32 v4, v9  }
0x6c: {  	[tilespmem:s12+$0x220] =	vst v5;
	v3 =	vadd.f32 v3, v8  }
0x6d: {  	s15 =	smul.u32 $0xA0, s10;
	[tilespmem:s12+$0x230] =	vst v4;
	v2 =	vadd.f32 v2, v7  }
.Ltmp7:
0x6e: {  	[tilespmem:s12+$0x240] =	vst v3;
	v1 =	vadd.f32 v1, v6;
	(pc) =	sbr.rel @!p1 .LBB2_15-.Ltmp7, $4  }
0x6f: {  	s23 =	sadd.s32 s5, s15;
	[tilespmem:s12+$0x250] =	vst v2;
	v0 =	vadd.f32 v0, v63  }
0x70: {  	s23 =	sshll.u32 s23, $0x4;
	[tilespmem:s12+$0x260] =	vst v1  }
0x71: {  	s23 =	sadd.s32 s8, s23;
	[tilespmem:s12+$0x270] =	vst v0  }
0x72: {  	[hbm4b:s23+s2] =	stream.linear.scatter [tilespmem:s22], [sflag:$0x9], $0x2800, $0x38;
	[tilespmem:$0xA200] =	vst v63  }
0x73: {  	_ =	swait.ge [sflag:s31], $0x2800;
	p1 =	sgt.u32 s10, $0xA  }
.Ltmp8:
0x74: {  	[sflag:s31] =	ssyncset.done $0x0;
	(pc) =	sbr.rel @p1 .LBB2_10-.Ltmp8, $4  }
0x75: {  	[sflag:s31] =	ssyncadd.s32 $0xFFFFD800  }
0x76: {  	_ =	swait.ge [sflag:s0], $0x2800  }
0x77: {  	[sflag:s0] =	ssyncset.done $0x0  }
0x78: {  	[sflag:s0] =	ssyncadd.s32 $0xFFFFD800  }
0x79: {  	s12 =	sadd.s32 s15, s14  }
0x7a: {  	s12 =	sshrl.u32 s12, $0x3  }
0x7b: {  	s23 =	sadd.s32 s6, s12  }
0x7c: {  	[tilespmem:s17], [sflag:$0x2] =	stream.linear.gather [hbm4b:s23+s2], $0x50, $0x38;
	[tilespmem:$0xA200] =	vst v63  }
.Ltmp9:
0x7d: {  	s12 =	sadd.s32 s7, s12;
	(pc) =	sbr.rel .LBB2_11-.Ltmp9, $4  }
0x7e: {  	[tilespmem:s18], [sflag:$0x4] =	stream.linear.gather [hbm4b:s12+s2], $0x50, $0x38;
	[tilespmem:$0xA200] =	vst v63  }
0x7f: {  	_ =	swait.ge [sflag:s1], $0x2800  }
0x80: {  	[sflag:s1] =	ssyncset.done $0x0  }
0x81: {  	[sflag:s1] =	ssyncadd.s32 $0xFFFFD800  }
.LBB2_10:
.Ltmp10:
0x82: {  	(pc) =	sbr.rel @p0 .LBB2_12-.Ltmp10, $4  }
0x83: {  	_ = 	snop  }
0x84: {  	_ =	swait.ge [sflag:s1], $0x2800  }
0x85: {  	[sflag:s1] =	ssyncset.done $0x0  }
0x86: {  	[sflag:s1] =	ssyncadd.s32 $0xFFFFD800  }
.LBB2_11:
0x87: {  	_ =	swait.ge [sflag:s19], $0x50  }
0x88: {  	[sflag:s19] =	ssyncset.done $0x0  }
0x89: {  	[sflag:s19] =	ssyncadd.s32 $0xFFFFFFB0  }
0x8a: {  	_ =	swait.ge [sflag:s20], $0x50  }
0x8b: {  	[sflag:s20] =	ssyncset.done $0x0  }
0x8c: {  	[sflag:s20] =	ssyncadd.s32 $0xFFFFFFB0  }
0x8d: {  	[tilespmem:s22], [sflag:$0x5] =	stream.indirect.gather [hbm4b:s3+s21], $0x80, s2, s21, $0xb8;
	[tilespmem:$0xA200] =	vst v63  }
0x8e: {  	s12 =	simm.s32 $0x5200  }
0x8f: {  	[tilespmem:s12], [sflag:$0x7] =	stream.indirect.gather [hbm4b:s4+s21], $0x80, s16, s21, $0xb8;
	[tilespmem:$0xA200] =	vst v63  }
.LBB2_12:
0x90: {  	s12 =	simm.s32 $0x0  }
0x91: {  	v7 =	vld [tilespmem:s12+$0x7A00]  }
0x92: {  	v11 =	vld [tilespmem:s12+$0x7A10]  }
0x93: {  	v5 =	vld [tilespmem:s12+$0x7A20]  }
0x94: {  	v4 =	vld [tilespmem:s12+$0x7A30]  }
0x95: {  	v3 =	vld [tilespmem:s12+$0x7A40]  }
0x96: {  	v2 =	vld [tilespmem:s12+$0x7A50]  }
0x97: {  	v1 =	vld [tilespmem:s12+$0x7A60]  }
0x98: {  	v0 =	vld [tilespmem:s12+$0x7A70]  }
0x99: {  	v12 =	vld [tilespmem:s12+$0x2A00]  }
0x9a: {  	v13 =	vld [tilespmem:s12+$0x2A10]  }
0x9b: {  	v10 =	vld [tilespmem:s12+$0x2A20]  }
0x9c: {  	v9 =	vld [tilespmem:s12+$0x2A30]  }
0x9d: {  	v8 =	vld [tilespmem:s12+$0x2A40]  }
0x9e: {  	v6 =	vld [tilespmem:s12+$0x2A50];
	v12 =	vadd.f32 v7, v12  }
0x9f: {  	s15 =	simm.s32 $0x200;
	v11 =	vadd.f32 v11, v13;
	v7 =	vld [tilespmem:s12+$0x2A60]  }
.LBB2_13:
0xa0: {  	s23 =	sshra.s32 s15, $0x2;
	p0 =	sne.s32 s15, $0x9E00;
	[tilespmem:s12+$0x2A00] =	vst v12;
	v5 =	vadd.f32 v5, v10;
	v10 =	vld [tilespmem:s12+$0x2A70]  }
0xa1: {  	v12 =	vld [tilespmem:s23+$0x7A00];
	[tilespmem:s12+$0x2A10] =	vst v11;
	v4 =	vadd.f32 v4, v9  }
0xa2: {  	v11 =	vld [tilespmem:s23+$0x7A10];
	[tilespmem:s12+$0x2A20] =	vst v5;
	v3 =	vadd.f32 v3, v8  }
0xa3: {  	v5 =	vld [tilespmem:s23+$0x7A20];
	[tilespmem:s12+$0x2A30] =	vst v4;
	v2 =	vadd.f32 v2, v6  }
0xa4: {  	v4 =	vld [tilespmem:s23+$0x7A30];
	[tilespmem:s12+$0x2A40] =	vst v3;
	v1 =	vadd.f32 v1, v7  }
0xa5: {  	v3 =	vld [tilespmem:s23+$0x7A40];
	[tilespmem:s12+$0x2A50] =	vst v2;
	v0 =	vadd.f32 v0, v10  }
0xa6: {  	v2 =	vld [tilespmem:s23+$0x7A50];
	[tilespmem:s12+$0x2A60] =	vst v1  }
0xa7: {  	v1 =	vld [tilespmem:s23+$0x7A60];
	[tilespmem:s12+$0x2A70] =	vst v0;
	s12 =	smov.u32 s23  }
0xa8: {  	v0 =	vld [tilespmem:s12+$0x7A70]  }
0xa9: {  	v6 =	vld [tilespmem:s12+$0x2A00]  }
0xaa: {  	v7 =	vld [tilespmem:s12+$0x2A10]  }
.Ltmp11:
0xab: {  	v10 =	vld [tilespmem:s12+$0x2A20];
	(pc) =	sbr.rel @p0 .LBB2_13-.Ltmp11, $4  }
0xac: {  	v9 =	vld [tilespmem:s12+$0x2A30]  }
0xad: {  	v8 =	vld [tilespmem:s12+$0x2A40]  }
0xae: {  	v12 =	vadd.f32 v12, v6;
	v6 =	vld [tilespmem:s12+$0x2A50]  }
0xaf: {  	s15 =	sadd.s32 $0x200, s15;
	v11 =	vadd.f32 v11, v7;
	v7 =	vld [tilespmem:s12+$0x2A60]  }
0xb0: {  	[tilespmem:s12+$0x2A00] =	vst v12;
	v5 =	vadd.f32 v5, v10;
	v63 =	vld [tilespmem:s12+$0x2A70]  }
0xb1: {  	[tilespmem:s12+$0x2A10] =	vst v11;
	v4 =	vadd.f32 v4, v9  }
0xb2: {  	[tilespmem:s12+$0x2A20] =	vst v5;
	v3 =	vadd.f32 v3, v8  }
0xb3: {  	[tilespmem:s12+$0x2A30] =	vst v4;
	v2 =	vadd.f32 v2, v6  }
.Ltmp12:
0xb4: {  	[tilespmem:s12+$0x2A40] =	vst v3;
	v1 =	vadd.f32 v1, v7;
	(pc) =	sbr.rel .LBB2_15-.Ltmp12, $4  }
0xb5: {  	s11 =	sadd.s32 s5, s11;
	[tilespmem:s12+$0x2A50] =	vst v2;
	v0 =	vadd.f32 v0, v63  }
0xb6: {  	s11 =	sshll.u32 s11, $0x4;
	[tilespmem:s12+$0x2A60] =	vst v1  }
0xb7: {  	s11 =	sadd.s32 s8, s11;
	[tilespmem:s12+$0x2A70] =	vst v0  }
0xb8: {  	[hbm4b:s11+s2] =	stream.linear.scatter [tilespmem:s29], [sflag:$0xA], $0x2800, $0x38;
	[tilespmem:$0xA200] =	vst v63  }
.LBB2_17:
0xb9: {  	_ =	sfence.sel $0x180000  }
0xba: {  	[bflag:$0x0] =	sbarrier.arrive $0xFFFF  }
0xbb: {  	_ =	strace $0x90000050  }
0xbc: {  	s0 =	stileid.u32;
	[bflag:$0x2] =	sbarrier.arrive $0xFFFF  }
0xbd: {  	p0 =	sne.s32 s0, $0x0;
	s0 =	rddreg [dreg:$0x1]  }
0xbe: {  	s0 =	sadd.s32 @!p0 $0x100000, s0  }
0xbf: {  	[sflag:s0] =	ssyncadd.tile.s32 @!p0 $0x1;
	_ =	shalt  }
.Lfunc_end2:
_tile_overlayer_lowered:
.L_overlay_start_2:
0xc0: {  	(tag) =	ssettag $0x2  }
0xc1: {  	s0 =	rddreg [dreg:$0x0];
	s2 =	stileid.u32  }
0xc2: {  	s1 =	rddreg [dreg:$0x1];
	p0 =	sne.s32 s2, $0x0  }
0xc3: {  	s3 =	rddreg [dreg:$0x2];
	[bflag:$0x3] =	sbarrier.arrive $0xFFFF;
	s2 =	simm.s32 @!p0 $0x1C0B  }
0xc4: {  	[timem:s3], [sflag:s2] =	dma.local @!p0 [hbm:s0], s1  }
0xc5: {  	s0 =	simm.s32 @!p0 $0xB  }
0xc6: {  	_ =	swait.ge @!p0 [sflag:s0], s1  }
0xc7: {  	s1 =	ssub.s32 @!p0 $0x0, s1;
	[sflag:s0] =	ssyncset.done @!p0 $0x0  }
0xc8: {  	[sflag:s0] =	ssyncadd.s32 @!p0 s1  }
0xc9: {  	[bflag:$0x3] =	sbarrier.arrive $0xFFFF  }
0xca: {  	_ =	shalt  }

// kernel: kernel.27.cloned.1.call-start
scs
__scs_entry_jumppad:
0x0: {  	(pc) =	sbr.rel $0x88, $3  }
0x1: {  	(tag) =	ssettag $0x0;
	lr =	simm.s32 $0x1  }
0x2: {  	[smem:$0x3F9D] =	sst lr;
	_ =	strace $0xD0000000  }
0x3: {  	_ = 	snop  }
0x4: {  	_ = 	snop  }
0x5: {  	_ = 	snop  }
0x6: {  	_ = 	snop  }
0x7: {  	_ = 	snop  }
__scs_overlays_trampoline_lowered:
0x8: {  	[smem:$0x3FAC] =	sst s0  }
0x9: {  	[smem:$0x3FAD] =	sst s1  }
0xa: {  	[smem:$0x3FAE] =	sst s2  }
0xb: {  	[smem:$0x3FAF] =	sst s3  }
0xc: {  	[smem:$0x3FB0] =	sst s4  }
0xd: {  	[smem:$0x3FB1] =	sst s5  }
0xe: {  	[smem:$0x3FB2] =	sst s6  }
0xf: {  	[smem:$0x3FB3] =	sst s7  }
0x10: {  	[smem:$0x3FB4] =	sst s8  }
0x11: {  	[smem:$0x3FB5] =	sst s9;
	s0 =	simm.s32 @!p0 $0x0  }
0x12: {  	s1 =	sld [smem:$0x3F9B];
	s0 =	simm.s32 @p0 $0x1  }
0x13: {  	[smem:$0x3FB6] =	sst s0;
	s0 =	simm.s32 @!p1 $0x0  }
0x14: {  	s2 =	sld [smem:$0x3F9A];
	s0 =	simm.s32 @p1 $0x1  }
0x15: {  	[smem:$0x3FB7] =	sst s0;
	s0 =	simm.s32 @!p2 $0x0  }
0x16: {  	s3 =	sld [smem:$0x3FDB];
	s0 =	simm.s32 @p2 $0x1  }
0x17: {  	s4 =	simm.s32 $0x1BF5;
	[smem:$0x3FB9] =	sst s0  }
0x18: {  	s0 =	sld [smem:$0x3F9C];
	_ =	swait.ge [sflag:s4], $0x0  }
0x19: {  	s7 =	sld [smem:$0x3F9D]  }
0x1a: {  	s8 =	sadd.s32 $0xFFFFE003, lr  }
0x1b: {  	s9 =	sadd.s32 $0xFFFFFEF7, lr;
	s5 =	simm.s32 $0xFFFFFFFF;
	p2 =	slt.u32 s8, $0xFFFFF086  }
0x1c: {  	p1 =	slt.u32 s9, $0xF7A;
	s5 =	simm.s32 @!p2 $0x0  }
0x1d: {  	s5 =	simm.s32 @p1 $0x1;
	p0 =	seq.s32 s7, s2  }
0x1e: {  	s7 =	smul.u32 @!p0 $0xF7A, s2;
	p2 =	seq.s32 @!p0 s5, $0x0  }
0x1f: {  	s9 =	smul.u32 $0xF7A, s1;
	s8 =	simm.s32 @!p0 $0x1BF5;
	p2 =	por !p2, p0  }
0x20: {  	[sflag:s8] =	ssyncset.s32 @!p0 $0xFFFFF086;
	s6 =	sadd.s32 @!p0 s3, s7;
	s7 =	simm.s32 @!p0 $0x108  }
0x21: {  	s3 =	sadd.s32 s3, s9;
	s6 =	sadd.s32 @!p0 $0x88, s6;
	s7 =	simm.s32 @p2 $0x1082  }
0x22: {  	[simem:s7], [sflag:s8] =	dma.local @!p0 [hbm:s6], $0xF7A  }
0x23: {  	s9 =	sor.u32 $0xD0000000, s2;
	s6 =	simm.s32 $0x108;
	_ =	swait.ge @!p0 [sflag:s8], $0x0  }
0x24: {  	s3 =	sadd.s32 $0x88, s3;
	s6 =	simm.s32 @!p1 $0x1082;
	[sflag:s4] =	ssyncset.s32 $0xFFFFF086  }
0x25: {  	[simem:s6], [sflag:s4] =	dma.local [hbm:s3], $0xF7A  }
0x26: {  	[smem:$0x3F9D] =	sst s1;
	(tag) =	ssettag s2;
	_ =	strace s9  }
0x27: {  	s1 =	sld [smem:$0x3FAD]  }
0x28: {  	s2 =	sld [smem:$0x3FAE]  }
0x29: {  	s4 =	sld [smem:$0x3FB0]  }
0x2a: {  	p0 =	seq.s32 s5, $0x0;
	s5 =	sld [smem:$0x3FB1]  }
0x2b: {  	s6 =	sld [smem:$0x3FB2]  }
0x2c: {  	s7 =	sld [smem:$0x3FB3]  }
0x2d: {  	s3 =	simm.s32 $0x108;
	s8 =	sld [smem:$0x3FB4]  }
0x2e: {  	s3 =	simm.s32 @!p0 $0x1082;
	s9 =	sld [smem:$0x3FB5]  }
0x2f: {  	lr =	sadd.s32 s0, s3;
	s0 =	sld [smem:$0x3FAC]  }
0x30: {  	s3 =	sld [smem:$0x3FAF]  }
0x31: {  	[smem:$0x3FB8] =	sst s10  }
0x32: {  	s10 =	sld [smem:$0x3FB6];
	_ =	sdelay $0x3  }
0x33: {  	p0 =	seq.s32 s10, $0x1;
	s10 =	sld [smem:$0x3FB8];
	_ =	sdelay $0x3  }
0x34: {  	[smem:$0x3FB8] =	sst s10  }
0x35: {  	s10 =	sld [smem:$0x3FB7];
	_ =	sdelay $0x3  }
0x36: {  	p1 =	seq.s32 s10, $0x1;
	s10 =	sld [smem:$0x3FB8];
	_ =	sdelay $0x3  }
0x37: {  	[smem:$0x3FB8] =	sst s10  }
0x38: {  	s10 =	sld [smem:$0x3FB9]  }
0x39: {  	_ = 	snop;
	(pc) =	sbr.ind lr, $3  }
0x3a: {  	_ = 	snop  }
0x3b: {  	_ = 	snop  }
0x3c: {  	p2 =	seq.s32 s10, $0x1;
	s10 =	sld [smem:$0x3FB8]  }
0x3d: {  	_ =	shalt  }
0x3e: {  	_ =	shalt  }
0x3f: {  	_ =	shalt  }
0x40: {  	_ =	shalt  }
0x41: {  	_ =	shalt  }
0x42: {  	_ =	shalt  }
0x43: {  	_ =	shalt  }
0x44: {  	_ =	shalt  }
0x45: {  	_ =	shalt  }
0x46: {  	_ =	shalt  }
0x47: {  	_ =	shalt  }
0x48: {  	_ =	shalt  }
0x49: {  	_ =	shalt  }
0x4a: {  	_ =	shalt  }
0x4b: {  	_ =	shalt  }
0x4c: {  	_ =	shalt  }
0x4d: {  	_ =	shalt  }
0x4e: {  	_ =	shalt  }
0x4f: {  	_ =	shalt  }
0x50: {  	_ =	shalt  }
0x51: {  	_ =	shalt  }
0x52: {  	_ =	shalt  }
0x53: {  	_ =	shalt  }
0x54: {  	_ =	shalt  }
0x55: {  	_ =	shalt  }
0x56: {  	_ =	shalt  }
0x57: {  	_ =	shalt  }
0x58: {  	_ =	shalt  }
0x59: {  	_ =	shalt  }
0x5a: {  	_ =	shalt  }
0x5b: {  	_ =	shalt  }
0x5c: {  	_ =	shalt  }
0x5d: {  	_ =	shalt  }
0x5e: {  	_ =	shalt  }
0x5f: {  	_ =	shalt  }
0x60: {  	_ =	shalt  }
0x61: {  	_ =	shalt  }
0x62: {  	_ =	shalt  }
0x63: {  	_ =	shalt  }
0x64: {  	_ =	shalt  }
0x65: {  	_ =	shalt  }
0x66: {  	_ =	shalt  }
0x67: {  	_ =	shalt  }
0x68: {  	_ =	shalt  }
0x69: {  	_ =	shalt  }
0x6a: {  	_ =	shalt  }
0x6b: {  	_ =	shalt  }
0x6c: {  	_ =	shalt  }
0x6d: {  	_ =	shalt  }
0x6e: {  	_ =	shalt  }
0x6f: {  	_ =	shalt  }
0x70: {  	_ =	shalt  }
0x71: {  	_ =	shalt  }
0x72: {  	_ =	shalt  }
0x73: {  	_ =	shalt  }
0x74: {  	_ =	shalt  }
0x75: {  	_ =	shalt  }
0x76: {  	_ =	shalt  }
0x77: {  	_ =	shalt  }
0x78: {  	_ =	shalt  }
0x79: {  	_ =	shalt  }
0x7a: {  	_ =	shalt  }
0x7b: {  	_ =	shalt  }
0x7c: {  	_ =	shalt  }
0x7d: {  	_ =	shalt  }
0x7e: {  	_ =	shalt  }
0x7f: {  	_ =	shalt  }
0x80: {  	_ =	shalt  }
0x81: {  	_ =	shalt  }
0x82: {  	_ =	shalt  }
0x83: {  	_ =	shalt  }
0x84: {  	_ =	shalt  }
0x85: {  	_ =	shalt  }
0x86: {  	_ =	shalt  }
0x87: {  	_ =	shalt  }
.Lfunc_end0:
.L_simem_size_0:
called_computation.4_lowered:
.L_overlay_start_0:
0x88: {  	s2 =	sld [smem:$0x3FD9]  }
0x89: {  	s3 =	sld [smem:$0x3FFE];
	_ =	sdelay $0x1  }
0x8a: {  	s1 =	srdreg.scid  }
0x8b: {  	s0 =	sand.u32 $0x1, s1  }
0x8c: {  	s17 =	sshll.u32 s0, $0xA;
	s2 =	sadd.s32 s3, s2  }
0x8d: {  	s2 =	sadd.s32 s2, s17  }
0x8e: {  	[smem:$0x3FC4] =	sst s2  }
0x8f: {  	_ = 	snop  }
0x90: {  	(tm) =	ssettm $0x1  }
0x91: {  	s18 =	sld [smem:$0x3FFB];
	_ =	sdelay $0x3  }
0x92: {  	_ =	strace s18  }
0x93: {  	s2 =	sld [smem:$0x3FFC];
	_ =	sdelay $0x3  }
0x94: {  	_ =	strace s2  }
0x95: {  	s2 =	sld [smem:$0x3FFD];
	_ =	sdelay $0x3  }
0x96: {  	_ =	strace s2  }
0x97: {  	_ =	strace $0x8FFFFFFF  }
0x98: {  	s19 =	sld [smem:$0x3FDB];
	_ =	sdelay $0x1  }
0x99: {  	s20 =	simm.s32 $_scs_section_size  }
0x9a: {  	s4 =	simm.s32 $_size__tile_overlayer_lowered;
	s5 =	simm.s32 $_tile_overlayer_lowered  }
0x9b: {  	s6 =	simm.s32 $0x1BFF;
	s21 =	sshll.u32 s5, $0x1;
	s3 =	sadd.s32 s20, s19  }
0x9c: {  	s22 =	simm.s32 $0x0;
	s4 =	sshll.u32 s4, $0x1;
	s5 =	sadd.s32 s21, s3  }
0x9d: {  	[timem:s22], [sflag:s6] =	dma.local [hbm:s5], s4  }
0x9e: {  	_ =	swait.ge [sflag:s6], s4  }
0x9f: {  	s4 =	ssub.s32 $0x0, s4;
	[sflag:s6] =	ssyncset.done $0x0  }
0xa0: {  	[sflag:s6] =	ssyncadd.s32 s4;
	_ =	sdelay $0x1  }
0xa1: {  	s23 =	simm.s32 $0x1B8B  }
0xa2: {  	_ =	swait.ge [sflag:s23], $0x1  }
0xa3: {  	[sflag:s23] =	ssyncset.done $0x0  }
0xa4: {  	[sflag:s23] =	ssyncadd.s32 $0xFFFFFFFF  }
0xa5: {  	s4 =	sld [smem:$0x0]  }
0xa6: {  	s5 =	sand.u32 $0xFFFFFFFE, s1  }
0xa7: {  	p0 =	sne.s32 s1, s5  }
0xa8: {  	s5 =	sshll.u32 @p0 s5, $0xE  }
0xa9: {  	s5 =	sadd.s32 @p0 $0x11B8D, s5;
	s6 =	sshll.u32 @p0 s4, $0x11  }
0xaa: {  	s5 =	sor.u32 @p0 s6, s5  }
0xab: {  	[sflag:s5] =	ssyncadd.remote.s32 @p0 $0x1;
	_ =	sdelay $0x1  }
0xac: {  	s5 =	simm.s32 @p0 $0x1B8D  }
0xad: {  	_ =	swait.eq @p0 [sflag:s5], $0x1  }
0xae: {  	[sflag:s5] =	ssyncadd.s32 @p0 $0xFFFFFFFF  }
0xaf: {  	s6 =	sshll.u32 @!p0 s1, $0xE  }
0xb0: {  	s6 =	sor.u32 @!p0 $0x4000, s6;
	s5 =	simm.s32 @!p0 $0x1B8D  }
0xb1: {  	s4 =	sshll.u32 @!p0 s4, $0x11;
	s6 =	sadd.s32 @!p0 $0x11B8D, s6;
	_ =	swait.eq @!p0 [sflag:s5], $0x1  }
0xb2: {  	s4 =	sor.u32 @!p0 s4, s6;
	[sflag:s5] =	ssyncadd.s32 @!p0 $0xFFFFFFFF  }
0xb3: {  	s25 =	simm.s32 $0x1B8E;
	s24 =	sld [smem:$0x3FFE];
	[sflag:s4] =	ssyncadd.remote.s32 @!p0 $0x1  }
0xb4: {  	s26 =	simm.s32 $execute0_lowered;
	[smem:$0x3FD2] =	sst s25  }
0xb5: {  	s5 =	sshll.u32 s26, $0x1;
	_ =	strace $0x80000052;
	[dreg:$0x1] =	wrdreg $0xFFFFFFFF  }
0xb6: {  	s28 =	simm.s32 $_size_execute0_lowered;
	s3 =	sadd.s32 s3, s5;
	[dreg:$0x0] =	wrdreg $0x0  }
0xb7: {  	s5 =	sshll.u32 s28, $0x1;
	[dreg:$0x2] =	wrdreg s3  }
0xb8: {  	[dreg:$0x3] =	wrdreg s5  }
0xb9: {  	[dreg:$0x4] =	wrdreg $0xC0  }
0xba: {  	_ =	task [dreg:s22], $0x5FFFF  }
0xbb: {  	[dreg:$0x1] =	wrdreg $0xFFFFFFFF  }
0xbc: {  	[dreg:$0x0] =	wrdreg $0x60  }
0xbd: {  	[dreg:$0x2] =	wrdreg s24  }
0xbe: {  	[dreg:$0x3] =	wrdreg $0xD  }
0xbf: {  	_ =	task.clear_ibuf [dreg:s22], $0x4FFFF;
	_ =	strace $0x90000052  }
0xc0: {  	s29 =	simm.s32 $0xD;
	_ =	strace $0x80000054  }
0xc1: {  	_ =	swait.ge [sflag:s29], $0x1  }
0xc2: {  	[sflag:s29] =	ssyncadd.s32 $0xFFFFFFFF  }
0xc3: {  	_ =	strace $0x90000054  }
0xc4: {  	_ =	sfence  }
0xc5: {  	s30 =	sld [smem:$0x0];
	_ =	sdelay $0x2  }
0xc6: {  	s31 =	sshll.u32 s1, $0xD;
	s1 =	sshrl.u32 s1, $0x2  }
0xc7: {  	s4 =	sand.u32 $0x4000, s31;
	s1 =	sadd.s32 s1, s30  }
0xc8: {  	s0 =	sor.u32 s4, s0;
	s1 =	sshll.u32 s1, $0x11  }
0xc9: {  	s0 =	sor.u32 s1, s0  }
0xca: {  	s0 =	sadd.s32 $0x8F2B, s0  }
0xcb: {  	[sflag:s0] =	ssyncadd.remote.s32 $0x1  }
0xcc: {  	_ =	sfence.sel $0xFFFF  }
0xcd: {  	[dreg:$0x0] =	wrdreg $0xFFFFFFFF;
	(pc) =	sbr.abs _section_cstart, $3  }
0xce: {  	[dreg:$0x1] =	wrdreg $0xFFFFFFFF  }
0xcf: {  	_ =	task.clear_ibuf [dreg:s22], $0x2FFFF;
	_ =	strace $0x9FFFFFFF  }
0xd0: {  	(tm) =	ssettm $0x7FFFFFFF  }
0xd1: {  	_ =	shalt  }
tec
execute0_lowered:
.L_overlay_start_1:
0x0: {  	(tag) =	ssettag $0x1  }
0x1: {  	s0 =	rddreg [dreg:$0x0];
	s2 =	simm.s32 $0x0  }
0x2: {  	s1 =	srdreg.scid;
	s3 =	stileid.u32;
	s16 =	simm.s32 $0x100  }
0x3: {  	s17 =	simm.s32 $0x80;
	s18 =	simm.s32 $0x180;
	s19 =	simm.s32 $0x1  }
0x4: {  	s20 =	simm.s32 $0x3;
	s21 =	simm.s32 $0x50;
	s22 =	simm.s32 $0x200  }
0x5: {  	s28 =	simm.s32 $0x4;
	s29 =	simm.s32 $0x2A00;
	s30 =	simm.s32 $0x7A00  }
0x6: {  	s31 =	simm.s32 $0x6;
	[smem:$0x7FF] =	sst s2;
	s1 =	sand.u32 $0x1, s1  }
0x7: {  	s3 =	sshll.u32 s3, $0x1;
	s4 =	sadd.s32 $0x2A200, s0;
	s6 =	sadd.s32 $0x126800, s0  }
0x8: {  	s7 =	sadd.s32 $0x124800, s0;
	s5 =	sor.u32 s1, s3;
	s1 =	ssub.s32 $0x2, s1  }
0x9: {  	s8 =	sadd.s32 $0x320800, s0;
	s5 =	smul.u32 $0x7D0, s5;
	s23 =	sshrl.u32 s1, $0x1  }
0xa: {  	_ =	strace $0x80000053;
	s3 =	sadd.s32 $0x3000, s0;
	s0 =	ssub.s32 s1, s23  }
0xb: {  	s9 =	sshrl.u32 s5, $0x3;
	s13 =	sadd.s32 $0xA0, s5;
	s0 =	smax.u32 s0, $0x1  }
0xc: {  	s24 =	sadd.s32 s6, s9;
	s25 =	sadd.s32 $0xA, s9;
	[dreg:$0x6] =	wrdreg s0  }
.Ltmp0:
0xd: {  	s9 =	sadd.s32 s7, s9;
	[dreg:$0x2] =	wrdreg s24;
	(pc) =	sbr.rel .LBB2_1-.Ltmp0, $4  }
0xe: {  	s14 =	sadd.s32 $0xF0, s5;
	s0 =	simm.s32 $0x8;
	[dreg:$0x3] =	wrdreg s9  }
0xf: {  	s26 =	sadd.s32 s6, s25;
	s1 =	sadd.s32 s7, s25;
	s24 =	simm.s32 $0x5  }
0x10: {  	s25 =	simm.s32 $0x7;
	s9 =	simm.s32 $0x0;
	[dreg:$0x4] =	wrdreg s26  }
0x11: {  	[dreg:$0x5] =	wrdreg s1;
	s26 =	simm.s32 $0x2;
	s1 =	simm.s32 $0x9  }
.LBB2_16:
0x12: {  	_ =	swait.ge [sflag:s1], $0x2800  }
0x13: {  	s9 =	sadd.s32 $0x1, s9;
	s10 =	rddreg [dreg:$0x6]  }
0x14: {  	p0 =	sne.s32 s9, s10  }
.Ltmp1:
0x15: {  	_ = 	snop;
	(pc) =	sbr.rel @!p0 .LBB2_17-.Ltmp1, $3  }
0x16: {  	_ =	sdelay $0x1  }
0x17: {  	[sflag:s1] =	ssyncset.done $0x0  }
0x18: {  	[sflag:s1] =	ssyncadd.s32 $0xFFFFD800  }
.LBB2_1:
0x19: {  	s10 =	rddreg [dreg:$0x2]  }
0x1a: {  	[tilespmem:s2], [sflag:$0x1] =	stream.linear.gather [hbm4b:s10+s2], $0x50, $0x38;
	[tilespmem:$0xA200] =	vst v63  }
0x1b: {  	s11 =	rddreg [dreg:$0x3]  }
0x1c: {  	[tilespmem:s16], [sflag:$0x3] =	stream.linear.gather [hbm4b:s11+s2], $0x50, $0x38;
	[tilespmem:$0xA200] =	vst v63  }
0x1d: {  	s12 =	rddreg [dreg:$0x4]  }
0x1e: {  	[tilespmem:s17], [sflag:$0x2] =	stream.linear.gather [hbm4b:s12+s2], $0x50, $0x38;
	[tilespmem:$0xA200] =	vst v63  }
0x1f: {  	s15 =	rddreg [dreg:$0x5]  }
0x20: {  	[tilespmem:s18], [sflag:$0x4] =	stream.linear.gather [hbm4b:s15+s2], $0x50, $0x38;
	[tilespmem:$0xA200] =	vst v63  }
0x21: {  	_ =	swait.ge [sflag:s19], $0x50  }
0x22: {  	[sflag:s19] =	ssyncset.done $0x0  }
0x23: {  	[sflag:s19] =	ssyncadd.s32 $0xFFFFFFB0  }
0x24: {  	_ =	swait.ge [sflag:s20], $0x50  }
.Ltmp2:
0x25: {  	[sflag:s20] =	ssyncset.done $0x0;
	(pc) =	sbr.rel .LBB2_2-.Ltmp2, $4  }
0x26: {  	[sflag:s20] =	ssyncadd.s32 $0xFFFFFFB0  }
0x27: {  	[tilespmem:s22], [sflag:$0x5] =	stream.indirect.gather [hbm4b:s3+s21], $0x80, s2, s21, $0xb8;
	[tilespmem:$0xA200] =	vst v63  }
0x28: {  	s23 =	simm.s32 $0x5200;
	s10 =	simm.s32 $0x0  }
0x29: {  	[tilespmem:s23], [sflag:$0x7] =	stream.indirect.gather [hbm4b:s4+s21], $0x80, s16, s21, $0xb8;
	[tilespmem:$0xA200] =	vst v63  }
.LBB2_15:
0x2a: {  	s10 =	sadd.s32 $0x1, s10  }
0x2b: {  	p0 =	sne.s32 s10, $0xD  }
.Ltmp3:
0x2c: {  	_ = 	snop;
	(pc) =	sbr.rel @!p0 .LBB2_16-.Ltmp3, $1  }
0x2d: {  	_ =	sdelay $0x3  }
.LBB2_2:
0x2e: {  	_ =	swait.ge [sflag:s24], $0x2800;
	p0 =	seq.s32 s10, $0xC  }
0x2f: {  	[sflag:s24] =	ssyncset.done $0x0;
	s11 =	smul.u32 @!p0 $0xA0, s10  }
0x30: {  	[sflag:s24] =	ssyncadd.s32 $0xFFFFD800  }
0x31: {  	_ =	swait.ge [sflag:s25], $0x2800;
	s11 =	sadd.s32 @!p0 s11, s13  }
0x32: {  	[sflag:s25] =	ssyncset.done $0x0;
	s11 =	sshrl.u32 @!p0 s11, $0x3  }
0x33: {  	s15 =	simm.s32 @!p0 $0x0;
	[sflag:s25] =	ssyncadd.s32 $0xFFFFD800;
	s12 =	sadd.s32 @!p0 s6, s11  }
0x34: {  	[tilespmem:s15], [sflag:$0x1] =	stream.linear.gather @!p0 [hbm4b:s12+s15], $0x50, $0x38;
	[tilespmem:$0xA200] =	vst v63  }
0x35: {  	p1 =	seq.s32 @!p0 s10, $0x0;
	s11 =	sadd.s32 @!p0 s7, s11;
	s12 =	simm.s32 @!p0 $0x100  }
0x36: {  	[tilespmem:s12], [sflag:$0x3] =	stream.linear.gather @!p0 [hbm4b:s11+s15], $0x50, $0x38;
	[tilespmem:$0xA200] =	vst v63  }
0x37: {  	p1 =	por p0, !p1;
	s11 =	sshll.u32 s10, $0x1  }
0x38: {  	s11 =	sor.u32 @p1 $0x1, s11  }
0x39: {  	p2 =	sgt.u32 @p1 s11, $0x18  }
0x3a: {  	p2 =	por !p1, !p2  }
.Ltmp4:
0x3b: {  	_ = 	snop;
	(pc) =	sbr.rel @!p2 .LBB2_3-.Ltmp4, $4  }
0x3c: {  	s12 =	simm.s32 @p1 $0xA  }
0x3d: {  	_ =	swait.ge @p1 [sflag:s12], $0x2800  }
0x3e: {  	[sflag:s12] =	ssyncset.done @p1 $0x0  }
0x3f: {  	[sflag:s12] =	ssyncadd.s32 @p1 $0xFFFFD800  }
0x40: {  	_ =	swait.ge [sflag:s26], $0x50  }
0x41: {  	[sflag:s26] =	ssyncset.done $0x0  }
0x42: {  	[sflag:s26] =	ssyncadd.s32 $0xFFFFFFB0  }
0x43: {  	_ =	swait.ge [sflag:s28], $0x50  }
.Ltmp5:
0x44: {  	[sflag:s28] =	ssyncset.done $0x0;
	(pc) =	sbr.rel .LBB2_5-.Ltmp5, $4  }
0x45: {  	s11 =	simm.s32 @!p1 $0x1;
	[sflag:s28] =	ssyncadd.s32 $0xFFFFFFB0  }
0x46: {  	[tilespmem:s29], [sflag:$0x6] =	stream.indirect.gather [hbm4b:s3+s21], $0x80, s17, s21, $0xb8;
	[tilespmem:$0xA200] =	vst v63  }
0x47: {  	p1 =	por $0x1, $0x1;
	s11 =	smul.u32 $0x50, s11  }
0x48: {  	[tilespmem:s30], [sflag:$0x8] =	stream.indirect.gather [hbm4b:s4+s21], $0x80, s18, s21, $0xb8;
	[tilespmem:$0xA200] =	vst v63  }
.LBB2_3:
0x49: {  	s11 =	simm.s32 @p1 $0x7D0;
	p1 =	por @p1 $0x0, $0x0  }
.LBB2_5:
0x4a: {  	s12 =	simm.s32 $0x0  }
0x4b: {  	v6 =	vld [tilespmem:s12+$0x5200]  }
0x4c: {  	v11 =	vld [tilespmem:s12+$0x5210]  }
0x4d: {  	v5 =	vld [tilespmem:s12+$0x5220]  }
0x4e: {  	v4 =	vld [tilespmem:s12+$0x5230]  }
0x4f: {  	v3 =	vld [tilespmem:s12+$0x5240]  }
0x50: {  	v2 =	vld [tilespmem:s12+$0x5250]  }
0x51: {  	v1 =	vld [tilespmem:s12+$0x5260]  }
0x52: {  	v0 =	vld [tilespmem:s12+$0x5270]  }
0x53: {  	v12 =	vld [tilespmem:s12+$0x200]  }
0x54: {  	v13 =	vld [tilespmem:s12+$0x210]  }
0x55: {  	v10 =	vld [tilespmem:s12+$0x220]  }
0x56: {  	v9 =	vld [tilespmem:s12+$0x230]  }
0x57: {  	v8 =	vld [tilespmem:s12+$0x240]  }
0x58: {  	v7 =	vld [tilespmem:s12+$0x250];
	v12 =	vadd.f32 v6, v12  }
0x59: {  	s15 =	simm.s32 $0x200;
	v11 =	vadd.f32 v11, v13;
	v6 =	vld [tilespmem:s12+$0x260]  }
.LBB2_6:
0x5a: {  	s23 =	sshra.s32 s15, $0x2;
	p2 =	sne.s32 s15, $0x9E00;
	[tilespmem:s12+$0x200] =	vst v12;
	v5 =	vadd.f32 v5, v10;
	v10 =	vld [tilespmem:s12+$0x270]  }
0x5b: {  	v12 =	vld [tilespmem:s23+$0x5200];
	[tilespmem:s12+$0x210] =	vst v11;
	v4 =	vadd.f32 v4, v9  }
0x5c: {  	v11 =	vld [tilespmem:s23+$0x5210];
	[tilespmem:s12+$0x220] =	vst v5;
	v3 =	vadd.f32 v3, v8  }
0x5d: {  	v5 =	vld [tilespmem:s23+$0x5220];
	[tilespmem:s12+$0x230] =	vst v4;
	v2 =	vadd.f32 v2, v7  }
0x5e: {  	v4 =	vld [tilespmem:s23+$0x5230];
	[tilespmem:s12+$0x240] =	vst v3;
	v1 =	vadd.f32 v1, v6  }
0x5f: {  	v3 =	vld [tilespmem:s23+$0x5240];
	[tilespmem:s12+$0x250] =	vst v2;
	v0 =	vadd.f32 v0, v10  }
0x60: {  	v2 =	vld [tilespmem:s23+$0x5250];
	[tilespmem:s12+$0x260] =	vst v1  }
0x61: {  	v1 =	vld [tilespmem:s23+$0x5260];
	[tilespmem:s12+$0x270] =	vst v0;
	s12 =	smov.u32 s23  }
0x62: {  	v0 =	vld [tilespmem:s12+$0x5270]  }
0x63: {  	v6 =	vld [tilespmem:s12+$0x200]  }
0x64: {  	v13 =	vld [tilespmem:s12+$0x210]  }
.Ltmp6:
0x65: {  	v10 =	vld [tilespmem:s12+$0x220];
	(pc) =	sbr.rel @p2 .LBB2_6-.Ltmp6, $4  }
0x66: {  	v9 =	vld [tilespmem:s12+$0x230]  }
0x67: {  	v8 =	vld [tilespmem:s12+$0x240]  }
0x68: {  	v12 =	vadd.f32 v12, v6;
	v7 =	vld [tilespmem:s12+$0x250]  }
0x69: {  	s15 =	sadd.s32 $0x200, s15;
	v11 =	vadd.f32 v11, v13;
	v6 =	vld [tilespmem:s12+$0x260]  }
0x6a: {  	[tilespmem:s12+$0x200] =	vst v12;
	v5 =	vadd.f32 v5, v10;
	v63 =	vld [tilespmem:s12+$0x270]  }
0x6b: {  	[tilespmem:s12+$0x210] =	vst v11;
	v4 =	vadd.f32 v4, v9  }
0x6c: {  	[tilespmem:s12+$0x220] =	vst v5;
	v3 =	vadd.f32 v3, v8  }
0x6d: {  	s15 =	smul.u32 $0xA0, s10;
	[tilespmem:s12+$0x230] =	vst v4;
	v2 =	vadd.f32 v2, v7  }
.Ltmp7:
0x6e: {  	[tilespmem:s12+$0x240] =	vst v3;
	v1 =	vadd.f32 v1, v6;
	(pc) =	sbr.rel @!p1 .LBB2_15-.Ltmp7, $4  }
0x6f: {  	s23 =	sadd.s32 s5, s15;
	[tilespmem:s12+$0x250] =	vst v2;
	v0 =	vadd.f32 v0, v63  }
0x70: {  	s23 =	sshll.u32 s23, $0x4;
	[tilespmem:s12+$0x260] =	vst v1  }
0x71: {  	s23 =	sadd.s32 s8, s23;
	[tilespmem:s12+$0x270] =	vst v0  }
0x72: {  	[hbm4b:s23+s2] =	stream.linear.scatter [tilespmem:s22], [sflag:$0x9], $0x2800, $0x38;
	[tilespmem:$0xA200] =	vst v63  }
0x73: {  	_ =	swait.ge [sflag:s31], $0x2800;
	p1 =	sgt.u32 s10, $0xA  }
.Ltmp8:
0x74: {  	[sflag:s31] =	ssyncset.done $0x0;
	(pc) =	sbr.rel @p1 .LBB2_10-.Ltmp8, $4  }
0x75: {  	[sflag:s31] =	ssyncadd.s32 $0xFFFFD800  }
0x76: {  	_ =	swait.ge [sflag:s0], $0x2800  }
0x77: {  	[sflag:s0] =	ssyncset.done $0x0  }
0x78: {  	[sflag:s0] =	ssyncadd.s32 $0xFFFFD800  }
0x79: {  	s12 =	sadd.s32 s15, s14  }
0x7a: {  	s12 =	sshrl.u32 s12, $0x3  }
0x7b: {  	s23 =	sadd.s32 s6, s12  }
0x7c: {  	[tilespmem:s17], [sflag:$0x2] =	stream.linear.gather [hbm4b:s23+s2], $0x50, $0x38;
	[tilespmem:$0xA200] =	vst v63  }
.Ltmp9:
0x7d: {  	s12 =	sadd.s32 s7, s12;
	(pc) =	sbr.rel .LBB2_11-.Ltmp9, $4  }
0x7e: {  	[tilespmem:s18], [sflag:$0x4] =	stream.linear.gather [hbm4b:s12+s2], $0x50, $0x38;
	[tilespmem:$0xA200] =	vst v63  }
0x7f: {  	_ =	swait.ge [sflag:s1], $0x2800  }
0x80: {  	[sflag:s1] =	ssyncset.done $0x0  }
0x81: {  	[sflag:s1] =	ssyncadd.s32 $0xFFFFD800  }
.LBB2_10:
.Ltmp10:
0x82: {  	(pc) =	sbr.rel @p0 .LBB2_12-.Ltmp10, $4  }
0x83: {  	_ = 	snop  }
0x84: {  	_ =	swait.ge [sflag:s1], $0x2800  }
0x85: {  	[sflag:s1] =	ssyncset.done $0x0  }
0x86: {  	[sflag:s1] =	ssyncadd.s32 $0xFFFFD800  }
.LBB2_11:
0x87: {  	_ =	swait.ge [sflag:s19], $0x50  }
0x88: {  	[sflag:s19] =	ssyncset.done $0x0  }
0x89: {  	[sflag:s19] =	ssyncadd.s32 $0xFFFFFFB0  }
0x8a: {  	_ =	swait.ge [sflag:s20], $0x50  }
0x8b: {  	[sflag:s20] =	ssyncset.done $0x0  }
0x8c: {  	[sflag:s20] =	ssyncadd.s32 $0xFFFFFFB0  }
0x8d: {  	[tilespmem:s22], [sflag:$0x5] =	stream.indirect.gather [hbm4b:s3+s21], $0x80, s2, s21, $0xb8;
	[tilespmem:$0xA200] =	vst v63  }
0x8e: {  	s12 =	simm.s32 $0x5200  }
0x8f: {  	[tilespmem:s12], [sflag:$0x7] =	stream.indirect.gather [hbm4b:s4+s21], $0x80, s16, s21, $0xb8;
	[tilespmem:$0xA200] =	vst v63  }
.LBB2_12:
0x90: {  	s12 =	simm.s32 $0x0  }
0x91: {  	v7 =	vld [tilespmem:s12+$0x7A00]  }
0x92: {  	v11 =	vld [tilespmem:s12+$0x7A10]  }
0x93: {  	v5 =	vld [tilespmem:s12+$0x7A20]  }
0x94: {  	v4 =	vld [tilespmem:s12+$0x7A30]  }
0x95: {  	v3 =	vld [tilespmem:s12+$0x7A40]  }
0x96: {  	v2 =	vld [tilespmem:s12+$0x7A50]  }
0x97: {  	v1 =	vld [tilespmem:s12+$0x7A60]  }
0x98: {  	v0 =	vld [tilespmem:s12+$0x7A70]  }
0x99: {  	v12 =	vld [tilespmem:s12+$0x2A00]  }
0x9a: {  	v13 =	vld [tilespmem:s12+$0x2A10]  }
0x9b: {  	v10 =	vld [tilespmem:s12+$0x2A20]  }
0x9c: {  	v9 =	vld [tilespmem:s12+$0x2A30]  }
0x9d: {  	v8 =	vld [tilespmem:s12+$0x2A40]  }
0x9e: {  	v6 =	vld [tilespmem:s12+$0x2A50];
	v12 =	vadd.f32 v7, v12  }
0x9f: {  	s15 =	simm.s32 $0x200;
	v11 =	vadd.f32 v11, v13;
	v7 =	vld [tilespmem:s12+$0x2A60]  }
.LBB2_13:
0xa0: {  	s23 =	sshra.s32 s15, $0x2;
	p0 =	sne.s32 s15, $0x9E00;
	[tilespmem:s12+$0x2A00] =	vst v12;
	v5 =	vadd.f32 v5, v10;
	v10 =	vld [tilespmem:s12+$0x2A70]  }
0xa1: {  	v12 =	vld [tilespmem:s23+$0x7A00];
	[tilespmem:s12+$0x2A10] =	vst v11;
	v4 =	vadd.f32 v4, v9  }
0xa2: {  	v11 =	vld [tilespmem:s23+$0x7A10];
	[tilespmem:s12+$0x2A20] =	vst v5;
	v3 =	vadd.f32 v3, v8  }
0xa3: {  	v5 =	vld [tilespmem:s23+$0x7A20];
	[tilespmem:s12+$0x2A30] =	vst v4;
	v2 =	vadd.f32 v2, v6  }
0xa4: {  	v4 =	vld [tilespmem:s23+$0x7A30];
	[tilespmem:s12+$0x2A40] =	vst v3;
	v1 =	vadd.f32 v1, v7  }
0xa5: {  	v3 =	vld [tilespmem:s23+$0x7A40];
	[tilespmem:s12+$0x2A50] =	vst v2;
	v0 =	vadd.f32 v0, v10  }
0xa6: {  	v2 =	vld [tilespmem:s23+$0x7A50];
	[tilespmem:s12+$0x2A60] =	vst v1  }
0xa7: {  	v1 =	vld [tilespmem:s23+$0x7A60];
	[tilespmem:s12+$0x2A70] =	vst v0;
	s12 =	smov.u32 s23  }
0xa8: {  	v0 =	vld [tilespmem:s12+$0x7A70]  }
0xa9: {  	v6 =	vld [tilespmem:s12+$0x2A00]  }
0xaa: {  	v7 =	vld [tilespmem:s12+$0x2A10]  }
.Ltmp11:
0xab: {  	v10 =	vld [tilespmem:s12+$0x2A20];
	(pc) =	sbr.rel @p0 .LBB2_13-.Ltmp11, $4  }
0xac: {  	v9 =	vld [tilespmem:s12+$0x2A30]  }
0xad: {  	v8 =	vld [tilespmem:s12+$0x2A40]  }
0xae: {  	v12 =	vadd.f32 v12, v6;
	v6 =	vld [tilespmem:s12+$0x2A50]  }
0xaf: {  	s15 =	sadd.s32 $0x200, s15;
	v11 =	vadd.f32 v11, v7;
	v7 =	vld [tilespmem:s12+$0x2A60]  }
0xb0: {  	[tilespmem:s12+$0x2A00] =	vst v12;
	v5 =	vadd.f32 v5, v10;
	v63 =	vld [tilespmem:s12+$0x2A70]  }
0xb1: {  	[tilespmem:s12+$0x2A10] =	vst v11;
	v4 =	vadd.f32 v4, v9  }
0xb2: {  	[tilespmem:s12+$0x2A20] =	vst v5;
	v3 =	vadd.f32 v3, v8  }
0xb3: {  	[tilespmem:s12+$0x2A30] =	vst v4;
	v2 =	vadd.f32 v2, v6  }
.Ltmp12:
0xb4: {  	[tilespmem:s12+$0x2A40] =	vst v3;
	v1 =	vadd.f32 v1, v7;
	(pc) =	sbr.rel .LBB2_15-.Ltmp12, $4  }
0xb5: {  	s11 =	sadd.s32 s5, s11;
	[tilespmem:s12+$0x2A50] =	vst v2;
	v0 =	vadd.f32 v0, v63  }
0xb6: {  	s11 =	sshll.u32 s11, $0x4;
	[tilespmem:s12+$0x2A60] =	vst v1  }
0xb7: {  	s11 =	sadd.s32 s8, s11;
	[tilespmem:s12+$0x2A70] =	vst v0  }
0xb8: {  	[hbm4b:s11+s2] =	stream.linear.scatter [tilespmem:s29], [sflag:$0xA], $0x2800, $0x38;
	[tilespmem:$0xA200] =	vst v63  }
.LBB2_17:
0xb9: {  	_ =	sfence.sel $0x180000  }
0xba: {  	[bflag:$0x0] =	sbarrier.arrive $0xFFFF  }
0xbb: {  	_ =	strace $0x90000053  }
0xbc: {  	s0 =	stileid.u32;
	[bflag:$0x2] =	sbarrier.arrive $0xFFFF  }
0xbd: {  	p0 =	sne.s32 s0, $0x0;
	s0 =	rddreg [dreg:$0x1]  }
0xbe: {  	s0 =	sadd.s32 @!p0 $0x100000, s0  }
0xbf: {  	[sflag:s0] =	ssyncadd.tile.s32 @!p0 $0x1;
	_ =	shalt  }
.Lfunc_end2:
_tile_overlayer_lowered:
.L_overlay_start_2:
0xc0: {  	(tag) =	ssettag $0x2  }
0xc1: {  	s0 =	rddreg [dreg:$0x0];
	s2 =	stileid.u32  }
0xc2: {  	s1 =	rddreg [dreg:$0x1];
	p0 =	sne.s32 s2, $0x0  }
0xc3: {  	s3 =	rddreg [dreg:$0x2];
	[bflag:$0x3] =	sbarrier.arrive $0xFFFF;
	s2 =	simm.s32 @!p0 $0x1C0B  }
0xc4: {  	[timem:s3], [sflag:s2] =	dma.local @!p0 [hbm:s0], s1  }
0xc5: {  	s0 =	simm.s32 @!p0 $0xB  }
0xc6: {  	_ =	swait.ge @!p0 [sflag:s0], s1  }
0xc7: {  	s1 =	ssub.s32 @!p0 $0x0, s1;
	[sflag:s0] =	ssyncset.done @!p0 $0x0  }
0xc8: {  	[sflag:s0] =	ssyncadd.s32 @!p0 s1  }
0xc9: {  	[bflag:$0x3] =	sbarrier.arrive $0xFFFF  }
0xca: {  	_ =	shalt  }

// kernel: kernel.30.cloned.1.call-start
scs
__scs_entry_jumppad:
0x0: {  	(pc) =	sbr.rel $0x88, $3  }
0x1: {  	(tag) =	ssettag $0x0;
	lr =	simm.s32 $0x1  }
0x2: {  	[smem:$0x3F9D] =	sst lr;
	_ =	strace $0xD0000000  }
0x3: {  	_ = 	snop  }
0x4: {  	_ = 	snop  }
0x5: {  	_ = 	snop  }
0x6: {  	_ = 	snop  }
0x7: {  	_ = 	snop  }
__scs_overlays_trampoline_lowered:
0x8: {  	[smem:$0x3FAC] =	sst s0  }
0x9: {  	[smem:$0x3FAD] =	sst s1  }
0xa: {  	[smem:$0x3FAE] =	sst s2  }
0xb: {  	[smem:$0x3FAF] =	sst s3  }
0xc: {  	[smem:$0x3FB0] =	sst s4  }
0xd: {  	[smem:$0x3FB1] =	sst s5  }
0xe: {  	[smem:$0x3FB2] =	sst s6  }
0xf: {  	[smem:$0x3FB3] =	sst s7  }
0x10: {  	[smem:$0x3FB4] =	sst s8  }
0x11: {  	[smem:$0x3FB5] =	sst s9;
	s0 =	simm.s32 @!p0 $0x0  }
0x12: {  	s1 =	sld [smem:$0x3F9B];
	s0 =	simm.s32 @p0 $0x1  }
0x13: {  	[smem:$0x3FB6] =	sst s0;
	s0 =	simm.s32 @!p1 $0x0  }
0x14: {  	s2 =	sld [smem:$0x3F9A];
	s0 =	simm.s32 @p1 $0x1  }
0x15: {  	[smem:$0x3FB7] =	sst s0;
	s0 =	simm.s32 @!p2 $0x0  }
0x16: {  	s3 =	sld [smem:$0x3FDB];
	s0 =	simm.s32 @p2 $0x1  }
0x17: {  	s4 =	simm.s32 $0x1BF5;
	[smem:$0x3FB9] =	sst s0  }
0x18: {  	s0 =	sld [smem:$0x3F9C];
	_ =	swait.ge [sflag:s4], $0x0  }
0x19: {  	s7 =	sld [smem:$0x3F9D]  }
0x1a: {  	s8 =	sadd.s32 $0xFFFFE003, lr  }
0x1b: {  	s9 =	sadd.s32 $0xFFFFFEF7, lr;
	s5 =	simm.s32 $0xFFFFFFFF;
	p2 =	slt.u32 s8, $0xFFFFF086  }
0x1c: {  	p1 =	slt.u32 s9, $0xF7A;
	s5 =	simm.s32 @!p2 $0x0  }
0x1d: {  	s5 =	simm.s32 @p1 $0x1;
	p0 =	seq.s32 s7, s2  }
0x1e: {  	s7 =	smul.u32 @!p0 $0xF7A, s2;
	p2 =	seq.s32 @!p0 s5, $0x0  }
0x1f: {  	s9 =	smul.u32 $0xF7A, s1;
	s8 =	simm.s32 @!p0 $0x1BF5;
	p2 =	por !p2, p0  }
0x20: {  	[sflag:s8] =	ssyncset.s32 @!p0 $0xFFFFF086;
	s6 =	sadd.s32 @!p0 s3, s7;
	s7 =	simm.s32 @!p0 $0x108  }
0x21: {  	s3 =	sadd.s32 s3, s9;
	s6 =	sadd.s32 @!p0 $0x88, s6;
	s7 =	simm.s32 @p2 $0x1082  }
0x22: {  	[simem:s7], [sflag:s8] =	dma.local @!p0 [hbm:s6], $0xF7A  }
0x23: {  	s9 =	sor.u32 $0xD0000000, s2;
	s6 =	simm.s32 $0x108;
	_ =	swait.ge @!p0 [sflag:s8], $0x0  }
0x24: {  	s3 =	sadd.s32 $0x88, s3;
	s6 =	simm.s32 @!p1 $0x1082;
	[sflag:s4] =	ssyncset.s32 $0xFFFFF086  }
0x25: {  	[simem:s6], [sflag:s4] =	dma.local [hbm:s3], $0xF7A  }
0x26: {  	[smem:$0x3F9D] =	sst s1;
	(tag) =	ssettag s2;
	_ =	strace s9  }
0x27: {  	s1 =	sld [smem:$0x3FAD]  }
0x28: {  	s2 =	sld [smem:$0x3FAE]  }
0x29: {  	s4 =	sld [smem:$0x3FB0]  }
0x2a: {  	p0 =	seq.s32 s5, $0x0;
	s5 =	sld [smem:$0x3FB1]  }
0x2b: {  	s6 =	sld [smem:$0x3FB2]  }
0x2c: {  	s7 =	sld [smem:$0x3FB3]  }
0x2d: {  	s3 =	simm.s32 $0x108;
	s8 =	sld [smem:$0x3FB4]  }
0x2e: {  	s3 =	simm.s32 @!p0 $0x1082;
	s9 =	sld [smem:$0x3FB5]  }
0x2f: {  	lr =	sadd.s32 s0, s3;
	s0 =	sld [smem:$0x3FAC]  }
0x30: {  	s3 =	sld [smem:$0x3FAF]  }
0x31: {  	[smem:$0x3FB8] =	sst s10  }
0x32: {  	s10 =	sld [smem:$0x3FB6];
	_ =	sdelay $0x3  }
0x33: {  	p0 =	seq.s32 s10, $0x1;
	s10 =	sld [smem:$0x3FB8];
	_ =	sdelay $0x3  }
0x34: {  	[smem:$0x3FB8] =	sst s10  }
0x35: {  	s10 =	sld [smem:$0x3FB7];
	_ =	sdelay $0x3  }
0x36: {  	p1 =	seq.s32 s10, $0x1;
	s10 =	sld [smem:$0x3FB8];
	_ =	sdelay $0x3  }
0x37: {  	[smem:$0x3FB8] =	sst s10  }
0x38: {  	s10 =	sld [smem:$0x3FB9]  }
0x39: {  	_ = 	snop;
	(pc) =	sbr.ind lr, $3  }
0x3a: {  	_ = 	snop  }
0x3b: {  	_ = 	snop  }
0x3c: {  	p2 =	seq.s32 s10, $0x1;
	s10 =	sld [smem:$0x3FB8]  }
0x3d: {  	_ =	shalt  }
0x3e: {  	_ =	shalt  }
0x3f: {  	_ =	shalt  }
0x40: {  	_ =	shalt  }
0x41: {  	_ =	shalt  }
0x42: {  	_ =	shalt  }
0x43: {  	_ =	shalt  }
0x44: {  	_ =	shalt  }
0x45: {  	_ =	shalt  }
0x46: {  	_ =	shalt  }
0x47: {  	_ =	shalt  }
0x48: {  	_ =	shalt  }
0x49: {  	_ =	shalt  }
0x4a: {  	_ =	shalt  }
0x4b: {  	_ =	shalt  }
0x4c: {  	_ =	shalt  }
0x4d: {  	_ =	shalt  }
0x4e: {  	_ =	shalt  }
0x4f: {  	_ =	shalt  }
0x50: {  	_ =	shalt  }
0x51: {  	_ =	shalt  }
0x52: {  	_ =	shalt  }
0x53: {  	_ =	shalt  }
0x54: {  	_ =	shalt  }
0x55: {  	_ =	shalt  }
0x56: {  	_ =	shalt  }
0x57: {  	_ =	shalt  }
0x58: {  	_ =	shalt  }
0x59: {  	_ =	shalt  }
0x5a: {  	_ =	shalt  }
0x5b: {  	_ =	shalt  }
0x5c: {  	_ =	shalt  }
0x5d: {  	_ =	shalt  }
0x5e: {  	_ =	shalt  }
0x5f: {  	_ =	shalt  }
0x60: {  	_ =	shalt  }
0x61: {  	_ =	shalt  }
0x62: {  	_ =	shalt  }
0x63: {  	_ =	shalt  }
0x64: {  	_ =	shalt  }
0x65: {  	_ =	shalt  }
0x66: {  	_ =	shalt  }
0x67: {  	_ =	shalt  }
0x68: {  	_ =	shalt  }
0x69: {  	_ =	shalt  }
0x6a: {  	_ =	shalt  }
0x6b: {  	_ =	shalt  }
0x6c: {  	_ =	shalt  }
0x6d: {  	_ =	shalt  }
0x6e: {  	_ =	shalt  }
0x6f: {  	_ =	shalt  }
0x70: {  	_ =	shalt  }
0x71: {  	_ =	shalt  }
0x72: {  	_ =	shalt  }
0x73: {  	_ =	shalt  }
0x74: {  	_ =	shalt  }
0x75: {  	_ =	shalt  }
0x76: {  	_ =	shalt  }
0x77: {  	_ =	shalt  }
0x78: {  	_ =	shalt  }
0x79: {  	_ =	shalt  }
0x7a: {  	_ =	shalt  }
0x7b: {  	_ =	shalt  }
0x7c: {  	_ =	shalt  }
0x7d: {  	_ =	shalt  }
0x7e: {  	_ =	shalt  }
0x7f: {  	_ =	shalt  }
0x80: {  	_ =	shalt  }
0x81: {  	_ =	shalt  }
0x82: {  	_ =	shalt  }
0x83: {  	_ =	shalt  }
0x84: {  	_ =	shalt  }
0x85: {  	_ =	shalt  }
0x86: {  	_ =	shalt  }
0x87: {  	_ =	shalt  }
.Lfunc_end0:
.L_simem_size_0:
called_computation.5_lowered:
.L_overlay_start_0:
0x88: {  	s2 =	sld [smem:$0x3FD9]  }
0x89: {  	s3 =	sld [smem:$0x3FFE];
	_ =	sdelay $0x1  }
0x8a: {  	s1 =	srdreg.scid  }
0x8b: {  	s0 =	sand.u32 $0x1, s1  }
0x8c: {  	s17 =	sshll.u32 s0, $0xA;
	s2 =	sadd.s32 s3, s2  }
0x8d: {  	s2 =	sadd.s32 s2, s17  }
0x8e: {  	[smem:$0x3FC4] =	sst s2  }
0x8f: {  	_ = 	snop  }
0x90: {  	(tm) =	ssettm $0x1  }
0x91: {  	s18 =	sld [smem:$0x3FFB];
	_ =	sdelay $0x3  }
0x92: {  	_ =	strace s18  }
0x93: {  	s2 =	sld [smem:$0x3FFC];
	_ =	sdelay $0x3  }
0x94: {  	_ =	strace s2  }
0x95: {  	s2 =	sld [smem:$0x3FFD];
	_ =	sdelay $0x3  }
0x96: {  	_ =	strace s2  }
0x97: {  	_ =	strace $0x8FFFFFFF  }
0x98: {  	s19 =	sld [smem:$0x3FDB];
	_ =	sdelay $0x1  }
0x99: {  	s20 =	simm.s32 $_scs_section_size  }
0x9a: {  	s4 =	simm.s32 $_size__tile_overlayer_lowered;
	s5 =	simm.s32 $_tile_overlayer_lowered  }
0x9b: {  	s6 =	simm.s32 $0x1BFF;
	s21 =	sshll.u32 s5, $0x1;
	s3 =	sadd.s32 s20, s19  }
0x9c: {  	s22 =	simm.s32 $0x0;
	s4 =	sshll.u32 s4, $0x1;
	s5 =	sadd.s32 s21, s3  }
0x9d: {  	[timem:s22], [sflag:s6] =	dma.local [hbm:s5], s4  }
0x9e: {  	_ =	swait.ge [sflag:s6], s4  }
0x9f: {  	s4 =	ssub.s32 $0x0, s4;
	[sflag:s6] =	ssyncset.done $0x0  }
0xa0: {  	[sflag:s6] =	ssyncadd.s32 s4;
	_ =	sdelay $0x1  }
0xa1: {  	s23 =	simm.s32 $0x1B8B  }
0xa2: {  	_ =	swait.ge [sflag:s23], $0x1  }
0xa3: {  	[sflag:s23] =	ssyncset.done $0x0  }
0xa4: {  	[sflag:s23] =	ssyncadd.s32 $0xFFFFFFFF  }
0xa5: {  	s4 =	sld [smem:$0x0]  }
0xa6: {  	s5 =	sand.u32 $0xFFFFFFFE, s1  }
0xa7: {  	p0 =	sne.s32 s1, s5  }
0xa8: {  	s5 =	sshll.u32 @p0 s5, $0xE  }
0xa9: {  	s5 =	sadd.s32 @p0 $0x11B8D, s5;
	s6 =	sshll.u32 @p0 s4, $0x11  }
0xaa: {  	s5 =	sor.u32 @p0 s6, s5  }
0xab: {  	[sflag:s5] =	ssyncadd.remote.s32 @p0 $0x1;
	_ =	sdelay $0x1  }
0xac: {  	s5 =	simm.s32 @p0 $0x1B8D  }
0xad: {  	_ =	swait.eq @p0 [sflag:s5], $0x1  }
0xae: {  	[sflag:s5] =	ssyncadd.s32 @p0 $0xFFFFFFFF  }
0xaf: {  	s6 =	sshll.u32 @!p0 s1, $0xE  }
0xb0: {  	s6 =	sor.u32 @!p0 $0x4000, s6;
	s5 =	simm.s32 @!p0 $0x1B8D  }
0xb1: {  	s4 =	sshll.u32 @!p0 s4, $0x11;
	s6 =	sadd.s32 @!p0 $0x11B8D, s6;
	_ =	swait.eq @!p0 [sflag:s5], $0x1  }
0xb2: {  	s4 =	sor.u32 @!p0 s4, s6;
	[sflag:s5] =	ssyncadd.s32 @!p0 $0xFFFFFFFF  }
0xb3: {  	s25 =	simm.s32 $0x1B8E;
	s24 =	sld [smem:$0x3FFE];
	[sflag:s4] =	ssyncadd.remote.s32 @!p0 $0x1  }
0xb4: {  	s26 =	simm.s32 $execute0_lowered;
	[smem:$0x3FD2] =	sst s25  }
0xb5: {  	s5 =	sshll.u32 s26, $0x1;
	_ =	strace $0x80000055;
	[dreg:$0x1] =	wrdreg $0xFFFFFFFF  }
0xb6: {  	s28 =	simm.s32 $_size_execute0_lowered;
	s3 =	sadd.s32 s3, s5;
	[dreg:$0x0] =	wrdreg $0x0  }
0xb7: {  	s5 =	sshll.u32 s28, $0x1;
	[dreg:$0x2] =	wrdreg s3  }
0xb8: {  	[dreg:$0x3] =	wrdreg s5  }
0xb9: {  	[dreg:$0x4] =	wrdreg $0xC0  }
0xba: {  	_ =	task [dreg:s22], $0x5FFFF  }
0xbb: {  	[dreg:$0x1] =	wrdreg $0xFFFFFFFF  }
0xbc: {  	[dreg:$0x0] =	wrdreg $0x60  }
0xbd: {  	[dreg:$0x2] =	wrdreg s24  }
0xbe: {  	[dreg:$0x3] =	wrdreg $0xE  }
0xbf: {  	_ =	task.clear_ibuf [dreg:s22], $0x4FFFF;
	_ =	strace $0x90000055  }
0xc0: {  	s29 =	simm.s32 $0xE;
	_ =	strace $0x80000057  }
0xc1: {  	_ =	swait.ge [sflag:s29], $0x1  }
0xc2: {  	[sflag:s29] =	ssyncadd.s32 $0xFFFFFFFF  }
0xc3: {  	_ =	strace $0x90000057  }
0xc4: {  	_ =	sfence  }
0xc5: {  	s30 =	sld [smem:$0x0];
	_ =	sdelay $0x2  }
0xc6: {  	s31 =	sshll.u32 s1, $0xD;
	s1 =	sshrl.u32 s1, $0x2  }
0xc7: {  	s4 =	sand.u32 $0x4000, s31;
	s1 =	sadd.s32 s1, s30  }
0xc8: {  	s0 =	sor.u32 s4, s0;
	s1 =	sshll.u32 s1, $0x11  }
0xc9: {  	s0 =	sor.u32 s1, s0  }
0xca: {  	s0 =	sadd.s32 $0x8F2B, s0  }
0xcb: {  	[sflag:s0] =	ssyncadd.remote.s32 $0x1  }
0xcc: {  	_ =	sfence.sel $0xFFFF  }
0xcd: {  	[dreg:$0x0] =	wrdreg $0xFFFFFFFF;
	(pc) =	sbr.abs _section_cstart, $3  }
0xce: {  	[dreg:$0x1] =	wrdreg $0xFFFFFFFF  }
0xcf: {  	_ =	task.clear_ibuf [dreg:s22], $0x2FFFF;
	_ =	strace $0x9FFFFFFF  }
0xd0: {  	(tm) =	ssettm $0x7FFFFFFF  }
0xd1: {  	_ =	shalt  }
tec
execute0_lowered:
.L_overlay_start_1:
0x0: {  	(tag) =	ssettag $0x1  }
0x1: {  	s0 =	rddreg [dreg:$0x0];
	s2 =	simm.s32 $0x0  }
0x2: {  	s1 =	srdreg.scid;
	s3 =	stileid.u32;
	s16 =	simm.s32 $0x100  }
0x3: {  	s17 =	simm.s32 $0x80;
	s18 =	simm.s32 $0x180;
	s19 =	simm.s32 $0x1  }
0x4: {  	s20 =	simm.s32 $0x3;
	s21 =	simm.s32 $0x50;
	s22 =	simm.s32 $0x200  }
0x5: {  	s28 =	simm.s32 $0x4;
	s29 =	simm.s32 $0x2A00;
	s30 =	simm.s32 $0x7A00  }
0x6: {  	s31 =	simm.s32 $0x6;
	[smem:$0x7FF] =	sst s2;
	s1 =	sand.u32 $0x1, s1  }
0x7: {  	s3 =	sshll.u32 s3, $0x1;
	s4 =	sadd.s32 $0x2A200, s0;
	s6 =	sadd.s32 $0x12A800, s0  }
0x8: {  	s7 =	sadd.s32 $0x128800, s0;
	s5 =	sor.u32 s1, s3;
	s1 =	ssub.s32 $0x2, s1  }
0x9: {  	s8 =	sadd.s32 $0x41A800, s0;
	s5 =	smul.u32 $0x7D0, s5;
	s23 =	sshrl.u32 s1, $0x1  }
0xa: {  	_ =	strace $0x80000056;
	s3 =	sadd.s32 $0x3000, s0;
	s0 =	ssub.s32 s1, s23  }
0xb: {  	s9 =	sshrl.u32 s5, $0x3;
	s13 =	sadd.s32 $0xA0, s5;
	s0 =	smax.u32 s0, $0x1  }
0xc: {  	s24 =	sadd.s32 s6, s9;
	s25 =	sadd.s32 $0xA, s9;
	[dreg:$0x6] =	wrdreg s0  }
.Ltmp0:
0xd: {  	s9 =	sadd.s32 s7, s9;
	[dreg:$0x2] =	wrdreg s24;
	(pc) =	sbr.rel .LBB2_1-.Ltmp0, $4  }
0xe: {  	s14 =	sadd.s32 $0xF0, s5;
	s0 =	simm.s32 $0x8;
	[dreg:$0x3] =	wrdreg s9  }
0xf: {  	s26 =	sadd.s32 s6, s25;
	s1 =	sadd.s32 s7, s25;
	s24 =	simm.s32 $0x5  }
0x10: {  	s25 =	simm.s32 $0x7;
	s9 =	simm.s32 $0x0;
	[dreg:$0x4] =	wrdreg s26  }
0x11: {  	[dreg:$0x5] =	wrdreg s1;
	s26 =	simm.s32 $0x2;
	s1 =	simm.s32 $0x9  }
.LBB2_16:
0x12: {  	_ =	swait.ge [sflag:s1], $0x2800  }
0x13: {  	s9 =	sadd.s32 $0x1, s9;
	s10 =	rddreg [dreg:$0x6]  }
0x14: {  	p0 =	sne.s32 s9, s10  }
.Ltmp1:
0x15: {  	_ = 	snop;
	(pc) =	sbr.rel @!p0 .LBB2_17-.Ltmp1, $3  }
0x16: {  	_ =	sdelay $0x1  }
0x17: {  	[sflag:s1] =	ssyncset.done $0x0  }
0x18: {  	[sflag:s1] =	ssyncadd.s32 $0xFFFFD800  }
.LBB2_1:
0x19: {  	s10 =	rddreg [dreg:$0x2]  }
0x1a: {  	[tilespmem:s2], [sflag:$0x1] =	stream.linear.gather [hbm4b:s10+s2], $0x50, $0x38;
	[tilespmem:$0xA200] =	vst v63  }
0x1b: {  	s11 =	rddreg [dreg:$0x3]  }
0x1c: {  	[tilespmem:s16], [sflag:$0x3] =	stream.linear.gather [hbm4b:s11+s2], $0x50, $0x38;
	[tilespmem:$0xA200] =	vst v63  }
0x1d: {  	s12 =	rddreg [dreg:$0x4]  }
0x1e: {  	[tilespmem:s17], [sflag:$0x2] =	stream.linear.gather [hbm4b:s12+s2], $0x50, $0x38;
	[tilespmem:$0xA200] =	vst v63  }
0x1f: {  	s15 =	rddreg [dreg:$0x5]  }
0x20: {  	[tilespmem:s18], [sflag:$0x4] =	stream.linear.gather [hbm4b:s15+s2], $0x50, $0x38;
	[tilespmem:$0xA200] =	vst v63  }
0x21: {  	_ =	swait.ge [sflag:s19], $0x50  }
0x22: {  	[sflag:s19] =	ssyncset.done $0x0  }
0x23: {  	[sflag:s19] =	ssyncadd.s32 $0xFFFFFFB0  }
0x24: {  	_ =	swait.ge [sflag:s20], $0x50  }
.Ltmp2:
0x25: {  	[sflag:s20] =	ssyncset.done $0x0;
	(pc) =	sbr.rel .LBB2_2-.Ltmp2, $4  }
0x26: {  	[sflag:s20] =	ssyncadd.s32 $0xFFFFFFB0  }
0x27: {  	[tilespmem:s22], [sflag:$0x5] =	stream.indirect.gather [hbm4b:s3+s21], $0x80, s2, s21, $0xb8;
	[tilespmem:$0xA200] =	vst v63  }
0x28: {  	s23 =	simm.s32 $0x5200;
	s10 =	simm.s32 $0x0  }
0x29: {  	[tilespmem:s23], [sflag:$0x7] =	stream.indirect.gather [hbm4b:s4+s21], $0x80, s16, s21, $0xb8;
	[tilespmem:$0xA200] =	vst v63  }
.LBB2_15:
0x2a: {  	s10 =	sadd.s32 $0x1, s10  }
0x2b: {  	p0 =	sne.s32 s10, $0xD  }
.Ltmp3:
0x2c: {  	_ = 	snop;
	(pc) =	sbr.rel @!p0 .LBB2_16-.Ltmp3, $1  }
0x2d: {  	_ =	sdelay $0x3  }
.LBB2_2:
0x2e: {  	_ =	swait.ge [sflag:s24], $0x2800;
	p0 =	seq.s32 s10, $0xC  }
0x2f: {  	[sflag:s24] =	ssyncset.done $0x0;
	s11 =	smul.u32 @!p0 $0xA0, s10  }
0x30: {  	[sflag:s24] =	ssyncadd.s32 $0xFFFFD800  }
0x31: {  	_ =	swait.ge [sflag:s25], $0x2800;
	s11 =	sadd.s32 @!p0 s11, s13  }
0x32: {  	[sflag:s25] =	ssyncset.done $0x0;
	s11 =	sshrl.u32 @!p0 s11, $0x3  }
0x33: {  	s15 =	simm.s32 @!p0 $0x0;
	[sflag:s25] =	ssyncadd.s32 $0xFFFFD800;
	s12 =	sadd.s32 @!p0 s6, s11  }
0x34: {  	[tilespmem:s15], [sflag:$0x1] =	stream.linear.gather @!p0 [hbm4b:s12+s15], $0x50, $0x38;
	[tilespmem:$0xA200] =	vst v63  }
0x35: {  	p1 =	seq.s32 @!p0 s10, $0x0;
	s11 =	sadd.s32 @!p0 s7, s11;
	s12 =	simm.s32 @!p0 $0x100  }
0x36: {  	[tilespmem:s12], [sflag:$0x3] =	stream.linear.gather @!p0 [hbm4b:s11+s15], $0x50, $0x38;
	[tilespmem:$0xA200] =	vst v63  }
0x37: {  	p1 =	por p0, !p1;
	s11 =	sshll.u32 s10, $0x1  }
0x38: {  	s11 =	sor.u32 @p1 $0x1, s11  }
0x39: {  	p2 =	sgt.u32 @p1 s11, $0x18  }
0x3a: {  	p2 =	por !p1, !p2  }
.Ltmp4:
0x3b: {  	_ = 	snop;
	(pc) =	sbr.rel @!p2 .LBB2_3-.Ltmp4, $4  }
0x3c: {  	s12 =	simm.s32 @p1 $0xA  }
0x3d: {  	_ =	swait.ge @p1 [sflag:s12], $0x2800  }
0x3e: {  	[sflag:s12] =	ssyncset.done @p1 $0x0  }
0x3f: {  	[sflag:s12] =	ssyncadd.s32 @p1 $0xFFFFD800  }
0x40: {  	_ =	swait.ge [sflag:s26], $0x50  }
0x41: {  	[sflag:s26] =	ssyncset.done $0x0  }
0x42: {  	[sflag:s26] =	ssyncadd.s32 $0xFFFFFFB0  }
0x43: {  	_ =	swait.ge [sflag:s28], $0x50  }
.Ltmp5:
0x44: {  	[sflag:s28] =	ssyncset.done $0x0;
	(pc) =	sbr.rel .LBB2_5-.Ltmp5, $4  }
0x45: {  	s11 =	simm.s32 @!p1 $0x1;
	[sflag:s28] =	ssyncadd.s32 $0xFFFFFFB0  }
0x46: {  	[tilespmem:s29], [sflag:$0x6] =	stream.indirect.gather [hbm4b:s3+s21], $0x80, s17, s21, $0xb8;
	[tilespmem:$0xA200] =	vst v63  }
0x47: {  	p1 =	por $0x1, $0x1;
	s11 =	smul.u32 $0x50, s11  }
0x48: {  	[tilespmem:s30], [sflag:$0x8] =	stream.indirect.gather [hbm4b:s4+s21], $0x80, s18, s21, $0xb8;
	[tilespmem:$0xA200] =	vst v63  }
.LBB2_3:
0x49: {  	s11 =	simm.s32 @p1 $0x7D0;
	p1 =	por @p1 $0x0, $0x0  }
.LBB2_5:
0x4a: {  	s12 =	simm.s32 $0x0  }
0x4b: {  	v6 =	vld [tilespmem:s12+$0x5200]  }
0x4c: {  	v11 =	vld [tilespmem:s12+$0x5210]  }
0x4d: {  	v5 =	vld [tilespmem:s12+$0x5220]  }
0x4e: {  	v4 =	vld [tilespmem:s12+$0x5230]  }
0x4f: {  	v3 =	vld [tilespmem:s12+$0x5240]  }
0x50: {  	v2 =	vld [tilespmem:s12+$0x5250]  }
0x51: {  	v1 =	vld [tilespmem:s12+$0x5260]  }
0x52: {  	v0 =	vld [tilespmem:s12+$0x5270]  }
0x53: {  	v12 =	vld [tilespmem:s12+$0x200]  }
0x54: {  	v13 =	vld [tilespmem:s12+$0x210]  }
0x55: {  	v10 =	vld [tilespmem:s12+$0x220]  }
0x56: {  	v9 =	vld [tilespmem:s12+$0x230]  }
0x57: {  	v8 =	vld [tilespmem:s12+$0x240]  }
0x58: {  	v7 =	vld [tilespmem:s12+$0x250];
	v12 =	vadd.f32 v6, v12  }
0x59: {  	s15 =	simm.s32 $0x200;
	v11 =	vadd.f32 v11, v13;
	v6 =	vld [tilespmem:s12+$0x260]  }
.LBB2_6:
0x5a: {  	s23 =	sshra.s32 s15, $0x2;
	p2 =	sne.s32 s15, $0x9E00;
	[tilespmem:s12+$0x200] =	vst v12;
	v5 =	vadd.f32 v5, v10;
	v10 =	vld [tilespmem:s12+$0x270]  }
0x5b: {  	v12 =	vld [tilespmem:s23+$0x5200];
	[tilespmem:s12+$0x210] =	vst v11;
	v4 =	vadd.f32 v4, v9  }
0x5c: {  	v11 =	vld [tilespmem:s23+$0x5210];
	[tilespmem:s12+$0x220] =	vst v5;
	v3 =	vadd.f32 v3, v8  }
0x5d: {  	v5 =	vld [tilespmem:s23+$0x5220];
	[tilespmem:s12+$0x230] =	vst v4;
	v2 =	vadd.f32 v2, v7  }
0x5e: {  	v4 =	vld [tilespmem:s23+$0x5230];
	[tilespmem:s12+$0x240] =	vst v3;
	v1 =	vadd.f32 v1, v6  }
0x5f: {  	v3 =	vld [tilespmem:s23+$0x5240];
	[tilespmem:s12+$0x250] =	vst v2;
	v0 =	vadd.f32 v0, v10  }
0x60: {  	v2 =	vld [tilespmem:s23+$0x5250];
	[tilespmem:s12+$0x260] =	vst v1  }
0x61: {  	v1 =	vld [tilespmem:s23+$0x5260];
	[tilespmem:s12+$0x270] =	vst v0;
	s12 =	smov.u32 s23  }
0x62: {  	v0 =	vld [tilespmem:s12+$0x5270]  }
0x63: {  	v6 =	vld [tilespmem:s12+$0x200]  }
0x64: {  	v13 =	vld [tilespmem:s12+$0x210]  }
.Ltmp6:
0x65: {  	v10 =	vld [tilespmem:s12+$0x220];
	(pc) =	sbr.rel @p2 .LBB2_6-.Ltmp6, $4  }
0x66: {  	v9 =	vld [tilespmem:s12+$0x230]  }
0x67: {  	v8 =	vld [tilespmem:s12+$0x240]  }
0x68: {  	v12 =	vadd.f32 v12, v6;
	v7 =	vld [tilespmem:s12+$0x250]  }
0x69: {  	s15 =	sadd.s32 $0x200, s15;
	v11 =	vadd.f32 v11, v13;
	v6 =	vld [tilespmem:s12+$0x260]  }
0x6a: {  	[tilespmem:s12+$0x200] =	vst v12;
	v5 =	vadd.f32 v5, v10;
	v63 =	vld [tilespmem:s12+$0x270]  }
0x6b: {  	[tilespmem:s12+$0x210] =	vst v11;
	v4 =	vadd.f32 v4, v9  }
0x6c: {  	[tilespmem:s12+$0x220] =	vst v5;
	v3 =	vadd.f32 v3, v8  }
0x6d: {  	s15 =	smul.u32 $0xA0, s10;
	[tilespmem:s12+$0x230] =	vst v4;
	v2 =	vadd.f32 v2, v7  }
.Ltmp7:
0x6e: {  	[tilespmem:s12+$0x240] =	vst v3;
	v1 =	vadd.f32 v1, v6;
	(pc) =	sbr.rel @!p1 .LBB2_15-.Ltmp7, $4  }
0x6f: {  	s23 =	sadd.s32 s5, s15;
	[tilespmem:s12+$0x250] =	vst v2;
	v0 =	vadd.f32 v0, v63  }
0x70: {  	s23 =	sshll.u32 s23, $0x4;
	[tilespmem:s12+$0x260] =	vst v1  }
0x71: {  	s23 =	sadd.s32 s8, s23;
	[tilespmem:s12+$0x270] =	vst v0  }
0x72: {  	[hbm4b:s23+s2] =	stream.linear.scatter [tilespmem:s22], [sflag:$0x9], $0x2800, $0x38;
	[tilespmem:$0xA200] =	vst v63  }
0x73: {  	_ =	swait.ge [sflag:s31], $0x2800;
	p1 =	sgt.u32 s10, $0xA  }
.Ltmp8:
0x74: {  	[sflag:s31] =	ssyncset.done $0x0;
	(pc) =	sbr.rel @p1 .LBB2_10-.Ltmp8, $4  }
0x75: {  	[sflag:s31] =	ssyncadd.s32 $0xFFFFD800  }
0x76: {  	_ =	swait.ge [sflag:s0], $0x2800  }
0x77: {  	[sflag:s0] =	ssyncset.done $0x0  }
0x78: {  	[sflag:s0] =	ssyncadd.s32 $0xFFFFD800  }
0x79: {  	s12 =	sadd.s32 s15, s14  }
0x7a: {  	s12 =	sshrl.u32 s12, $0x3  }
0x7b: {  	s23 =	sadd.s32 s6, s12  }
0x7c: {  	[tilespmem:s17], [sflag:$0x2] =	stream.linear.gather [hbm4b:s23+s2], $0x50, $0x38;
	[tilespmem:$0xA200] =	vst v63  }
.Ltmp9:
0x7d: {  	s12 =	sadd.s32 s7, s12;
	(pc) =	sbr.rel .LBB2_11-.Ltmp9, $4  }
0x7e: {  	[tilespmem:s18], [sflag:$0x4] =	stream.linear.gather [hbm4b:s12+s2], $0x50, $0x38;
	[tilespmem:$0xA200] =	vst v63  }
0x7f: {  	_ =	swait.ge [sflag:s1], $0x2800  }
0x80: {  	[sflag:s1] =	ssyncset.done $0x0  }
0x81: {  	[sflag:s1] =	ssyncadd.s32 $0xFFFFD800  }
.LBB2_10:
.Ltmp10:
0x82: {  	(pc) =	sbr.rel @p0 .LBB2_12-.Ltmp10, $4  }
0x83: {  	_ = 	snop  }
0x84: {  	_ =	swait.ge [sflag:s1], $0x2800  }
0x85: {  	[sflag:s1] =	ssyncset.done $0x0  }
0x86: {  	[sflag:s1] =	ssyncadd.s32 $0xFFFFD800  }
.LBB2_11:
0x87: {  	_ =	swait.ge [sflag:s19], $0x50  }
0x88: {  	[sflag:s19] =	ssyncset.done $0x0  }
0x89: {  	[sflag:s19] =	ssyncadd.s32 $0xFFFFFFB0  }
0x8a: {  	_ =	swait.ge [sflag:s20], $0x50  }
0x8b: {  	[sflag:s20] =	ssyncset.done $0x0  }
0x8c: {  	[sflag:s20] =	ssyncadd.s32 $0xFFFFFFB0  }
0x8d: {  	[tilespmem:s22], [sflag:$0x5] =	stream.indirect.gather [hbm4b:s3+s21], $0x80, s2, s21, $0xb8;
	[tilespmem:$0xA200] =	vst v63  }
0x8e: {  	s12 =	simm.s32 $0x5200  }
0x8f: {  	[tilespmem:s12], [sflag:$0x7] =	stream.indirect.gather [hbm4b:s4+s21], $0x80, s16, s21, $0xb8;
	[tilespmem:$0xA200] =	vst v63  }
.LBB2_12:
0x90: {  	s12 =	simm.s32 $0x0  }
0x91: {  	v7 =	vld [tilespmem:s12+$0x7A00]  }
0x92: {  	v11 =	vld [tilespmem:s12+$0x7A10]  }
0x93: {  	v5 =	vld [tilespmem:s12+$0x7A20]  }
0x94: {  	v4 =	vld [tilespmem:s12+$0x7A30]  }
0x95: {  	v3 =	vld [tilespmem:s12+$0x7A40]  }
0x96: {  	v2 =	vld [tilespmem:s12+$0x7A50]  }
0x97: {  	v1 =	vld [tilespmem:s12+$0x7A60]  }
0x98: {  	v0 =	vld [tilespmem:s12+$0x7A70]  }
0x99: {  	v12 =	vld [tilespmem:s12+$0x2A00]  }
0x9a: {  	v13 =	vld [tilespmem:s12+$0x2A10]  }
0x9b: {  	v10 =	vld [tilespmem:s12+$0x2A20]  }
0x9c: {  	v9 =	vld [tilespmem:s12+$0x2A30]  }
0x9d: {  	v8 =	vld [tilespmem:s12+$0x2A40]  }
0x9e: {  	v6 =	vld [tilespmem:s12+$0x2A50];
	v12 =	vadd.f32 v7, v12  }
0x9f: {  	s15 =	simm.s32 $0x200;
	v11 =	vadd.f32 v11, v13;
	v7 =	vld [tilespmem:s12+$0x2A60]  }
.LBB2_13:
0xa0: {  	s23 =	sshra.s32 s15, $0x2;
	p0 =	sne.s32 s15, $0x9E00;
	[tilespmem:s12+$0x2A00] =	vst v12;
	v5 =	vadd.f32 v5, v10;
	v10 =	vld [tilespmem:s12+$0x2A70]  }
0xa1: {  	v12 =	vld [tilespmem:s23+$0x7A00];
	[tilespmem:s12+$0x2A10] =	vst v11;
	v4 =	vadd.f32 v4, v9  }
0xa2: {  	v11 =	vld [tilespmem:s23+$0x7A10];
	[tilespmem:s12+$0x2A20] =	vst v5;
	v3 =	vadd.f32 v3, v8  }
0xa3: {  	v5 =	vld [tilespmem:s23+$0x7A20];
	[tilespmem:s12+$0x2A30] =	vst v4;
	v2 =	vadd.f32 v2, v6  }
0xa4: {  	v4 =	vld [tilespmem:s23+$0x7A30];
	[tilespmem:s12+$0x2A40] =	vst v3;
	v1 =	vadd.f32 v1, v7  }
0xa5: {  	v3 =	vld [tilespmem:s23+$0x7A40];
	[tilespmem:s12+$0x2A50] =	vst v2;
	v0 =	vadd.f32 v0, v10  }
0xa6: {  	v2 =	vld [tilespmem:s23+$0x7A50];
	[tilespmem:s12+$0x2A60] =	vst v1  }
0xa7: {  	v1 =	vld [tilespmem:s23+$0x7A60];
	[tilespmem:s12+$0x2A70] =	vst v0;
	s12 =	smov.u32 s23  }
0xa8: {  	v0 =	vld [tilespmem:s12+$0x7A70]  }
0xa9: {  	v6 =	vld [tilespmem:s12+$0x2A00]  }
0xaa: {  	v7 =	vld [tilespmem:s12+$0x2A10]  }
.Ltmp11:
0xab: {  	v10 =	vld [tilespmem:s12+$0x2A20];
	(pc) =	sbr.rel @p0 .LBB2_13-.Ltmp11, $4  }
0xac: {  	v9 =	vld [tilespmem:s12+$0x2A30]  }
0xad: {  	v8 =	vld [tilespmem:s12+$0x2A40]  }
0xae: {  	v12 =	vadd.f32 v12, v6;
	v6 =	vld [tilespmem:s12+$0x2A50]  }
0xaf: {  	s15 =	sadd.s32 $0x200, s15;
	v11 =	vadd.f32 v11, v7;
	v7 =	vld [tilespmem:s12+$0x2A60]  }
0xb0: {  	[tilespmem:s12+$0x2A00] =	vst v12;
	v5 =	vadd.f32 v5, v10;
	v63 =	vld [tilespmem:s12+$0x2A70]  }
0xb1: {  	[tilespmem:s12+$0x2A10] =	vst v11;
	v4 =	vadd.f32 v4, v9  }
0xb2: {  	[tilespmem:s12+$0x2A20] =	vst v5;
	v3 =	vadd.f32 v3, v8  }
0xb3: {  	[tilespmem:s12+$0x2A30] =	vst v4;
	v2 =	vadd.f32 v2, v6  }
.Ltmp12:
0xb4: {  	[tilespmem:s12+$0x2A40] =	vst v3;
	v1 =	vadd.f32 v1, v7;
	(pc) =	sbr.rel .LBB2_15-.Ltmp12, $4  }
0xb5: {  	s11 =	sadd.s32 s5, s11;
	[tilespmem:s12+$0x2A50] =	vst v2;
	v0 =	vadd.f32 v0, v63  }
0xb6: {  	s11 =	sshll.u32 s11, $0x4;
	[tilespmem:s12+$0x2A60] =	vst v1  }
0xb7: {  	s11 =	sadd.s32 s8, s11;
	[tilespmem:s12+$0x2A70] =	vst v0  }
0xb8: {  	[hbm4b:s11+s2] =	stream.linear.scatter [tilespmem:s29], [sflag:$0xA], $0x2800, $0x38;
	[tilespmem:$0xA200] =	vst v63  }
.LBB2_17:
0xb9: {  	_ =	sfence.sel $0x180000  }
0xba: {  	[bflag:$0x0] =	sbarrier.arrive $0xFFFF  }
0xbb: {  	_ =	strace $0x90000056  }
0xbc: {  	s0 =	stileid.u32;
	[bflag:$0x2] =	sbarrier.arrive $0xFFFF  }
0xbd: {  	p0 =	sne.s32 s0, $0x0;
	s0 =	rddreg [dreg:$0x1]  }
0xbe: {  	s0 =	sadd.s32 @!p0 $0x100000, s0  }
0xbf: {  	[sflag:s0] =	ssyncadd.tile.s32 @!p0 $0x1;
	_ =	shalt  }
.Lfunc_end2:
_tile_overlayer_lowered:
.L_overlay_start_2:
0xc0: {  	(tag) =	ssettag $0x2  }
0xc1: {  	s0 =	rddreg [dreg:$0x0];
	s2 =	stileid.u32  }
0xc2: {  	s1 =	rddreg [dreg:$0x1];
	p0 =	sne.s32 s2, $0x0  }
0xc3: {  	s3 =	rddreg [dreg:$0x2];
	[bflag:$0x3] =	sbarrier.arrive $0xFFFF;
	s2 =	simm.s32 @!p0 $0x1C0B  }
0xc4: {  	[timem:s3], [sflag:s2] =	dma.local @!p0 [hbm:s0], s1  }
0xc5: {  	s0 =	simm.s32 @!p0 $0xB  }
0xc6: {  	_ =	swait.ge @!p0 [sflag:s0], s1  }
0xc7: {  	s1 =	ssub.s32 @!p0 $0x0, s1;
	[sflag:s0] =	ssyncset.done @!p0 $0x0  }
0xc8: {  	[sflag:s0] =	ssyncadd.s32 @!p0 s1  }
0xc9: {  	[bflag:$0x3] =	sbarrier.arrive $0xFFFF  }
0xca: {  	_ =	shalt  }

</sc_bundles>
